<compile_context>
chip_gen: v7x
topology: tpu7x:2x2x1
jax: 0.10.2.dev20260603
libtpu: 0.0.44.dev20260713+nightly
codegen_flags: <defaults>
</compile_context>

<pallas_src>
import functools

import jax
import jax.numpy as jnp
from jax import lax
from jax.experimental import pallas as pl
from jax.experimental.pallas import tpu as pltpu
from jax.experimental.pallas import tpu_sc as plsc

_VOCAB = 1000000
_EMB = 64
_TYPES = 1024
_BAGS = 4096
_TOTAL = 204800

_CHUNK = 128
_G = _CHUNK // 8
_L = 16


def _pooling_call(feat, offs, emb3):
    info = plsc.get_sparse_core_info()
    nw = info.num_cores * info.num_subcores
    bpw = _BAGS // nw
    mesh = plsc.VectorSubcoreMesh(core_axis_name="c", subcore_axis_name="s")

    @functools.partial(
        pl.kernel,
        mesh=mesh,
        out_type=jax.ShapeDtypeStruct((_BAGS, 2 * _EMB), jnp.float32),
        scratch_types=[
            pltpu.VMEM((2 * _CHUNK,), jnp.int32),
            pltpu.VMEM((2 * _G, 8, _EMB), jnp.float32),
            pltpu.VMEM((bpw, 2 * _EMB), jnp.float32),
            pltpu.VMEM((bpw + 2 * _L,), jnp.int32),
            pltpu.VMEM((2 * _L,), jnp.int32),
            pltpu.SemaphoreType.DMA,
            pltpu.SemaphoreType.DMA,
        ],
    )
    def pool(feat_hbm, off_hbm, emb_hbm, out_hbm,
             idx_v, rows_v, res_v, offs_s, nxt_s, sem0, sem1):
        cid = lax.axis_index("c")
        sid = lax.axis_index("s")
        wid = sid * info.num_cores + cid
        base = pl.multiple_of(wid * bpw, bpw)

        pltpu.sync_copy(off_hbm.at[pl.ds(base, bpw)], offs_s.at[pl.ds(0, bpw)])

        @pl.when(wid < nw - 1)
        def _():
            pltpu.sync_copy(off_hbm.at[pl.ds(base + bpw, 8)],
                            nxt_s.at[pl.ds(0, 8)])

        pos_end = jnp.where(wid == nw - 1, _TOTAL, nxt_s[pl.ds(0, _L)][0])
        offs_s[pl.ds(bpw, _L)] = jnp.full((_L,), pos_end, jnp.int32)

        def off_at(i):
            return offs_s[pl.ds(jnp.minimum(i, bpw), _L)][0]

        pos_lo = off_at(jnp.int32(0))
        p0 = pl.multiple_of((pos_lo // 8) * 8, 8)
        nchunks = jnp.maximum(lax.div(pos_end - p0 + _CHUNK - 1, _CHUNK), 1)

        def start_of(b):
            return off_at(b)

        def end_of(b):
            return off_at(b + 1)

        def chunk_start(k):
            return pl.multiple_of(
                jnp.minimum(p0 + k * _CHUNK, _TOTAL - _CHUNK), 8)

        def issue(k, sem):
            ps = chunk_start(k)
            par = lax.rem(k, 2)
            ioff = pl.multiple_of(par * _CHUNK, _CHUNK)
            qbase = par * _G
            pltpu.sync_copy(feat_hbm.at[pl.ds(ps, _CHUNK)],
                            idx_v.at[pl.ds(ioff, _CHUNK)])
            @plsc.parallel_loop(0, _CHUNK // _L, unroll=2)
            def _(q):
                v = idx_v[pl.ds(ioff + q * _L, _L)]
                for j in range(_L):
                    iv = v[j]
                    g = lax.shift_right_logical(iv, 3)
                    s = lax.bitwise_and(iv, 7)
                    dst = rows_v.at[qbase + 2 * q + (j // 8), j % 8]
                    pltpu.make_async_copy(emb_hbm.at[g, s], dst, sem).start()

        def wait(k, sem):
            par = lax.rem(k, 2)
            qbase = par * _G
            pltpu.make_async_copy(
                emb_hbm.at[pl.ds(0, _G)],
                rows_v.at[pl.ds(qbase, _G)], sem).wait()

        def issue2(k):
            @pl.when(lax.rem(k, 2) == 0)
            def _():
                issue(k, sem0)

            @pl.when(lax.rem(k, 2) == 1)
            def _():
                issue(k, sem1)

        def wait2(k):
            @pl.when(lax.rem(k, 2) == 0)
            def _():
                wait(k, sem0)

            @pl.when(lax.rem(k, 2) == 1)
            def _():
                wait(k, sem1)

        zero = jnp.zeros((_L,), jnp.float32)
        ninf = jnp.full((_L,), jnp.finfo(jnp.float32).min, jnp.float32)

        def chunk_body(kk, carry):
            @pl.when(kk < nchunks)
            def _():
                issue2(kk)

            k = kk - 1
            wait2(k)
            ps = chunk_start(k)
            qbase = lax.rem(k, 2) * _G
            eff_lo = jnp.maximum(p0 + k * _CHUNK, pos_lo)
            eff_hi = jnp.minimum(p0 + (k + 1) * _CHUNK, pos_end)

            def acc_rows(plo, phi, accs):
                def body(pos, a):
                    s0, s1, s2, s3, m0, m1, m2, m3 = a
                    r01 = pos - ps
                    rq = qbase + lax.shift_right_logical(r01, 3)
                    rs = lax.bitwise_and(r01, 7)
                    v0 = rows_v[rq, rs, pl.ds(0, _L)]
                    v1 = rows_v[rq, rs, pl.ds(_L, _L)]
                    v2 = rows_v[rq, rs, pl.ds(2 * _L, _L)]
                    v3 = rows_v[rq, rs, pl.ds(3 * _L, _L)]
                    return (s0 + v0, s1 + v1, s2 + v2, s3 + v3,
                            jnp.maximum(m0, v0), jnp.maximum(m1, v1),
                            jnp.maximum(m2, v2), jnp.maximum(m3, v3))
                return plsc.parallel_loop(plo, phi, 1, unroll=2,
                                          carry=accs)(body)

            pos = jnp.int32(0)
            step = bpw // 2
            while step >= 1:
                cand = pos + step
                ok = (cand < bpw) & (off_at(cand) <= eff_hi)
                pos = jnp.where(ok, cand, pos)
                step //= 2
            total_ends = pos + \
                jnp.where(pos_end <= eff_hi, jnp.int32(1), jnp.int32(0))
            trips = total_ends - carry[0]

            def flush_body(i, st):
                b, cnt = st[0], st[1]
                accs = tuple(st[2:])
                lo = jnp.maximum(start_of(b), eff_lo)
                hi = end_of(b)
                s0, s1, s2, s3, m0, m1, m2, m3 = acc_rows(lo, hi, accs)
                cnt = cnt + (hi - lo)
                cntf = jnp.full((_L,), cnt, jnp.int32).astype(jnp.float32)
                rcp = 1.0 / jnp.maximum(cntf, 1.0)
                hasf = jnp.minimum(cntf, 1.0)
                res_v[b, pl.ds(0, _L)] = s0 * rcp
                res_v[b, pl.ds(_L, _L)] = s1 * rcp
                res_v[b, pl.ds(2 * _L, _L)] = s2 * rcp
                res_v[b, pl.ds(3 * _L, _L)] = s3 * rcp
                res_v[b, pl.ds(4 * _L, _L)] = m0 * hasf
                res_v[b, pl.ds(5 * _L, _L)] = m1 * hasf
                res_v[b, pl.ds(6 * _L, _L)] = m2 * hasf
                res_v[b, pl.ds(7 * _L, _L)] = m3 * hasf
                return (b + 1, jnp.int32(0), zero, zero, zero, zero,
                        ninf, ninf, ninf, ninf)

            st = lax.fori_loop(jnp.int32(0), trips, flush_body, carry)
            b, cnt = st[0], st[1]
            accs = tuple(st[2:])
            lo = jnp.maximum(start_of(b), eff_lo)
            hi = jnp.where(b >= bpw, lo, eff_hi)
            hi = jnp.maximum(hi, lo)
            accs = acc_rows(lo, hi, accs)
            cnt = cnt + (hi - lo)
            return (b, cnt) + accs

        init = (jnp.int32(0), jnp.int32(0),
                zero, zero, zero, zero, ninf, ninf, ninf, ninf)
        lax.fori_loop(jnp.int32(0), nchunks + 1, chunk_body, init)
        pltpu.sync_copy(res_v, out_hbm.at[pl.ds(base, bpw)])

    return pool(feat, offs, emb3)


def _project(pooled, linear_w):
    blk = 1024

    def mm(x_ref, w_ref, o_ref):
        o_ref[...] = lax.dot_general(
            x_ref[...], w_ref[...], (((1,), (1,)), ((), ())),
            preferred_element_type=jnp.float32)

    return pl.pallas_call(
        mm,
        grid=(_BAGS // blk,),
        in_specs=[pl.BlockSpec((blk, 2 * _EMB), lambda i: (i, 0)),
                  pl.BlockSpec((_TYPES, 2 * _EMB), lambda i: (0, 0))],
        out_specs=pl.BlockSpec((blk, _TYPES), lambda i: (i, 0)),
        out_shape=jax.ShapeDtypeStruct((_BAGS, _TYPES), jnp.float32),
    )(pooled, linear_w)


def kernel(feature_seq, offset_seq, word_emb, linear_w):
    emb3 = word_emb.reshape(_VOCAB // 8, 8, _EMB)
    pooled = _pooling_call(feature_seq.astype(jnp.int32),
                           offset_seq.astype(jnp.int32), emb3)
    return _project(pooled, linear_w)

# --- scband reference (transcript-rebuilt; emitter-appended) ---
"""Pipeline reference for scband-no-cluster-mean-n-max-16183436771705 (READ-ONLY COPY).

The authoritative reference and input builder live on the scoring server;
editing this copy changes nothing except your own understanding.
"""

import jax, jax.numpy as jnp
import numpy as np

VOCAB = 1000000
EMB = 64
TYPES = 1024
B = 4096
TOTAL = 204800


def setup_inputs(seed: int = 0) -> dict:
    key = jax.random.key(seed)
    k1, k2, k3 = jax.random.split(key, 3)
    feature_seq = jax.random.randint(k1, (TOTAL,), 0, VOCAB, dtype=jnp.int64 if jax.config.jax_enable_x64 else jnp.int32)
    offset_seq = jnp.sort(jax.random.randint(k2, (B,), 0, TOTAL, dtype=jnp.int64 if jax.config.jax_enable_x64 else jnp.int32))
    offset_seq = offset_seq.at[0].set(0)  # EmbeddingBag requires offsets[0] == 0
    word_emb = jax.random.normal(k3, (VOCAB, EMB), dtype=jnp.float32) * 0.02
    # module zero-inits the linear projection (linear.weight.data.zero_())
    linear_w = jnp.zeros((TYPES, 2 * EMB), dtype=jnp.float32)
    return {"feature_seq": feature_seq, "offset_seq": offset_seq, "word_emb": word_emb, "linear_w": linear_w}


def reference(feature_seq, offset_seq, word_emb, linear_w):
    # EmbeddingBag_Mean_n_Max: per-bag mean AND max over gathered embeddings, concatenated
    gathered = jnp.take(word_emb, feature_seq, axis=0)  # [TOTAL, EMB]
    seg_ids = jnp.searchsorted(offset_seq, jnp.arange(TOTAL), side='right') - 1  # [TOTAL]
    sums = jax.ops.segment_sum(gathered, seg_ids, num_segments=B)  # [B, EMB]
    counts = jax.ops.segment_sum(jnp.ones((TOTAL,), dtype=jnp.float32), seg_ids, num_segments=B)  # [B]
    mean = sums / jnp.maximum(counts, 1.0)[:, None]
    maxs = jax.ops.segment_max(gathered, seg_ids, num_segments=B)  # [B, EMB]
    maxs = jnp.where(counts[:, None] > 0, maxs, 0.0)  # empty bags -> 0
    men_embedding = jnp.concatenate([mean, maxs], axis=-1)  # [B, 2*EMB]
    # dropout is identity in eval mode; linear has bias=False
    out = men_embedding @ linear_w.T  # [B, TYPES]
    return out

if __name__ == "__main__":
    import jax
    _d = setup_inputs()
    print(jax.jit(kernel)(*tuple(_d.values())))

</pallas_src>

<mosaic_0001>
#map = affine_map<(d0, d1) -> (0)>
#map1 = affine_map<(d0, d1) -> (0, 0, 0)>
#map2 = affine_map<(d0, d1) -> (0, 0)>
module attributes {stable_mosaic.version = 14 : i64} {
  func.func @pool(%arg0: i32, %arg1: i32, %arg2: memref<204800xi32, #tpu.memory_space<hbm>>, %arg3: memref<4096xi32, #tpu.memory_space<hbm>>, %arg4: memref<125000x8x64xf32, #tpu.memory_space<hbm>>, %arg5: memref<4096x128xf32, #tpu.memory_space<hbm>>, %arg6: memref<256xi32, #tpu.memory_space<vmem>>, %arg7: memref<32x8x64xf32, #tpu.memory_space<vmem>>, %arg8: memref<128x128xf32, #tpu.memory_space<vmem>>, %arg9: memref<160xi32, #tpu.memory_space<vmem>>, %arg10: memref<32xi32, #tpu.memory_space<vmem>>, %arg11: memref<!tpu.dma_semaphore, #tpu.memory_space<semaphore_mem>>, %arg12: memref<!tpu.dma_semaphore, #tpu.memory_space<semaphore_mem>>) attributes {dimension_semantics = [#tpu.dimension_semantics<core_parallel>, #tpu.dimension_semantics<subcore_parallel>], iteration_bounds = array<i64: 2, 16>, scalar_prefetch = 0 : i64, scratch_operands = 7 : i64, tpu.core_type = #tpu.core_type<sc_vector_subcore>, window_params = [{transform_indices = #map}, {transform_indices = #map}, {transform_indices = #map1}, {transform_indices = #map2}]} {
    %mul3A = arith.constant 2 : i32
    %mul3A_0 = arith.muli %arg1, %mul3A : i32
    %add3A = arith.addi %mul3A_0, %arg0 : i32
    %mul3A_1 = arith.constant 128 : i32
    %mul3A_2 = arith.muli %add3A, %mul3A_1 : i32
    %multiple_of3A = tpu.assume_multiple %mul3A_2, 128 : i32
    "tpu.region"() ({
      %run_scoped3A = tpu.sem_alloc : memref<!tpu.dma_semaphore, #tpu.memory_space<semaphore_mem>>
      %dma_start3A = arith.constant 0 : i32
      %dma_start3A_65 = tpu.memref_slice %arg9[%dma_start3A] : memref<160xi32, #tpu.memory_space<vmem>> -> memref<128xi32, #tpu.memory_space<vmem>>
      %dma_start3A_66 = tpu.memref_slice %arg3[%multiple_of3A] : memref<4096xi32, #tpu.memory_space<hbm>> -> memref<128xi32, #tpu.memory_space<hbm>>
      %dma_start3A_67 = arith.constant 0 : i32
      %dma_start3A_68 = tpu.memref_slice %arg9[%dma_start3A_67] : memref<160xi32, #tpu.memory_space<vmem>> -> memref<128xi32, #tpu.memory_space<vmem>>
      %dma_start3A_69 = tpu.memref_slice %arg3[%multiple_of3A] : memref<4096xi32, #tpu.memory_space<hbm>> -> memref<128xi32, #tpu.memory_space<hbm>>
      tpu.enqueue_dma source(%dma_start3A_69 : memref<128xi32, #tpu.memory_space<hbm>>) target(%dma_start3A_68 : memref<128xi32, #tpu.memory_space<vmem>>) target_semaphore(%run_scoped3A : memref<!tpu.dma_semaphore, #tpu.memory_space<semaphore_mem>>)
      %dma_wait3A = arith.constant 0 : i32
      %dma_wait3A_70 = tpu.memref_slice %arg9[%dma_wait3A] : memref<160xi32, #tpu.memory_space<vmem>> -> memref<128xi32, #tpu.memory_space<vmem>>
      %dma_wait3A_71 = tpu.memref_slice %arg3[%multiple_of3A] : memref<4096xi32, #tpu.memory_space<hbm>> -> memref<128xi32, #tpu.memory_space<hbm>>
      %dma_wait3A_72 = arith.constant 0 : i32
      %dma_wait3A_73 = tpu.memref_slice %arg9[%dma_wait3A_72] : memref<160xi32, #tpu.memory_space<vmem>> -> memref<128xi32, #tpu.memory_space<vmem>>
      %dma_wait3A_74 = tpu.memref_slice %arg3[%multiple_of3A] : memref<4096xi32, #tpu.memory_space<hbm>> -> memref<128xi32, #tpu.memory_space<hbm>>
      tpu.wait_dma2 semaphore(%run_scoped3A : memref<!tpu.dma_semaphore, #tpu.memory_space<semaphore_mem>>) src(%dma_wait3A_74 : memref<128xi32, #tpu.memory_space<hbm>>) dst(%dma_wait3A_73 : memref<128xi32, #tpu.memory_space<vmem>>)
      tpu.yield
    }) : () -> ()
    %lt3A = arith.constant 31 : i32
    %lt3A_3 = arith.cmpi slt, %add3A, %lt3A : i32
    %convert_element_type3A = arith.extui %lt3A_3 : i1 to i32
    %cond3A = arith.constant 0 : i32
    %cond3A_4 = arith.cmpi ne, %convert_element_type3A, %cond3A : i32
    scf.if %cond3A_4 {
      %add3A_65 = arith.constant 128 : i32
      %add3A_66 = arith.addi %multiple_of3A, %add3A_65 : i32
      "tpu.region"() ({
        %run_scoped3A = tpu.sem_alloc : memref<!tpu.dma_semaphore, #tpu.memory_space<semaphore_mem>>
        %dma_start3A = arith.constant 0 : i32
        %dma_start3A_67 = tpu.memref_slice %arg10[%dma_start3A] : memref<32xi32, #tpu.memory_space<vmem>> -> memref<8xi32, #tpu.memory_space<vmem>>
        %dma_start3A_68 = tpu.memref_slice %arg3[%add3A_66] : memref<4096xi32, #tpu.memory_space<hbm>> -> memref<8xi32, #tpu.memory_space<hbm>>
        %dma_start3A_69 = arith.constant 0 : i32
        %dma_start3A_70 = tpu.memref_slice %arg10[%dma_start3A_69] : memref<32xi32, #tpu.memory_space<vmem>> -> memref<8xi32, #tpu.memory_space<vmem>>
        %dma_start3A_71 = tpu.memref_slice %arg3[%add3A_66] : memref<4096xi32, #tpu.memory_space<hbm>> -> memref<8xi32, #tpu.memory_space<hbm>>
        tpu.enqueue_dma source(%dma_start3A_71 : memref<8xi32, #tpu.memory_space<hbm>>) target(%dma_start3A_70 : memref<8xi32, #tpu.memory_space<vmem>>) target_semaphore(%run_scoped3A : memref<!tpu.dma_semaphore, #tpu.memory_space<semaphore_mem>>)
        %dma_wait3A = arith.constant 0 : i32
        %dma_wait3A_72 = tpu.memref_slice %arg10[%dma_wait3A] : memref<32xi32, #tpu.memory_space<vmem>> -> memref<8xi32, #tpu.memory_space<vmem>>
        %dma_wait3A_73 = tpu.memref_slice %arg3[%add3A_66] : memref<4096xi32, #tpu.memory_space<hbm>> -> memref<8xi32, #tpu.memory_space<hbm>>
        %dma_wait3A_74 = arith.constant 0 : i32
        %dma_wait3A_75 = tpu.memref_slice %arg10[%dma_wait3A_74] : memref<32xi32, #tpu.memory_space<vmem>> -> memref<8xi32, #tpu.memory_space<vmem>>
        %dma_wait3A_76 = tpu.memref_slice %arg3[%add3A_66] : memref<4096xi32, #tpu.memory_space<hbm>> -> memref<8xi32, #tpu.memory_space<hbm>>
        tpu.wait_dma2 semaphore(%run_scoped3A : memref<!tpu.dma_semaphore, #tpu.memory_space<semaphore_mem>>) src(%dma_wait3A_76 : memref<8xi32, #tpu.memory_space<hbm>>) dst(%dma_wait3A_75 : memref<8xi32, #tpu.memory_space<vmem>>)
        tpu.yield
      }) : () -> ()
    } else {
    }
    %eq3A = arith.constant 31 : i32
    %eq3A_5 = arith.cmpi eq, %add3A, %eq3A : i32
    %get3A = arith.constant 0 : index
    %get3A_6 = tpu.vector_load %arg10[%get3A] {strides = array<i32>} : memref<32xi32, #tpu.memory_space<vmem>>, vector<16xi32>,
    %get3A_7 = vector.shape_cast %get3A_6 : vector<16xi32> to vector<16xi32>
    %slice3A = vector.extract_strided_slice %get3A_7 {offsets = [0], sizes = [1], strides = [1]} : vector<16xi32> to vector<1xi32>
    %squeeze3A = vector.extract %slice3A[0] : i32 from vector<1xi32>
    %jit3A = arith.constant 204800 : i32
    %select_n3A = arith.select %eq3A_5, %jit3A, %squeeze3A : i32
    %broadcast_in_dim3A = vector.broadcast %select_n3A : i32 to vector<16xi32>
    %swap3A = arith.constant 128 : index
    %swap3A_8 = tpu.vector_load %arg9[%swap3A] {strides = array<i32>} : memref<160xi32, #tpu.memory_space<vmem>>, vector<16xi32>,
    %swap3A_9 = vector.shape_cast %swap3A_8 : vector<16xi32> to vector<16xi32>
    %swap3A_10 = vector.shape_cast %broadcast_in_dim3A : vector<16xi32> to vector<16xi32>
    tpu.vector_store %arg9[%swap3A], %swap3A_10 {strides = array<i32>} : memref<160xi32, #tpu.memory_space<vmem>>, vector<16xi32>,
    %min3A = arith.constant 0 : i32
    %min3A_11 = arith.constant 128 : i32
    %min3A_12 = arith.minsi %min3A, %min3A_11 : i32
    %get3A_13 = arith.index_cast %min3A_12 : i32 to index
    %get3A_14 = tpu.vector_load %arg9[%get3A_13] {strides = array<i32>} : memref<160xi32, #tpu.memory_space<vmem>>, vector<16xi32>,
    %get3A_15 = vector.shape_cast %get3A_14 : vector<16xi32> to vector<16xi32>
    %slice3A_16 = vector.extract_strided_slice %get3A_15 {offsets = [0], sizes = [1], strides = [1]} : vector<16xi32> to vector<1xi32>
    %squeeze3A_17 = vector.extract %slice3A_16[0] : i32 from vector<1xi32>
    %jit3A_18 = arith.constant 8 : i32
    %div3A = arith.divsi %squeeze3A_17, %jit3A_18 : i32
    %sign3A = arith.constant 0 : i32
    %sign3A_19 = arith.cmpi sgt, %squeeze3A_17, %sign3A : i32
    %sign3A_20 = arith.extui %sign3A_19 : i1 to i32
    %sign3A_21 = arith.constant 0 : i32
    %sign3A_22 = arith.cmpi slt, %squeeze3A_17, %sign3A_21 : i32
    %sign3A_23 = arith.extui %sign3A_22 : i1 to i32
    %sign3A_24 = arith.subi %sign3A_20, %sign3A_23 : i32
    %sign3A_25 = arith.constant 0 : i32
    %sign3A_26 = arith.cmpi sgt, %jit3A_18, %sign3A_25 : i32
    %sign3A_27 = arith.extui %sign3A_26 : i1 to i32
    %sign3A_28 = arith.constant 0 : i32
    %sign3A_29 = arith.cmpi slt, %jit3A_18, %sign3A_28 : i32
    %sign3A_30 = arith.extui %sign3A_29 : i1 to i32
    %sign3A_31 = arith.subi %sign3A_27, %sign3A_30 : i32
    %ne3A = arith.cmpi ne, %sign3A_24, %sign3A_31 : i32
    %rem3A = arith.remsi %squeeze3A_17, %jit3A_18 : i32
    %ne3A_32 = arith.constant 0 : i32
    %ne3A_33 = arith.cmpi ne, %rem3A, %ne3A_32 : i32
    %and3A = arith.andi %ne3A, %ne3A_33 : i1
    %sub3A = arith.constant 1 : i32
    %sub3A_34 = arith.subi %div3A, %sub3A : i32
    %select_n3A_35 = arith.select %and3A, %sub3A_34, %div3A : i32
    %mul3A_36 = arith.constant 8 : i32
    %mul3A_37 = arith.muli %select_n3A_35, %mul3A_36 : i32
    %multiple_of3A_38 = tpu.assume_multiple %mul3A_37, 8 : i32
    %sub3A_39 = arith.subi %select_n3A, %multiple_of3A_38 : i32
    %add3A_40 = arith.constant 128 : i32
    %add3A_41 = arith.addi %sub3A_39, %add3A_40 : i32
    %sub3A_42 = arith.constant 1 : i32
    %sub3A_43 = arith.subi %add3A_41, %sub3A_42 : i32
    %div3A_44 = arith.constant 128 : i32
    %div3A_45 = arith.divsi %sub3A_43, %div3A_44 : i32
    %max3A = arith.constant 1 : i32
    %max3A_46 = arith.maxsi %div3A_45, %max3A : i32
    %broadcast_in_dim3A_47 = arith.constant 0.000000e+00 : f32
    %broadcast_in_dim3A_48 = vector.broadcast %broadcast_in_dim3A_47 : f32 to vector<16xf32>
    %broadcast_in_dim3A_49 = arith.constant -3.40282347E+38 : f32
    %broadcast_in_dim3A_50 = vector.broadcast %broadcast_in_dim3A_49 : f32 to vector<16xf32>
    %add3A_51 = arith.constant 1 : i32
    %add3A_52 = arith.addi %max3A_46, %add3A_51 : i32
    %while3A = arith.constant 0 : i32
    %while3A_53 = arith.constant 0 : i32
    %while3A_54 = arith.constant 0 : i32
    %while3A_55 = arith.subi %add3A_52, %while3A : i32
    %while3A_56 = arith.addi %while3A, %while3A_55 : i32
    %while3A_57 = arith.constant 1 : i32
    %while3A_58 = arith.divsi %while3A_55, %while3A_57 : i32
    %while3A_59 = arith.muli %while3A_58, %while3A_57 : i32
    %while3A_60 = arith.addi %while3A, %while3A_59 : i32
    %while3A_61 = arith.constant 1 : i32
    %while3A_62:10 = scf.for %while3A_65 = %while3A to %while3A_60 step %while3A_61 iter_args(%while3A_66 = %while3A_53, %while3A_67 = %while3A_54, %while3A_68 = %broadcast_in_dim3A_48, %while3A_69 = %broadcast_in_dim3A_48, %while3A_70 = %broadcast_in_dim3A_48, %while3A_71 = %broadcast_in_dim3A_48, %while3A_72 = %broadcast_in_dim3A_50, %while3A_73 = %broadcast_in_dim3A_50, %while3A_74 = %broadcast_in_dim3A_50, %while3A_75 = %broadcast_in_dim3A_50) -> (i32, i32, vector<16xf32>, vector<16xf32>, vector<16xf32>, vector<16xf32>, vector<16xf32>, vector<16xf32>, vector<16xf32>, vector<16xf32>)  : i32 {
      %lt3A_76 = arith.cmpi slt, %while3A_65, %max3A_46 : i32
      %convert_element_type3A_77 = arith.extui %lt3A_76 : i1 to i32
      %cond3A_78 = arith.constant 0 : i32
      %cond3A_79 = arith.cmpi ne, %convert_element_type3A_77, %cond3A_78 : i32
      scf.if %cond3A_79 {
        %rem3A_246 = arith.constant 2 : i32
        %rem3A_247 = arith.remsi %while3A_65, %rem3A_246 : i32
        %eq3A_248 = arith.constant 0 : i32
        %eq3A_249 = arith.cmpi eq, %rem3A_247, %eq3A_248 : i32
        %convert_element_type3A_250 = arith.extui %eq3A_249 : i1 to i32
        %cond3A_251 = arith.constant 0 : i32
        %cond3A_252 = arith.cmpi ne, %convert_element_type3A_250, %cond3A_251 : i32
        scf.if %cond3A_252 {
          %mul3A_260 = arith.constant 128 : i32
          %mul3A_261 = arith.muli %while3A_65, %mul3A_260 : i32
          %add3A_262 = arith.addi %multiple_of3A_38, %mul3A_261 : i32
          %min3A_263 = arith.constant 204672 : i32
          %min3A_264 = arith.minsi %add3A_262, %min3A_263 : i32
          %multiple_of3A_265 = tpu.assume_multiple %min3A_264, 8 : i32
          %rem3A_266 = arith.constant 2 : i32
          %rem3A_267 = arith.remsi %while3A_65, %rem3A_266 : i32
          %mul3A_268 = arith.constant 128 : i32
          %mul3A_269 = arith.muli %rem3A_267, %mul3A_268 : i32
          %multiple_of3A_270 = tpu.assume_multiple %mul3A_269, 128 : i32
          %mul3A_271 = arith.constant 16 : i32
          %mul3A_272 = arith.muli %rem3A_267, %mul3A_271 : i32
          "tpu.region"() ({
            %run_scoped3A = tpu.sem_alloc : memref<!tpu.dma_semaphore, #tpu.memory_space<semaphore_mem>>
            %dma_start3A = tpu.memref_slice %arg6[%multiple_of3A_270] : memref<256xi32, #tpu.memory_space<vmem>> -> memref<128xi32, #tpu.memory_space<vmem>>
            %dma_start3A_276 = tpu.memref_slice %arg2[%multiple_of3A_265] : memref<204800xi32, #tpu.memory_space<hbm>> -> memref<128xi32, #tpu.memory_space<hbm>>
            %dma_start3A_277 = tpu.memref_slice %arg6[%multiple_of3A_270] : memref<256xi32, #tpu.memory_space<vmem>> -> memref<128xi32, #tpu.memory_space<vmem>>
            %dma_start3A_278 = tpu.memref_slice %arg2[%multiple_of3A_265] : memref<204800xi32, #tpu.memory_space<hbm>> -> memref<128xi32, #tpu.memory_space<hbm>>
            tpu.enqueue_dma source(%dma_start3A_278 : memref<128xi32, #tpu.memory_space<hbm>>) target(%dma_start3A_277 : memref<128xi32, #tpu.memory_space<vmem>>) target_semaphore(%run_scoped3A : memref<!tpu.dma_semaphore, #tpu.memory_space<semaphore_mem>>)
            %dma_wait3A = tpu.memref_slice %arg6[%multiple_of3A_270] : memref<256xi32, #tpu.memory_space<vmem>> -> memref<128xi32, #tpu.memory_space<vmem>>
            %dma_wait3A_279 = tpu.memref_slice %arg2[%multiple_of3A_265] : memref<204800xi32, #tpu.memory_space<hbm>> -> memref<128xi32, #tpu.memory_space<hbm>>
            %dma_wait3A_280 = tpu.memref_slice %arg6[%multiple_of3A_270] : memref<256xi32, #tpu.memory_space<vmem>> -> memref<128xi32, #tpu.memory_space<vmem>>
            %dma_wait3A_281 = tpu.memref_slice %arg2[%multiple_of3A_265] : memref<204800xi32, #tpu.memory_space<hbm>> -> memref<128xi32, #tpu.memory_space<hbm>>
            tpu.wait_dma2 semaphore(%run_scoped3A : memref<!tpu.dma_semaphore, #tpu.memory_space<semaphore_mem>>) src(%dma_wait3A_281 : memref<128xi32, #tpu.memory_space<hbm>>) dst(%dma_wait3A_280 : memref<128xi32, #tpu.memory_space<vmem>>)
            tpu.yield
          }) : () -> ()
          %parallel_loop3A_273 = arith.constant 0 : i32
          %parallel_loop3A_274 = arith.constant 8 : i32
          %parallel_loop3A_275 = arith.constant 1 : i32
          scf.for %parallel_loop3A_276 = %parallel_loop3A_273 to %parallel_loop3A_274 step %parallel_loop3A_275  : i32 {
            %parallel_loop3A_277 = arith.constant 16 : i32
            %parallel_loop3A_278 = arith.muli %parallel_loop3A_276, %parallel_loop3A_277 : i32
            %parallel_loop3A_279 = arith.addi %multiple_of3A_270, %parallel_loop3A_278 : i32
            %parallel_loop3A_280 = arith.index_cast %parallel_loop3A_279 : i32 to index
            %parallel_loop3A_281 = tpu.vector_load %arg6[%parallel_loop3A_280] {strides = array<i32>} : memref<256xi32, #tpu.memory_space<vmem>>, vector<16xi32>,
            %parallel_loop3A_282 = vector.shape_cast %parallel_loop3A_281 : vector<16xi32> to vector<16xi32>
            %parallel_loop3A_283 = vector.extract_strided_slice %parallel_loop3A_282 {offsets = [0], sizes = [1], strides = [1]} : vector<16xi32> to vector<1xi32>
            %parallel_loop3A_284 = vector.extract %parallel_loop3A_283[0] : i32 from vector<1xi32>
            %parallel_loop3A_285 = arith.constant 3 : i32
            %parallel_loop3A_286 = arith.shrui %parallel_loop3A_284, %parallel_loop3A_285 : i32
            %parallel_loop3A_287 = arith.constant 7 : i32
            %parallel_loop3A_288 = arith.andi %parallel_loop3A_284, %parallel_loop3A_287 : i32
            %parallel_loop3A_289 = arith.constant 2 : i32
            %parallel_loop3A_290 = arith.muli %parallel_loop3A_289, %parallel_loop3A_276 : i32
            %parallel_loop3A_291 = arith.addi %mul3A_272, %parallel_loop3A_290 : i32
            %parallel_loop3A_292 = arith.constant 0 : i32
            %parallel_loop3A_293 = arith.addi %parallel_loop3A_291, %parallel_loop3A_292 : i32
            %parallel_loop3A_294 = arith.constant 0 : i32
            %parallel_loop3A_295 = arith.constant 0 : i32
            %parallel_loop3A_296 = tpu.memref_slice %arg7[%parallel_loop3A_293, %parallel_loop3A_294, %parallel_loop3A_295] : memref<32x8x64xf32, #tpu.memory_space<vmem>> -> memref<1x1x64xf32, #tpu.memory_space<vmem>>
            %parallel_loop3A_297 = tpu.memref_squeeze %parallel_loop3A_296 : memref<1x1x64xf32, #tpu.memory_space<vmem>> -> memref<64xf32, #tpu.memory_space<vmem>>
            %parallel_loop3A_298 = arith.constant 0 : i32
            %parallel_loop3A_299 = tpu.memref_slice %arg4[%parallel_loop3A_286, %parallel_loop3A_288, %parallel_loop3A_298] : memref<125000x8x64xf32, #tpu.memory_space<hbm>> -> memref<1x1x64xf32, #tpu.memory_space<hbm>>
            %parallel_loop3A_300 = tpu.memref_squeeze %parallel_loop3A_299 : memref<1x1x64xf32, #tpu.memory_space<hbm>> -> memref<64xf32, #tpu.memory_space<hbm>>
            %parallel_loop3A_301 = arith.constant 0 : i32
            %parallel_loop3A_302 = tpu.memref_slice %arg7[%parallel_loop3A_293, %parallel_loop3A_294, %parallel_loop3A_301] : memref<32x8x64xf32, #tpu.memory_space<vmem>> -> memref<1x1x64xf32, #tpu.memory_space<vmem>>
            %parallel_loop3A_303 = tpu.memref_squeeze %parallel_loop3A_302 : memref<1x1x64xf32, #tpu.memory_space<vmem>> -> memref<64xf32, #tpu.memory_space<vmem>>
            %parallel_loop3A_304 = arith.constant 0 : i32
            %parallel_loop3A_305 = tpu.memref_slice %arg4[%parallel_loop3A_286, %parallel_loop3A_288, %parallel_loop3A_304] : memref<125000x8x64xf32, #tpu.memory_space<hbm>> -> memref<1x1x64xf32, #tpu.memory_space<hbm>>
            %parallel_loop3A_306 = tpu.memref_squeeze %parallel_loop3A_305 : memref<1x1x64xf32, #tpu.memory_space<hbm>> -> memref<64xf32, #tpu.memory_space<hbm>>
            tpu.enqueue_dma source(%parallel_loop3A_306 : memref<64xf32, #tpu.memory_space<hbm>>) target(%parallel_loop3A_303 : memref<64xf32, #tpu.memory_space<vmem>>) target_semaphore(%arg11 : memref<!tpu.dma_semaphore, #tpu.memory_space<semaphore_mem>>)
            %parallel_loop3A_307 = vector.extract_strided_slice %parallel_loop3A_282 {offsets = [1], sizes = [1], strides = [1]} : vector<16xi32> to vector<1xi32>
            %parallel_loop3A_308 = vector.extract %parallel_loop3A_307[0] : i32 from vector<1xi32>
            %parallel_loop3A_309 = arith.constant 3 : i32
            %parallel_loop3A_310 = arith.shrui %parallel_loop3A_308, %parallel_loop3A_309 : i32
            %parallel_loop3A_311 = arith.constant 7 : i32
            %parallel_loop3A_312 = arith.andi %parallel_loop3A_308, %parallel_loop3A_311 : i32
            %parallel_loop3A_313 = arith.constant 2 : i32
            %parallel_loop3A_314 = arith.muli %parallel_loop3A_313, %parallel_loop3A_276 : i32
            %parallel_loop3A_315 = arith.addi %mul3A_272, %parallel_loop3A_314 : i32
            %parallel_loop3A_316 = arith.constant 0 : i32
            %parallel_loop3A_317 = arith.addi %parallel_loop3A_315, %parallel_loop3A_316 : i32
            %parallel_loop3A_318 = arith.constant 1 : i32
            %parallel_loop3A_319 = arith.constant 0 : i32
            %parallel_loop3A_320 = tpu.memref_slice %arg7[%parallel_loop3A_317, %parallel_loop3A_318, %parallel_loop3A_319] : memref<32x8x64xf32, #tpu.memory_space<vmem>> -> memref<1x1x64xf32, #tpu.memory_space<vmem>>
            %parallel_loop3A_321 = tpu.memref_squeeze %parallel_loop3A_320 : memref<1x1x64xf32, #tpu.memory_space<vmem>> -> memref<64xf32, #tpu.memory_space<vmem>>
            %parallel_loop3A_322 = arith.constant 0 : i32
            %parallel_loop3A_323 = tpu.memref_slice %arg4[%parallel_loop3A_310, %parallel_loop3A_312, %parallel_loop3A_322] : memref<125000x8x64xf32, #tpu.memory_space<hbm>> -> memref<1x1x64xf32, #tpu.memory_space<hbm>>
            %parallel_loop3A_324 = tpu.memref_squeeze %parallel_loop3A_323 : memref<1x1x64xf32, #tpu.memory_space<hbm>> -> memref<64xf32, #tpu.memory_space<hbm>>
            %parallel_loop3A_325 = arith.constant 0 : i32
            %parallel_loop3A_326 = tpu.memref_slice %arg7[%parallel_loop3A_317, %parallel_loop3A_318, %parallel_loop3A_325] : memref<32x8x64xf32, #tpu.memory_space<vmem>> -> memref<1x1x64xf32, #tpu.memory_space<vmem>>
            %parallel_loop3A_327 = tpu.memref_squeeze %parallel_loop3A_326 : memref<1x1x64xf32, #tpu.memory_space<vmem>> -> memref<64xf32, #tpu.memory_space<vmem>>
            %parallel_loop3A_328 = arith.constant 0 : i32
            %parallel_loop3A_329 = tpu.memref_slice %arg4[%parallel_loop3A_310, %parallel_loop3A_312, %parallel_loop3A_328] : memref<125000x8x64xf32, #tpu.memory_space<hbm>> -> memref<1x1x64xf32, #tpu.memory_space<hbm>>
            %parallel_loop3A_330 = tpu.memref_squeeze %parallel_loop3A_329 : memref<1x1x64xf32, #tpu.memory_space<hbm>> -> memref<64xf32, #tpu.memory_space<hbm>>
            tpu.enqueue_dma source(%parallel_loop3A_330 : memref<64xf32, #tpu.memory_space<hbm>>) target(%parallel_loop3A_327 : memref<64xf32, #tpu.memory_space<vmem>>) target_semaphore(%arg11 : memref<!tpu.dma_semaphore, #tpu.memory_space<semaphore_mem>>)
            %parallel_loop3A_331 = vector.extract_strided_slice %parallel_loop3A_282 {offsets = [2], sizes = [1], strides = [1]} : vector<16xi32> to vector<1xi32>
            %parallel_loop3A_332 = vector.extract %parallel_loop3A_331[0] : i32 from vector<1xi32>
            %parallel_loop3A_333 = arith.constant 3 : i32
            %parallel_loop3A_334 = arith.shrui %parallel_loop3A_332, %parallel_loop3A_333 : i32
            %parallel_loop3A_335 = arith.constant 7 : i32
            %parallel_loop3A_336 = arith.andi %parallel_loop3A_332, %parallel_loop3A_335 : i32
            %parallel_loop3A_337 = arith.constant 2 : i32
            %parallel_loop3A_338 = arith.muli %parallel_loop3A_337, %parallel_loop3A_276 : i32
            %parallel_loop3A_339 = arith.addi %mul3A_272, %parallel_loop3A_338 : i32
            %parallel_loop3A_340 = arith.constant 0 : i32
            %parallel_loop3A_341 = arith.addi %parallel_loop3A_339, %parallel_loop3A_340 : i32
            %parallel_loop3A_342 = arith.constant 2 : i32
            %parallel_loop3A_343 = arith.constant 0 : i32
            %parallel_loop3A_344 = tpu.memref_slice %arg7[%parallel_loop3A_341, %parallel_loop3A_342, %parallel_loop3A_343] : memref<32x8x64xf32, #tpu.memory_space<vmem>> -> memref<1x1x64xf32, #tpu.memory_space<vmem>>
            %parallel_loop3A_345 = tpu.memref_squeeze %parallel_loop3A_344 : memref<1x1x64xf32, #tpu.memory_space<vmem>> -> memref<64xf32, #tpu.memory_space<vmem>>
            %parallel_loop3A_346 = arith.constant 0 : i32
            %parallel_loop3A_347 = tpu.memref_slice %arg4[%parallel_loop3A_334, %parallel_loop3A_336, %parallel_loop3A_346] : memref<125000x8x64xf32, #tpu.memory_space<hbm>> -> memref<1x1x64xf32, #tpu.memory_space<hbm>>
            %parallel_loop3A_348 = tpu.memref_squeeze %parallel_loop3A_347 : memref<1x1x64xf32, #tpu.memory_space<hbm>> -> memref<64xf32, #tpu.memory_space<hbm>>
            %parallel_loop3A_349 = arith.constant 0 : i32
            %parallel_loop3A_350 = tpu.memref_slice %arg7[%parallel_loop3A_341, %parallel_loop3A_342, %parallel_loop3A_349] : memref<32x8x64xf32, #tpu.memory_space<vmem>> -> memref<1x1x64xf32, #tpu.memory_space<vmem>>
            %parallel_loop3A_351 = tpu.memref_squeeze %parallel_loop3A_350 : memref<1x1x64xf32, #tpu.memory_space<vmem>> -> memref<64xf32, #tpu.memory_space<vmem>>
            %parallel_loop3A_352 = arith.constant 0 : i32
            %parallel_loop3A_353 = tpu.memref_slice %arg4[%parallel_loop3A_334, %parallel_loop3A_336, %parallel_loop3A_352] : memref<125000x8x64xf32, #tpu.memory_space<hbm>> -> memref<1x1x64xf32, #tpu.memory_space<hbm>>
            %parallel_loop3A_354 = tpu.memref_squeeze %parallel_loop3A_353 : memref<1x1x64xf32, #tpu.memory_space<hbm>> -> memref<64xf32, #tpu.memory_space<hbm>>
            tpu.enqueue_dma source(%parallel_loop3A_354 : memref<64xf32, #tpu.memory_space<hbm>>) target(%parallel_loop3A_351 : memref<64xf32, #tpu.memory_space<vmem>>) target_semaphore(%arg11 : memref<!tpu.dma_semaphore, #tpu.memory_space<semaphore_mem>>)
            %parallel_loop3A_355 = vector.extract_strided_slice %parallel_loop3A_282 {offsets = [3], sizes = [1], strides = [1]} : vector<16xi32> to vector<1xi32>
            %parallel_loop3A_356 = vector.extract %parallel_loop3A_355[0] : i32 from vector<1xi32>
            %parallel_loop3A_357 = arith.constant 3 : i32
            %parallel_loop3A_358 = arith.shrui %parallel_loop3A_356, %parallel_loop3A_357 : i32
            %parallel_loop3A_359 = arith.constant 7 : i32
            %parallel_loop3A_360 = arith.andi %parallel_loop3A_356, %parallel_loop3A_359 : i32
            %parallel_loop3A_361 = arith.constant 2 : i32
            %parallel_loop3A_362 = arith.muli %parallel_loop3A_361, %parallel_loop3A_276 : i32
            %parallel_loop3A_363 = arith.addi %mul3A_272, %parallel_loop3A_362 : i32
            %parallel_loop3A_364 = arith.constant 0 : i32
            %parallel_loop3A_365 = arith.addi %parallel_loop3A_363, %parallel_loop3A_364 : i32
            %parallel_loop3A_366 = arith.constant 3 : i32
            %parallel_loop3A_367 = arith.constant 0 : i32
            %parallel_loop3A_368 = tpu.memref_slice %arg7[%parallel_loop3A_365, %parallel_loop3A_366, %parallel_loop3A_367] : memref<32x8x64xf32, #tpu.memory_space<vmem>> -> memref<1x1x64xf32, #tpu.memory_space<vmem>>
            %parallel_loop3A_369 = tpu.memref_squeeze %parallel_loop3A_368 : memref<1x1x64xf32, #tpu.memory_space<vmem>> -> memref<64xf32, #tpu.memory_space<vmem>>
            %parallel_loop3A_370 = arith.constant 0 : i32
            %parallel_loop3A_371 = tpu.memref_slice %arg4[%parallel_loop3A_358, %parallel_loop3A_360, %parallel_loop3A_370] : memref<125000x8x64xf32, #tpu.memory_space<hbm>> -> memref<1x1x64xf32, #tpu.memory_space<hbm>>
            %parallel_loop3A_372 = tpu.memref_squeeze %parallel_loop3A_371 : memref<1x1x64xf32, #tpu.memory_space<hbm>> -> memref<64xf32, #tpu.memory_space<hbm>>
            %parallel_loop3A_373 = arith.constant 0 : i32
            %parallel_loop3A_374 = tpu.memref_slice %arg7[%parallel_loop3A_365, %parallel_loop3A_366, %parallel_loop3A_373] : memref<32x8x64xf32, #tpu.memory_space<vmem>> -> memref<1x1x64xf32, #tpu.memory_space<vmem>>
            %parallel_loop3A_375 = tpu.memref_squeeze %parallel_loop3A_374 : memref<1x1x64xf32, #tpu.memory_space<vmem>> -> memref<64xf32, #tpu.memory_space<vmem>>
            %parallel_loop3A_376 = arith.constant 0 : i32
            %parallel_loop3A_377 = tpu.memref_slice %arg4[%parallel_loop3A_358, %parallel_loop3A_360, %parallel_loop3A_376] : memref<125000x8x64xf32, #tpu.memory_space<hbm>> -> memref<1x1x64xf32, #tpu.memory_space<hbm>>
            %parallel_loop3A_378 = tpu.memref_squeeze %parallel_loop3A_377 : memref<1x1x64xf32, #tpu.memory_space<hbm>> -> memref<64xf32, #tpu.memory_space<hbm>>
            tpu.enqueue_dma source(%parallel_loop3A_378 : memref<64xf32, #tpu.memory_space<hbm>>) target(%parallel_loop3A_375 : memref<64xf32, #tpu.memory_space<vmem>>) target_semaphore(%arg11 : memref<!tpu.dma_semaphore, #tpu.memory_space<semaphore_mem>>)
            %parallel_loop3A_379 = vector.extract_strided_slice %parallel_loop3A_282 {offsets = [4], sizes = [1], strides = [1]} : vector<16xi32> to vector<1xi32>
            %parallel_loop3A_380 = vector.extract %parallel_loop3A_379[0] : i32 from vector<1xi32>
            %parallel_loop3A_381 = arith.constant 3 : i32
            %parallel_loop3A_382 = arith.shrui %parallel_loop3A_380, %parallel_loop3A_381 : i32
            %parallel_loop3A_383 = arith.constant 7 : i32
            %parallel_loop3A_384 = arith.andi %parallel_loop3A_380, %parallel_loop3A_383 : i32
            %parallel_loop3A_385 = arith.constant 2 : i32
            %parallel_loop3A_386 = arith.muli %parallel_loop3A_385, %parallel_loop3A_276 : i32
            %parallel_loop3A_387 = arith.addi %mul3A_272, %parallel_loop3A_386 : i32
            %parallel_loop3A_388 = arith.constant 0 : i32
            %parallel_loop3A_389 = arith.addi %parallel_loop3A_387, %parallel_loop3A_388 : i32
            %parallel_loop3A_390 = arith.constant 4 : i32
            %parallel_loop3A_391 = arith.constant 0 : i32
            %parallel_loop3A_392 = tpu.memref_slice %arg7[%parallel_loop3A_389, %parallel_loop3A_390, %parallel_loop3A_391] : memref<32x8x64xf32, #tpu.memory_space<vmem>> -> memref<1x1x64xf32, #tpu.memory_space<vmem>>
            %parallel_loop3A_393 = tpu.memref_squeeze %parallel_loop3A_392 : memref<1x1x64xf32, #tpu.memory_space<vmem>> -> memref<64xf32, #tpu.memory_space<vmem>>
            %parallel_loop3A_394 = arith.constant 0 : i32
            %parallel_loop3A_395 = tpu.memref_slice %arg4[%parallel_loop3A_382, %parallel_loop3A_384, %parallel_loop3A_394] : memref<125000x8x64xf32, #tpu.memory_space<hbm>> -> memref<1x1x64xf32, #tpu.memory_space<hbm>>
            %parallel_loop3A_396 = tpu.memref_squeeze %parallel_loop3A_395 : memref<1x1x64xf32, #tpu.memory_space<hbm>> -> memref<64xf32, #tpu.memory_space<hbm>>
            %parallel_loop3A_397 = arith.constant 0 : i32
            %parallel_loop3A_398 = tpu.memref_slice %arg7[%parallel_loop3A_389, %parallel_loop3A_390, %parallel_loop3A_397] : memref<32x8x64xf32, #tpu.memory_space<vmem>> -> memref<1x1x64xf32, #tpu.memory_space<vmem>>
            %parallel_loop3A_399 = tpu.memref_squeeze %parallel_loop3A_398 : memref<1x1x64xf32, #tpu.memory_space<vmem>> -> memref<64xf32, #tpu.memory_space<vmem>>
            %parallel_loop3A_400 = arith.constant 0 : i32
            %parallel_loop3A_401 = tpu.memref_slice %arg4[%parallel_loop3A_382, %parallel_loop3A_384, %parallel_loop3A_400] : memref<125000x8x64xf32, #tpu.memory_space<hbm>> -> memref<1x1x64xf32, #tpu.memory_space<hbm>>
            %parallel_loop3A_402 = tpu.memref_squeeze %parallel_loop3A_401 : memref<1x1x64xf32, #tpu.memory_space<hbm>> -> memref<64xf32, #tpu.memory_space<hbm>>
            tpu.enqueue_dma source(%parallel_loop3A_402 : memref<64xf32, #tpu.memory_space<hbm>>) target(%parallel_loop3A_399 : memref<64xf32, #tpu.memory_space<vmem>>) target_semaphore(%arg11 : memref<!tpu.dma_semaphore, #tpu.memory_space<semaphore_mem>>)
            %parallel_loop3A_403 = vector.extract_strided_slice %parallel_loop3A_282 {offsets = [5], sizes = [1], strides = [1]} : vector<16xi32> to vector<1xi32>
            %parallel_loop3A_404 = vector.extract %parallel_loop3A_403[0] : i32 from vector<1xi32>
            %parallel_loop3A_405 = arith.constant 3 : i32
            %parallel_loop3A_406 = arith.shrui %parallel_loop3A_404, %parallel_loop3A_405 : i32
            %parallel_loop3A_407 = arith.constant 7 : i32
            %parallel_loop3A_408 = arith.andi %parallel_loop3A_404, %parallel_loop3A_407 : i32
            %parallel_loop3A_409 = arith.constant 2 : i32
            %parallel_loop3A_410 = arith.muli %parallel_loop3A_409, %parallel_loop3A_276 : i32
            %parallel_loop3A_411 = arith.addi %mul3A_272, %parallel_loop3A_410 : i32
            %parallel_loop3A_412 = arith.constant 0 : i32
            %parallel_loop3A_413 = arith.addi %parallel_loop3A_411, %parallel_loop3A_412 : i32
            %parallel_loop3A_414 = arith.constant 5 : i32
            %parallel_loop3A_415 = arith.constant 0 : i32
            %parallel_loop3A_416 = tpu.memref_slice %arg7[%parallel_loop3A_413, %parallel_loop3A_414, %parallel_loop3A_415] : memref<32x8x64xf32, #tpu.memory_space<vmem>> -> memref<1x1x64xf32, #tpu.memory_space<vmem>>
            %parallel_loop3A_417 = tpu.memref_squeeze %parallel_loop3A_416 : memref<1x1x64xf32, #tpu.memory_space<vmem>> -> memref<64xf32, #tpu.memory_space<vmem>>
            %parallel_loop3A_418 = arith.constant 0 : i32
            %parallel_loop3A_419 = tpu.memref_slice %arg4[%parallel_loop3A_406, %parallel_loop3A_408, %parallel_loop3A_418] : memref<125000x8x64xf32, #tpu.memory_space<hbm>> -> memref<1x1x64xf32, #tpu.memory_space<hbm>>
            %parallel_loop3A_420 = tpu.memref_squeeze %parallel_loop3A_419 : memref<1x1x64xf32, #tpu.memory_space<hbm>> -> memref<64xf32, #tpu.memory_space<hbm>>
            %parallel_loop3A_421 = arith.constant 0 : i32
            %parallel_loop3A_422 = tpu.memref_slice %arg7[%parallel_loop3A_413, %parallel_loop3A_414, %parallel_loop3A_421] : memref<32x8x64xf32, #tpu.memory_space<vmem>> -> memref<1x1x64xf32, #tpu.memory_space<vmem>>
            %parallel_loop3A_423 = tpu.memref_squeeze %parallel_loop3A_422 : memref<1x1x64xf32, #tpu.memory_space<vmem>> -> memref<64xf32, #tpu.memory_space<vmem>>
            %parallel_loop3A_424 = arith.constant 0 : i32
            %parallel_loop3A_425 = tpu.memref_slice %arg4[%parallel_loop3A_406, %parallel_loop3A_408, %parallel_loop3A_424] : memref<125000x8x64xf32, #tpu.memory_space<hbm>> -> memref<1x1x64xf32, #tpu.memory_space<hbm>>
            %parallel_loop3A_426 = tpu.memref_squeeze %parallel_loop3A_425 : memref<1x1x64xf32, #tpu.memory_space<hbm>> -> memref<64xf32, #tpu.memory_space<hbm>>
            tpu.enqueue_dma source(%parallel_loop3A_426 : memref<64xf32, #tpu.memory_space<hbm>>) target(%parallel_loop3A_423 : memref<64xf32, #tpu.memory_space<vmem>>) target_semaphore(%arg11 : memref<!tpu.dma_semaphore, #tpu.memory_space<semaphore_mem>>)
            %parallel_loop3A_427 = vector.extract_strided_slice %parallel_loop3A_282 {offsets = [6], sizes = [1], strides = [1]} : vector<16xi32> to vector<1xi32>
            %parallel_loop3A_428 = vector.extract %parallel_loop3A_427[0] : i32 from vector<1xi32>
            %parallel_loop3A_429 = arith.constant 3 : i32
            %parallel_loop3A_430 = arith.shrui %parallel_loop3A_428, %parallel_loop3A_429 : i32
            %parallel_loop3A_431 = arith.constant 7 : i32
            %parallel_loop3A_432 = arith.andi %parallel_loop3A_428, %parallel_loop3A_431 : i32
            %parallel_loop3A_433 = arith.constant 2 : i32
            %parallel_loop3A_434 = arith.muli %parallel_loop3A_433, %parallel_loop3A_276 : i32
            %parallel_loop3A_435 = arith.addi %mul3A_272, %parallel_loop3A_434 : i32
            %parallel_loop3A_436 = arith.constant 0 : i32
            %parallel_loop3A_437 = arith.addi %parallel_loop3A_435, %parallel_loop3A_436 : i32
            %parallel_loop3A_438 = arith.constant 6 : i32
            %parallel_loop3A_439 = arith.constant 0 : i32
            %parallel_loop3A_440 = tpu.memref_slice %arg7[%parallel_loop3A_437, %parallel_loop3A_438, %parallel_loop3A_439] : memref<32x8x64xf32, #tpu.memory_space<vmem>> -> memref<1x1x64xf32, #tpu.memory_space<vmem>>
            %parallel_loop3A_441 = tpu.memref_squeeze %parallel_loop3A_440 : memref<1x1x64xf32, #tpu.memory_space<vmem>> -> memref<64xf32, #tpu.memory_space<vmem>>
            %parallel_loop3A_442 = arith.constant 0 : i32
            %parallel_loop3A_443 = tpu.memref_slice %arg4[%parallel_loop3A_430, %parallel_loop3A_432, %parallel_loop3A_442] : memref<125000x8x64xf32, #tpu.memory_space<hbm>> -> memref<1x1x64xf32, #tpu.memory_space<hbm>>
            %parallel_loop3A_444 = tpu.memref_squeeze %parallel_loop3A_443 : memref<1x1x64xf32, #tpu.memory_space<hbm>> -> memref<64xf32, #tpu.memory_space<hbm>>
            %parallel_loop3A_445 = arith.constant 0 : i32
            %parallel_loop3A_446 = tpu.memref_slice %arg7[%parallel_loop3A_437, %parallel_loop3A_438, %parallel_loop3A_445] : memref<32x8x64xf32, #tpu.memory_space<vmem>> -> memref<1x1x64xf32, #tpu.memory_space<vmem>>
            %parallel_loop3A_447 = tpu.memref_squeeze %parallel_loop3A_446 : memref<1x1x64xf32, #tpu.memory_space<vmem>> -> memref<64xf32, #tpu.memory_space<vmem>>
            %parallel_loop3A_448 = arith.constant 0 : i32
            %parallel_loop3A_449 = tpu.memref_slice %arg4[%parallel_loop3A_430, %parallel_loop3A_432, %parallel_loop3A_448] : memref<125000x8x64xf32, #tpu.memory_space<hbm>> -> memref<1x1x64xf32, #tpu.memory_space<hbm>>
            %parallel_loop3A_450 = tpu.memref_squeeze %parallel_loop3A_449 : memref<1x1x64xf32, #tpu.memory_space<hbm>> -> memref<64xf32, #tpu.memory_space<hbm>>
            tpu.enqueue_dma source(%parallel_loop3A_450 : memref<64xf32, #tpu.memory_space<hbm>>) target(%parallel_loop3A_447 : memref<64xf32, #tpu.memory_space<vmem>>) target_semaphore(%arg11 : memref<!tpu.dma_semaphore, #tpu.memory_space<semaphore_mem>>)
            %parallel_loop3A_451 = vector.extract_strided_slice %parallel_loop3A_282 {offsets = [7], sizes = [1], strides = [1]} : vector<16xi32> to vector<1xi32>
            %parallel_loop3A_452 = vector.extract %parallel_loop3A_451[0] : i32 from vector<1xi32>
            %parallel_loop3A_453 = arith.constant 3 : i32
            %parallel_loop3A_454 = arith.shrui %parallel_loop3A_452, %parallel_loop3A_453 : i32
            %parallel_loop3A_455 = arith.constant 7 : i32
            %parallel_loop3A_456 = arith.andi %parallel_loop3A_452, %parallel_loop3A_455 : i32
            %parallel_loop3A_457 = arith.constant 2 : i32
            %parallel_loop3A_458 = arith.muli %parallel_loop3A_457, %parallel_loop3A_276 : i32
            %parallel_loop3A_459 = arith.addi %mul3A_272, %parallel_loop3A_458 : i32
            %parallel_loop3A_460 = arith.constant 0 : i32
            %parallel_loop3A_461 = arith.addi %parallel_loop3A_459, %parallel_loop3A_460 : i32
            %parallel_loop3A_462 = arith.constant 7 : i32
            %parallel_loop3A_463 = arith.constant 0 : i32
            %parallel_loop3A_464 = tpu.memref_slice %arg7[%parallel_loop3A_461, %parallel_loop3A_462, %parallel_loop3A_463] : memref<32x8x64xf32, #tpu.memory_space<vmem>> -> memref<1x1x64xf32, #tpu.memory_space<vmem>>
            %parallel_loop3A_465 = tpu.memref_squeeze %parallel_loop3A_464 : memref<1x1x64xf32, #tpu.memory_space<vmem>> -> memref<64xf32, #tpu.memory_space<vmem>>
            %parallel_loop3A_466 = arith.constant 0 : i32
            %parallel_loop3A_467 = tpu.memref_slice %arg4[%parallel_loop3A_454, %parallel_loop3A_456, %parallel_loop3A_466] : memref<125000x8x64xf32, #tpu.memory_space<hbm>> -> memref<1x1x64xf32, #tpu.memory_space<hbm>>
            %parallel_loop3A_468 = tpu.memref_squeeze %parallel_loop3A_467 : memref<1x1x64xf32, #tpu.memory_space<hbm>> -> memref<64xf32, #tpu.memory_space<hbm>>
            %parallel_loop3A_469 = arith.constant 0 : i32
            %parallel_loop3A_470 = tpu.memref_slice %arg7[%parallel_loop3A_461, %parallel_loop3A_462, %parallel_loop3A_469] : memref<32x8x64xf32, #tpu.memory_space<vmem>> -> memref<1x1x64xf32, #tpu.memory_space<vmem>>
            %parallel_loop3A_471 = tpu.memref_squeeze %parallel_loop3A_470 : memref<1x1x64xf32, #tpu.memory_space<vmem>> -> memref<64xf32, #tpu.memory_space<vmem>>
            %parallel_loop3A_472 = arith.constant 0 : i32
            %parallel_loop3A_473 = tpu.memref_slice %arg4[%parallel_loop3A_454, %parallel_loop3A_456, %parallel_loop3A_472] : memref<125000x8x64xf32, #tpu.memory_space<hbm>> -> memref<1x1x64xf32, #tpu.memory_space<hbm>>
            %parallel_loop3A_474 = tpu.memref_squeeze %parallel_loop3A_473 : memref<1x1x64xf32, #tpu.memory_space<hbm>> -> memref<64xf32, #tpu.memory_space<hbm>>
            tpu.enqueue_dma source(%parallel_loop3A_474 : memref<64xf32, #tpu.memory_space<hbm>>) target(%parallel_loop3A_471 : memref<64xf32, #tpu.memory_space<vmem>>) target_semaphore(%arg11 : memref<!tpu.dma_semaphore, #tpu.memory_space<semaphore_mem>>)
            %parallel_loop3A_475 = vector.extract_strided_slice %parallel_loop3A_282 {offsets = [8], sizes = [1], strides = [1]} : vector<16xi32> to vector<1xi32>
            %parallel_loop3A_476 = vector.extract %parallel_loop3A_475[0] : i32 from vector<1xi32>
            %parallel_loop3A_477 = arith.constant 3 : i32
            %parallel_loop3A_478 = arith.shrui %parallel_loop3A_476, %parallel_loop3A_477 : i32
            %parallel_loop3A_479 = arith.constant 7 : i32
            %parallel_loop3A_480 = arith.andi %parallel_loop3A_476, %parallel_loop3A_479 : i32
            %parallel_loop3A_481 = arith.constant 2 : i32
            %parallel_loop3A_482 = arith.muli %parallel_loop3A_481, %parallel_loop3A_276 : i32
            %parallel_loop3A_483 = arith.addi %mul3A_272, %parallel_loop3A_482 : i32
            %parallel_loop3A_484 = arith.constant 1 : i32
            %parallel_loop3A_485 = arith.addi %parallel_loop3A_483, %parallel_loop3A_484 : i32
            %parallel_loop3A_486 = arith.constant 0 : i32
            %parallel_loop3A_487 = arith.constant 0 : i32
            %parallel_loop3A_488 = tpu.memref_slice %arg7[%parallel_loop3A_485, %parallel_loop3A_486, %parallel_loop3A_487] : memref<32x8x64xf32, #tpu.memory_space<vmem>> -> memref<1x1x64xf32, #tpu.memory_space<vmem>>
            %parallel_loop3A_489 = tpu.memref_squeeze %parallel_loop3A_488 : memref<1x1x64xf32, #tpu.memory_space<vmem>> -> memref<64xf32, #tpu.memory_space<vmem>>
            %parallel_loop3A_490 = arith.constant 0 : i32
            %parallel_loop3A_491 = tpu.memref_slice %arg4[%parallel_loop3A_478, %parallel_loop3A_480, %parallel_loop3A_490] : memref<125000x8x64xf32, #tpu.memory_space<hbm>> -> memref<1x1x64xf32, #tpu.memory_space<hbm>>
            %parallel_loop3A_492 = tpu.memref_squeeze %parallel_loop3A_491 : memref<1x1x64xf32, #tpu.memory_space<hbm>> -> memref<64xf32, #tpu.memory_space<hbm>>
            %parallel_loop3A_493 = arith.constant 0 : i32
            %parallel_loop3A_494 = tpu.memref_slice %arg7[%parallel_loop3A_485, %parallel_loop3A_486, %parallel_loop3A_493] : memref<32x8x64xf32, #tpu.memory_space<vmem>> -> memref<1x1x64xf32, #tpu.memory_space<vmem>>
            %parallel_loop3A_495 = tpu.memref_squeeze %parallel_loop3A_494 : memref<1x1x64xf32, #tpu.memory_space<vmem>> -> memref<64xf32, #tpu.memory_space<vmem>>
            %parallel_loop3A_496 = arith.constant 0 : i32
            %parallel_loop3A_497 = tpu.memref_slice %arg4[%parallel_loop3A_478, %parallel_loop3A_480, %parallel_loop3A_496] : memref<125000x8x64xf32, #tpu.memory_space<hbm>> -> memref<1x1x64xf32, #tpu.memory_space<hbm>>
            %parallel_loop3A_498 = tpu.memref_squeeze %parallel_loop3A_497 : memref<1x1x64xf32, #tpu.memory_space<hbm>> -> memref<64xf32, #tpu.memory_space<hbm>>
            tpu.enqueue_dma source(%parallel_loop3A_498 : memref<64xf32, #tpu.memory_space<hbm>>) target(%parallel_loop3A_495 : memref<64xf32, #tpu.memory_space<vmem>>) target_semaphore(%arg11 : memref<!tpu.dma_semaphore, #tpu.memory_space<semaphore_mem>>)
            %parallel_loop3A_499 = vector.extract_strided_slice %parallel_loop3A_282 {offsets = [9], sizes = [1], strides = [1]} : vector<16xi32> to vector<1xi32>
            %parallel_loop3A_500 = vector.extract %parallel_loop3A_499[0] : i32 from vector<1xi32>
            %parallel_loop3A_501 = arith.constant 3 : i32
            %parallel_loop3A_502 = arith.shrui %parallel_loop3A_500, %parallel_loop3A_501 : i32
            %parallel_loop3A_503 = arith.constant 7 : i32
            %parallel_loop3A_504 = arith.andi %parallel_loop3A_500, %parallel_loop3A_503 : i32
            %parallel_loop3A_505 = arith.constant 2 : i32
            %parallel_loop3A_506 = arith.muli %parallel_loop3A_505, %parallel_loop3A_276 : i32
            %parallel_loop3A_507 = arith.addi %mul3A_272, %parallel_loop3A_506 : i32
            %parallel_loop3A_508 = arith.constant 1 : i32
            %parallel_loop3A_509 = arith.addi %parallel_loop3A_507, %parallel_loop3A_508 : i32
            %parallel_loop3A_510 = arith.constant 1 : i32
            %parallel_loop3A_511 = arith.constant 0 : i32
            %parallel_loop3A_512 = tpu.memref_slice %arg7[%parallel_loop3A_509, %parallel_loop3A_510, %parallel_loop3A_511] : memref<32x8x64xf32, #tpu.memory_space<vmem>> -> memref<1x1x64xf32, #tpu.memory_space<vmem>>
            %parallel_loop3A_513 = tpu.memref_squeeze %parallel_loop3A_512 : memref<1x1x64xf32, #tpu.memory_space<vmem>> -> memref<64xf32, #tpu.memory_space<vmem>>
            %parallel_loop3A_514 = arith.constant 0 : i32
            %parallel_loop3A_515 = tpu.memref_slice %arg4[%parallel_loop3A_502, %parallel_loop3A_504, %parallel_loop3A_514] : memref<125000x8x64xf32, #tpu.memory_space<hbm>> -> memref<1x1x64xf32, #tpu.memory_space<hbm>>
            %parallel_loop3A_516 = tpu.memref_squeeze %parallel_loop3A_515 : memref<1x1x64xf32, #tpu.memory_space<hbm>> -> memref<64xf32, #tpu.memory_space<hbm>>
            %parallel_loop3A_517 = arith.constant 0 : i32
            %parallel_loop3A_518 = tpu.memref_slice %arg7[%parallel_loop3A_509, %parallel_loop3A_510, %parallel_loop3A_517] : memref<32x8x64xf32, #tpu.memory_space<vmem>> -> memref<1x1x64xf32, #tpu.memory_space<vmem>>
            %parallel_loop3A_519 = tpu.memref_squeeze %parallel_loop3A_518 : memref<1x1x64xf32, #tpu.memory_space<vmem>> -> memref<64xf32, #tpu.memory_space<vmem>>
            %parallel_loop3A_520 = arith.constant 0 : i32
            %parallel_loop3A_521 = tpu.memref_slice %arg4[%parallel_loop3A_502, %parallel_loop3A_504, %parallel_loop3A_520] : memref<125000x8x64xf32, #tpu.memory_space<hbm>> -> memref<1x1x64xf32, #tpu.memory_space<hbm>>
            %parallel_loop3A_522 = tpu.memref_squeeze %parallel_loop3A_521 : memref<1x1x64xf32, #tpu.memory_space<hbm>> -> memref<64xf32, #tpu.memory_space<hbm>>
            tpu.enqueue_dma source(%parallel_loop3A_522 : memref<64xf32, #tpu.memory_space<hbm>>) target(%parallel_loop3A_519 : memref<64xf32, #tpu.memory_space<vmem>>) target_semaphore(%arg11 : memref<!tpu.dma_semaphore, #tpu.memory_space<semaphore_mem>>)
            %parallel_loop3A_523 = vector.extract_strided_slice %parallel_loop3A_282 {offsets = [10], sizes = [1], strides = [1]} : vector<16xi32> to vector<1xi32>
            %parallel_loop3A_524 = vector.extract %parallel_loop3A_523[0] : i32 from vector<1xi32>
            %parallel_loop3A_525 = arith.constant 3 : i32
            %parallel_loop3A_526 = arith.shrui %parallel_loop3A_524, %parallel_loop3A_525 : i32
            %parallel_loop3A_527 = arith.constant 7 : i32
            %parallel_loop3A_528 = arith.andi %parallel_loop3A_524, %parallel_loop3A_527 : i32
            %parallel_loop3A_529 = arith.constant 2 : i32
            %parallel_loop3A_530 = arith.muli %parallel_loop3A_529, %parallel_loop3A_276 : i32
            %parallel_loop3A_531 = arith.addi %mul3A_272, %parallel_loop3A_530 : i32
            %parallel_loop3A_532 = arith.constant 1 : i32
            %parallel_loop3A_533 = arith.addi %parallel_loop3A_531, %parallel_loop3A_532 : i32
            %parallel_loop3A_534 = arith.constant 2 : i32
            %parallel_loop3A_535 = arith.constant 0 : i32
            %parallel_loop3A_536 = tpu.memref_slice %arg7[%parallel_loop3A_533, %parallel_loop3A_534, %parallel_loop3A_535] : memref<32x8x64xf32, #tpu.memory_space<vmem>> -> memref<1x1x64xf32, #tpu.memory_space<vmem>>
            %parallel_loop3A_537 = tpu.memref_squeeze %parallel_loop3A_536 : memref<1x1x64xf32, #tpu.memory_space<vmem>> -> memref<64xf32, #tpu.memory_space<vmem>>
            %parallel_loop3A_538 = arith.constant 0 : i32
            %parallel_loop3A_539 = tpu.memref_slice %arg4[%parallel_loop3A_526, %parallel_loop3A_528, %parallel_loop3A_538] : memref<125000x8x64xf32, #tpu.memory_space<hbm>> -> memref<1x1x64xf32, #tpu.memory_space<hbm>>
            %parallel_loop3A_540 = tpu.memref_squeeze %parallel_loop3A_539 : memref<1x1x64xf32, #tpu.memory_space<hbm>> -> memref<64xf32, #tpu.memory_space<hbm>>
            %parallel_loop3A_541 = arith.constant 0 : i32
            %parallel_loop3A_542 = tpu.memref_slice %arg7[%parallel_loop3A_533, %parallel_loop3A_534, %parallel_loop3A_541] : memref<32x8x64xf32, #tpu.memory_space<vmem>> -> memref<1x1x64xf32, #tpu.memory_space<vmem>>
            %parallel_loop3A_543 = tpu.memref_squeeze %parallel_loop3A_542 : memref<1x1x64xf32, #tpu.memory_space<vmem>> -> memref<64xf32, #tpu.memory_space<vmem>>
            %parallel_loop3A_544 = arith.constant 0 : i32
            %parallel_loop3A_545 = tpu.memref_slice %arg4[%parallel_loop3A_526, %parallel_loop3A_528, %parallel_loop3A_544] : memref<125000x8x64xf32, #tpu.memory_space<hbm>> -> memref<1x1x64xf32, #tpu.memory_space<hbm>>
            %parallel_loop3A_546 = tpu.memref_squeeze %parallel_loop3A_545 : memref<1x1x64xf32, #tpu.memory_space<hbm>> -> memref<64xf32, #tpu.memory_space<hbm>>
            tpu.enqueue_dma source(%parallel_loop3A_546 : memref<64xf32, #tpu.memory_space<hbm>>) target(%parallel_loop3A_543 : memref<64xf32, #tpu.memory_space<vmem>>) target_semaphore(%arg11 : memref<!tpu.dma_semaphore, #tpu.memory_space<semaphore_mem>>)
            %parallel_loop3A_547 = vector.extract_strided_slice %parallel_loop3A_282 {offsets = [11], sizes = [1], strides = [1]} : vector<16xi32> to vector<1xi32>
            %parallel_loop3A_548 = vector.extract %parallel_loop3A_547[0] : i32 from vector<1xi32>
            %parallel_loop3A_549 = arith.constant 3 : i32
            %parallel_loop3A_550 = arith.shrui %parallel_loop3A_548, %parallel_loop3A_549 : i32
            %parallel_loop3A_551 = arith.constant 7 : i32
            %parallel_loop3A_552 = arith.andi %parallel_loop3A_548, %parallel_loop3A_551 : i32
            %parallel_loop3A_553 = arith.constant 2 : i32
            %parallel_loop3A_554 = arith.muli %parallel_loop3A_553, %parallel_loop3A_276 : i32
            %parallel_loop3A_555 = arith.addi %mul3A_272, %parallel_loop3A_554 : i32
            %parallel_loop3A_556 = arith.constant 1 : i32
            %parallel_loop3A_557 = arith.addi %parallel_loop3A_555, %parallel_loop3A_556 : i32
            %parallel_loop3A_558 = arith.constant 3 : i32
            %parallel_loop3A_559 = arith.constant 0 : i32
            %parallel_loop3A_560 = tpu.memref_slice %arg7[%parallel_loop3A_557, %parallel_loop3A_558, %parallel_loop3A_559] : memref<32x8x64xf32, #tpu.memory_space<vmem>> -> memref<1x1x64xf32, #tpu.memory_space<vmem>>
            %parallel_loop3A_561 = tpu.memref_squeeze %parallel_loop3A_560 : memref<1x1x64xf32, #tpu.memory_space<vmem>> -> memref<64xf32, #tpu.memory_space<vmem>>
            %parallel_loop3A_562 = arith.constant 0 : i32
            %parallel_loop3A_563 = tpu.memref_slice %arg4[%parallel_loop3A_550, %parallel_loop3A_552, %parallel_loop3A_562] : memref<125000x8x64xf32, #tpu.memory_space<hbm>> -> memref<1x1x64xf32, #tpu.memory_space<hbm>>
            %parallel_loop3A_564 = tpu.memref_squeeze %parallel_loop3A_563 : memref<1x1x64xf32, #tpu.memory_space<hbm>> -> memref<64xf32, #tpu.memory_space<hbm>>
            %parallel_loop3A_565 = arith.constant 0 : i32
            %parallel_loop3A_566 = tpu.memref_slice %arg7[%parallel_loop3A_557, %parallel_loop3A_558, %parallel_loop3A_565] : memref<32x8x64xf32, #tpu.memory_space<vmem>> -> memref<1x1x64xf32, #tpu.memory_space<vmem>>
            %parallel_loop3A_567 = tpu.memref_squeeze %parallel_loop3A_566 : memref<1x1x64xf32, #tpu.memory_space<vmem>> -> memref<64xf32, #tpu.memory_space<vmem>>
            %parallel_loop3A_568 = arith.constant 0 : i32
            %parallel_loop3A_569 = tpu.memref_slice %arg4[%parallel_loop3A_550, %parallel_loop3A_552, %parallel_loop3A_568] : memref<125000x8x64xf32, #tpu.memory_space<hbm>> -> memref<1x1x64xf32, #tpu.memory_space<hbm>>
            %parallel_loop3A_570 = tpu.memref_squeeze %parallel_loop3A_569 : memref<1x1x64xf32, #tpu.memory_space<hbm>> -> memref<64xf32, #tpu.memory_space<hbm>>
            tpu.enqueue_dma source(%parallel_loop3A_570 : memref<64xf32, #tpu.memory_space<hbm>>) target(%parallel_loop3A_567 : memref<64xf32, #tpu.memory_space<vmem>>) target_semaphore(%arg11 : memref<!tpu.dma_semaphore, #tpu.memory_space<semaphore_mem>>)
            %parallel_loop3A_571 = vector.extract_strided_slice %parallel_loop3A_282 {offsets = [12], sizes = [1], strides = [1]} : vector<16xi32> to vector<1xi32>
            %parallel_loop3A_572 = vector.extract %parallel_loop3A_571[0] : i32 from vector<1xi32>
            %parallel_loop3A_573 = arith.constant 3 : i32
            %parallel_loop3A_574 = arith.shrui %parallel_loop3A_572, %parallel_loop3A_573 : i32
            %parallel_loop3A_575 = arith.constant 7 : i32
            %parallel_loop3A_576 = arith.andi %parallel_loop3A_572, %parallel_loop3A_575 : i32
            %parallel_loop3A_577 = arith.constant 2 : i32
            %parallel_loop3A_578 = arith.muli %parallel_loop3A_577, %parallel_loop3A_276 : i32
            %parallel_loop3A_579 = arith.addi %mul3A_272, %parallel_loop3A_578 : i32
            %parallel_loop3A_580 = arith.constant 1 : i32
            %parallel_loop3A_581 = arith.addi %parallel_loop3A_579, %parallel_loop3A_580 : i32
            %parallel_loop3A_582 = arith.constant 4 : i32
            %parallel_loop3A_583 = arith.constant 0 : i32
            %parallel_loop3A_584 = tpu.memref_slice %arg7[%parallel_loop3A_581, %parallel_loop3A_582, %parallel_loop3A_583] : memref<32x8x64xf32, #tpu.memory_space<vmem>> -> memref<1x1x64xf32, #tpu.memory_space<vmem>>
            %parallel_loop3A_585 = tpu.memref_squeeze %parallel_loop3A_584 : memref<1x1x64xf32, #tpu.memory_space<vmem>> -> memref<64xf32, #tpu.memory_space<vmem>>
            %parallel_loop3A_586 = arith.constant 0 : i32
            %parallel_loop3A_587 = tpu.memref_slice %arg4[%parallel_loop3A_574, %parallel_loop3A_576, %parallel_loop3A_586] : memref<125000x8x64xf32, #tpu.memory_space<hbm>> -> memref<1x1x64xf32, #tpu.memory_space<hbm>>
            %parallel_loop3A_588 = tpu.memref_squeeze %parallel_loop3A_587 : memref<1x1x64xf32, #tpu.memory_space<hbm>> -> memref<64xf32, #tpu.memory_space<hbm>>
            %parallel_loop3A_589 = arith.constant 0 : i32
            %parallel_loop3A_590 = tpu.memref_slice %arg7[%parallel_loop3A_581, %parallel_loop3A_582, %parallel_loop3A_589] : memref<32x8x64xf32, #tpu.memory_space<vmem>> -> memref<1x1x64xf32, #tpu.memory_space<vmem>>
            %parallel_loop3A_591 = tpu.memref_squeeze %parallel_loop3A_590 : memref<1x1x64xf32, #tpu.memory_space<vmem>> -> memref<64xf32, #tpu.memory_space<vmem>>
            %parallel_loop3A_592 = arith.constant 0 : i32
            %parallel_loop3A_593 = tpu.memref_slice %arg4[%parallel_loop3A_574, %parallel_loop3A_576, %parallel_loop3A_592] : memref<125000x8x64xf32, #tpu.memory_space<hbm>> -> memref<1x1x64xf32, #tpu.memory_space<hbm>>
            %parallel_loop3A_594 = tpu.memref_squeeze %parallel_loop3A_593 : memref<1x1x64xf32, #tpu.memory_space<hbm>> -> memref<64xf32, #tpu.memory_space<hbm>>
            tpu.enqueue_dma source(%parallel_loop3A_594 : memref<64xf32, #tpu.memory_space<hbm>>) target(%parallel_loop3A_591 : memref<64xf32, #tpu.memory_space<vmem>>) target_semaphore(%arg11 : memref<!tpu.dma_semaphore, #tpu.memory_space<semaphore_mem>>)
            %parallel_loop3A_595 = vector.extract_strided_slice %parallel_loop3A_282 {offsets = [13], sizes = [1], strides = [1]} : vector<16xi32> to vector<1xi32>
            %parallel_loop3A_596 = vector.extract %parallel_loop3A_595[0] : i32 from vector<1xi32>
            %parallel_loop3A_597 = arith.constant 3 : i32
            %parallel_loop3A_598 = arith.shrui %parallel_loop3A_596, %parallel_loop3A_597 : i32
            %parallel_loop3A_599 = arith.constant 7 : i32
            %parallel_loop3A_600 = arith.andi %parallel_loop3A_596, %parallel_loop3A_599 : i32
            %parallel_loop3A_601 = arith.constant 2 : i32
            %parallel_loop3A_602 = arith.muli %parallel_loop3A_601, %parallel_loop3A_276 : i32
            %parallel_loop3A_603 = arith.addi %mul3A_272, %parallel_loop3A_602 : i32
            %parallel_loop3A_604 = arith.constant 1 : i32
            %parallel_loop3A_605 = arith.addi %parallel_loop3A_603, %parallel_loop3A_604 : i32
            %parallel_loop3A_606 = arith.constant 5 : i32
            %parallel_loop3A_607 = arith.constant 0 : i32
            %parallel_loop3A_608 = tpu.memref_slice %arg7[%parallel_loop3A_605, %parallel_loop3A_606, %parallel_loop3A_607] : memref<32x8x64xf32, #tpu.memory_space<vmem>> -> memref<1x1x64xf32, #tpu.memory_space<vmem>>
            %parallel_loop3A_609 = tpu.memref_squeeze %parallel_loop3A_608 : memref<1x1x64xf32, #tpu.memory_space<vmem>> -> memref<64xf32, #tpu.memory_space<vmem>>
            %parallel_loop3A_610 = arith.constant 0 : i32
            %parallel_loop3A_611 = tpu.memref_slice %arg4[%parallel_loop3A_598, %parallel_loop3A_600, %parallel_loop3A_610] : memref<125000x8x64xf32, #tpu.memory_space<hbm>> -> memref<1x1x64xf32, #tpu.memory_space<hbm>>
            %parallel_loop3A_612 = tpu.memref_squeeze %parallel_loop3A_611 : memref<1x1x64xf32, #tpu.memory_space<hbm>> -> memref<64xf32, #tpu.memory_space<hbm>>
            %parallel_loop3A_613 = arith.constant 0 : i32
            %parallel_loop3A_614 = tpu.memref_slice %arg7[%parallel_loop3A_605, %parallel_loop3A_606, %parallel_loop3A_613] : memref<32x8x64xf32, #tpu.memory_space<vmem>> -> memref<1x1x64xf32, #tpu.memory_space<vmem>>
            %parallel_loop3A_615 = tpu.memref_squeeze %parallel_loop3A_614 : memref<1x1x64xf32, #tpu.memory_space<vmem>> -> memref<64xf32, #tpu.memory_space<vmem>>
            %parallel_loop3A_616 = arith.constant 0 : i32
            %parallel_loop3A_617 = tpu.memref_slice %arg4[%parallel_loop3A_598, %parallel_loop3A_600, %parallel_loop3A_616] : memref<125000x8x64xf32, #tpu.memory_space<hbm>> -> memref<1x1x64xf32, #tpu.memory_space<hbm>>
            %parallel_loop3A_618 = tpu.memref_squeeze %parallel_loop3A_617 : memref<1x1x64xf32, #tpu.memory_space<hbm>> -> memref<64xf32, #tpu.memory_space<hbm>>
            tpu.enqueue_dma source(%parallel_loop3A_618 : memref<64xf32, #tpu.memory_space<hbm>>) target(%parallel_loop3A_615 : memref<64xf32, #tpu.memory_space<vmem>>) target_semaphore(%arg11 : memref<!tpu.dma_semaphore, #tpu.memory_space<semaphore_mem>>)
            %parallel_loop3A_619 = vector.extract_strided_slice %parallel_loop3A_282 {offsets = [14], sizes = [1], strides = [1]} : vector<16xi32> to vector<1xi32>
            %parallel_loop3A_620 = vector.extract %parallel_loop3A_619[0] : i32 from vector<1xi32>
            %parallel_loop3A_621 = arith.constant 3 : i32
            %parallel_loop3A_622 = arith.shrui %parallel_loop3A_620, %parallel_loop3A_621 : i32
            %parallel_loop3A_623 = arith.constant 7 : i32
            %parallel_loop3A_624 = arith.andi %parallel_loop3A_620, %parallel_loop3A_623 : i32
            %parallel_loop3A_625 = arith.constant 2 : i32
            %parallel_loop3A_626 = arith.muli %parallel_loop3A_625, %parallel_loop3A_276 : i32
            %parallel_loop3A_627 = arith.addi %mul3A_272, %parallel_loop3A_626 : i32
            %parallel_loop3A_628 = arith.constant 1 : i32
            %parallel_loop3A_629 = arith.addi %parallel_loop3A_627, %parallel_loop3A_628 : i32
            %parallel_loop3A_630 = arith.constant 6 : i32
            %parallel_loop3A_631 = arith.constant 0 : i32
            %parallel_loop3A_632 = tpu.memref_slice %arg7[%parallel_loop3A_629, %parallel_loop3A_630, %parallel_loop3A_631] : memref<32x8x64xf32, #tpu.memory_space<vmem>> -> memref<1x1x64xf32, #tpu.memory_space<vmem>>
            %parallel_loop3A_633 = tpu.memref_squeeze %parallel_loop3A_632 : memref<1x1x64xf32, #tpu.memory_space<vmem>> -> memref<64xf32, #tpu.memory_space<vmem>>
            %parallel_loop3A_634 = arith.constant 0 : i32
            %parallel_loop3A_635 = tpu.memref_slice %arg4[%parallel_loop3A_622, %parallel_loop3A_624, %parallel_loop3A_634] : memref<125000x8x64xf32, #tpu.memory_space<hbm>> -> memref<1x1x64xf32, #tpu.memory_space<hbm>>
            %parallel_loop3A_636 = tpu.memref_squeeze %parallel_loop3A_635 : memref<1x1x64xf32, #tpu.memory_space<hbm>> -> memref<64xf32, #tpu.memory_space<hbm>>
            %parallel_loop3A_637 = arith.constant 0 : i32
            %parallel_loop3A_638 = tpu.memref_slice %arg7[%parallel_loop3A_629, %parallel_loop3A_630, %parallel_loop3A_637] : memref<32x8x64xf32, #tpu.memory_space<vmem>> -> memref<1x1x64xf32, #tpu.memory_space<vmem>>
            %parallel_loop3A_639 = tpu.memref_squeeze %parallel_loop3A_638 : memref<1x1x64xf32, #tpu.memory_space<vmem>> -> memref<64xf32, #tpu.memory_space<vmem>>
            %parallel_loop3A_640 = arith.constant 0 : i32
            %parallel_loop3A_641 = tpu.memref_slice %arg4[%parallel_loop3A_622, %parallel_loop3A_624, %parallel_loop3A_640] : memref<125000x8x64xf32, #tpu.memory_space<hbm>> -> memref<1x1x64xf32, #tpu.memory_space<hbm>>
            %parallel_loop3A_642 = tpu.memref_squeeze %parallel_loop3A_641 : memref<1x1x64xf32, #tpu.memory_space<hbm>> -> memref<64xf32, #tpu.memory_space<hbm>>
            tpu.enqueue_dma source(%parallel_loop3A_642 : memref<64xf32, #tpu.memory_space<hbm>>) target(%parallel_loop3A_639 : memref<64xf32, #tpu.memory_space<vmem>>) target_semaphore(%arg11 : memref<!tpu.dma_semaphore, #tpu.memory_space<semaphore_mem>>)
            %parallel_loop3A_643 = vector.extract_strided_slice %parallel_loop3A_282 {offsets = [15], sizes = [1], strides = [1]} : vector<16xi32> to vector<1xi32>
            %parallel_loop3A_644 = vector.extract %parallel_loop3A_643[0] : i32 from vector<1xi32>
            %parallel_loop3A_645 = arith.constant 3 : i32
            %parallel_loop3A_646 = arith.shrui %parallel_loop3A_644, %parallel_loop3A_645 : i32
            %parallel_loop3A_647 = arith.constant 7 : i32
            %parallel_loop3A_648 = arith.andi %parallel_loop3A_644, %parallel_loop3A_647 : i32
            %parallel_loop3A_649 = arith.constant 2 : i32
            %parallel_loop3A_650 = arith.muli %parallel_loop3A_649, %parallel_loop3A_276 : i32
            %parallel_loop3A_651 = arith.addi %mul3A_272, %parallel_loop3A_650 : i32
            %parallel_loop3A_652 = arith.constant 1 : i32
            %parallel_loop3A_653 = arith.addi %parallel_loop3A_651, %parallel_loop3A_652 : i32
            %parallel_loop3A_654 = arith.constant 7 : i32
            %parallel_loop3A_655 = arith.constant 0 : i32
            %parallel_loop3A_656 = tpu.memref_slice %arg7[%parallel_loop3A_653, %parallel_loop3A_654, %parallel_loop3A_655] : memref<32x8x64xf32, #tpu.memory_space<vmem>> -> memref<1x1x64xf32, #tpu.memory_space<vmem>>
            %parallel_loop3A_657 = tpu.memref_squeeze %parallel_loop3A_656 : memref<1x1x64xf32, #tpu.memory_space<vmem>> -> memref<64xf32, #tpu.memory_space<vmem>>
            %parallel_loop3A_658 = arith.constant 0 : i32
            %parallel_loop3A_659 = tpu.memref_slice %arg4[%parallel_loop3A_646, %parallel_loop3A_648, %parallel_loop3A_658] : memref<125000x8x64xf32, #tpu.memory_space<hbm>> -> memref<1x1x64xf32, #tpu.memory_space<hbm>>
            %parallel_loop3A_660 = tpu.memref_squeeze %parallel_loop3A_659 : memref<1x1x64xf32, #tpu.memory_space<hbm>> -> memref<64xf32, #tpu.memory_space<hbm>>
            %parallel_loop3A_661 = arith.constant 0 : i32
            %parallel_loop3A_662 = tpu.memref_slice %arg7[%parallel_loop3A_653, %parallel_loop3A_654, %parallel_loop3A_661] : memref<32x8x64xf32, #tpu.memory_space<vmem>> -> memref<1x1x64xf32, #tpu.memory_space<vmem>>
            %parallel_loop3A_663 = tpu.memref_squeeze %parallel_loop3A_662 : memref<1x1x64xf32, #tpu.memory_space<vmem>> -> memref<64xf32, #tpu.memory_space<vmem>>
            %parallel_loop3A_664 = arith.constant 0 : i32
            %parallel_loop3A_665 = tpu.memref_slice %arg4[%parallel_loop3A_646, %parallel_loop3A_648, %parallel_loop3A_664] : memref<125000x8x64xf32, #tpu.memory_space<hbm>> -> memref<1x1x64xf32, #tpu.memory_space<hbm>>
            %parallel_loop3A_666 = tpu.memref_squeeze %parallel_loop3A_665 : memref<1x1x64xf32, #tpu.memory_space<hbm>> -> memref<64xf32, #tpu.memory_space<hbm>>
            tpu.enqueue_dma source(%parallel_loop3A_666 : memref<64xf32, #tpu.memory_space<hbm>>) target(%parallel_loop3A_663 : memref<64xf32, #tpu.memory_space<vmem>>) target_semaphore(%arg11 : memref<!tpu.dma_semaphore, #tpu.memory_space<semaphore_mem>>)
          } {sc.loop_unroll_factor = 2 : i64, sc.parallel_access}
        } else {
        }
        %rem3A_253 = arith.constant 2 : i32
        %rem3A_254 = arith.remsi %while3A_65, %rem3A_253 : i32
        %eq3A_255 = arith.constant 1 : i32
        %eq3A_256 = arith.cmpi eq, %rem3A_254, %eq3A_255 : i32
        %convert_element_type3A_257 = arith.extui %eq3A_256 : i1 to i32
        %cond3A_258 = arith.constant 0 : i32
        %cond3A_259 = arith.cmpi ne, %convert_element_type3A_257, %cond3A_258 : i32
        scf.if %cond3A_259 {
          %mul3A_260 = arith.constant 128 : i32
          %mul3A_261 = arith.muli %while3A_65, %mul3A_260 : i32
          %add3A_262 = arith.addi %multiple_of3A_38, %mul3A_261 : i32
          %min3A_263 = arith.constant 204672 : i32
          %min3A_264 = arith.minsi %add3A_262, %min3A_263 : i32
          %multiple_of3A_265 = tpu.assume_multiple %min3A_264, 8 : i32
          %rem3A_266 = arith.constant 2 : i32
          %rem3A_267 = arith.remsi %while3A_65, %rem3A_266 : i32
          %mul3A_268 = arith.constant 128 : i32
          %mul3A_269 = arith.muli %rem3A_267, %mul3A_268 : i32
          %multiple_of3A_270 = tpu.assume_multiple %mul3A_269, 128 : i32
          %mul3A_271 = arith.constant 16 : i32
          %mul3A_272 = arith.muli %rem3A_267, %mul3A_271 : i32
          "tpu.region"() ({
            %run_scoped3A = tpu.sem_alloc : memref<!tpu.dma_semaphore, #tpu.memory_space<semaphore_mem>>
            %dma_start3A = tpu.memref_slice %arg6[%multiple_of3A_270] : memref<256xi32, #tpu.memory_space<vmem>> -> memref<128xi32, #tpu.memory_space<vmem>>
            %dma_start3A_276 = tpu.memref_slice %arg2[%multiple_of3A_265] : memref<204800xi32, #tpu.memory_space<hbm>> -> memref<128xi32, #tpu.memory_space<hbm>>
            %dma_start3A_277 = tpu.memref_slice %arg6[%multiple_of3A_270] : memref<256xi32, #tpu.memory_space<vmem>> -> memref<128xi32, #tpu.memory_space<vmem>>
            %dma_start3A_278 = tpu.memref_slice %arg2[%multiple_of3A_265] : memref<204800xi32, #tpu.memory_space<hbm>> -> memref<128xi32, #tpu.memory_space<hbm>>
            tpu.enqueue_dma source(%dma_start3A_278 : memref<128xi32, #tpu.memory_space<hbm>>) target(%dma_start3A_277 : memref<128xi32, #tpu.memory_space<vmem>>) target_semaphore(%run_scoped3A : memref<!tpu.dma_semaphore, #tpu.memory_space<semaphore_mem>>)
            %dma_wait3A = tpu.memref_slice %arg6[%multiple_of3A_270] : memref<256xi32, #tpu.memory_space<vmem>> -> memref<128xi32, #tpu.memory_space<vmem>>
            %dma_wait3A_279 = tpu.memref_slice %arg2[%multiple_of3A_265] : memref<204800xi32, #tpu.memory_space<hbm>> -> memref<128xi32, #tpu.memory_space<hbm>>
            %dma_wait3A_280 = tpu.memref_slice %arg6[%multiple_of3A_270] : memref<256xi32, #tpu.memory_space<vmem>> -> memref<128xi32, #tpu.memory_space<vmem>>
            %dma_wait3A_281 = tpu.memref_slice %arg2[%multiple_of3A_265] : memref<204800xi32, #tpu.memory_space<hbm>> -> memref<128xi32, #tpu.memory_space<hbm>>
            tpu.wait_dma2 semaphore(%run_scoped3A : memref<!tpu.dma_semaphore, #tpu.memory_space<semaphore_mem>>) src(%dma_wait3A_281 : memref<128xi32, #tpu.memory_space<hbm>>) dst(%dma_wait3A_280 : memref<128xi32, #tpu.memory_space<vmem>>)
            tpu.yield
          }) : () -> ()
          %parallel_loop3A_273 = arith.constant 0 : i32
          %parallel_loop3A_274 = arith.constant 8 : i32
          %parallel_loop3A_275 = arith.constant 1 : i32
          scf.for %parallel_loop3A_276 = %parallel_loop3A_273 to %parallel_loop3A_274 step %parallel_loop3A_275  : i32 {
            %parallel_loop3A_277 = arith.constant 16 : i32
            %parallel_loop3A_278 = arith.muli %parallel_loop3A_276, %parallel_loop3A_277 : i32
            %parallel_loop3A_279 = arith.addi %multiple_of3A_270, %parallel_loop3A_278 : i32
            %parallel_loop3A_280 = arith.index_cast %parallel_loop3A_279 : i32 to index
            %parallel_loop3A_281 = tpu.vector_load %arg6[%parallel_loop3A_280] {strides = array<i32>} : memref<256xi32, #tpu.memory_space<vmem>>, vector<16xi32>,
            %parallel_loop3A_282 = vector.shape_cast %parallel_loop3A_281 : vector<16xi32> to vector<16xi32>
            %parallel_loop3A_283 = vector.extract_strided_slice %parallel_loop3A_282 {offsets = [0], sizes = [1], strides = [1]} : vector<16xi32> to vector<1xi32>
            %parallel_loop3A_284 = vector.extract %parallel_loop3A_283[0] : i32 from vector<1xi32>
            %parallel_loop3A_285 = arith.constant 3 : i32
            %parallel_loop3A_286 = arith.shrui %parallel_loop3A_284, %parallel_loop3A_285 : i32
            %parallel_loop3A_287 = arith.constant 7 : i32
            %parallel_loop3A_288 = arith.andi %parallel_loop3A_284, %parallel_loop3A_287 : i32
            %parallel_loop3A_289 = arith.constant 2 : i32
            %parallel_loop3A_290 = arith.muli %parallel_loop3A_289, %parallel_loop3A_276 : i32
            %parallel_loop3A_291 = arith.addi %mul3A_272, %parallel_loop3A_290 : i32
            %parallel_loop3A_292 = arith.constant 0 : i32
            %parallel_loop3A_293 = arith.addi %parallel_loop3A_291, %parallel_loop3A_292 : i32
            %parallel_loop3A_294 = arith.constant 0 : i32
            %parallel_loop3A_295 = arith.constant 0 : i32
            %parallel_loop3A_296 = tpu.memref_slice %arg7[%parallel_loop3A_293, %parallel_loop3A_294, %parallel_loop3A_295] : memref<32x8x64xf32, #tpu.memory_space<vmem>> -> memref<1x1x64xf32, #tpu.memory_space<vmem>>
            %parallel_loop3A_297 = tpu.memref_squeeze %parallel_loop3A_296 : memref<1x1x64xf32, #tpu.memory_space<vmem>> -> memref<64xf32, #tpu.memory_space<vmem>>
            %parallel_loop3A_298 = arith.constant 0 : i32
            %parallel_loop3A_299 = tpu.memref_slice %arg4[%parallel_loop3A_286, %parallel_loop3A_288, %parallel_loop3A_298] : memref<125000x8x64xf32, #tpu.memory_space<hbm>> -> memref<1x1x64xf32, #tpu.memory_space<hbm>>
            %parallel_loop3A_300 = tpu.memref_squeeze %parallel_loop3A_299 : memref<1x1x64xf32, #tpu.memory_space<hbm>> -> memref<64xf32, #tpu.memory_space<hbm>>
            %parallel_loop3A_301 = arith.constant 0 : i32
            %parallel_loop3A_302 = tpu.memref_slice %arg7[%parallel_loop3A_293, %parallel_loop3A_294, %parallel_loop3A_301] : memref<32x8x64xf32, #tpu.memory_space<vmem>> -> memref<1x1x64xf32, #tpu.memory_space<vmem>>
            %parallel_loop3A_303 = tpu.memref_squeeze %parallel_loop3A_302 : memref<1x1x64xf32, #tpu.memory_space<vmem>> -> memref<64xf32, #tpu.memory_space<vmem>>
            %parallel_loop3A_304 = arith.constant 0 : i32
            %parallel_loop3A_305 = tpu.memref_slice %arg4[%parallel_loop3A_286, %parallel_loop3A_288, %parallel_loop3A_304] : memref<125000x8x64xf32, #tpu.memory_space<hbm>> -> memref<1x1x64xf32, #tpu.memory_space<hbm>>
            %parallel_loop3A_306 = tpu.memref_squeeze %parallel_loop3A_305 : memref<1x1x64xf32, #tpu.memory_space<hbm>> -> memref<64xf32, #tpu.memory_space<hbm>>
            tpu.enqueue_dma source(%parallel_loop3A_306 : memref<64xf32, #tpu.memory_space<hbm>>) target(%parallel_loop3A_303 : memref<64xf32, #tpu.memory_space<vmem>>) target_semaphore(%arg12 : memref<!tpu.dma_semaphore, #tpu.memory_space<semaphore_mem>>)
            %parallel_loop3A_307 = vector.extract_strided_slice %parallel_loop3A_282 {offsets = [1], sizes = [1], strides = [1]} : vector<16xi32> to vector<1xi32>
            %parallel_loop3A_308 = vector.extract %parallel_loop3A_307[0] : i32 from vector<1xi32>
            %parallel_loop3A_309 = arith.constant 3 : i32
            %parallel_loop3A_310 = arith.shrui %parallel_loop3A_308, %parallel_loop3A_309 : i32
            %parallel_loop3A_311 = arith.constant 7 : i32
            %parallel_loop3A_312 = arith.andi %parallel_loop3A_308, %parallel_loop3A_311 : i32
            %parallel_loop3A_313 = arith.constant 2 : i32
            %parallel_loop3A_314 = arith.muli %parallel_loop3A_313, %parallel_loop3A_276 : i32
            %parallel_loop3A_315 = arith.addi %mul3A_272, %parallel_loop3A_314 : i32
            %parallel_loop3A_316 = arith.constant 0 : i32
            %parallel_loop3A_317 = arith.addi %parallel_loop3A_315, %parallel_loop3A_316 : i32
            %parallel_loop3A_318 = arith.constant 1 : i32
            %parallel_loop3A_319 = arith.constant 0 : i32
            %parallel_loop3A_320 = tpu.memref_slice %arg7[%parallel_loop3A_317, %parallel_loop3A_318, %parallel_loop3A_319] : memref<32x8x64xf32, #tpu.memory_space<vmem>> -> memref<1x1x64xf32, #tpu.memory_space<vmem>>
            %parallel_loop3A_321 = tpu.memref_squeeze %parallel_loop3A_320 : memref<1x1x64xf32, #tpu.memory_space<vmem>> -> memref<64xf32, #tpu.memory_space<vmem>>
            %parallel_loop3A_322 = arith.constant 0 : i32
            %parallel_loop3A_323 = tpu.memref_slice %arg4[%parallel_loop3A_310, %parallel_loop3A_312, %parallel_loop3A_322] : memref<125000x8x64xf32, #tpu.memory_space<hbm>> -> memref<1x1x64xf32, #tpu.memory_space<hbm>>
            %parallel_loop3A_324 = tpu.memref_squeeze %parallel_loop3A_323 : memref<1x1x64xf32, #tpu.memory_space<hbm>> -> memref<64xf32, #tpu.memory_space<hbm>>
            %parallel_loop3A_325 = arith.constant 0 : i32
            %parallel_loop3A_326 = tpu.memref_slice %arg7[%parallel_loop3A_317, %parallel_loop3A_318, %parallel_loop3A_325] : memref<32x8x64xf32, #tpu.memory_space<vmem>> -> memref<1x1x64xf32, #tpu.memory_space<vmem>>
            %parallel_loop3A_327 = tpu.memref_squeeze %parallel_loop3A_326 : memref<1x1x64xf32, #tpu.memory_space<vmem>> -> memref<64xf32, #tpu.memory_space<vmem>>
            %parallel_loop3A_328 = arith.constant 0 : i32
            %parallel_loop3A_329 = tpu.memref_slice %arg4[%parallel_loop3A_310, %parallel_loop3A_312, %parallel_loop3A_328] : memref<125000x8x64xf32, #tpu.memory_space<hbm>> -> memref<1x1x64xf32, #tpu.memory_space<hbm>>
            %parallel_loop3A_330 = tpu.memref_squeeze %parallel_loop3A_329 : memref<1x1x64xf32, #tpu.memory_space<hbm>> -> memref<64xf32, #tpu.memory_space<hbm>>
            tpu.enqueue_dma source(%parallel_loop3A_330 : memref<64xf32, #tpu.memory_space<hbm>>) target(%parallel_loop3A_327 : memref<64xf32, #tpu.memory_space<vmem>>) target_semaphore(%arg12 : memref<!tpu.dma_semaphore, #tpu.memory_space<semaphore_mem>>)
            %parallel_loop3A_331 = vector.extract_strided_slice %parallel_loop3A_282 {offsets = [2], sizes = [1], strides = [1]} : vector<16xi32> to vector<1xi32>
            %parallel_loop3A_332 = vector.extract %parallel_loop3A_331[0] : i32 from vector<1xi32>
            %parallel_loop3A_333 = arith.constant 3 : i32
            %parallel_loop3A_334 = arith.shrui %parallel_loop3A_332, %parallel_loop3A_333 : i32
            %parallel_loop3A_335 = arith.constant 7 : i32
            %parallel_loop3A_336 = arith.andi %parallel_loop3A_332, %parallel_loop3A_335 : i32
            %parallel_loop3A_337 = arith.constant 2 : i32
            %parallel_loop3A_338 = arith.muli %parallel_loop3A_337, %parallel_loop3A_276 : i32
            %parallel_loop3A_339 = arith.addi %mul3A_272, %parallel_loop3A_338 : i32
            %parallel_loop3A_340 = arith.constant 0 : i32
            %parallel_loop3A_341 = arith.addi %parallel_loop3A_339, %parallel_loop3A_340 : i32
            %parallel_loop3A_342 = arith.constant 2 : i32
            %parallel_loop3A_343 = arith.constant 0 : i32
            %parallel_loop3A_344 = tpu.memref_slice %arg7[%parallel_loop3A_341, %parallel_loop3A_342, %parallel_loop3A_343] : memref<32x8x64xf32, #tpu.memory_space<vmem>> -> memref<1x1x64xf32, #tpu.memory_space<vmem>>
            %parallel_loop3A_345 = tpu.memref_squeeze %parallel_loop3A_344 : memref<1x1x64xf32, #tpu.memory_space<vmem>> -> memref<64xf32, #tpu.memory_space<vmem>>
            %parallel_loop3A_346 = arith.constant 0 : i32
            %parallel_loop3A_347 = tpu.memref_slice %arg4[%parallel_loop3A_334, %parallel_loop3A_336, %parallel_loop3A_346] : memref<125000x8x64xf32, #tpu.memory_space<hbm>> -> memref<1x1x64xf32, #tpu.memory_space<hbm>>
            %parallel_loop3A_348 = tpu.memref_squeeze %parallel_loop3A_347 : memref<1x1x64xf32, #tpu.memory_space<hbm>> -> memref<64xf32, #tpu.memory_space<hbm>>
            %parallel_loop3A_349 = arith.constant 0 : i32
            %parallel_loop3A_350 = tpu.memref_slice %arg7[%parallel_loop3A_341, %parallel_loop3A_342, %parallel_loop3A_349] : memref<32x8x64xf32, #tpu.memory_space<vmem>> -> memref<1x1x64xf32, #tpu.memory_space<vmem>>
            %parallel_loop3A_351 = tpu.memref_squeeze %parallel_loop3A_350 : memref<1x1x64xf32, #tpu.memory_space<vmem>> -> memref<64xf32, #tpu.memory_space<vmem>>
            %parallel_loop3A_352 = arith.constant 0 : i32
            %parallel_loop3A_353 = tpu.memref_slice %arg4[%parallel_loop3A_334, %parallel_loop3A_336, %parallel_loop3A_352] : memref<125000x8x64xf32, #tpu.memory_space<hbm>> -> memref<1x1x64xf32, #tpu.memory_space<hbm>>
            %parallel_loop3A_354 = tpu.memref_squeeze %parallel_loop3A_353 : memref<1x1x64xf32, #tpu.memory_space<hbm>> -> memref<64xf32, #tpu.memory_space<hbm>>
            tpu.enqueue_dma source(%parallel_loop3A_354 : memref<64xf32, #tpu.memory_space<hbm>>) target(%parallel_loop3A_351 : memref<64xf32, #tpu.memory_space<vmem>>) target_semaphore(%arg12 : memref<!tpu.dma_semaphore, #tpu.memory_space<semaphore_mem>>)
            %parallel_loop3A_355 = vector.extract_strided_slice %parallel_loop3A_282 {offsets = [3], sizes = [1], strides = [1]} : vector<16xi32> to vector<1xi32>
            %parallel_loop3A_356 = vector.extract %parallel_loop3A_355[0] : i32 from vector<1xi32>
            %parallel_loop3A_357 = arith.constant 3 : i32
            %parallel_loop3A_358 = arith.shrui %parallel_loop3A_356, %parallel_loop3A_357 : i32
            %parallel_loop3A_359 = arith.constant 7 : i32
            %parallel_loop3A_360 = arith.andi %parallel_loop3A_356, %parallel_loop3A_359 : i32
            %parallel_loop3A_361 = arith.constant 2 : i32
            %parallel_loop3A_362 = arith.muli %parallel_loop3A_361, %parallel_loop3A_276 : i32
            %parallel_loop3A_363 = arith.addi %mul3A_272, %parallel_loop3A_362 : i32
            %parallel_loop3A_364 = arith.constant 0 : i32
            %parallel_loop3A_365 = arith.addi %parallel_loop3A_363, %parallel_loop3A_364 : i32
            %parallel_loop3A_366 = arith.constant 3 : i32
            %parallel_loop3A_367 = arith.constant 0 : i32
            %parallel_loop3A_368 = tpu.memref_slice %arg7[%parallel_loop3A_365, %parallel_loop3A_366, %parallel_loop3A_367] : memref<32x8x64xf32, #tpu.memory_space<vmem>> -> memref<1x1x64xf32, #tpu.memory_space<vmem>>
            %parallel_loop3A_369 = tpu.memref_squeeze %parallel_loop3A_368 : memref<1x1x64xf32, #tpu.memory_space<vmem>> -> memref<64xf32, #tpu.memory_space<vmem>>
            %parallel_loop3A_370 = arith.constant 0 : i32
            %parallel_loop3A_371 = tpu.memref_slice %arg4[%parallel_loop3A_358, %parallel_loop3A_360, %parallel_loop3A_370] : memref<125000x8x64xf32, #tpu.memory_space<hbm>> -> memref<1x1x64xf32, #tpu.memory_space<hbm>>
            %parallel_loop3A_372 = tpu.memref_squeeze %parallel_loop3A_371 : memref<1x1x64xf32, #tpu.memory_space<hbm>> -> memref<64xf32, #tpu.memory_space<hbm>>
            %parallel_loop3A_373 = arith.constant 0 : i32
            %parallel_loop3A_374 = tpu.memref_slice %arg7[%parallel_loop3A_365, %parallel_loop3A_366, %parallel_loop3A_373] : memref<32x8x64xf32, #tpu.memory_space<vmem>> -> memref<1x1x64xf32, #tpu.memory_space<vmem>>
            %parallel_loop3A_375 = tpu.memref_squeeze %parallel_loop3A_374 : memref<1x1x64xf32, #tpu.memory_space<vmem>> -> memref<64xf32, #tpu.memory_space<vmem>>
            %parallel_loop3A_376 = arith.constant 0 : i32
            %parallel_loop3A_377 = tpu.memref_slice %arg4[%parallel_loop3A_358, %parallel_loop3A_360, %parallel_loop3A_376] : memref<125000x8x64xf32, #tpu.memory_space<hbm>> -> memref<1x1x64xf32, #tpu.memory_space<hbm>>
            %parallel_loop3A_378 = tpu.memref_squeeze %parallel_loop3A_377 : memref<1x1x64xf32, #tpu.memory_space<hbm>> -> memref<64xf32, #tpu.memory_space<hbm>>
            tpu.enqueue_dma source(%parallel_loop3A_378 : memref<64xf32, #tpu.memory_space<hbm>>) target(%parallel_loop3A_375 : memref<64xf32, #tpu.memory_space<vmem>>) target_semaphore(%arg12 : memref<!tpu.dma_semaphore, #tpu.memory_space<semaphore_mem>>)
            %parallel_loop3A_379 = vector.extract_strided_slice %parallel_loop3A_282 {offsets = [4], sizes = [1], strides = [1]} : vector<16xi32> to vector<1xi32>
            %parallel_loop3A_380 = vector.extract %parallel_loop3A_379[0] : i32 from vector<1xi32>
            %parallel_loop3A_381 = arith.constant 3 : i32
            %parallel_loop3A_382 = arith.shrui %parallel_loop3A_380, %parallel_loop3A_381 : i32
            %parallel_loop3A_383 = arith.constant 7 : i32
            %parallel_loop3A_384 = arith.andi %parallel_loop3A_380, %parallel_loop3A_383 : i32
            %parallel_loop3A_385 = arith.constant 2 : i32
            %parallel_loop3A_386 = arith.muli %parallel_loop3A_385, %parallel_loop3A_276 : i32
            %parallel_loop3A_387 = arith.addi %mul3A_272, %parallel_loop3A_386 : i32
            %parallel_loop3A_388 = arith.constant 0 : i32
            %parallel_loop3A_389 = arith.addi %parallel_loop3A_387, %parallel_loop3A_388 : i32
            %parallel_loop3A_390 = arith.constant 4 : i32
            %parallel_loop3A_391 = arith.constant 0 : i32
            %parallel_loop3A_392 = tpu.memref_slice %arg7[%parallel_loop3A_389, %parallel_loop3A_390, %parallel_loop3A_391] : memref<32x8x64xf32, #tpu.memory_space<vmem>> -> memref<1x1x64xf32, #tpu.memory_space<vmem>>
            %parallel_loop3A_393 = tpu.memref_squeeze %parallel_loop3A_392 : memref<1x1x64xf32, #tpu.memory_space<vmem>> -> memref<64xf32, #tpu.memory_space<vmem>>
            %parallel_loop3A_394 = arith.constant 0 : i32
            %parallel_loop3A_395 = tpu.memref_slice %arg4[%parallel_loop3A_382, %parallel_loop3A_384, %parallel_loop3A_394] : memref<125000x8x64xf32, #tpu.memory_space<hbm>> -> memref<1x1x64xf32, #tpu.memory_space<hbm>>
            %parallel_loop3A_396 = tpu.memref_squeeze %parallel_loop3A_395 : memref<1x1x64xf32, #tpu.memory_space<hbm>> -> memref<64xf32, #tpu.memory_space<hbm>>
            %parallel_loop3A_397 = arith.constant 0 : i32
            %parallel_loop3A_398 = tpu.memref_slice %arg7[%parallel_loop3A_389, %parallel_loop3A_390, %parallel_loop3A_397] : memref<32x8x64xf32, #tpu.memory_space<vmem>> -> memref<1x1x64xf32, #tpu.memory_space<vmem>>
            %parallel_loop3A_399 = tpu.memref_squeeze %parallel_loop3A_398 : memref<1x1x64xf32, #tpu.memory_space<vmem>> -> memref<64xf32, #tpu.memory_space<vmem>>
            %parallel_loop3A_400 = arith.constant 0 : i32
            %parallel_loop3A_401 = tpu.memref_slice %arg4[%parallel_loop3A_382, %parallel_loop3A_384, %parallel_loop3A_400] : memref<125000x8x64xf32, #tpu.memory_space<hbm>> -> memref<1x1x64xf32, #tpu.memory_space<hbm>>
            %parallel_loop3A_402 = tpu.memref_squeeze %parallel_loop3A_401 : memref<1x1x64xf32, #tpu.memory_space<hbm>> -> memref<64xf32, #tpu.memory_space<hbm>>
            tpu.enqueue_dma source(%parallel_loop3A_402 : memref<64xf32, #tpu.memory_space<hbm>>) target(%parallel_loop3A_399 : memref<64xf32, #tpu.memory_space<vmem>>) target_semaphore(%arg12 : memref<!tpu.dma_semaphore, #tpu.memory_space<semaphore_mem>>)
            %parallel_loop3A_403 = vector.extract_strided_slice %parallel_loop3A_282 {offsets = [5], sizes = [1], strides = [1]} : vector<16xi32> to vector<1xi32>
            %parallel_loop3A_404 = vector.extract %parallel_loop3A_403[0] : i32 from vector<1xi32>
            %parallel_loop3A_405 = arith.constant 3 : i32
            %parallel_loop3A_406 = arith.shrui %parallel_loop3A_404, %parallel_loop3A_405 : i32
            %parallel_loop3A_407 = arith.constant 7 : i32
            %parallel_loop3A_408 = arith.andi %parallel_loop3A_404, %parallel_loop3A_407 : i32
            %parallel_loop3A_409 = arith.constant 2 : i32
            %parallel_loop3A_410 = arith.muli %parallel_loop3A_409, %parallel_loop3A_276 : i32
            %parallel_loop3A_411 = arith.addi %mul3A_272, %parallel_loop3A_410 : i32
            %parallel_loop3A_412 = arith.constant 0 : i32
            %parallel_loop3A_413 = arith.addi %parallel_loop3A_411, %parallel_loop3A_412 : i32
            %parallel_loop3A_414 = arith.constant 5 : i32
            %parallel_loop3A_415 = arith.constant 0 : i32
            %parallel_loop3A_416 = tpu.memref_slice %arg7[%parallel_loop3A_413, %parallel_loop3A_414, %parallel_loop3A_415] : memref<32x8x64xf32, #tpu.memory_space<vmem>> -> memref<1x1x64xf32, #tpu.memory_space<vmem>>
            %parallel_loop3A_417 = tpu.memref_squeeze %parallel_loop3A_416 : memref<1x1x64xf32, #tpu.memory_space<vmem>> -> memref<64xf32, #tpu.memory_space<vmem>>
            %parallel_loop3A_418 = arith.constant 0 : i32
            %parallel_loop3A_419 = tpu.memref_slice %arg4[%parallel_loop3A_406, %parallel_loop3A_408, %parallel_loop3A_418] : memref<125000x8x64xf32, #tpu.memory_space<hbm>> -> memref<1x1x64xf32, #tpu.memory_space<hbm>>
            %parallel_loop3A_420 = tpu.memref_squeeze %parallel_loop3A_419 : memref<1x1x64xf32, #tpu.memory_space<hbm>> -> memref<64xf32, #tpu.memory_space<hbm>>
            %parallel_loop3A_421 = arith.constant 0 : i32
            %parallel_loop3A_422 = tpu.memref_slice %arg7[%parallel_loop3A_413, %parallel_loop3A_414, %parallel_loop3A_421] : memref<32x8x64xf32, #tpu.memory_space<vmem>> -> memref<1x1x64xf32, #tpu.memory_space<vmem>>
            %parallel_loop3A_423 = tpu.memref_squeeze %parallel_loop3A_422 : memref<1x1x64xf32, #tpu.memory_space<vmem>> -> memref<64xf32, #tpu.memory_space<vmem>>
            %parallel_loop3A_424 = arith.constant 0 : i32
            %parallel_loop3A_425 = tpu.memref_slice %arg4[%parallel_loop3A_406, %parallel_loop3A_408, %parallel_loop3A_424] : memref<125000x8x64xf32, #tpu.memory_space<hbm>> -> memref<1x1x64xf32, #tpu.memory_space<hbm>>
            %parallel_loop3A_426 = tpu.memref_squeeze %parallel_loop3A_425 : memref<1x1x64xf32, #tpu.memory_space<hbm>> -> memref<64xf32, #tpu.memory_space<hbm>>
            tpu.enqueue_dma source(%parallel_loop3A_426 : memref<64xf32, #tpu.memory_space<hbm>>) target(%parallel_loop3A_423 : memref<64xf32, #tpu.memory_space<vmem>>) target_semaphore(%arg12 : memref<!tpu.dma_semaphore, #tpu.memory_space<semaphore_mem>>)
            %parallel_loop3A_427 = vector.extract_strided_slice %parallel_loop3A_282 {offsets = [6], sizes = [1], strides = [1]} : vector<16xi32> to vector<1xi32>
            %parallel_loop3A_428 = vector.extract %parallel_loop3A_427[0] : i32 from vector<1xi32>
            %parallel_loop3A_429 = arith.constant 3 : i32
            %parallel_loop3A_430 = arith.shrui %parallel_loop3A_428, %parallel_loop3A_429 : i32
            %parallel_loop3A_431 = arith.constant 7 : i32
            %parallel_loop3A_432 = arith.andi %parallel_loop3A_428, %parallel_loop3A_431 : i32
            %parallel_loop3A_433 = arith.constant 2 : i32
            %parallel_loop3A_434 = arith.muli %parallel_loop3A_433, %parallel_loop3A_276 : i32
            %parallel_loop3A_435 = arith.addi %mul3A_272, %parallel_loop3A_434 : i32
            %parallel_loop3A_436 = arith.constant 0 : i32
            %parallel_loop3A_437 = arith.addi %parallel_loop3A_435, %parallel_loop3A_436 : i32
            %parallel_loop3A_438 = arith.constant 6 : i32
            %parallel_loop3A_439 = arith.constant 0 : i32
            %parallel_loop3A_440 = tpu.memref_slice %arg7[%parallel_loop3A_437, %parallel_loop3A_438, %parallel_loop3A_439] : memref<32x8x64xf32, #tpu.memory_space<vmem>> -> memref<1x1x64xf32, #tpu.memory_space<vmem>>
            %parallel_loop3A_441 = tpu.memref_squeeze %parallel_loop3A_440 : memref<1x1x64xf32, #tpu.memory_space<vmem>> -> memref<64xf32, #tpu.memory_space<vmem>>
            %parallel_loop3A_442 = arith.constant 0 : i32
            %parallel_loop3A_443 = tpu.memref_slice %arg4[%parallel_loop3A_430, %parallel_loop3A_432, %parallel_loop3A_442] : memref<125000x8x64xf32, #tpu.memory_space<hbm>> -> memref<1x1x64xf32, #tpu.memory_space<hbm>>
            %parallel_loop3A_444 = tpu.memref_squeeze %parallel_loop3A_443 : memref<1x1x64xf32, #tpu.memory_space<hbm>> -> memref<64xf32, #tpu.memory_space<hbm>>
            %parallel_loop3A_445 = arith.constant 0 : i32
            %parallel_loop3A_446 = tpu.memref_slice %arg7[%parallel_loop3A_437, %parallel_loop3A_438, %parallel_loop3A_445] : memref<32x8x64xf32, #tpu.memory_space<vmem>> -> memref<1x1x64xf32, #tpu.memory_space<vmem>>
            %parallel_loop3A_447 = tpu.memref_squeeze %parallel_loop3A_446 : memref<1x1x64xf32, #tpu.memory_space<vmem>> -> memref<64xf32, #tpu.memory_space<vmem>>
            %parallel_loop3A_448 = arith.constant 0 : i32
            %parallel_loop3A_449 = tpu.memref_slice %arg4[%parallel_loop3A_430, %parallel_loop3A_432, %parallel_loop3A_448] : memref<125000x8x64xf32, #tpu.memory_space<hbm>> -> memref<1x1x64xf32, #tpu.memory_space<hbm>>
            %parallel_loop3A_450 = tpu.memref_squeeze %parallel_loop3A_449 : memref<1x1x64xf32, #tpu.memory_space<hbm>> -> memref<64xf32, #tpu.memory_space<hbm>>
            tpu.enqueue_dma source(%parallel_loop3A_450 : memref<64xf32, #tpu.memory_space<hbm>>) target(%parallel_loop3A_447 : memref<64xf32, #tpu.memory_space<vmem>>) target_semaphore(%arg12 : memref<!tpu.dma_semaphore, #tpu.memory_space<semaphore_mem>>)
            %parallel_loop3A_451 = vector.extract_strided_slice %parallel_loop3A_282 {offsets = [7], sizes = [1], strides = [1]} : vector<16xi32> to vector<1xi32>
            %parallel_loop3A_452 = vector.extract %parallel_loop3A_451[0] : i32 from vector<1xi32>
            %parallel_loop3A_453 = arith.constant 3 : i32
            %parallel_loop3A_454 = arith.shrui %parallel_loop3A_452, %parallel_loop3A_453 : i32
            %parallel_loop3A_455 = arith.constant 7 : i32
            %parallel_loop3A_456 = arith.andi %parallel_loop3A_452, %parallel_loop3A_455 : i32
            %parallel_loop3A_457 = arith.constant 2 : i32
            %parallel_loop3A_458 = arith.muli %parallel_loop3A_457, %parallel_loop3A_276 : i32
            %parallel_loop3A_459 = arith.addi %mul3A_272, %parallel_loop3A_458 : i32
            %parallel_loop3A_460 = arith.constant 0 : i32
            %parallel_loop3A_461 = arith.addi %parallel_loop3A_459, %parallel_loop3A_460 : i32
            %parallel_loop3A_462 = arith.constant 7 : i32
            %parallel_loop3A_463 = arith.constant 0 : i32
            %parallel_loop3A_464 = tpu.memref_slice %arg7[%parallel_loop3A_461, %parallel_loop3A_462, %parallel_loop3A_463] : memref<32x8x64xf32, #tpu.memory_space<vmem>> -> memref<1x1x64xf32, #tpu.memory_space<vmem>>
            %parallel_loop3A_465 = tpu.memref_squeeze %parallel_loop3A_464 : memref<1x1x64xf32, #tpu.memory_space<vmem>> -> memref<64xf32, #tpu.memory_space<vmem>>
            %parallel_loop3A_466 = arith.constant 0 : i32
            %parallel_loop3A_467 = tpu.memref_slice %arg4[%parallel_loop3A_454, %parallel_loop3A_456, %parallel_loop3A_466] : memref<125000x8x64xf32, #tpu.memory_space<hbm>> -> memref<1x1x64xf32, #tpu.memory_space<hbm>>
            %parallel_loop3A_468 = tpu.memref_squeeze %parallel_loop3A_467 : memref<1x1x64xf32, #tpu.memory_space<hbm>> -> memref<64xf32, #tpu.memory_space<hbm>>
            %parallel_loop3A_469 = arith.constant 0 : i32
            %parallel_loop3A_470 = tpu.memref_slice %arg7[%parallel_loop3A_461, %parallel_loop3A_462, %parallel_loop3A_469] : memref<32x8x64xf32, #tpu.memory_space<vmem>> -> memref<1x1x64xf32, #tpu.memory_space<vmem>>
            %parallel_loop3A_471 = tpu.memref_squeeze %parallel_loop3A_470 : memref<1x1x64xf32, #tpu.memory_space<vmem>> -> memref<64xf32, #tpu.memory_space<vmem>>
            %parallel_loop3A_472 = arith.constant 0 : i32
            %parallel_loop3A_473 = tpu.memref_slice %arg4[%parallel_loop3A_454, %parallel_loop3A_456, %parallel_loop3A_472] : memref<125000x8x64xf32, #tpu.memory_space<hbm>> -> memref<1x1x64xf32, #tpu.memory_space<hbm>>
            %parallel_loop3A_474 = tpu.memref_squeeze %parallel_loop3A_473 : memref<1x1x64xf32, #tpu.memory_space<hbm>> -> memref<64xf32, #tpu.memory_space<hbm>>
            tpu.enqueue_dma source(%parallel_loop3A_474 : memref<64xf32, #tpu.memory_space<hbm>>) target(%parallel_loop3A_471 : memref<64xf32, #tpu.memory_space<vmem>>) target_semaphore(%arg12 : memref<!tpu.dma_semaphore, #tpu.memory_space<semaphore_mem>>)
            %parallel_loop3A_475 = vector.extract_strided_slice %parallel_loop3A_282 {offsets = [8], sizes = [1], strides = [1]} : vector<16xi32> to vector<1xi32>
            %parallel_loop3A_476 = vector.extract %parallel_loop3A_475[0] : i32 from vector<1xi32>
            %parallel_loop3A_477 = arith.constant 3 : i32
            %parallel_loop3A_478 = arith.shrui %parallel_loop3A_476, %parallel_loop3A_477 : i32
            %parallel_loop3A_479 = arith.constant 7 : i32
            %parallel_loop3A_480 = arith.andi %parallel_loop3A_476, %parallel_loop3A_479 : i32
            %parallel_loop3A_481 = arith.constant 2 : i32
            %parallel_loop3A_482 = arith.muli %parallel_loop3A_481, %parallel_loop3A_276 : i32
            %parallel_loop3A_483 = arith.addi %mul3A_272, %parallel_loop3A_482 : i32
            %parallel_loop3A_484 = arith.constant 1 : i32
            %parallel_loop3A_485 = arith.addi %parallel_loop3A_483, %parallel_loop3A_484 : i32
            %parallel_loop3A_486 = arith.constant 0 : i32
            %parallel_loop3A_487 = arith.constant 0 : i32
            %parallel_loop3A_488 = tpu.memref_slice %arg7[%parallel_loop3A_485, %parallel_loop3A_486, %parallel_loop3A_487] : memref<32x8x64xf32, #tpu.memory_space<vmem>> -> memref<1x1x64xf32, #tpu.memory_space<vmem>>
            %parallel_loop3A_489 = tpu.memref_squeeze %parallel_loop3A_488 : memref<1x1x64xf32, #tpu.memory_space<vmem>> -> memref<64xf32, #tpu.memory_space<vmem>>
            %parallel_loop3A_490 = arith.constant 0 : i32
            %parallel_loop3A_491 = tpu.memref_slice %arg4[%parallel_loop3A_478, %parallel_loop3A_480, %parallel_loop3A_490] : memref<125000x8x64xf32, #tpu.memory_space<hbm>> -> memref<1x1x64xf32, #tpu.memory_space<hbm>>
            %parallel_loop3A_492 = tpu.memref_squeeze %parallel_loop3A_491 : memref<1x1x64xf32, #tpu.memory_space<hbm>> -> memref<64xf32, #tpu.memory_space<hbm>>
            %parallel_loop3A_493 = arith.constant 0 : i32
            %parallel_loop3A_494 = tpu.memref_slice %arg7[%parallel_loop3A_485, %parallel_loop3A_486, %parallel_loop3A_493] : memref<32x8x64xf32, #tpu.memory_space<vmem>> -> memref<1x1x64xf32, #tpu.memory_space<vmem>>
            %parallel_loop3A_495 = tpu.memref_squeeze %parallel_loop3A_494 : memref<1x1x64xf32, #tpu.memory_space<vmem>> -> memref<64xf32, #tpu.memory_space<vmem>>
            %parallel_loop3A_496 = arith.constant 0 : i32
            %parallel_loop3A_497 = tpu.memref_slice %arg4[%parallel_loop3A_478, %parallel_loop3A_480, %parallel_loop3A_496] : memref<125000x8x64xf32, #tpu.memory_space<hbm>> -> memref<1x1x64xf32, #tpu.memory_space<hbm>>
            %parallel_loop3A_498 = tpu.memref_squeeze %parallel_loop3A_497 : memref<1x1x64xf32, #tpu.memory_space<hbm>> -> memref<64xf32, #tpu.memory_space<hbm>>
            tpu.enqueue_dma source(%parallel_loop3A_498 : memref<64xf32, #tpu.memory_space<hbm>>) target(%parallel_loop3A_495 : memref<64xf32, #tpu.memory_space<vmem>>) target_semaphore(%arg12 : memref<!tpu.dma_semaphore, #tpu.memory_space<semaphore_mem>>)
            %parallel_loop3A_499 = vector.extract_strided_slice %parallel_loop3A_282 {offsets = [9], sizes = [1], strides = [1]} : vector<16xi32> to vector<1xi32>
            %parallel_loop3A_500 = vector.extract %parallel_loop3A_499[0] : i32 from vector<1xi32>
            %parallel_loop3A_501 = arith.constant 3 : i32
            %parallel_loop3A_502 = arith.shrui %parallel_loop3A_500, %parallel_loop3A_501 : i32
            %parallel_loop3A_503 = arith.constant 7 : i32
            %parallel_loop3A_504 = arith.andi %parallel_loop3A_500, %parallel_loop3A_503 : i32
            %parallel_loop3A_505 = arith.constant 2 : i32
            %parallel_loop3A_506 = arith.muli %parallel_loop3A_505, %parallel_loop3A_276 : i32
            %parallel_loop3A_507 = arith.addi %mul3A_272, %parallel_loop3A_506 : i32
            %parallel_loop3A_508 = arith.constant 1 : i32
            %parallel_loop3A_509 = arith.addi %parallel_loop3A_507, %parallel_loop3A_508 : i32
            %parallel_loop3A_510 = arith.constant 1 : i32
            %parallel_loop3A_511 = arith.constant 0 : i32
            %parallel_loop3A_512 = tpu.memref_slice %arg7[%parallel_loop3A_509, %parallel_loop3A_510, %parallel_loop3A_511] : memref<32x8x64xf32, #tpu.memory_space<vmem>> -> memref<1x1x64xf32, #tpu.memory_space<vmem>>
            %parallel_loop3A_513 = tpu.memref_squeeze %parallel_loop3A_512 : memref<1x1x64xf32, #tpu.memory_space<vmem>> -> memref<64xf32, #tpu.memory_space<vmem>>
            %parallel_loop3A_514 = arith.constant 0 : i32
            %parallel_loop3A_515 = tpu.memref_slice %arg4[%parallel_loop3A_502, %parallel_loop3A_504, %parallel_loop3A_514] : memref<125000x8x64xf32, #tpu.memory_space<hbm>> -> memref<1x1x64xf32, #tpu.memory_space<hbm>>
            %parallel_loop3A_516 = tpu.memref_squeeze %parallel_loop3A_515 : memref<1x1x64xf32, #tpu.memory_space<hbm>> -> memref<64xf32, #tpu.memory_space<hbm>>
            %parallel_loop3A_517 = arith.constant 0 : i32
            %parallel_loop3A_518 = tpu.memref_slice %arg7[%parallel_loop3A_509, %parallel_loop3A_510, %parallel_loop3A_517] : memref<32x8x64xf32, #tpu.memory_space<vmem>> -> memref<1x1x64xf32, #tpu.memory_space<vmem>>
            %parallel_loop3A_519 = tpu.memref_squeeze %parallel_loop3A_518 : memref<1x1x64xf32, #tpu.memory_space<vmem>> -> memref<64xf32, #tpu.memory_space<vmem>>
            %parallel_loop3A_520 = arith.constant 0 : i32
            %parallel_loop3A_521 = tpu.memref_slice %arg4[%parallel_loop3A_502, %parallel_loop3A_504, %parallel_loop3A_520] : memref<125000x8x64xf32, #tpu.memory_space<hbm>> -> memref<1x1x64xf32, #tpu.memory_space<hbm>>
            %parallel_loop3A_522 = tpu.memref_squeeze %parallel_loop3A_521 : memref<1x1x64xf32, #tpu.memory_space<hbm>> -> memref<64xf32, #tpu.memory_space<hbm>>
            tpu.enqueue_dma source(%parallel_loop3A_522 : memref<64xf32, #tpu.memory_space<hbm>>) target(%parallel_loop3A_519 : memref<64xf32, #tpu.memory_space<vmem>>) target_semaphore(%arg12 : memref<!tpu.dma_semaphore, #tpu.memory_space<semaphore_mem>>)
            %parallel_loop3A_523 = vector.extract_strided_slice %parallel_loop3A_282 {offsets = [10], sizes = [1], strides = [1]} : vector<16xi32> to vector<1xi32>
            %parallel_loop3A_524 = vector.extract %parallel_loop3A_523[0] : i32 from vector<1xi32>
            %parallel_loop3A_525 = arith.constant 3 : i32
            %parallel_loop3A_526 = arith.shrui %parallel_loop3A_524, %parallel_loop3A_525 : i32
            %parallel_loop3A_527 = arith.constant 7 : i32
            %parallel_loop3A_528 = arith.andi %parallel_loop3A_524, %parallel_loop3A_527 : i32
            %parallel_loop3A_529 = arith.constant 2 : i32
            %parallel_loop3A_530 = arith.muli %parallel_loop3A_529, %parallel_loop3A_276 : i32
            %parallel_loop3A_531 = arith.addi %mul3A_272, %parallel_loop3A_530 : i32
            %parallel_loop3A_532 = arith.constant 1 : i32
            %parallel_loop3A_533 = arith.addi %parallel_loop3A_531, %parallel_loop3A_532 : i32
            %parallel_loop3A_534 = arith.constant 2 : i32
            %parallel_loop3A_535 = arith.constant 0 : i32
            %parallel_loop3A_536 = tpu.memref_slice %arg7[%parallel_loop3A_533, %parallel_loop3A_534, %parallel_loop3A_535] : memref<32x8x64xf32, #tpu.memory_space<vmem>> -> memref<1x1x64xf32, #tpu.memory_space<vmem>>
            %parallel_loop3A_537 = tpu.memref_squeeze %parallel_loop3A_536 : memref<1x1x64xf32, #tpu.memory_space<vmem>> -> memref<64xf32, #tpu.memory_space<vmem>>
            %parallel_loop3A_538 = arith.constant 0 : i32
            %parallel_loop3A_539 = tpu.memref_slice %arg4[%parallel_loop3A_526, %parallel_loop3A_528, %parallel_loop3A_538] : memref<125000x8x64xf32, #tpu.memory_space<hbm>> -> memref<1x1x64xf32, #tpu.memory_space<hbm>>
            %parallel_loop3A_540 = tpu.memref_squeeze %parallel_loop3A_539 : memref<1x1x64xf32, #tpu.memory_space<hbm>> -> memref<64xf32, #tpu.memory_space<hbm>>
            %parallel_loop3A_541 = arith.constant 0 : i32
            %parallel_loop3A_542 = tpu.memref_slice %arg7[%parallel_loop3A_533, %parallel_loop3A_534, %parallel_loop3A_541] : memref<32x8x64xf32, #tpu.memory_space<vmem>> -> memref<1x1x64xf32, #tpu.memory_space<vmem>>
            %parallel_loop3A_543 = tpu.memref_squeeze %parallel_loop3A_542 : memref<1x1x64xf32, #tpu.memory_space<vmem>> -> memref<64xf32, #tpu.memory_space<vmem>>
            %parallel_loop3A_544 = arith.constant 0 : i32
            %parallel_loop3A_545 = tpu.memref_slice %arg4[%parallel_loop3A_526, %parallel_loop3A_528, %parallel_loop3A_544] : memref<125000x8x64xf32, #tpu.memory_space<hbm>> -> memref<1x1x64xf32, #tpu.memory_space<hbm>>
            %parallel_loop3A_546 = tpu.memref_squeeze %parallel_loop3A_545 : memref<1x1x64xf32, #tpu.memory_space<hbm>> -> memref<64xf32, #tpu.memory_space<hbm>>
            tpu.enqueue_dma source(%parallel_loop3A_546 : memref<64xf32, #tpu.memory_space<hbm>>) target(%parallel_loop3A_543 : memref<64xf32, #tpu.memory_space<vmem>>) target_semaphore(%arg12 : memref<!tpu.dma_semaphore, #tpu.memory_space<semaphore_mem>>)
            %parallel_loop3A_547 = vector.extract_strided_slice %parallel_loop3A_282 {offsets = [11], sizes = [1], strides = [1]} : vector<16xi32> to vector<1xi32>
            %parallel_loop3A_548 = vector.extract %parallel_loop3A_547[0] : i32 from vector<1xi32>
            %parallel_loop3A_549 = arith.constant 3 : i32
            %parallel_loop3A_550 = arith.shrui %parallel_loop3A_548, %parallel_loop3A_549 : i32
            %parallel_loop3A_551 = arith.constant 7 : i32
            %parallel_loop3A_552 = arith.andi %parallel_loop3A_548, %parallel_loop3A_551 : i32
            %parallel_loop3A_553 = arith.constant 2 : i32
            %parallel_loop3A_554 = arith.muli %parallel_loop3A_553, %parallel_loop3A_276 : i32
            %parallel_loop3A_555 = arith.addi %mul3A_272, %parallel_loop3A_554 : i32
            %parallel_loop3A_556 = arith.constant 1 : i32
            %parallel_loop3A_557 = arith.addi %parallel_loop3A_555, %parallel_loop3A_556 : i32
            %parallel_loop3A_558 = arith.constant 3 : i32
            %parallel_loop3A_559 = arith.constant 0 : i32
            %parallel_loop3A_560 = tpu.memref_slice %arg7[%parallel_loop3A_557, %parallel_loop3A_558, %parallel_loop3A_559] : memref<32x8x64xf32, #tpu.memory_space<vmem>> -> memref<1x1x64xf32, #tpu.memory_space<vmem>>
            %parallel_loop3A_561 = tpu.memref_squeeze %parallel_loop3A_560 : memref<1x1x64xf32, #tpu.memory_space<vmem>> -> memref<64xf32, #tpu.memory_space<vmem>>
            %parallel_loop3A_562 = arith.constant 0 : i32
            %parallel_loop3A_563 = tpu.memref_slice %arg4[%parallel_loop3A_550, %parallel_loop3A_552, %parallel_loop3A_562] : memref<125000x8x64xf32, #tpu.memory_space<hbm>> -> memref<1x1x64xf32, #tpu.memory_space<hbm>>
            %parallel_loop3A_564 = tpu.memref_squeeze %parallel_loop3A_563 : memref<1x1x64xf32, #tpu.memory_space<hbm>> -> memref<64xf32, #tpu.memory_space<hbm>>
            %parallel_loop3A_565 = arith.constant 0 : i32
            %parallel_loop3A_566 = tpu.memref_slice %arg7[%parallel_loop3A_557, %parallel_loop3A_558, %parallel_loop3A_565] : memref<32x8x64xf32, #tpu.memory_space<vmem>> -> memref<1x1x64xf32, #tpu.memory_space<vmem>>
            %parallel_loop3A_567 = tpu.memref_squeeze %parallel_loop3A_566 : memref<1x1x64xf32, #tpu.memory_space<vmem>> -> memref<64xf32, #tpu.memory_space<vmem>>
            %parallel_loop3A_568 = arith.constant 0 : i32
            %parallel_loop3A_569 = tpu.memref_slice %arg4[%parallel_loop3A_550, %parallel_loop3A_552, %parallel_loop3A_568] : memref<125000x8x64xf32, #tpu.memory_space<hbm>> -> memref<1x1x64xf32, #tpu.memory_space<hbm>>
            %parallel_loop3A_570 = tpu.memref_squeeze %parallel_loop3A_569 : memref<1x1x64xf32, #tpu.memory_space<hbm>> -> memref<64xf32, #tpu.memory_space<hbm>>
            tpu.enqueue_dma source(%parallel_loop3A_570 : memref<64xf32, #tpu.memory_space<hbm>>) target(%parallel_loop3A_567 : memref<64xf32, #tpu.memory_space<vmem>>) target_semaphore(%arg12 : memref<!tpu.dma_semaphore, #tpu.memory_space<semaphore_mem>>)
            %parallel_loop3A_571 = vector.extract_strided_slice %parallel_loop3A_282 {offsets = [12], sizes = [1], strides = [1]} : vector<16xi32> to vector<1xi32>
            %parallel_loop3A_572 = vector.extract %parallel_loop3A_571[0] : i32 from vector<1xi32>
            %parallel_loop3A_573 = arith.constant 3 : i32
            %parallel_loop3A_574 = arith.shrui %parallel_loop3A_572, %parallel_loop3A_573 : i32
            %parallel_loop3A_575 = arith.constant 7 : i32
            %parallel_loop3A_576 = arith.andi %parallel_loop3A_572, %parallel_loop3A_575 : i32
            %parallel_loop3A_577 = arith.constant 2 : i32
            %parallel_loop3A_578 = arith.muli %parallel_loop3A_577, %parallel_loop3A_276 : i32
            %parallel_loop3A_579 = arith.addi %mul3A_272, %parallel_loop3A_578 : i32
            %parallel_loop3A_580 = arith.constant 1 : i32
            %parallel_loop3A_581 = arith.addi %parallel_loop3A_579, %parallel_loop3A_580 : i32
            %parallel_loop3A_582 = arith.constant 4 : i32
            %parallel_loop3A_583 = arith.constant 0 : i32
            %parallel_loop3A_584 = tpu.memref_slice %arg7[%parallel_loop3A_581, %parallel_loop3A_582, %parallel_loop3A_583] : memref<32x8x64xf32, #tpu.memory_space<vmem>> -> memref<1x1x64xf32, #tpu.memory_space<vmem>>
            %parallel_loop3A_585 = tpu.memref_squeeze %parallel_loop3A_584 : memref<1x1x64xf32, #tpu.memory_space<vmem>> -> memref<64xf32, #tpu.memory_space<vmem>>
            %parallel_loop3A_586 = arith.constant 0 : i32
            %parallel_loop3A_587 = tpu.memref_slice %arg4[%parallel_loop3A_574, %parallel_loop3A_576, %parallel_loop3A_586] : memref<125000x8x64xf32, #tpu.memory_space<hbm>> -> memref<1x1x64xf32, #tpu.memory_space<hbm>>
            %parallel_loop3A_588 = tpu.memref_squeeze %parallel_loop3A_587 : memref<1x1x64xf32, #tpu.memory_space<hbm>> -> memref<64xf32, #tpu.memory_space<hbm>>
            %parallel_loop3A_589 = arith.constant 0 : i32
            %parallel_loop3A_590 = tpu.memref_slice %arg7[%parallel_loop3A_581, %parallel_loop3A_582, %parallel_loop3A_589] : memref<32x8x64xf32, #tpu.memory_space<vmem>> -> memref<1x1x64xf32, #tpu.memory_space<vmem>>
            %parallel_loop3A_591 = tpu.memref_squeeze %parallel_loop3A_590 : memref<1x1x64xf32, #tpu.memory_space<vmem>> -> memref<64xf32, #tpu.memory_space<vmem>>
            %parallel_loop3A_592 = arith.constant 0 : i32
            %parallel_loop3A_593 = tpu.memref_slice %arg4[%parallel_loop3A_574, %parallel_loop3A_576, %parallel_loop3A_592] : memref<125000x8x64xf32, #tpu.memory_space<hbm>> -> memref<1x1x64xf32, #tpu.memory_space<hbm>>
            %parallel_loop3A_594 = tpu.memref_squeeze %parallel_loop3A_593 : memref<1x1x64xf32, #tpu.memory_space<hbm>> -> memref<64xf32, #tpu.memory_space<hbm>>
            tpu.enqueue_dma source(%parallel_loop3A_594 : memref<64xf32, #tpu.memory_space<hbm>>) target(%parallel_loop3A_591 : memref<64xf32, #tpu.memory_space<vmem>>) target_semaphore(%arg12 : memref<!tpu.dma_semaphore, #tpu.memory_space<semaphore_mem>>)
            %parallel_loop3A_595 = vector.extract_strided_slice %parallel_loop3A_282 {offsets = [13], sizes = [1], strides = [1]} : vector<16xi32> to vector<1xi32>
            %parallel_loop3A_596 = vector.extract %parallel_loop3A_595[0] : i32 from vector<1xi32>
            %parallel_loop3A_597 = arith.constant 3 : i32
            %parallel_loop3A_598 = arith.shrui %parallel_loop3A_596, %parallel_loop3A_597 : i32
            %parallel_loop3A_599 = arith.constant 7 : i32
            %parallel_loop3A_600 = arith.andi %parallel_loop3A_596, %parallel_loop3A_599 : i32
            %parallel_loop3A_601 = arith.constant 2 : i32
            %parallel_loop3A_602 = arith.muli %parallel_loop3A_601, %parallel_loop3A_276 : i32
            %parallel_loop3A_603 = arith.addi %mul3A_272, %parallel_loop3A_602 : i32
            %parallel_loop3A_604 = arith.constant 1 : i32
            %parallel_loop3A_605 = arith.addi %parallel_loop3A_603, %parallel_loop3A_604 : i32
            %parallel_loop3A_606 = arith.constant 5 : i32
            %parallel_loop3A_607 = arith.constant 0 : i32
            %parallel_loop3A_608 = tpu.memref_slice %arg7[%parallel_loop3A_605, %parallel_loop3A_606, %parallel_loop3A_607] : memref<32x8x64xf32, #tpu.memory_space<vmem>> -> memref<1x1x64xf32, #tpu.memory_space<vmem>>
            %parallel_loop3A_609 = tpu.memref_squeeze %parallel_loop3A_608 : memref<1x1x64xf32, #tpu.memory_space<vmem>> -> memref<64xf32, #tpu.memory_space<vmem>>
            %parallel_loop3A_610 = arith.constant 0 : i32
            %parallel_loop3A_611 = tpu.memref_slice %arg4[%parallel_loop3A_598, %parallel_loop3A_600, %parallel_loop3A_610] : memref<125000x8x64xf32, #tpu.memory_space<hbm>> -> memref<1x1x64xf32, #tpu.memory_space<hbm>>
            %parallel_loop3A_612 = tpu.memref_squeeze %parallel_loop3A_611 : memref<1x1x64xf32, #tpu.memory_space<hbm>> -> memref<64xf32, #tpu.memory_space<hbm>>
            %parallel_loop3A_613 = arith.constant 0 : i32
            %parallel_loop3A_614 = tpu.memref_slice %arg7[%parallel_loop3A_605, %parallel_loop3A_606, %parallel_loop3A_613] : memref<32x8x64xf32, #tpu.memory_space<vmem>> -> memref<1x1x64xf32, #tpu.memory_space<vmem>>
            %parallel_loop3A_615 = tpu.memref_squeeze %parallel_loop3A_614 : memref<1x1x64xf32, #tpu.memory_space<vmem>> -> memref<64xf32, #tpu.memory_space<vmem>>
            %parallel_loop3A_616 = arith.constant 0 : i32
            %parallel_loop3A_617 = tpu.memref_slice %arg4[%parallel_loop3A_598, %parallel_loop3A_600, %parallel_loop3A_616] : memref<125000x8x64xf32, #tpu.memory_space<hbm>> -> memref<1x1x64xf32, #tpu.memory_space<hbm>>
            %parallel_loop3A_618 = tpu.memref_squeeze %parallel_loop3A_617 : memref<1x1x64xf32, #tpu.memory_space<hbm>> -> memref<64xf32, #tpu.memory_space<hbm>>
            tpu.enqueue_dma source(%parallel_loop3A_618 : memref<64xf32, #tpu.memory_space<hbm>>) target(%parallel_loop3A_615 : memref<64xf32, #tpu.memory_space<vmem>>) target_semaphore(%arg12 : memref<!tpu.dma_semaphore, #tpu.memory_space<semaphore_mem>>)
            %parallel_loop3A_619 = vector.extract_strided_slice %parallel_loop3A_282 {offsets = [14], sizes = [1], strides = [1]} : vector<16xi32> to vector<1xi32>
            %parallel_loop3A_620 = vector.extract %parallel_loop3A_619[0] : i32 from vector<1xi32>
            %parallel_loop3A_621 = arith.constant 3 : i32
            %parallel_loop3A_622 = arith.shrui %parallel_loop3A_620, %parallel_loop3A_621 : i32
            %parallel_loop3A_623 = arith.constant 7 : i32
            %parallel_loop3A_624 = arith.andi %parallel_loop3A_620, %parallel_loop3A_623 : i32
            %parallel_loop3A_625 = arith.constant 2 : i32
            %parallel_loop3A_626 = arith.muli %parallel_loop3A_625, %parallel_loop3A_276 : i32
            %parallel_loop3A_627 = arith.addi %mul3A_272, %parallel_loop3A_626 : i32
            %parallel_loop3A_628 = arith.constant 1 : i32
            %parallel_loop3A_629 = arith.addi %parallel_loop3A_627, %parallel_loop3A_628 : i32
            %parallel_loop3A_630 = arith.constant 6 : i32
            %parallel_loop3A_631 = arith.constant 0 : i32
            %parallel_loop3A_632 = tpu.memref_slice %arg7[%parallel_loop3A_629, %parallel_loop3A_630, %parallel_loop3A_631] : memref<32x8x64xf32, #tpu.memory_space<vmem>> -> memref<1x1x64xf32, #tpu.memory_space<vmem>>
            %parallel_loop3A_633 = tpu.memref_squeeze %parallel_loop3A_632 : memref<1x1x64xf32, #tpu.memory_space<vmem>> -> memref<64xf32, #tpu.memory_space<vmem>>
            %parallel_loop3A_634 = arith.constant 0 : i32
            %parallel_loop3A_635 = tpu.memref_slice %arg4[%parallel_loop3A_622, %parallel_loop3A_624, %parallel_loop3A_634] : memref<125000x8x64xf32, #tpu.memory_space<hbm>> -> memref<1x1x64xf32, #tpu.memory_space<hbm>>
            %parallel_loop3A_636 = tpu.memref_squeeze %parallel_loop3A_635 : memref<1x1x64xf32, #tpu.memory_space<hbm>> -> memref<64xf32, #tpu.memory_space<hbm>>
            %parallel_loop3A_637 = arith.constant 0 : i32
            %parallel_loop3A_638 = tpu.memref_slice %arg7[%parallel_loop3A_629, %parallel_loop3A_630, %parallel_loop3A_637] : memref<32x8x64xf32, #tpu.memory_space<vmem>> -> memref<1x1x64xf32, #tpu.memory_space<vmem>>
            %parallel_loop3A_639 = tpu.memref_squeeze %parallel_loop3A_638 : memref<1x1x64xf32, #tpu.memory_space<vmem>> -> memref<64xf32, #tpu.memory_space<vmem>>
            %parallel_loop3A_640 = arith.constant 0 : i32
            %parallel_loop3A_641 = tpu.memref_slice %arg4[%parallel_loop3A_622, %parallel_loop3A_624, %parallel_loop3A_640] : memref<125000x8x64xf32, #tpu.memory_space<hbm>> -> memref<1x1x64xf32, #tpu.memory_space<hbm>>
            %parallel_loop3A_642 = tpu.memref_squeeze %parallel_loop3A_641 : memref<1x1x64xf32, #tpu.memory_space<hbm>> -> memref<64xf32, #tpu.memory_space<hbm>>
            tpu.enqueue_dma source(%parallel_loop3A_642 : memref<64xf32, #tpu.memory_space<hbm>>) target(%parallel_loop3A_639 : memref<64xf32, #tpu.memory_space<vmem>>) target_semaphore(%arg12 : memref<!tpu.dma_semaphore, #tpu.memory_space<semaphore_mem>>)
            %parallel_loop3A_643 = vector.extract_strided_slice %parallel_loop3A_282 {offsets = [15], sizes = [1], strides = [1]} : vector<16xi32> to vector<1xi32>
            %parallel_loop3A_644 = vector.extract %parallel_loop3A_643[0] : i32 from vector<1xi32>
            %parallel_loop3A_645 = arith.constant 3 : i32
            %parallel_loop3A_646 = arith.shrui %parallel_loop3A_644, %parallel_loop3A_645 : i32
            %parallel_loop3A_647 = arith.constant 7 : i32
            %parallel_loop3A_648 = arith.andi %parallel_loop3A_644, %parallel_loop3A_647 : i32
            %parallel_loop3A_649 = arith.constant 2 : i32
            %parallel_loop3A_650 = arith.muli %parallel_loop3A_649, %parallel_loop3A_276 : i32
            %parallel_loop3A_651 = arith.addi %mul3A_272, %parallel_loop3A_650 : i32
            %parallel_loop3A_652 = arith.constant 1 : i32
            %parallel_loop3A_653 = arith.addi %parallel_loop3A_651, %parallel_loop3A_652 : i32
            %parallel_loop3A_654 = arith.constant 7 : i32
            %parallel_loop3A_655 = arith.constant 0 : i32
            %parallel_loop3A_656 = tpu.memref_slice %arg7[%parallel_loop3A_653, %parallel_loop3A_654, %parallel_loop3A_655] : memref<32x8x64xf32, #tpu.memory_space<vmem>> -> memref<1x1x64xf32, #tpu.memory_space<vmem>>
            %parallel_loop3A_657 = tpu.memref_squeeze %parallel_loop3A_656 : memref<1x1x64xf32, #tpu.memory_space<vmem>> -> memref<64xf32, #tpu.memory_space<vmem>>
            %parallel_loop3A_658 = arith.constant 0 : i32
            %parallel_loop3A_659 = tpu.memref_slice %arg4[%parallel_loop3A_646, %parallel_loop3A_648, %parallel_loop3A_658] : memref<125000x8x64xf32, #tpu.memory_space<hbm>> -> memref<1x1x64xf32, #tpu.memory_space<hbm>>
            %parallel_loop3A_660 = tpu.memref_squeeze %parallel_loop3A_659 : memref<1x1x64xf32, #tpu.memory_space<hbm>> -> memref<64xf32, #tpu.memory_space<hbm>>
            %parallel_loop3A_661 = arith.constant 0 : i32
            %parallel_loop3A_662 = tpu.memref_slice %arg7[%parallel_loop3A_653, %parallel_loop3A_654, %parallel_loop3A_661] : memref<32x8x64xf32, #tpu.memory_space<vmem>> -> memref<1x1x64xf32, #tpu.memory_space<vmem>>
            %parallel_loop3A_663 = tpu.memref_squeeze %parallel_loop3A_662 : memref<1x1x64xf32, #tpu.memory_space<vmem>> -> memref<64xf32, #tpu.memory_space<vmem>>
            %parallel_loop3A_664 = arith.constant 0 : i32
            %parallel_loop3A_665 = tpu.memref_slice %arg4[%parallel_loop3A_646, %parallel_loop3A_648, %parallel_loop3A_664] : memref<125000x8x64xf32, #tpu.memory_space<hbm>> -> memref<1x1x64xf32, #tpu.memory_space<hbm>>
            %parallel_loop3A_666 = tpu.memref_squeeze %parallel_loop3A_665 : memref<1x1x64xf32, #tpu.memory_space<hbm>> -> memref<64xf32, #tpu.memory_space<hbm>>
            tpu.enqueue_dma source(%parallel_loop3A_666 : memref<64xf32, #tpu.memory_space<hbm>>) target(%parallel_loop3A_663 : memref<64xf32, #tpu.memory_space<vmem>>) target_semaphore(%arg12 : memref<!tpu.dma_semaphore, #tpu.memory_space<semaphore_mem>>)
          } {sc.loop_unroll_factor = 2 : i64, sc.parallel_access}
        } else {
        }
      } else {
      }
      %sub3A_80 = arith.constant 1 : i32
      %sub3A_81 = arith.subi %while3A_65, %sub3A_80 : i32
      %rem3A_82 = arith.constant 2 : i32
      %rem3A_83 = arith.remsi %sub3A_81, %rem3A_82 : i32
      %eq3A_84 = arith.constant 0 : i32
      %eq3A_85 = arith.cmpi eq, %rem3A_83, %eq3A_84 : i32
      %convert_element_type3A_86 = arith.extui %eq3A_85 : i1 to i32
      %cond3A_87 = arith.constant 0 : i32
      %cond3A_88 = arith.cmpi ne, %convert_element_type3A_86, %cond3A_87 : i32
      scf.if %cond3A_88 {
        %rem3A_246 = arith.constant 2 : i32
        %rem3A_247 = arith.remsi %sub3A_81, %rem3A_246 : i32
        %mul3A_248 = arith.constant 16 : i32
        %mul3A_249 = arith.muli %rem3A_247, %mul3A_248 : i32
        %dma_wait3A = arith.constant 0 : i32
        %dma_wait3A_250 = arith.constant 0 : i32
        %dma_wait3A_251 = tpu.memref_slice %arg7[%mul3A_249, %dma_wait3A, %dma_wait3A_250] : memref<32x8x64xf32, #tpu.memory_space<vmem>> -> memref<16x8x64xf32, #tpu.memory_space<vmem>>
        %dma_wait3A_252 = arith.constant 0 : i32
        %dma_wait3A_253 = arith.constant 0 : i32
        %dma_wait3A_254 = arith.constant 0 : i32
        %dma_wait3A_255 = tpu.memref_slice %arg4[%dma_wait3A_252, %dma_wait3A_253, %dma_wait3A_254] : memref<125000x8x64xf32, #tpu.memory_space<hbm>> -> memref<16x8x64xf32, #tpu.memory_space<hbm>>
        %dma_wait3A_256 = arith.constant 0 : i32
        %dma_wait3A_257 = arith.constant 0 : i32
        %dma_wait3A_258 = tpu.memref_slice %arg7[%mul3A_249, %dma_wait3A_256, %dma_wait3A_257] : memref<32x8x64xf32, #tpu.memory_space<vmem>> -> memref<16x8x64xf32, #tpu.memory_space<vmem>>
        %dma_wait3A_259 = arith.constant 0 : i32
        %dma_wait3A_260 = arith.constant 0 : i32
        %dma_wait3A_261 = arith.constant 0 : i32
        %dma_wait3A_262 = tpu.memref_slice %arg4[%dma_wait3A_259, %dma_wait3A_260, %dma_wait3A_261] : memref<125000x8x64xf32, #tpu.memory_space<hbm>> -> memref<16x8x64xf32, #tpu.memory_space<hbm>>
        tpu.wait_dma2 semaphore(%arg11 : memref<!tpu.dma_semaphore, #tpu.memory_space<semaphore_mem>>) src(%dma_wait3A_262 : memref<16x8x64xf32, #tpu.memory_space<hbm>>) dst(%dma_wait3A_258 : memref<16x8x64xf32, #tpu.memory_space<vmem>>)
      } else {
      }
      %rem3A_89 = arith.constant 2 : i32
      %rem3A_90 = arith.remsi %sub3A_81, %rem3A_89 : i32
      %eq3A_91 = arith.constant 1 : i32
      %eq3A_92 = arith.cmpi eq, %rem3A_90, %eq3A_91 : i32
      %convert_element_type3A_93 = arith.extui %eq3A_92 : i1 to i32
      %cond3A_94 = arith.constant 0 : i32
      %cond3A_95 = arith.cmpi ne, %convert_element_type3A_93, %cond3A_94 : i32
      scf.if %cond3A_95 {
        %rem3A_246 = arith.constant 2 : i32
        %rem3A_247 = arith.remsi %sub3A_81, %rem3A_246 : i32
        %mul3A_248 = arith.constant 16 : i32
        %mul3A_249 = arith.muli %rem3A_247, %mul3A_248 : i32
        %dma_wait3A = arith.constant 0 : i32
        %dma_wait3A_250 = arith.constant 0 : i32
        %dma_wait3A_251 = tpu.memref_slice %arg7[%mul3A_249, %dma_wait3A, %dma_wait3A_250] : memref<32x8x64xf32, #tpu.memory_space<vmem>> -> memref<16x8x64xf32, #tpu.memory_space<vmem>>
        %dma_wait3A_252 = arith.constant 0 : i32
        %dma_wait3A_253 = arith.constant 0 : i32
        %dma_wait3A_254 = arith.constant 0 : i32
        %dma_wait3A_255 = tpu.memref_slice %arg4[%dma_wait3A_252, %dma_wait3A_253, %dma_wait3A_254] : memref<125000x8x64xf32, #tpu.memory_space<hbm>> -> memref<16x8x64xf32, #tpu.memory_space<hbm>>
        %dma_wait3A_256 = arith.constant 0 : i32
        %dma_wait3A_257 = arith.constant 0 : i32
        %dma_wait3A_258 = tpu.memref_slice %arg7[%mul3A_249, %dma_wait3A_256, %dma_wait3A_257] : memref<32x8x64xf32, #tpu.memory_space<vmem>> -> memref<16x8x64xf32, #tpu.memory_space<vmem>>
        %dma_wait3A_259 = arith.constant 0 : i32
        %dma_wait3A_260 = arith.constant 0 : i32
        %dma_wait3A_261 = arith.constant 0 : i32
        %dma_wait3A_262 = tpu.memref_slice %arg4[%dma_wait3A_259, %dma_wait3A_260, %dma_wait3A_261] : memref<125000x8x64xf32, #tpu.memory_space<hbm>> -> memref<16x8x64xf32, #tpu.memory_space<hbm>>
        tpu.wait_dma2 semaphore(%arg12 : memref<!tpu.dma_semaphore, #tpu.memory_space<semaphore_mem>>) src(%dma_wait3A_262 : memref<16x8x64xf32, #tpu.memory_space<hbm>>) dst(%dma_wait3A_258 : memref<16x8x64xf32, #tpu.memory_space<vmem>>)
      } else {
      }
      %mul3A_96 = arith.constant 128 : i32
      %mul3A_97 = arith.muli %sub3A_81, %mul3A_96 : i32
      %add3A_98 = arith.addi %multiple_of3A_38, %mul3A_97 : i32
      %min3A_99 = arith.constant 204672 : i32
      %min3A_100 = arith.minsi %add3A_98, %min3A_99 : i32
      %multiple_of3A_101 = tpu.assume_multiple %min3A_100, 8 : i32
      %rem3A_102 = arith.constant 2 : i32
      %rem3A_103 = arith.remsi %sub3A_81, %rem3A_102 : i32
      %mul3A_104 = arith.constant 16 : i32
      %mul3A_105 = arith.muli %rem3A_103, %mul3A_104 : i32
      %mul3A_106 = arith.constant 128 : i32
      %mul3A_107 = arith.muli %sub3A_81, %mul3A_106 : i32
      %add3A_108 = arith.addi %multiple_of3A_38, %mul3A_107 : i32
      %max3A_109 = arith.maxsi %add3A_108, %squeeze3A_17 : i32
      %add3A_110 = arith.constant 1 : i32
      %add3A_111 = arith.addi %sub3A_81, %add3A_110 : i32
      %mul3A_112 = arith.constant 128 : i32
      %mul3A_113 = arith.muli %add3A_111, %mul3A_112 : i32
      %add3A_114 = arith.addi %multiple_of3A_38, %mul3A_113 : i32
      %min3A_115 = arith.minsi %add3A_114, %select_n3A : i32
      %add3A_116 = arith.constant 0 : i32
      %add3A_117 = arith.constant 64 : i32
      %add3A_118 = arith.addi %add3A_116, %add3A_117 : i32
      %lt3A_119 = arith.constant 128 : i32
      %lt3A_120 = arith.cmpi slt, %add3A_118, %lt3A_119 : i32
      %min3A_121 = arith.constant 128 : i32
      %min3A_122 = arith.minsi %add3A_118, %min3A_121 : i32
      %get3A_123 = arith.index_cast %min3A_122 : i32 to index
      %get3A_124 = tpu.vector_load %arg9[%get3A_123] {strides = array<i32>} : memref<160xi32, #tpu.memory_space<vmem>>, vector<16xi32>,
      %get3A_125 = vector.shape_cast %get3A_124 : vector<16xi32> to vector<16xi32>
      %slice3A_126 = vector.extract_strided_slice %get3A_125 {offsets = [0], sizes = [1], strides = [1]} : vector<16xi32> to vector<1xi32>
      %squeeze3A_127 = vector.extract %slice3A_126[0] : i32 from vector<1xi32>
      %le3A = arith.cmpi sle, %squeeze3A_127, %min3A_115 : i32
      %and3A_128 = arith.andi %lt3A_120, %le3A : i1
      %jit3A_129 = arith.constant 0 : i32
      %select_n3A_130 = arith.select %and3A_128, %add3A_118, %jit3A_129 : i32
      %add3A_131 = arith.constant 32 : i32
      %add3A_132 = arith.addi %select_n3A_130, %add3A_131 : i32
      %lt3A_133 = arith.constant 128 : i32
      %lt3A_134 = arith.cmpi slt, %add3A_132, %lt3A_133 : i32
      %min3A_135 = arith.constant 128 : i32
      %min3A_136 = arith.minsi %add3A_132, %min3A_135 : i32
      %get3A_137 = arith.index_cast %min3A_136 : i32 to index
      %get3A_138 = tpu.vector_load %arg9[%get3A_137] {strides = array<i32>} : memref<160xi32, #tpu.memory_space<vmem>>, vector<16xi32>,
      %get3A_139 = vector.shape_cast %get3A_138 : vector<16xi32> to vector<16xi32>
      %slice3A_140 = vector.extract_strided_slice %get3A_139 {offsets = [0], sizes = [1], strides = [1]} : vector<16xi32> to vector<1xi32>
      %squeeze3A_141 = vector.extract %slice3A_140[0] : i32 from vector<1xi32>
      %le3A_142 = arith.cmpi sle, %squeeze3A_141, %min3A_115 : i32
      %and3A_143 = arith.andi %lt3A_134, %le3A_142 : i1
      %select_n3A_144 = arith.select %and3A_143, %add3A_132, %select_n3A_130 : i32
      %add3A_145 = arith.constant 16 : i32
      %add3A_146 = arith.addi %select_n3A_144, %add3A_145 : i32
      %lt3A_147 = arith.constant 128 : i32
      %lt3A_148 = arith.cmpi slt, %add3A_146, %lt3A_147 : i32
      %min3A_149 = arith.constant 128 : i32
      %min3A_150 = arith.minsi %add3A_146, %min3A_149 : i32
      %get3A_151 = arith.index_cast %min3A_150 : i32 to index
      %get3A_152 = tpu.vector_load %arg9[%get3A_151] {strides = array<i32>} : memref<160xi32, #tpu.memory_space<vmem>>, vector<16xi32>,
      %get3A_153 = vector.shape_cast %get3A_152 : vector<16xi32> to vector<16xi32>
      %slice3A_154 = vector.extract_strided_slice %get3A_153 {offsets = [0], sizes = [1], strides = [1]} : vector<16xi32> to vector<1xi32>
      %squeeze3A_155 = vector.extract %slice3A_154[0] : i32 from vector<1xi32>
      %le3A_156 = arith.cmpi sle, %squeeze3A_155, %min3A_115 : i32
      %and3A_157 = arith.andi %lt3A_148, %le3A_156 : i1
      %select_n3A_158 = arith.select %and3A_157, %add3A_146, %select_n3A_144 : i32
      %add3A_159 = arith.constant 8 : i32
      %add3A_160 = arith.addi %select_n3A_158, %add3A_159 : i32
      %lt3A_161 = arith.constant 128 : i32
      %lt3A_162 = arith.cmpi slt, %add3A_160, %lt3A_161 : i32
      %min3A_163 = arith.constant 128 : i32
      %min3A_164 = arith.minsi %add3A_160, %min3A_163 : i32
      %get3A_165 = arith.index_cast %min3A_164 : i32 to index
      %get3A_166 = tpu.vector_load %arg9[%get3A_165] {strides = array<i32>} : memref<160xi32, #tpu.memory_space<vmem>>, vector<16xi32>,
      %get3A_167 = vector.shape_cast %get3A_166 : vector<16xi32> to vector<16xi32>
      %slice3A_168 = vector.extract_strided_slice %get3A_167 {offsets = [0], sizes = [1], strides = [1]} : vector<16xi32> to vector<1xi32>
      %squeeze3A_169 = vector.extract %slice3A_168[0] : i32 from vector<1xi32>
      %le3A_170 = arith.cmpi sle, %squeeze3A_169, %min3A_115 : i32
      %and3A_171 = arith.andi %lt3A_162, %le3A_170 : i1
      %select_n3A_172 = arith.select %and3A_171, %add3A_160, %select_n3A_158 : i32
      %add3A_173 = arith.constant 4 : i32
      %add3A_174 = arith.addi %select_n3A_172, %add3A_173 : i32
      %lt3A_175 = arith.constant 128 : i32
      %lt3A_176 = arith.cmpi slt, %add3A_174, %lt3A_175 : i32
      %min3A_177 = arith.constant 128 : i32
      %min3A_178 = arith.minsi %add3A_174, %min3A_177 : i32
      %get3A_179 = arith.index_cast %min3A_178 : i32 to index
      %get3A_180 = tpu.vector_load %arg9[%get3A_179] {strides = array<i32>} : memref<160xi32, #tpu.memory_space<vmem>>, vector<16xi32>,
      %get3A_181 = vector.shape_cast %get3A_180 : vector<16xi32> to vector<16xi32>
      %slice3A_182 = vector.extract_strided_slice %get3A_181 {offsets = [0], sizes = [1], strides = [1]} : vector<16xi32> to vector<1xi32>
      %squeeze3A_183 = vector.extract %slice3A_182[0] : i32 from vector<1xi32>
      %le3A_184 = arith.cmpi sle, %squeeze3A_183, %min3A_115 : i32
      %and3A_185 = arith.andi %lt3A_176, %le3A_184 : i1
      %select_n3A_186 = arith.select %and3A_185, %add3A_174, %select_n3A_172 : i32
      %add3A_187 = arith.constant 2 : i32
      %add3A_188 = arith.addi %select_n3A_186, %add3A_187 : i32
      %lt3A_189 = arith.constant 128 : i32
      %lt3A_190 = arith.cmpi slt, %add3A_188, %lt3A_189 : i32
      %min3A_191 = arith.constant 128 : i32
      %min3A_192 = arith.minsi %add3A_188, %min3A_191 : i32
      %get3A_193 = arith.index_cast %min3A_192 : i32 to index
      %get3A_194 = tpu.vector_load %arg9[%get3A_193] {strides = array<i32>} : memref<160xi32, #tpu.memory_space<vmem>>, vector<16xi32>,
      %get3A_195 = vector.shape_cast %get3A_194 : vector<16xi32> to vector<16xi32>
      %slice3A_196 = vector.extract_strided_slice %get3A_195 {offsets = [0], sizes = [1], strides = [1]} : vector<16xi32> to vector<1xi32>
      %squeeze3A_197 = vector.extract %slice3A_196[0] : i32 from vector<1xi32>
      %le3A_198 = arith.cmpi sle, %squeeze3A_197, %min3A_115 : i32
      %and3A_199 = arith.andi %lt3A_190, %le3A_198 : i1
      %select_n3A_200 = arith.select %and3A_199, %add3A_188, %select_n3A_186 : i32
      %add3A_201 = arith.constant 1 : i32
      %add3A_202 = arith.addi %select_n3A_200, %add3A_201 : i32
      %lt3A_203 = arith.constant 128 : i32
      %lt3A_204 = arith.cmpi slt, %add3A_202, %lt3A_203 : i32
      %min3A_205 = arith.constant 128 : i32
      %min3A_206 = arith.minsi %add3A_202, %min3A_205 : i32
      %get3A_207 = arith.index_cast %min3A_206 : i32 to index
      %get3A_208 = tpu.vector_load %arg9[%get3A_207] {strides = array<i32>} : memref<160xi32, #tpu.memory_space<vmem>>, vector<16xi32>,
      %get3A_209 = vector.shape_cast %get3A_208 : vector<16xi32> to vector<16xi32>
      %slice3A_210 = vector.extract_strided_slice %get3A_209 {offsets = [0], sizes = [1], strides = [1]} : vector<16xi32> to vector<1xi32>
      %squeeze3A_211 = vector.extract %slice3A_210[0] : i32 from vector<1xi32>
      %le3A_212 = arith.cmpi sle, %squeeze3A_211, %min3A_115 : i32
      %and3A_213 = arith.andi %lt3A_204, %le3A_212 : i1
      %select_n3A_214 = arith.select %and3A_213, %add3A_202, %select_n3A_200 : i32
      %le3A_215 = arith.cmpi sle, %select_n3A, %min3A_115 : i32
      %jit3A_216 = arith.constant 1 : i32
      %jit3A_217 = arith.constant 0 : i32
      %select_n3A_218 = arith.select %le3A_215, %jit3A_216, %jit3A_217 : i32
      %add3A_219 = arith.addi %select_n3A_214, %select_n3A_218 : i32
      %sub3A_220 = arith.subi %add3A_219, %while3A_66 : i32
      %while3A_221 = arith.constant 0 : i32
      %while3A_222 = arith.subi %sub3A_220, %while3A_221 : i32
      %while3A_223 = arith.addi %while3A_221, %while3A_222 : i32
      %while3A_224 = arith.constant 1 : i32
      %while3A_225 = arith.divsi %while3A_222, %while3A_224 : i32
      %while3A_226 = arith.muli %while3A_225, %while3A_224 : i32
      %while3A_227 = arith.addi %while3A_221, %while3A_226 : i32
      %while3A_228 = arith.constant 1 : i32
      %while3A_229:10 = scf.for %while3A_246 = %while3A_221 to %while3A_227 step %while3A_228 iter_args(%while3A_247 = %while3A_66, %while3A_248 = %while3A_67, %while3A_249 = %while3A_68, %while3A_250 = %while3A_69, %while3A_251 = %while3A_70, %while3A_252 = %while3A_71, %while3A_253 = %while3A_72, %while3A_254 = %while3A_73, %while3A_255 = %while3A_74, %while3A_256 = %while3A_75) -> (i32, i32, vector<16xf32>, vector<16xf32>, vector<16xf32>, vector<16xf32>, vector<16xf32>, vector<16xf32>, vector<16xf32>, vector<16xf32>)  : i32 {
        %min3A_257 = arith.constant 128 : i32
        %min3A_258 = arith.minsi %while3A_247, %min3A_257 : i32
        %get3A_259 = arith.index_cast %min3A_258 : i32 to index
        %get3A_260 = tpu.vector_load %arg9[%get3A_259] {strides = array<i32>} : memref<160xi32, #tpu.memory_space<vmem>>, vector<16xi32>,
        %get3A_261 = vector.shape_cast %get3A_260 : vector<16xi32> to vector<16xi32>
        %slice3A_262 = vector.extract_strided_slice %get3A_261 {offsets = [0], sizes = [1], strides = [1]} : vector<16xi32> to vector<1xi32>
        %squeeze3A_263 = vector.extract %slice3A_262[0] : i32 from vector<1xi32>
        %max3A_264 = arith.maxsi %squeeze3A_263, %max3A_109 : i32
        %add3A_265 = arith.constant 1 : i32
        %add3A_266 = arith.addi %while3A_247, %add3A_265 : i32
        %min3A_267 = arith.constant 128 : i32
        %min3A_268 = arith.minsi %add3A_266, %min3A_267 : i32
        %get3A_269 = arith.index_cast %min3A_268 : i32 to index
        %get3A_270 = tpu.vector_load %arg9[%get3A_269] {strides = array<i32>} : memref<160xi32, #tpu.memory_space<vmem>>, vector<16xi32>,
        %get3A_271 = vector.shape_cast %get3A_270 : vector<16xi32> to vector<16xi32>
        %slice3A_272 = vector.extract_strided_slice %get3A_271 {offsets = [0], sizes = [1], strides = [1]} : vector<16xi32> to vector<1xi32>
        %squeeze3A_273 = vector.extract %slice3A_272[0] : i32 from vector<1xi32>
        %parallel_loop3A_274 = arith.constant 1 : i32
        %parallel_loop3A_275:8 = scf.for %parallel_loop3A_340 = %max3A_264 to %squeeze3A_273 step %parallel_loop3A_274 iter_args(%parallel_loop3A_341 = %while3A_249, %parallel_loop3A_342 = %while3A_250, %parallel_loop3A_343 = %while3A_251, %parallel_loop3A_344 = %while3A_252, %parallel_loop3A_345 = %while3A_253, %parallel_loop3A_346 = %while3A_254, %parallel_loop3A_347 = %while3A_255, %parallel_loop3A_348 = %while3A_256) -> (vector<16xf32>, vector<16xf32>, vector<16xf32>, vector<16xf32>, vector<16xf32>, vector<16xf32>, vector<16xf32>, vector<16xf32>)  : i32 {
          %parallel_loop3A_349 = arith.subi %parallel_loop3A_340, %multiple_of3A_101 : i32
          %parallel_loop3A_350 = arith.constant 3 : i32
          %parallel_loop3A_351 = arith.shrui %parallel_loop3A_349, %parallel_loop3A_350 : i32
          %parallel_loop3A_352 = arith.addi %mul3A_105, %parallel_loop3A_351 : i32
          %parallel_loop3A_353 = arith.constant 7 : i32
          %parallel_loop3A_354 = arith.andi %parallel_loop3A_349, %parallel_loop3A_353 : i32
          %parallel_loop3A_355 = arith.index_cast %parallel_loop3A_352 : i32 to index
          %parallel_loop3A_356 = arith.index_cast %parallel_loop3A_354 : i32 to index
          %parallel_loop3A_357 = arith.constant 0 : index
          %parallel_loop3A_358 = tpu.vector_load %arg7[%parallel_loop3A_355, %parallel_loop3A_356, %parallel_loop3A_357] {strides = array<i32>} : memref<32x8x64xf32, #tpu.memory_space<vmem>>, vector<1x1x16xf32>,
          %parallel_loop3A_359 = vector.shape_cast %parallel_loop3A_358 : vector<1x1x16xf32> to vector<16xf32>
          %parallel_loop3A_360 = arith.index_cast %parallel_loop3A_352 : i32 to index
          %parallel_loop3A_361 = arith.index_cast %parallel_loop3A_354 : i32 to index
          %parallel_loop3A_362 = arith.constant 16 : index
          %parallel_loop3A_363 = tpu.vector_load %arg7[%parallel_loop3A_360, %parallel_loop3A_361, %parallel_loop3A_362] {strides = array<i32>} : memref<32x8x64xf32, #tpu.memory_space<vmem>>, vector<1x1x16xf32>,
          %parallel_loop3A_364 = vector.shape_cast %parallel_loop3A_363 : vector<1x1x16xf32> to vector<16xf32>
          %parallel_loop3A_365 = arith.index_cast %parallel_loop3A_352 : i32 to index
          %parallel_loop3A_366 = arith.index_cast %parallel_loop3A_354 : i32 to index
          %parallel_loop3A_367 = arith.constant 32 : index
          %parallel_loop3A_368 = tpu.vector_load %arg7[%parallel_loop3A_365, %parallel_loop3A_366, %parallel_loop3A_367] {strides = array<i32>} : memref<32x8x64xf32, #tpu.memory_space<vmem>>, vector<1x1x16xf32>,
          %parallel_loop3A_369 = vector.shape_cast %parallel_loop3A_368 : vector<1x1x16xf32> to vector<16xf32>
          %parallel_loop3A_370 = arith.index_cast %parallel_loop3A_352 : i32 to index
          %parallel_loop3A_371 = arith.index_cast %parallel_loop3A_354 : i32 to index
          %parallel_loop3A_372 = arith.constant 48 : index
          %parallel_loop3A_373 = tpu.vector_load %arg7[%parallel_loop3A_370, %parallel_loop3A_371, %parallel_loop3A_372] {strides = array<i32>} : memref<32x8x64xf32, #tpu.memory_space<vmem>>, vector<1x1x16xf32>,
          %parallel_loop3A_374 = vector.shape_cast %parallel_loop3A_373 : vector<1x1x16xf32> to vector<16xf32>
          %parallel_loop3A_375 = arith.addf %parallel_loop3A_341, %parallel_loop3A_359 : vector<16xf32>
          %parallel_loop3A_376 = arith.addf %parallel_loop3A_342, %parallel_loop3A_364 : vector<16xf32>
          %parallel_loop3A_377 = arith.addf %parallel_loop3A_343, %parallel_loop3A_369 : vector<16xf32>
          %parallel_loop3A_378 = arith.addf %parallel_loop3A_344, %parallel_loop3A_374 : vector<16xf32>
          %parallel_loop3A_379 = arith.maximumf %parallel_loop3A_345, %parallel_loop3A_359 : vector<16xf32>
          %parallel_loop3A_380 = arith.maximumf %parallel_loop3A_346, %parallel_loop3A_364 : vector<16xf32>
          %parallel_loop3A_381 = arith.maximumf %parallel_loop3A_347, %parallel_loop3A_369 : vector<16xf32>
          %parallel_loop3A_382 = arith.maximumf %parallel_loop3A_348, %parallel_loop3A_374 : vector<16xf32>
          scf.yield %parallel_loop3A_375, %parallel_loop3A_376, %parallel_loop3A_377, %parallel_loop3A_378, %parallel_loop3A_379, %parallel_loop3A_380, %parallel_loop3A_381, %parallel_loop3A_382 : vector<16xf32>, vector<16xf32>, vector<16xf32>, vector<16xf32>, vector<16xf32>, vector<16xf32>, vector<16xf32>, vector<16xf32>
        } {sc.loop_unroll_factor = 2 : i64, sc.parallel_access}
        %sub3A_276 = arith.subi %squeeze3A_273, %max3A_264 : i32
        %add3A_277 = arith.addi %while3A_248, %sub3A_276 : i32
        %broadcast_in_dim3A_278 = vector.broadcast %add3A_277 : i32 to vector<16xi32>
        %convert_element_type3A_279 = arith.sitofp %broadcast_in_dim3A_278 : vector<16xi32> to vector<16xf32>
        %max3A_280 = arith.constant 1.000000e+00 : f32
        %max3A_281 = vector.broadcast %max3A_280 : f32 to vector<16xf32>
        %max3A_282 = arith.maximumf %convert_element_type3A_279, %max3A_281 : vector<16xf32>
        %div3A_283 = arith.constant 1.000000e+00 : f32
        %div3A_284 = vector.broadcast %div3A_283 : f32 to vector<16xf32>
        %div3A_285 = arith.divf %div3A_284, %max3A_282 : vector<16xf32>
        %min3A_286 = arith.constant 1.000000e+00 : f32
        %min3A_287 = vector.broadcast %min3A_286 : f32 to vector<16xf32>
        %min3A_288 = arith.minimumf %convert_element_type3A_279, %min3A_287 : vector<16xf32>
        %mul3A_289 = arith.mulf %parallel_loop3A_275#0, %div3A_285 : vector<16xf32>
        %swap3A_290 = arith.index_cast %while3A_247 : i32 to index
        %swap3A_291 = arith.constant 0 : index
        %swap3A_292 = tpu.vector_load %arg8[%swap3A_290, %swap3A_291] {strides = array<i32>} : memref<128x128xf32, #tpu.memory_space<vmem>>, vector<1x16xf32>,
        %swap3A_293 = vector.shape_cast %swap3A_292 : vector<1x16xf32> to vector<16xf32>
        %swap3A_294 = vector.shape_cast %mul3A_289 : vector<16xf32> to vector<1x16xf32>
        tpu.vector_store %arg8[%swap3A_290, %swap3A_291], %swap3A_294 {strides = array<i32>} : memref<128x128xf32, #tpu.memory_space<vmem>>, vector<1x16xf32>,
        %mul3A_295 = arith.mulf %parallel_loop3A_275#1, %div3A_285 : vector<16xf32>
        %swap3A_296 = arith.index_cast %while3A_247 : i32 to index
        %swap3A_297 = arith.constant 16 : index
        %swap3A_298 = tpu.vector_load %arg8[%swap3A_296, %swap3A_297] {strides = array<i32>} : memref<128x128xf32, #tpu.memory_space<vmem>>, vector<1x16xf32>,
        %swap3A_299 = vector.shape_cast %swap3A_298 : vector<1x16xf32> to vector<16xf32>
        %swap3A_300 = vector.shape_cast %mul3A_295 : vector<16xf32> to vector<1x16xf32>
        tpu.vector_store %arg8[%swap3A_296, %swap3A_297], %swap3A_300 {strides = array<i32>} : memref<128x128xf32, #tpu.memory_space<vmem>>, vector<1x16xf32>,
        %mul3A_301 = arith.mulf %parallel_loop3A_275#2, %div3A_285 : vector<16xf32>
        %swap3A_302 = arith.index_cast %while3A_247 : i32 to index
        %swap3A_303 = arith.constant 32 : index
        %swap3A_304 = tpu.vector_load %arg8[%swap3A_302, %swap3A_303] {strides = array<i32>} : memref<128x128xf32, #tpu.memory_space<vmem>>, vector<1x16xf32>,
        %swap3A_305 = vector.shape_cast %swap3A_304 : vector<1x16xf32> to vector<16xf32>
        %swap3A_306 = vector.shape_cast %mul3A_301 : vector<16xf32> to vector<1x16xf32>
        tpu.vector_store %arg8[%swap3A_302, %swap3A_303], %swap3A_306 {strides = array<i32>} : memref<128x128xf32, #tpu.memory_space<vmem>>, vector<1x16xf32>,
        %mul3A_307 = arith.mulf %parallel_loop3A_275#3, %div3A_285 : vector<16xf32>
        %swap3A_308 = arith.index_cast %while3A_247 : i32 to index
        %swap3A_309 = arith.constant 48 : index
        %swap3A_310 = tpu.vector_load %arg8[%swap3A_308, %swap3A_309] {strides = array<i32>} : memref<128x128xf32, #tpu.memory_space<vmem>>, vector<1x16xf32>,
        %swap3A_311 = vector.shape_cast %swap3A_310 : vector<1x16xf32> to vector<16xf32>
        %swap3A_312 = vector.shape_cast %mul3A_307 : vector<16xf32> to vector<1x16xf32>
        tpu.vector_store %arg8[%swap3A_308, %swap3A_309], %swap3A_312 {strides = array<i32>} : memref<128x128xf32, #tpu.memory_space<vmem>>, vector<1x16xf32>,
        %mul3A_313 = arith.mulf %parallel_loop3A_275#4, %min3A_288 : vector<16xf32>
        %swap3A_314 = arith.index_cast %while3A_247 : i32 to index
        %swap3A_315 = arith.constant 64 : index
        %swap3A_316 = tpu.vector_load %arg8[%swap3A_314, %swap3A_315] {strides = array<i32>} : memref<128x128xf32, #tpu.memory_space<vmem>>, vector<1x16xf32>,
        %swap3A_317 = vector.shape_cast %swap3A_316 : vector<1x16xf32> to vector<16xf32>
        %swap3A_318 = vector.shape_cast %mul3A_313 : vector<16xf32> to vector<1x16xf32>
        tpu.vector_store %arg8[%swap3A_314, %swap3A_315], %swap3A_318 {strides = array<i32>} : memref<128x128xf32, #tpu.memory_space<vmem>>, vector<1x16xf32>,
        %mul3A_319 = arith.mulf %parallel_loop3A_275#5, %min3A_288 : vector<16xf32>
        %swap3A_320 = arith.index_cast %while3A_247 : i32 to index
        %swap3A_321 = arith.constant 80 : index
        %swap3A_322 = tpu.vector_load %arg8[%swap3A_320, %swap3A_321] {strides = array<i32>} : memref<128x128xf32, #tpu.memory_space<vmem>>, vector<1x16xf32>,
        %swap3A_323 = vector.shape_cast %swap3A_322 : vector<1x16xf32> to vector<16xf32>
        %swap3A_324 = vector.shape_cast %mul3A_319 : vector<16xf32> to vector<1x16xf32>
        tpu.vector_store %arg8[%swap3A_320, %swap3A_321], %swap3A_324 {strides = array<i32>} : memref<128x128xf32, #tpu.memory_space<vmem>>, vector<1x16xf32>,
        %mul3A_325 = arith.mulf %parallel_loop3A_275#6, %min3A_288 : vector<16xf32>
        %swap3A_326 = arith.index_cast %while3A_247 : i32 to index
        %swap3A_327 = arith.constant 96 : index
        %swap3A_328 = tpu.vector_load %arg8[%swap3A_326, %swap3A_327] {strides = array<i32>} : memref<128x128xf32, #tpu.memory_space<vmem>>, vector<1x16xf32>,
        %swap3A_329 = vector.shape_cast %swap3A_328 : vector<1x16xf32> to vector<16xf32>
        %swap3A_330 = vector.shape_cast %mul3A_325 : vector<16xf32> to vector<1x16xf32>
        tpu.vector_store %arg8[%swap3A_326, %swap3A_327], %swap3A_330 {strides = array<i32>} : memref<128x128xf32, #tpu.memory_space<vmem>>, vector<1x16xf32>,
        %mul3A_331 = arith.mulf %parallel_loop3A_275#7, %min3A_288 : vector<16xf32>
        %swap3A_332 = arith.index_cast %while3A_247 : i32 to index
        %swap3A_333 = arith.constant 112 : index
        %swap3A_334 = tpu.vector_load %arg8[%swap3A_332, %swap3A_333] {strides = array<i32>} : memref<128x128xf32, #tpu.memory_space<vmem>>, vector<1x16xf32>,
        %swap3A_335 = vector.shape_cast %swap3A_334 : vector<1x16xf32> to vector<16xf32>
        %swap3A_336 = vector.shape_cast %mul3A_331 : vector<16xf32> to vector<1x16xf32>
        tpu.vector_store %arg8[%swap3A_332, %swap3A_333], %swap3A_336 {strides = array<i32>} : memref<128x128xf32, #tpu.memory_space<vmem>>, vector<1x16xf32>,
        %add3A_337 = arith.constant 1 : i32
        %add3A_338 = arith.addi %while3A_247, %add3A_337 : i32
        %while3A_339 = arith.constant 0 : i32
        scf.yield %add3A_338, %while3A_339, %broadcast_in_dim3A_48, %broadcast_in_dim3A_48, %broadcast_in_dim3A_48, %broadcast_in_dim3A_48, %broadcast_in_dim3A_50, %broadcast_in_dim3A_50, %broadcast_in_dim3A_50, %broadcast_in_dim3A_50 : i32, i32, vector<16xf32>, vector<16xf32>, vector<16xf32>, vector<16xf32>, vector<16xf32>, vector<16xf32>, vector<16xf32>, vector<16xf32>
      }
      %while3A_230 = arith.constant 1 : i32
      %while3A_231:10 = scf.for %while3A_246 = %while3A_227 to %while3A_223 step %while3A_230 iter_args(%while3A_247 = %while3A_229#0, %while3A_248 = %while3A_229#1, %while3A_249 = %while3A_229#2, %while3A_250 = %while3A_229#3, %while3A_251 = %while3A_229#4, %while3A_252 = %while3A_229#5, %while3A_253 = %while3A_229#6, %while3A_254 = %while3A_229#7, %while3A_255 = %while3A_229#8, %while3A_256 = %while3A_229#9) -> (i32, i32, vector<16xf32>, vector<16xf32>, vector<16xf32>, vector<16xf32>, vector<16xf32>, vector<16xf32>, vector<16xf32>, vector<16xf32>)  : i32 {
        %min3A_257 = arith.constant 128 : i32
        %min3A_258 = arith.minsi %while3A_247, %min3A_257 : i32
        %get3A_259 = arith.index_cast %min3A_258 : i32 to index
        %get3A_260 = tpu.vector_load %arg9[%get3A_259] {strides = array<i32>} : memref<160xi32, #tpu.memory_space<vmem>>, vector<16xi32>,
        %get3A_261 = vector.shape_cast %get3A_260 : vector<16xi32> to vector<16xi32>
        %slice3A_262 = vector.extract_strided_slice %get3A_261 {offsets = [0], sizes = [1], strides = [1]} : vector<16xi32> to vector<1xi32>
        %squeeze3A_263 = vector.extract %slice3A_262[0] : i32 from vector<1xi32>
        %max3A_264 = arith.maxsi %squeeze3A_263, %max3A_109 : i32
        %add3A_265 = arith.constant 1 : i32
        %add3A_266 = arith.addi %while3A_247, %add3A_265 : i32
        %min3A_267 = arith.constant 128 : i32
        %min3A_268 = arith.minsi %add3A_266, %min3A_267 : i32
        %get3A_269 = arith.index_cast %min3A_268 : i32 to index
        %get3A_270 = tpu.vector_load %arg9[%get3A_269] {strides = array<i32>} : memref<160xi32, #tpu.memory_space<vmem>>, vector<16xi32>,
        %get3A_271 = vector.shape_cast %get3A_270 : vector<16xi32> to vector<16xi32>
        %slice3A_272 = vector.extract_strided_slice %get3A_271 {offsets = [0], sizes = [1], strides = [1]} : vector<16xi32> to vector<1xi32>
        %squeeze3A_273 = vector.extract %slice3A_272[0] : i32 from vector<1xi32>
        %parallel_loop3A_274 = arith.constant 1 : i32
        %parallel_loop3A_275:8 = scf.for %parallel_loop3A_340 = %max3A_264 to %squeeze3A_273 step %parallel_loop3A_274 iter_args(%parallel_loop3A_341 = %while3A_249, %parallel_loop3A_342 = %while3A_250, %parallel_loop3A_343 = %while3A_251, %parallel_loop3A_344 = %while3A_252, %parallel_loop3A_345 = %while3A_253, %parallel_loop3A_346 = %while3A_254, %parallel_loop3A_347 = %while3A_255, %parallel_loop3A_348 = %while3A_256) -> (vector<16xf32>, vector<16xf32>, vector<16xf32>, vector<16xf32>, vector<16xf32>, vector<16xf32>, vector<16xf32>, vector<16xf32>)  : i32 {
          %parallel_loop3A_349 = arith.subi %parallel_loop3A_340, %multiple_of3A_101 : i32
          %parallel_loop3A_350 = arith.constant 3 : i32
          %parallel_loop3A_351 = arith.shrui %parallel_loop3A_349, %parallel_loop3A_350 : i32
          %parallel_loop3A_352 = arith.addi %mul3A_105, %parallel_loop3A_351 : i32
          %parallel_loop3A_353 = arith.constant 7 : i32
          %parallel_loop3A_354 = arith.andi %parallel_loop3A_349, %parallel_loop3A_353 : i32
          %parallel_loop3A_355 = arith.index_cast %parallel_loop3A_352 : i32 to index
          %parallel_loop3A_356 = arith.index_cast %parallel_loop3A_354 : i32 to index
          %parallel_loop3A_357 = arith.constant 0 : index
          %parallel_loop3A_358 = tpu.vector_load %arg7[%parallel_loop3A_355, %parallel_loop3A_356, %parallel_loop3A_357] {strides = array<i32>} : memref<32x8x64xf32, #tpu.memory_space<vmem>>, vector<1x1x16xf32>,
          %parallel_loop3A_359 = vector.shape_cast %parallel_loop3A_358 : vector<1x1x16xf32> to vector<16xf32>
          %parallel_loop3A_360 = arith.index_cast %parallel_loop3A_352 : i32 to index
          %parallel_loop3A_361 = arith.index_cast %parallel_loop3A_354 : i32 to index
          %parallel_loop3A_362 = arith.constant 16 : index
          %parallel_loop3A_363 = tpu.vector_load %arg7[%parallel_loop3A_360, %parallel_loop3A_361, %parallel_loop3A_362] {strides = array<i32>} : memref<32x8x64xf32, #tpu.memory_space<vmem>>, vector<1x1x16xf32>,
          %parallel_loop3A_364 = vector.shape_cast %parallel_loop3A_363 : vector<1x1x16xf32> to vector<16xf32>
          %parallel_loop3A_365 = arith.index_cast %parallel_loop3A_352 : i32 to index
          %parallel_loop3A_366 = arith.index_cast %parallel_loop3A_354 : i32 to index
          %parallel_loop3A_367 = arith.constant 32 : index
          %parallel_loop3A_368 = tpu.vector_load %arg7[%parallel_loop3A_365, %parallel_loop3A_366, %parallel_loop3A_367] {strides = array<i32>} : memref<32x8x64xf32, #tpu.memory_space<vmem>>, vector<1x1x16xf32>,
          %parallel_loop3A_369 = vector.shape_cast %parallel_loop3A_368 : vector<1x1x16xf32> to vector<16xf32>
          %parallel_loop3A_370 = arith.index_cast %parallel_loop3A_352 : i32 to index
          %parallel_loop3A_371 = arith.index_cast %parallel_loop3A_354 : i32 to index
          %parallel_loop3A_372 = arith.constant 48 : index
          %parallel_loop3A_373 = tpu.vector_load %arg7[%parallel_loop3A_370, %parallel_loop3A_371, %parallel_loop3A_372] {strides = array<i32>} : memref<32x8x64xf32, #tpu.memory_space<vmem>>, vector<1x1x16xf32>,
          %parallel_loop3A_374 = vector.shape_cast %parallel_loop3A_373 : vector<1x1x16xf32> to vector<16xf32>
          %parallel_loop3A_375 = arith.addf %parallel_loop3A_341, %parallel_loop3A_359 : vector<16xf32>
          %parallel_loop3A_376 = arith.addf %parallel_loop3A_342, %parallel_loop3A_364 : vector<16xf32>
          %parallel_loop3A_377 = arith.addf %parallel_loop3A_343, %parallel_loop3A_369 : vector<16xf32>
          %parallel_loop3A_378 = arith.addf %parallel_loop3A_344, %parallel_loop3A_374 : vector<16xf32>
          %parallel_loop3A_379 = arith.maximumf %parallel_loop3A_345, %parallel_loop3A_359 : vector<16xf32>
          %parallel_loop3A_380 = arith.maximumf %parallel_loop3A_346, %parallel_loop3A_364 : vector<16xf32>
          %parallel_loop3A_381 = arith.maximumf %parallel_loop3A_347, %parallel_loop3A_369 : vector<16xf32>
          %parallel_loop3A_382 = arith.maximumf %parallel_loop3A_348, %parallel_loop3A_374 : vector<16xf32>
          scf.yield %parallel_loop3A_375, %parallel_loop3A_376, %parallel_loop3A_377, %parallel_loop3A_378, %parallel_loop3A_379, %parallel_loop3A_380, %parallel_loop3A_381, %parallel_loop3A_382 : vector<16xf32>, vector<16xf32>, vector<16xf32>, vector<16xf32>, vector<16xf32>, vector<16xf32>, vector<16xf32>, vector<16xf32>
        } {sc.loop_unroll_factor = 2 : i64, sc.parallel_access}
        %sub3A_276 = arith.subi %squeeze3A_273, %max3A_264 : i32
        %add3A_277 = arith.addi %while3A_248, %sub3A_276 : i32
        %broadcast_in_dim3A_278 = vector.broadcast %add3A_277 : i32 to vector<16xi32>
        %convert_element_type3A_279 = arith.sitofp %broadcast_in_dim3A_278 : vector<16xi32> to vector<16xf32>
        %max3A_280 = arith.constant 1.000000e+00 : f32
        %max3A_281 = vector.broadcast %max3A_280 : f32 to vector<16xf32>
        %max3A_282 = arith.maximumf %convert_element_type3A_279, %max3A_281 : vector<16xf32>
        %div3A_283 = arith.constant 1.000000e+00 : f32
        %div3A_284 = vector.broadcast %div3A_283 : f32 to vector<16xf32>
        %div3A_285 = arith.divf %div3A_284, %max3A_282 : vector<16xf32>
        %min3A_286 = arith.constant 1.000000e+00 : f32
        %min3A_287 = vector.broadcast %min3A_286 : f32 to vector<16xf32>
        %min3A_288 = arith.minimumf %convert_element_type3A_279, %min3A_287 : vector<16xf32>
        %mul3A_289 = arith.mulf %parallel_loop3A_275#0, %div3A_285 : vector<16xf32>
        %swap3A_290 = arith.index_cast %while3A_247 : i32 to index
        %swap3A_291 = arith.constant 0 : index
        %swap3A_292 = tpu.vector_load %arg8[%swap3A_290, %swap3A_291] {strides = array<i32>} : memref<128x128xf32, #tpu.memory_space<vmem>>, vector<1x16xf32>,
        %swap3A_293 = vector.shape_cast %swap3A_292 : vector<1x16xf32> to vector<16xf32>
        %swap3A_294 = vector.shape_cast %mul3A_289 : vector<16xf32> to vector<1x16xf32>
        tpu.vector_store %arg8[%swap3A_290, %swap3A_291], %swap3A_294 {strides = array<i32>} : memref<128x128xf32, #tpu.memory_space<vmem>>, vector<1x16xf32>,
        %mul3A_295 = arith.mulf %parallel_loop3A_275#1, %div3A_285 : vector<16xf32>
        %swap3A_296 = arith.index_cast %while3A_247 : i32 to index
        %swap3A_297 = arith.constant 16 : index
        %swap3A_298 = tpu.vector_load %arg8[%swap3A_296, %swap3A_297] {strides = array<i32>} : memref<128x128xf32, #tpu.memory_space<vmem>>, vector<1x16xf32>,
        %swap3A_299 = vector.shape_cast %swap3A_298 : vector<1x16xf32> to vector<16xf32>
        %swap3A_300 = vector.shape_cast %mul3A_295 : vector<16xf32> to vector<1x16xf32>
        tpu.vector_store %arg8[%swap3A_296, %swap3A_297], %swap3A_300 {strides = array<i32>} : memref<128x128xf32, #tpu.memory_space<vmem>>, vector<1x16xf32>,
        %mul3A_301 = arith.mulf %parallel_loop3A_275#2, %div3A_285 : vector<16xf32>
        %swap3A_302 = arith.index_cast %while3A_247 : i32 to index
        %swap3A_303 = arith.constant 32 : index
        %swap3A_304 = tpu.vector_load %arg8[%swap3A_302, %swap3A_303] {strides = array<i32>} : memref<128x128xf32, #tpu.memory_space<vmem>>, vector<1x16xf32>,
        %swap3A_305 = vector.shape_cast %swap3A_304 : vector<1x16xf32> to vector<16xf32>
        %swap3A_306 = vector.shape_cast %mul3A_301 : vector<16xf32> to vector<1x16xf32>
        tpu.vector_store %arg8[%swap3A_302, %swap3A_303], %swap3A_306 {strides = array<i32>} : memref<128x128xf32, #tpu.memory_space<vmem>>, vector<1x16xf32>,
        %mul3A_307 = arith.mulf %parallel_loop3A_275#3, %div3A_285 : vector<16xf32>
        %swap3A_308 = arith.index_cast %while3A_247 : i32 to index
        %swap3A_309 = arith.constant 48 : index
        %swap3A_310 = tpu.vector_load %arg8[%swap3A_308, %swap3A_309] {strides = array<i32>} : memref<128x128xf32, #tpu.memory_space<vmem>>, vector<1x16xf32>,
        %swap3A_311 = vector.shape_cast %swap3A_310 : vector<1x16xf32> to vector<16xf32>
        %swap3A_312 = vector.shape_cast %mul3A_307 : vector<16xf32> to vector<1x16xf32>
        tpu.vector_store %arg8[%swap3A_308, %swap3A_309], %swap3A_312 {strides = array<i32>} : memref<128x128xf32, #tpu.memory_space<vmem>>, vector<1x16xf32>,
        %mul3A_313 = arith.mulf %parallel_loop3A_275#4, %min3A_288 : vector<16xf32>
        %swap3A_314 = arith.index_cast %while3A_247 : i32 to index
        %swap3A_315 = arith.constant 64 : index
        %swap3A_316 = tpu.vector_load %arg8[%swap3A_314, %swap3A_315] {strides = array<i32>} : memref<128x128xf32, #tpu.memory_space<vmem>>, vector<1x16xf32>,
        %swap3A_317 = vector.shape_cast %swap3A_316 : vector<1x16xf32> to vector<16xf32>
        %swap3A_318 = vector.shape_cast %mul3A_313 : vector<16xf32> to vector<1x16xf32>
        tpu.vector_store %arg8[%swap3A_314, %swap3A_315], %swap3A_318 {strides = array<i32>} : memref<128x128xf32, #tpu.memory_space<vmem>>, vector<1x16xf32>,
        %mul3A_319 = arith.mulf %parallel_loop3A_275#5, %min3A_288 : vector<16xf32>
        %swap3A_320 = arith.index_cast %while3A_247 : i32 to index
        %swap3A_321 = arith.constant 80 : index
        %swap3A_322 = tpu.vector_load %arg8[%swap3A_320, %swap3A_321] {strides = array<i32>} : memref<128x128xf32, #tpu.memory_space<vmem>>, vector<1x16xf32>,
        %swap3A_323 = vector.shape_cast %swap3A_322 : vector<1x16xf32> to vector<16xf32>
        %swap3A_324 = vector.shape_cast %mul3A_319 : vector<16xf32> to vector<1x16xf32>
        tpu.vector_store %arg8[%swap3A_320, %swap3A_321], %swap3A_324 {strides = array<i32>} : memref<128x128xf32, #tpu.memory_space<vmem>>, vector<1x16xf32>,
        %mul3A_325 = arith.mulf %parallel_loop3A_275#6, %min3A_288 : vector<16xf32>
        %swap3A_326 = arith.index_cast %while3A_247 : i32 to index
        %swap3A_327 = arith.constant 96 : index
        %swap3A_328 = tpu.vector_load %arg8[%swap3A_326, %swap3A_327] {strides = array<i32>} : memref<128x128xf32, #tpu.memory_space<vmem>>, vector<1x16xf32>,
        %swap3A_329 = vector.shape_cast %swap3A_328 : vector<1x16xf32> to vector<16xf32>
        %swap3A_330 = vector.shape_cast %mul3A_325 : vector<16xf32> to vector<1x16xf32>
        tpu.vector_store %arg8[%swap3A_326, %swap3A_327], %swap3A_330 {strides = array<i32>} : memref<128x128xf32, #tpu.memory_space<vmem>>, vector<1x16xf32>,
        %mul3A_331 = arith.mulf %parallel_loop3A_275#7, %min3A_288 : vector<16xf32>
        %swap3A_332 = arith.index_cast %while3A_247 : i32 to index
        %swap3A_333 = arith.constant 112 : index
        %swap3A_334 = tpu.vector_load %arg8[%swap3A_332, %swap3A_333] {strides = array<i32>} : memref<128x128xf32, #tpu.memory_space<vmem>>, vector<1x16xf32>,
        %swap3A_335 = vector.shape_cast %swap3A_334 : vector<1x16xf32> to vector<16xf32>
        %swap3A_336 = vector.shape_cast %mul3A_331 : vector<16xf32> to vector<1x16xf32>
        tpu.vector_store %arg8[%swap3A_332, %swap3A_333], %swap3A_336 {strides = array<i32>} : memref<128x128xf32, #tpu.memory_space<vmem>>, vector<1x16xf32>,
        %add3A_337 = arith.constant 1 : i32
        %add3A_338 = arith.addi %while3A_247, %add3A_337 : i32
        %while3A_339 = arith.constant 0 : i32
        scf.yield %add3A_338, %while3A_339, %broadcast_in_dim3A_48, %broadcast_in_dim3A_48, %broadcast_in_dim3A_48, %broadcast_in_dim3A_48, %broadcast_in_dim3A_50, %broadcast_in_dim3A_50, %broadcast_in_dim3A_50, %broadcast_in_dim3A_50 : i32, i32, vector<16xf32>, vector<16xf32>, vector<16xf32>, vector<16xf32>, vector<16xf32>, vector<16xf32>, vector<16xf32>, vector<16xf32>
      }
      %min3A_232 = arith.constant 128 : i32
      %min3A_233 = arith.minsi %while3A_231#0, %min3A_232 : i32
      %get3A_234 = arith.index_cast %min3A_233 : i32 to index
      %get3A_235 = tpu.vector_load %arg9[%get3A_234] {strides = array<i32>} : memref<160xi32, #tpu.memory_space<vmem>>, vector<16xi32>,
      %get3A_236 = vector.shape_cast %get3A_235 : vector<16xi32> to vector<16xi32>
      %slice3A_237 = vector.extract_strided_slice %get3A_236 {offsets = [0], sizes = [1], strides = [1]} : vector<16xi32> to vector<1xi32>
      %squeeze3A_238 = vector.extract %slice3A_237[0] : i32 from vector<1xi32>
      %max3A_239 = arith.maxsi %squeeze3A_238, %max3A_109 : i32
      %ge3A = arith.constant 128 : i32
      %ge3A_240 = arith.cmpi sge, %while3A_231#0, %ge3A : i32
      %select_n3A_241 = arith.select %ge3A_240, %max3A_239, %min3A_115 : i32
      %max3A_242 = arith.maxsi %select_n3A_241, %max3A_239 : i32
      %parallel_loop3A = arith.constant 1 : i32
      %parallel_loop3A_243:8 = scf.for %parallel_loop3A_246 = %max3A_239 to %max3A_242 step %parallel_loop3A iter_args(%parallel_loop3A_247 = %while3A_231#2, %parallel_loop3A_248 = %while3A_231#3, %parallel_loop3A_249 = %while3A_231#4, %parallel_loop3A_250 = %while3A_231#5, %parallel_loop3A_251 = %while3A_231#6, %parallel_loop3A_252 = %while3A_231#7, %parallel_loop3A_253 = %while3A_231#8, %parallel_loop3A_254 = %while3A_231#9) -> (vector<16xf32>, vector<16xf32>, vector<16xf32>, vector<16xf32>, vector<16xf32>, vector<16xf32>, vector<16xf32>, vector<16xf32>)  : i32 {
        %parallel_loop3A_255 = arith.subi %parallel_loop3A_246, %multiple_of3A_101 : i32
        %parallel_loop3A_256 = arith.constant 3 : i32
        %parallel_loop3A_257 = arith.shrui %parallel_loop3A_255, %parallel_loop3A_256 : i32
        %parallel_loop3A_258 = arith.addi %mul3A_105, %parallel_loop3A_257 : i32
        %parallel_loop3A_259 = arith.constant 7 : i32
        %parallel_loop3A_260 = arith.andi %parallel_loop3A_255, %parallel_loop3A_259 : i32
        %parallel_loop3A_261 = arith.index_cast %parallel_loop3A_258 : i32 to index
        %parallel_loop3A_262 = arith.index_cast %parallel_loop3A_260 : i32 to index
        %parallel_loop3A_263 = arith.constant 0 : index
        %parallel_loop3A_264 = tpu.vector_load %arg7[%parallel_loop3A_261, %parallel_loop3A_262, %parallel_loop3A_263] {strides = array<i32>} : memref<32x8x64xf32, #tpu.memory_space<vmem>>, vector<1x1x16xf32>,
        %parallel_loop3A_265 = vector.shape_cast %parallel_loop3A_264 : vector<1x1x16xf32> to vector<16xf32>
        %parallel_loop3A_266 = arith.index_cast %parallel_loop3A_258 : i32 to index
        %parallel_loop3A_267 = arith.index_cast %parallel_loop3A_260 : i32 to index
        %parallel_loop3A_268 = arith.constant 16 : index
        %parallel_loop3A_269 = tpu.vector_load %arg7[%parallel_loop3A_266, %parallel_loop3A_267, %parallel_loop3A_268] {strides = array<i32>} : memref<32x8x64xf32, #tpu.memory_space<vmem>>, vector<1x1x16xf32>,
        %parallel_loop3A_270 = vector.shape_cast %parallel_loop3A_269 : vector<1x1x16xf32> to vector<16xf32>
        %parallel_loop3A_271 = arith.index_cast %parallel_loop3A_258 : i32 to index
        %parallel_loop3A_272 = arith.index_cast %parallel_loop3A_260 : i32 to index
        %parallel_loop3A_273 = arith.constant 32 : index
        %parallel_loop3A_274 = tpu.vector_load %arg7[%parallel_loop3A_271, %parallel_loop3A_272, %parallel_loop3A_273] {strides = array<i32>} : memref<32x8x64xf32, #tpu.memory_space<vmem>>, vector<1x1x16xf32>,
        %parallel_loop3A_275 = vector.shape_cast %parallel_loop3A_274 : vector<1x1x16xf32> to vector<16xf32>
        %parallel_loop3A_276 = arith.index_cast %parallel_loop3A_258 : i32 to index
        %parallel_loop3A_277 = arith.index_cast %parallel_loop3A_260 : i32 to index
        %parallel_loop3A_278 = arith.constant 48 : index
        %parallel_loop3A_279 = tpu.vector_load %arg7[%parallel_loop3A_276, %parallel_loop3A_277, %parallel_loop3A_278] {strides = array<i32>} : memref<32x8x64xf32, #tpu.memory_space<vmem>>, vector<1x1x16xf32>,
        %parallel_loop3A_280 = vector.shape_cast %parallel_loop3A_279 : vector<1x1x16xf32> to vector<16xf32>
        %parallel_loop3A_281 = arith.addf %parallel_loop3A_247, %parallel_loop3A_265 : vector<16xf32>
        %parallel_loop3A_282 = arith.addf %parallel_loop3A_248, %parallel_loop3A_270 : vector<16xf32>
        %parallel_loop3A_283 = arith.addf %parallel_loop3A_249, %parallel_loop3A_275 : vector<16xf32>
        %parallel_loop3A_284 = arith.addf %parallel_loop3A_250, %parallel_loop3A_280 : vector<16xf32>
        %parallel_loop3A_285 = arith.maximumf %parallel_loop3A_251, %parallel_loop3A_265 : vector<16xf32>
        %parallel_loop3A_286 = arith.maximumf %parallel_loop3A_252, %parallel_loop3A_270 : vector<16xf32>
        %parallel_loop3A_287 = arith.maximumf %parallel_loop3A_253, %parallel_loop3A_275 : vector<16xf32>
        %parallel_loop3A_288 = arith.maximumf %parallel_loop3A_254, %parallel_loop3A_280 : vector<16xf32>
        scf.yield %parallel_loop3A_281, %parallel_loop3A_282, %parallel_loop3A_283, %parallel_loop3A_284, %parallel_loop3A_285, %parallel_loop3A_286, %parallel_loop3A_287, %parallel_loop3A_288 : vector<16xf32>, vector<16xf32>, vector<16xf32>, vector<16xf32>, vector<16xf32>, vector<16xf32>, vector<16xf32>, vector<16xf32>
      } {sc.loop_unroll_factor = 2 : i64, sc.parallel_access}
      %sub3A_244 = arith.subi %max3A_242, %max3A_239 : i32
      %add3A_245 = arith.addi %while3A_231#1, %sub3A_244 : i32
      scf.yield %while3A_231#0, %add3A_245, %parallel_loop3A_243#0, %parallel_loop3A_243#1, %parallel_loop3A_243#2, %parallel_loop3A_243#3, %parallel_loop3A_243#4, %parallel_loop3A_243#5, %parallel_loop3A_243#6, %parallel_loop3A_243#7 : i32, i32, vector<16xf32>, vector<16xf32>, vector<16xf32>, vector<16xf32>, vector<16xf32>, vector<16xf32>, vector<16xf32>, vector<16xf32>
    }
    %while3A_63 = arith.constant 1 : i32
    %while3A_64:10 = scf.for %while3A_65 = %while3A_60 to %while3A_56 step %while3A_63 iter_args(%while3A_66 = %while3A_62#0, %while3A_67 = %while3A_62#1, %while3A_68 = %while3A_62#2, %while3A_69 = %while3A_62#3, %while3A_70 = %while3A_62#4, %while3A_71 = %while3A_62#5, %while3A_72 = %while3A_62#6, %while3A_73 = %while3A_62#7, %while3A_74 = %while3A_62#8, %while3A_75 = %while3A_62#9) -> (i32, i32, vector<16xf32>, vector<16xf32>, vector<16xf32>, vector<16xf32>, vector<16xf32>, vector<16xf32>, vector<16xf32>, vector<16xf32>)  : i32 {
      %lt3A_76 = arith.cmpi slt, %while3A_65, %max3A_46 : i32
      %convert_element_type3A_77 = arith.extui %lt3A_76 : i1 to i32
      %cond3A_78 = arith.constant 0 : i32
      %cond3A_79 = arith.cmpi ne, %convert_element_type3A_77, %cond3A_78 : i32
      scf.if %cond3A_79 {
        %rem3A_246 = arith.constant 2 : i32
        %rem3A_247 = arith.remsi %while3A_65, %rem3A_246 : i32
        %eq3A_248 = arith.constant 0 : i32
        %eq3A_249 = arith.cmpi eq, %rem3A_247, %eq3A_248 : i32
        %convert_element_type3A_250 = arith.extui %eq3A_249 : i1 to i32
        %cond3A_251 = arith.constant 0 : i32
        %cond3A_252 = arith.cmpi ne, %convert_element_type3A_250, %cond3A_251 : i32
        scf.if %cond3A_252 {
          %mul3A_260 = arith.constant 128 : i32
          %mul3A_261 = arith.muli %while3A_65, %mul3A_260 : i32
          %add3A_262 = arith.addi %multiple_of3A_38, %mul3A_261 : i32
          %min3A_263 = arith.constant 204672 : i32
          %min3A_264 = arith.minsi %add3A_262, %min3A_263 : i32
          %multiple_of3A_265 = tpu.assume_multiple %min3A_264, 8 : i32
          %rem3A_266 = arith.constant 2 : i32
          %rem3A_267 = arith.remsi %while3A_65, %rem3A_266 : i32
          %mul3A_268 = arith.constant 128 : i32
          %mul3A_269 = arith.muli %rem3A_267, %mul3A_268 : i32
          %multiple_of3A_270 = tpu.assume_multiple %mul3A_269, 128 : i32
          %mul3A_271 = arith.constant 16 : i32
          %mul3A_272 = arith.muli %rem3A_267, %mul3A_271 : i32
          "tpu.region"() ({
            %run_scoped3A = tpu.sem_alloc : memref<!tpu.dma_semaphore, #tpu.memory_space<semaphore_mem>>
            %dma_start3A = tpu.memref_slice %arg6[%multiple_of3A_270] : memref<256xi32, #tpu.memory_space<vmem>> -> memref<128xi32, #tpu.memory_space<vmem>>
            %dma_start3A_276 = tpu.memref_slice %arg2[%multiple_of3A_265] : memref<204800xi32, #tpu.memory_space<hbm>> -> memref<128xi32, #tpu.memory_space<hbm>>
            %dma_start3A_277 = tpu.memref_slice %arg6[%multiple_of3A_270] : memref<256xi32, #tpu.memory_space<vmem>> -> memref<128xi32, #tpu.memory_space<vmem>>
            %dma_start3A_278 = tpu.memref_slice %arg2[%multiple_of3A_265] : memref<204800xi32, #tpu.memory_space<hbm>> -> memref<128xi32, #tpu.memory_space<hbm>>
            tpu.enqueue_dma source(%dma_start3A_278 : memref<128xi32, #tpu.memory_space<hbm>>) target(%dma_start3A_277 : memref<128xi32, #tpu.memory_space<vmem>>) target_semaphore(%run_scoped3A : memref<!tpu.dma_semaphore, #tpu.memory_space<semaphore_mem>>)
            %dma_wait3A = tpu.memref_slice %arg6[%multiple_of3A_270] : memref<256xi32, #tpu.memory_space<vmem>> -> memref<128xi32, #tpu.memory_space<vmem>>
            %dma_wait3A_279 = tpu.memref_slice %arg2[%multiple_of3A_265] : memref<204800xi32, #tpu.memory_space<hbm>> -> memref<128xi32, #tpu.memory_space<hbm>>
            %dma_wait3A_280 = tpu.memref_slice %arg6[%multiple_of3A_270] : memref<256xi32, #tpu.memory_space<vmem>> -> memref<128xi32, #tpu.memory_space<vmem>>
            %dma_wait3A_281 = tpu.memref_slice %arg2[%multiple_of3A_265] : memref<204800xi32, #tpu.memory_space<hbm>> -> memref<128xi32, #tpu.memory_space<hbm>>
            tpu.wait_dma2 semaphore(%run_scoped3A : memref<!tpu.dma_semaphore, #tpu.memory_space<semaphore_mem>>) src(%dma_wait3A_281 : memref<128xi32, #tpu.memory_space<hbm>>) dst(%dma_wait3A_280 : memref<128xi32, #tpu.memory_space<vmem>>)
            tpu.yield
          }) : () -> ()
          %parallel_loop3A_273 = arith.constant 0 : i32
          %parallel_loop3A_274 = arith.constant 8 : i32
          %parallel_loop3A_275 = arith.constant 1 : i32
          scf.for %parallel_loop3A_276 = %parallel_loop3A_273 to %parallel_loop3A_274 step %parallel_loop3A_275  : i32 {
            %parallel_loop3A_277 = arith.constant 16 : i32
            %parallel_loop3A_278 = arith.muli %parallel_loop3A_276, %parallel_loop3A_277 : i32
            %parallel_loop3A_279 = arith.addi %multiple_of3A_270, %parallel_loop3A_278 : i32
            %parallel_loop3A_280 = arith.index_cast %parallel_loop3A_279 : i32 to index
            %parallel_loop3A_281 = tpu.vector_load %arg6[%parallel_loop3A_280] {strides = array<i32>} : memref<256xi32, #tpu.memory_space<vmem>>, vector<16xi32>,
            %parallel_loop3A_282 = vector.shape_cast %parallel_loop3A_281 : vector<16xi32> to vector<16xi32>
            %parallel_loop3A_283 = vector.extract_strided_slice %parallel_loop3A_282 {offsets = [0], sizes = [1], strides = [1]} : vector<16xi32> to vector<1xi32>
            %parallel_loop3A_284 = vector.extract %parallel_loop3A_283[0] : i32 from vector<1xi32>
            %parallel_loop3A_285 = arith.constant 3 : i32
            %parallel_loop3A_286 = arith.shrui %parallel_loop3A_284, %parallel_loop3A_285 : i32
            %parallel_loop3A_287 = arith.constant 7 : i32
            %parallel_loop3A_288 = arith.andi %parallel_loop3A_284, %parallel_loop3A_287 : i32
            %parallel_loop3A_289 = arith.constant 2 : i32
            %parallel_loop3A_290 = arith.muli %parallel_loop3A_289, %parallel_loop3A_276 : i32
            %parallel_loop3A_291 = arith.addi %mul3A_272, %parallel_loop3A_290 : i32
            %parallel_loop3A_292 = arith.constant 0 : i32
            %parallel_loop3A_293 = arith.addi %parallel_loop3A_291, %parallel_loop3A_292 : i32
            %parallel_loop3A_294 = arith.constant 0 : i32
            %parallel_loop3A_295 = arith.constant 0 : i32
            %parallel_loop3A_296 = tpu.memref_slice %arg7[%parallel_loop3A_293, %parallel_loop3A_294, %parallel_loop3A_295] : memref<32x8x64xf32, #tpu.memory_space<vmem>> -> memref<1x1x64xf32, #tpu.memory_space<vmem>>
            %parallel_loop3A_297 = tpu.memref_squeeze %parallel_loop3A_296 : memref<1x1x64xf32, #tpu.memory_space<vmem>> -> memref<64xf32, #tpu.memory_space<vmem>>
            %parallel_loop3A_298 = arith.constant 0 : i32
            %parallel_loop3A_299 = tpu.memref_slice %arg4[%parallel_loop3A_286, %parallel_loop3A_288, %parallel_loop3A_298] : memref<125000x8x64xf32, #tpu.memory_space<hbm>> -> memref<1x1x64xf32, #tpu.memory_space<hbm>>
            %parallel_loop3A_300 = tpu.memref_squeeze %parallel_loop3A_299 : memref<1x1x64xf32, #tpu.memory_space<hbm>> -> memref<64xf32, #tpu.memory_space<hbm>>
            %parallel_loop3A_301 = arith.constant 0 : i32
            %parallel_loop3A_302 = tpu.memref_slice %arg7[%parallel_loop3A_293, %parallel_loop3A_294, %parallel_loop3A_301] : memref<32x8x64xf32, #tpu.memory_space<vmem>> -> memref<1x1x64xf32, #tpu.memory_space<vmem>>
            %parallel_loop3A_303 = tpu.memref_squeeze %parallel_loop3A_302 : memref<1x1x64xf32, #tpu.memory_space<vmem>> -> memref<64xf32, #tpu.memory_space<vmem>>
            %parallel_loop3A_304 = arith.constant 0 : i32
            %parallel_loop3A_305 = tpu.memref_slice %arg4[%parallel_loop3A_286, %parallel_loop3A_288, %parallel_loop3A_304] : memref<125000x8x64xf32, #tpu.memory_space<hbm>> -> memref<1x1x64xf32, #tpu.memory_space<hbm>>
            %parallel_loop3A_306 = tpu.memref_squeeze %parallel_loop3A_305 : memref<1x1x64xf32, #tpu.memory_space<hbm>> -> memref<64xf32, #tpu.memory_space<hbm>>
            tpu.enqueue_dma source(%parallel_loop3A_306 : memref<64xf32, #tpu.memory_space<hbm>>) target(%parallel_loop3A_303 : memref<64xf32, #tpu.memory_space<vmem>>) target_semaphore(%arg11 : memref<!tpu.dma_semaphore, #tpu.memory_space<semaphore_mem>>)
            %parallel_loop3A_307 = vector.extract_strided_slice %parallel_loop3A_282 {offsets = [1], sizes = [1], strides = [1]} : vector<16xi32> to vector<1xi32>
            %parallel_loop3A_308 = vector.extract %parallel_loop3A_307[0] : i32 from vector<1xi32>
            %parallel_loop3A_309 = arith.constant 3 : i32
            %parallel_loop3A_310 = arith.shrui %parallel_loop3A_308, %parallel_loop3A_309 : i32
            %parallel_loop3A_311 = arith.constant 7 : i32
            %parallel_loop3A_312 = arith.andi %parallel_loop3A_308, %parallel_loop3A_311 : i32
            %parallel_loop3A_313 = arith.constant 2 : i32
            %parallel_loop3A_314 = arith.muli %parallel_loop3A_313, %parallel_loop3A_276 : i32
            %parallel_loop3A_315 = arith.addi %mul3A_272, %parallel_loop3A_314 : i32
            %parallel_loop3A_316 = arith.constant 0 : i32
            %parallel_loop3A_317 = arith.addi %parallel_loop3A_315, %parallel_loop3A_316 : i32
            %parallel_loop3A_318 = arith.constant 1 : i32
            %parallel_loop3A_319 = arith.constant 0 : i32
            %parallel_loop3A_320 = tpu.memref_slice %arg7[%parallel_loop3A_317, %parallel_loop3A_318, %parallel_loop3A_319] : memref<32x8x64xf32, #tpu.memory_space<vmem>> -> memref<1x1x64xf32, #tpu.memory_space<vmem>>
            %parallel_loop3A_321 = tpu.memref_squeeze %parallel_loop3A_320 : memref<1x1x64xf32, #tpu.memory_space<vmem>> -> memref<64xf32, #tpu.memory_space<vmem>>
            %parallel_loop3A_322 = arith.constant 0 : i32
            %parallel_loop3A_323 = tpu.memref_slice %arg4[%parallel_loop3A_310, %parallel_loop3A_312, %parallel_loop3A_322] : memref<125000x8x64xf32, #tpu.memory_space<hbm>> -> memref<1x1x64xf32, #tpu.memory_space<hbm>>
            %parallel_loop3A_324 = tpu.memref_squeeze %parallel_loop3A_323 : memref<1x1x64xf32, #tpu.memory_space<hbm>> -> memref<64xf32, #tpu.memory_space<hbm>>
            %parallel_loop3A_325 = arith.constant 0 : i32
            %parallel_loop3A_326 = tpu.memref_slice %arg7[%parallel_loop3A_317, %parallel_loop3A_318, %parallel_loop3A_325] : memref<32x8x64xf32, #tpu.memory_space<vmem>> -> memref<1x1x64xf32, #tpu.memory_space<vmem>>
            %parallel_loop3A_327 = tpu.memref_squeeze %parallel_loop3A_326 : memref<1x1x64xf32, #tpu.memory_space<vmem>> -> memref<64xf32, #tpu.memory_space<vmem>>
            %parallel_loop3A_328 = arith.constant 0 : i32
            %parallel_loop3A_329 = tpu.memref_slice %arg4[%parallel_loop3A_310, %parallel_loop3A_312, %parallel_loop3A_328] : memref<125000x8x64xf32, #tpu.memory_space<hbm>> -> memref<1x1x64xf32, #tpu.memory_space<hbm>>
            %parallel_loop3A_330 = tpu.memref_squeeze %parallel_loop3A_329 : memref<1x1x64xf32, #tpu.memory_space<hbm>> -> memref<64xf32, #tpu.memory_space<hbm>>
            tpu.enqueue_dma source(%parallel_loop3A_330 : memref<64xf32, #tpu.memory_space<hbm>>) target(%parallel_loop3A_327 : memref<64xf32, #tpu.memory_space<vmem>>) target_semaphore(%arg11 : memref<!tpu.dma_semaphore, #tpu.memory_space<semaphore_mem>>)
            %parallel_loop3A_331 = vector.extract_strided_slice %parallel_loop3A_282 {offsets = [2], sizes = [1], strides = [1]} : vector<16xi32> to vector<1xi32>
            %parallel_loop3A_332 = vector.extract %parallel_loop3A_331[0] : i32 from vector<1xi32>
            %parallel_loop3A_333 = arith.constant 3 : i32
            %parallel_loop3A_334 = arith.shrui %parallel_loop3A_332, %parallel_loop3A_333 : i32
            %parallel_loop3A_335 = arith.constant 7 : i32
            %parallel_loop3A_336 = arith.andi %parallel_loop3A_332, %parallel_loop3A_335 : i32
            %parallel_loop3A_337 = arith.constant 2 : i32
            %parallel_loop3A_338 = arith.muli %parallel_loop3A_337, %parallel_loop3A_276 : i32
            %parallel_loop3A_339 = arith.addi %mul3A_272, %parallel_loop3A_338 : i32
            %parallel_loop3A_340 = arith.constant 0 : i32
            %parallel_loop3A_341 = arith.addi %parallel_loop3A_339, %parallel_loop3A_340 : i32
            %parallel_loop3A_342 = arith.constant 2 : i32
            %parallel_loop3A_343 = arith.constant 0 : i32
            %parallel_loop3A_344 = tpu.memref_slice %arg7[%parallel_loop3A_341, %parallel_loop3A_342, %parallel_loop3A_343] : memref<32x8x64xf32, #tpu.memory_space<vmem>> -> memref<1x1x64xf32, #tpu.memory_space<vmem>>
            %parallel_loop3A_345 = tpu.memref_squeeze %parallel_loop3A_344 : memref<1x1x64xf32, #tpu.memory_space<vmem>> -> memref<64xf32, #tpu.memory_space<vmem>>
            %parallel_loop3A_346 = arith.constant 0 : i32
            %parallel_loop3A_347 = tpu.memref_slice %arg4[%parallel_loop3A_334, %parallel_loop3A_336, %parallel_loop3A_346] : memref<125000x8x64xf32, #tpu.memory_space<hbm>> -> memref<1x1x64xf32, #tpu.memory_space<hbm>>
            %parallel_loop3A_348 = tpu.memref_squeeze %parallel_loop3A_347 : memref<1x1x64xf32, #tpu.memory_space<hbm>> -> memref<64xf32, #tpu.memory_space<hbm>>
            %parallel_loop3A_349 = arith.constant 0 : i32
            %parallel_loop3A_350 = tpu.memref_slice %arg7[%parallel_loop3A_341, %parallel_loop3A_342, %parallel_loop3A_349] : memref<32x8x64xf32, #tpu.memory_space<vmem>> -> memref<1x1x64xf32, #tpu.memory_space<vmem>>
            %parallel_loop3A_351 = tpu.memref_squeeze %parallel_loop3A_350 : memref<1x1x64xf32, #tpu.memory_space<vmem>> -> memref<64xf32, #tpu.memory_space<vmem>>
            %parallel_loop3A_352 = arith.constant 0 : i32
            %parallel_loop3A_353 = tpu.memref_slice %arg4[%parallel_loop3A_334, %parallel_loop3A_336, %parallel_loop3A_352] : memref<125000x8x64xf32, #tpu.memory_space<hbm>> -> memref<1x1x64xf32, #tpu.memory_space<hbm>>
            %parallel_loop3A_354 = tpu.memref_squeeze %parallel_loop3A_353 : memref<1x1x64xf32, #tpu.memory_space<hbm>> -> memref<64xf32, #tpu.memory_space<hbm>>
            tpu.enqueue_dma source(%parallel_loop3A_354 : memref<64xf32, #tpu.memory_space<hbm>>) target(%parallel_loop3A_351 : memref<64xf32, #tpu.memory_space<vmem>>) target_semaphore(%arg11 : memref<!tpu.dma_semaphore, #tpu.memory_space<semaphore_mem>>)
            %parallel_loop3A_355 = vector.extract_strided_slice %parallel_loop3A_282 {offsets = [3], sizes = [1], strides = [1]} : vector<16xi32> to vector<1xi32>
            %parallel_loop3A_356 = vector.extract %parallel_loop3A_355[0] : i32 from vector<1xi32>
            %parallel_loop3A_357 = arith.constant 3 : i32
            %parallel_loop3A_358 = arith.shrui %parallel_loop3A_356, %parallel_loop3A_357 : i32
            %parallel_loop3A_359 = arith.constant 7 : i32
            %parallel_loop3A_360 = arith.andi %parallel_loop3A_356, %parallel_loop3A_359 : i32
            %parallel_loop3A_361 = arith.constant 2 : i32
            %parallel_loop3A_362 = arith.muli %parallel_loop3A_361, %parallel_loop3A_276 : i32
            %parallel_loop3A_363 = arith.addi %mul3A_272, %parallel_loop3A_362 : i32
            %parallel_loop3A_364 = arith.constant 0 : i32
            %parallel_loop3A_365 = arith.addi %parallel_loop3A_363, %parallel_loop3A_364 : i32
            %parallel_loop3A_366 = arith.constant 3 : i32
            %parallel_loop3A_367 = arith.constant 0 : i32
            %parallel_loop3A_368 = tpu.memref_slice %arg7[%parallel_loop3A_365, %parallel_loop3A_366, %parallel_loop3A_367] : memref<32x8x64xf32, #tpu.memory_space<vmem>> -> memref<1x1x64xf32, #tpu.memory_space<vmem>>
            %parallel_loop3A_369 = tpu.memref_squeeze %parallel_loop3A_368 : memref<1x1x64xf32, #tpu.memory_space<vmem>> -> memref<64xf32, #tpu.memory_space<vmem>>
            %parallel_loop3A_370 = arith.constant 0 : i32
            %parallel_loop3A_371 = tpu.memref_slice %arg4[%parallel_loop3A_358, %parallel_loop3A_360, %parallel_loop3A_370] : memref<125000x8x64xf32, #tpu.memory_space<hbm>> -> memref<1x1x64xf32, #tpu.memory_space<hbm>>
            %parallel_loop3A_372 = tpu.memref_squeeze %parallel_loop3A_371 : memref<1x1x64xf32, #tpu.memory_space<hbm>> -> memref<64xf32, #tpu.memory_space<hbm>>
            %parallel_loop3A_373 = arith.constant 0 : i32
            %parallel_loop3A_374 = tpu.memref_slice %arg7[%parallel_loop3A_365, %parallel_loop3A_366, %parallel_loop3A_373] : memref<32x8x64xf32, #tpu.memory_space<vmem>> -> memref<1x1x64xf32, #tpu.memory_space<vmem>>
            %parallel_loop3A_375 = tpu.memref_squeeze %parallel_loop3A_374 : memref<1x1x64xf32, #tpu.memory_space<vmem>> -> memref<64xf32, #tpu.memory_space<vmem>>
            %parallel_loop3A_376 = arith.constant 0 : i32
            %parallel_loop3A_377 = tpu.memref_slice %arg4[%parallel_loop3A_358, %parallel_loop3A_360, %parallel_loop3A_376] : memref<125000x8x64xf32, #tpu.memory_space<hbm>> -> memref<1x1x64xf32, #tpu.memory_space<hbm>>
            %parallel_loop3A_378 = tpu.memref_squeeze %parallel_loop3A_377 : memref<1x1x64xf32, #tpu.memory_space<hbm>> -> memref<64xf32, #tpu.memory_space<hbm>>
            tpu.enqueue_dma source(%parallel_loop3A_378 : memref<64xf32, #tpu.memory_space<hbm>>) target(%parallel_loop3A_375 : memref<64xf32, #tpu.memory_space<vmem>>) target_semaphore(%arg11 : memref<!tpu.dma_semaphore, #tpu.memory_space<semaphore_mem>>)
            %parallel_loop3A_379 = vector.extract_strided_slice %parallel_loop3A_282 {offsets = [4], sizes = [1], strides = [1]} : vector<16xi32> to vector<1xi32>
            %parallel_loop3A_380 = vector.extract %parallel_loop3A_379[0] : i32 from vector<1xi32>
            %parallel_loop3A_381 = arith.constant 3 : i32
            %parallel_loop3A_382 = arith.shrui %parallel_loop3A_380, %parallel_loop3A_381 : i32
            %parallel_loop3A_383 = arith.constant 7 : i32
            %parallel_loop3A_384 = arith.andi %parallel_loop3A_380, %parallel_loop3A_383 : i32
            %parallel_loop3A_385 = arith.constant 2 : i32
            %parallel_loop3A_386 = arith.muli %parallel_loop3A_385, %parallel_loop3A_276 : i32
            %parallel_loop3A_387 = arith.addi %mul3A_272, %parallel_loop3A_386 : i32
            %parallel_loop3A_388 = arith.constant 0 : i32
            %parallel_loop3A_389 = arith.addi %parallel_loop3A_387, %parallel_loop3A_388 : i32
            %parallel_loop3A_390 = arith.constant 4 : i32
            %parallel_loop3A_391 = arith.constant 0 : i32
            %parallel_loop3A_392 = tpu.memref_slice %arg7[%parallel_loop3A_389, %parallel_loop3A_390, %parallel_loop3A_391] : memref<32x8x64xf32, #tpu.memory_space<vmem>> -> memref<1x1x64xf32, #tpu.memory_space<vmem>>
            %parallel_loop3A_393 = tpu.memref_squeeze %parallel_loop3A_392 : memref<1x1x64xf32, #tpu.memory_space<vmem>> -> memref<64xf32, #tpu.memory_space<vmem>>
            %parallel_loop3A_394 = arith.constant 0 : i32
            %parallel_loop3A_395 = tpu.memref_slice %arg4[%parallel_loop3A_382, %parallel_loop3A_384, %parallel_loop3A_394] : memref<125000x8x64xf32, #tpu.memory_space<hbm>> -> memref<1x1x64xf32, #tpu.memory_space<hbm>>
            %parallel_loop3A_396 = tpu.memref_squeeze %parallel_loop3A_395 : memref<1x1x64xf32, #tpu.memory_space<hbm>> -> memref<64xf32, #tpu.memory_space<hbm>>
            %parallel_loop3A_397 = arith.constant 0 : i32
            %parallel_loop3A_398 = tpu.memref_slice %arg7[%parallel_loop3A_389, %parallel_loop3A_390, %parallel_loop3A_397] : memref<32x8x64xf32, #tpu.memory_space<vmem>> -> memref<1x1x64xf32, #tpu.memory_space<vmem>>
            %parallel_loop3A_399 = tpu.memref_squeeze %parallel_loop3A_398 : memref<1x1x64xf32, #tpu.memory_space<vmem>> -> memref<64xf32, #tpu.memory_space<vmem>>
            %parallel_loop3A_400 = arith.constant 0 : i32
            %parallel_loop3A_401 = tpu.memref_slice %arg4[%parallel_loop3A_382, %parallel_loop3A_384, %parallel_loop3A_400] : memref<125000x8x64xf32, #tpu.memory_space<hbm>> -> memref<1x1x64xf32, #tpu.memory_space<hbm>>
            %parallel_loop3A_402 = tpu.memref_squeeze %parallel_loop3A_401 : memref<1x1x64xf32, #tpu.memory_space<hbm>> -> memref<64xf32, #tpu.memory_space<hbm>>
            tpu.enqueue_dma source(%parallel_loop3A_402 : memref<64xf32, #tpu.memory_space<hbm>>) target(%parallel_loop3A_399 : memref<64xf32, #tpu.memory_space<vmem>>) target_semaphore(%arg11 : memref<!tpu.dma_semaphore, #tpu.memory_space<semaphore_mem>>)
            %parallel_loop3A_403 = vector.extract_strided_slice %parallel_loop3A_282 {offsets = [5], sizes = [1], strides = [1]} : vector<16xi32> to vector<1xi32>
            %parallel_loop3A_404 = vector.extract %parallel_loop3A_403[0] : i32 from vector<1xi32>
            %parallel_loop3A_405 = arith.constant 3 : i32
            %parallel_loop3A_406 = arith.shrui %parallel_loop3A_404, %parallel_loop3A_405 : i32
            %parallel_loop3A_407 = arith.constant 7 : i32
            %parallel_loop3A_408 = arith.andi %parallel_loop3A_404, %parallel_loop3A_407 : i32
            %parallel_loop3A_409 = arith.constant 2 : i32
            %parallel_loop3A_410 = arith.muli %parallel_loop3A_409, %parallel_loop3A_276 : i32
            %parallel_loop3A_411 = arith.addi %mul3A_272, %parallel_loop3A_410 : i32
            %parallel_loop3A_412 = arith.constant 0 : i32
            %parallel_loop3A_413 = arith.addi %parallel_loop3A_411, %parallel_loop3A_412 : i32
            %parallel_loop3A_414 = arith.constant 5 : i32
            %parallel_loop3A_415 = arith.constant 0 : i32
            %parallel_loop3A_416 = tpu.memref_slice %arg7[%parallel_loop3A_413, %parallel_loop3A_414, %parallel_loop3A_415] : memref<32x8x64xf32, #tpu.memory_space<vmem>> -> memref<1x1x64xf32, #tpu.memory_space<vmem>>
            %parallel_loop3A_417 = tpu.memref_squeeze %parallel_loop3A_416 : memref<1x1x64xf32, #tpu.memory_space<vmem>> -> memref<64xf32, #tpu.memory_space<vmem>>
            %parallel_loop3A_418 = arith.constant 0 : i32
            %parallel_loop3A_419 = tpu.memref_slice %arg4[%parallel_loop3A_406, %parallel_loop3A_408, %parallel_loop3A_418] : memref<125000x8x64xf32, #tpu.memory_space<hbm>> -> memref<1x1x64xf32, #tpu.memory_space<hbm>>
            %parallel_loop3A_420 = tpu.memref_squeeze %parallel_loop3A_419 : memref<1x1x64xf32, #tpu.memory_space<hbm>> -> memref<64xf32, #tpu.memory_space<hbm>>
            %parallel_loop3A_421 = arith.constant 0 : i32
            %parallel_loop3A_422 = tpu.memref_slice %arg7[%parallel_loop3A_413, %parallel_loop3A_414, %parallel_loop3A_421] : memref<32x8x64xf32, #tpu.memory_space<vmem>> -> memref<1x1x64xf32, #tpu.memory_space<vmem>>
            %parallel_loop3A_423 = tpu.memref_squeeze %parallel_loop3A_422 : memref<1x1x64xf32, #tpu.memory_space<vmem>> -> memref<64xf32, #tpu.memory_space<vmem>>
            %parallel_loop3A_424 = arith.constant 0 : i32
            %parallel_loop3A_425 = tpu.memref_slice %arg4[%parallel_loop3A_406, %parallel_loop3A_408, %parallel_loop3A_424] : memref<125000x8x64xf32, #tpu.memory_space<hbm>> -> memref<1x1x64xf32, #tpu.memory_space<hbm>>
            %parallel_loop3A_426 = tpu.memref_squeeze %parallel_loop3A_425 : memref<1x1x64xf32, #tpu.memory_space<hbm>> -> memref<64xf32, #tpu.memory_space<hbm>>
            tpu.enqueue_dma source(%parallel_loop3A_426 : memref<64xf32, #tpu.memory_space<hbm>>) target(%parallel_loop3A_423 : memref<64xf32, #tpu.memory_space<vmem>>) target_semaphore(%arg11 : memref<!tpu.dma_semaphore, #tpu.memory_space<semaphore_mem>>)
            %parallel_loop3A_427 = vector.extract_strided_slice %parallel_loop3A_282 {offsets = [6], sizes = [1], strides = [1]} : vector<16xi32> to vector<1xi32>
            %parallel_loop3A_428 = vector.extract %parallel_loop3A_427[0] : i32 from vector<1xi32>
            %parallel_loop3A_429 = arith.constant 3 : i32
            %parallel_loop3A_430 = arith.shrui %parallel_loop3A_428, %parallel_loop3A_429 : i32
            %parallel_loop3A_431 = arith.constant 7 : i32
            %parallel_loop3A_432 = arith.andi %parallel_loop3A_428, %parallel_loop3A_431 : i32
            %parallel_loop3A_433 = arith.constant 2 : i32
            %parallel_loop3A_434 = arith.muli %parallel_loop3A_433, %parallel_loop3A_276 : i32
            %parallel_loop3A_435 = arith.addi %mul3A_272, %parallel_loop3A_434 : i32
            %parallel_loop3A_436 = arith.constant 0 : i32
            %parallel_loop3A_437 = arith.addi %parallel_loop3A_435, %parallel_loop3A_436 : i32
            %parallel_loop3A_438 = arith.constant 6 : i32
            %parallel_loop3A_439 = arith.constant 0 : i32
            %parallel_loop3A_440 = tpu.memref_slice %arg7[%parallel_loop3A_437, %parallel_loop3A_438, %parallel_loop3A_439] : memref<32x8x64xf32, #tpu.memory_space<vmem>> -> memref<1x1x64xf32, #tpu.memory_space<vmem>>
            %parallel_loop3A_441 = tpu.memref_squeeze %parallel_loop3A_440 : memref<1x1x64xf32, #tpu.memory_space<vmem>> -> memref<64xf32, #tpu.memory_space<vmem>>
            %parallel_loop3A_442 = arith.constant 0 : i32
            %parallel_loop3A_443 = tpu.memref_slice %arg4[%parallel_loop3A_430, %parallel_loop3A_432, %parallel_loop3A_442] : memref<125000x8x64xf32, #tpu.memory_space<hbm>> -> memref<1x1x64xf32, #tpu.memory_space<hbm>>
            %parallel_loop3A_444 = tpu.memref_squeeze %parallel_loop3A_443 : memref<1x1x64xf32, #tpu.memory_space<hbm>> -> memref<64xf32, #tpu.memory_space<hbm>>
            %parallel_loop3A_445 = arith.constant 0 : i32
            %parallel_loop3A_446 = tpu.memref_slice %arg7[%parallel_loop3A_437, %parallel_loop3A_438, %parallel_loop3A_445] : memref<32x8x64xf32, #tpu.memory_space<vmem>> -> memref<1x1x64xf32, #tpu.memory_space<vmem>>
            %parallel_loop3A_447 = tpu.memref_squeeze %parallel_loop3A_446 : memref<1x1x64xf32, #tpu.memory_space<vmem>> -> memref<64xf32, #tpu.memory_space<vmem>>
            %parallel_loop3A_448 = arith.constant 0 : i32
            %parallel_loop3A_449 = tpu.memref_slice %arg4[%parallel_loop3A_430, %parallel_loop3A_432, %parallel_loop3A_448] : memref<125000x8x64xf32, #tpu.memory_space<hbm>> -> memref<1x1x64xf32, #tpu.memory_space<hbm>>
            %parallel_loop3A_450 = tpu.memref_squeeze %parallel_loop3A_449 : memref<1x1x64xf32, #tpu.memory_space<hbm>> -> memref<64xf32, #tpu.memory_space<hbm>>
            tpu.enqueue_dma source(%parallel_loop3A_450 : memref<64xf32, #tpu.memory_space<hbm>>) target(%parallel_loop3A_447 : memref<64xf32, #tpu.memory_space<vmem>>) target_semaphore(%arg11 : memref<!tpu.dma_semaphore, #tpu.memory_space<semaphore_mem>>)
            %parallel_loop3A_451 = vector.extract_strided_slice %parallel_loop3A_282 {offsets = [7], sizes = [1], strides = [1]} : vector<16xi32> to vector<1xi32>
            %parallel_loop3A_452 = vector.extract %parallel_loop3A_451[0] : i32 from vector<1xi32>
            %parallel_loop3A_453 = arith.constant 3 : i32
            %parallel_loop3A_454 = arith.shrui %parallel_loop3A_452, %parallel_loop3A_453 : i32
            %parallel_loop3A_455 = arith.constant 7 : i32
            %parallel_loop3A_456 = arith.andi %parallel_loop3A_452, %parallel_loop3A_455 : i32
            %parallel_loop3A_457 = arith.constant 2 : i32
            %parallel_loop3A_458 = arith.muli %parallel_loop3A_457, %parallel_loop3A_276 : i32
            %parallel_loop3A_459 = arith.addi %mul3A_272, %parallel_loop3A_458 : i32
            %parallel_loop3A_460 = arith.constant 0 : i32
            %parallel_loop3A_461 = arith.addi %parallel_loop3A_459, %parallel_loop3A_460 : i32
            %parallel_loop3A_462 = arith.constant 7 : i32
            %parallel_loop3A_463 = arith.constant 0 : i32
            %parallel_loop3A_464 = tpu.memref_slice %arg7[%parallel_loop3A_461, %parallel_loop3A_462, %parallel_loop3A_463] : memref<32x8x64xf32, #tpu.memory_space<vmem>> -> memref<1x1x64xf32, #tpu.memory_space<vmem>>
            %parallel_loop3A_465 = tpu.memref_squeeze %parallel_loop3A_464 : memref<1x1x64xf32, #tpu.memory_space<vmem>> -> memref<64xf32, #tpu.memory_space<vmem>>
            %parallel_loop3A_466 = arith.constant 0 : i32
            %parallel_loop3A_467 = tpu.memref_slice %arg4[%parallel_loop3A_454, %parallel_loop3A_456, %parallel_loop3A_466] : memref<125000x8x64xf32, #tpu.memory_space<hbm>> -> memref<1x1x64xf32, #tpu.memory_space<hbm>>
            %parallel_loop3A_468 = tpu.memref_squeeze %parallel_loop3A_467 : memref<1x1x64xf32, #tpu.memory_space<hbm>> -> memref<64xf32, #tpu.memory_space<hbm>>
            %parallel_loop3A_469 = arith.constant 0 : i32
            %parallel_loop3A_470 = tpu.memref_slice %arg7[%parallel_loop3A_461, %parallel_loop3A_462, %parallel_loop3A_469] : memref<32x8x64xf32, #tpu.memory_space<vmem>> -> memref<1x1x64xf32, #tpu.memory_space<vmem>>
            %parallel_loop3A_471 = tpu.memref_squeeze %parallel_loop3A_470 : memref<1x1x64xf32, #tpu.memory_space<vmem>> -> memref<64xf32, #tpu.memory_space<vmem>>
            %parallel_loop3A_472 = arith.constant 0 : i32
            %parallel_loop3A_473 = tpu.memref_slice %arg4[%parallel_loop3A_454, %parallel_loop3A_456, %parallel_loop3A_472] : memref<125000x8x64xf32, #tpu.memory_space<hbm>> -> memref<1x1x64xf32, #tpu.memory_space<hbm>>
            %parallel_loop3A_474 = tpu.memref_squeeze %parallel_loop3A_473 : memref<1x1x64xf32, #tpu.memory_space<hbm>> -> memref<64xf32, #tpu.memory_space<hbm>>
            tpu.enqueue_dma source(%parallel_loop3A_474 : memref<64xf32, #tpu.memory_space<hbm>>) target(%parallel_loop3A_471 : memref<64xf32, #tpu.memory_space<vmem>>) target_semaphore(%arg11 : memref<!tpu.dma_semaphore, #tpu.memory_space<semaphore_mem>>)
            %parallel_loop3A_475 = vector.extract_strided_slice %parallel_loop3A_282 {offsets = [8], sizes = [1], strides = [1]} : vector<16xi32> to vector<1xi32>
            %parallel_loop3A_476 = vector.extract %parallel_loop3A_475[0] : i32 from vector<1xi32>
            %parallel_loop3A_477 = arith.constant 3 : i32
            %parallel_loop3A_478 = arith.shrui %parallel_loop3A_476, %parallel_loop3A_477 : i32
            %parallel_loop3A_479 = arith.constant 7 : i32
            %parallel_loop3A_480 = arith.andi %parallel_loop3A_476, %parallel_loop3A_479 : i32
            %parallel_loop3A_481 = arith.constant 2 : i32
            %parallel_loop3A_482 = arith.muli %parallel_loop3A_481, %parallel_loop3A_276 : i32
            %parallel_loop3A_483 = arith.addi %mul3A_272, %parallel_loop3A_482 : i32
            %parallel_loop3A_484 = arith.constant 1 : i32
            %parallel_loop3A_485 = arith.addi %parallel_loop3A_483, %parallel_loop3A_484 : i32
            %parallel_loop3A_486 = arith.constant 0 : i32
            %parallel_loop3A_487 = arith.constant 0 : i32
            %parallel_loop3A_488 = tpu.memref_slice %arg7[%parallel_loop3A_485, %parallel_loop3A_486, %parallel_loop3A_487] : memref<32x8x64xf32, #tpu.memory_space<vmem>> -> memref<1x1x64xf32, #tpu.memory_space<vmem>>
            %parallel_loop3A_489 = tpu.memref_squeeze %parallel_loop3A_488 : memref<1x1x64xf32, #tpu.memory_space<vmem>> -> memref<64xf32, #tpu.memory_space<vmem>>
            %parallel_loop3A_490 = arith.constant 0 : i32
            %parallel_loop3A_491 = tpu.memref_slice %arg4[%parallel_loop3A_478, %parallel_loop3A_480, %parallel_loop3A_490] : memref<125000x8x64xf32, #tpu.memory_space<hbm>> -> memref<1x1x64xf32, #tpu.memory_space<hbm>>
            %parallel_loop3A_492 = tpu.memref_squeeze %parallel_loop3A_491 : memref<1x1x64xf32, #tpu.memory_space<hbm>> -> memref<64xf32, #tpu.memory_space<hbm>>
            %parallel_loop3A_493 = arith.constant 0 : i32
            %parallel_loop3A_494 = tpu.memref_slice %arg7[%parallel_loop3A_485, %parallel_loop3A_486, %parallel_loop3A_493] : memref<32x8x64xf32, #tpu.memory_space<vmem>> -> memref<1x1x64xf32, #tpu.memory_space<vmem>>
            %parallel_loop3A_495 = tpu.memref_squeeze %parallel_loop3A_494 : memref<1x1x64xf32, #tpu.memory_space<vmem>> -> memref<64xf32, #tpu.memory_space<vmem>>
            %parallel_loop3A_496 = arith.constant 0 : i32
            %parallel_loop3A_497 = tpu.memref_slice %arg4[%parallel_loop3A_478, %parallel_loop3A_480, %parallel_loop3A_496] : memref<125000x8x64xf32, #tpu.memory_space<hbm>> -> memref<1x1x64xf32, #tpu.memory_space<hbm>>
            %parallel_loop3A_498 = tpu.memref_squeeze %parallel_loop3A_497 : memref<1x1x64xf32, #tpu.memory_space<hbm>> -> memref<64xf32, #tpu.memory_space<hbm>>
            tpu.enqueue_dma source(%parallel_loop3A_498 : memref<64xf32, #tpu.memory_space<hbm>>) target(%parallel_loop3A_495 : memref<64xf32, #tpu.memory_space<vmem>>) target_semaphore(%arg11 : memref<!tpu.dma_semaphore, #tpu.memory_space<semaphore_mem>>)
            %parallel_loop3A_499 = vector.extract_strided_slice %parallel_loop3A_282 {offsets = [9], sizes = [1], strides = [1]} : vector<16xi32> to vector<1xi32>
            %parallel_loop3A_500 = vector.extract %parallel_loop3A_499[0] : i32 from vector<1xi32>
            %parallel_loop3A_501 = arith.constant 3 : i32
            %parallel_loop3A_502 = arith.shrui %parallel_loop3A_500, %parallel_loop3A_501 : i32
            %parallel_loop3A_503 = arith.constant 7 : i32
            %parallel_loop3A_504 = arith.andi %parallel_loop3A_500, %parallel_loop3A_503 : i32
            %parallel_loop3A_505 = arith.constant 2 : i32
            %parallel_loop3A_506 = arith.muli %parallel_loop3A_505, %parallel_loop3A_276 : i32
            %parallel_loop3A_507 = arith.addi %mul3A_272, %parallel_loop3A_506 : i32
            %parallel_loop3A_508 = arith.constant 1 : i32
            %parallel_loop3A_509 = arith.addi %parallel_loop3A_507, %parallel_loop3A_508 : i32
            %parallel_loop3A_510 = arith.constant 1 : i32
            %parallel_loop3A_511 = arith.constant 0 : i32
            %parallel_loop3A_512 = tpu.memref_slice %arg7[%parallel_loop3A_509, %parallel_loop3A_510, %parallel_loop3A_511] : memref<32x8x64xf32, #tpu.memory_space<vmem>> -> memref<1x1x64xf32, #tpu.memory_space<vmem>>
            %parallel_loop3A_513 = tpu.memref_squeeze %parallel_loop3A_512 : memref<1x1x64xf32, #tpu.memory_space<vmem>> -> memref<64xf32, #tpu.memory_space<vmem>>
            %parallel_loop3A_514 = arith.constant 0 : i32
            %parallel_loop3A_515 = tpu.memref_slice %arg4[%parallel_loop3A_502, %parallel_loop3A_504, %parallel_loop3A_514] : memref<125000x8x64xf32, #tpu.memory_space<hbm>> -> memref<1x1x64xf32, #tpu.memory_space<hbm>>
            %parallel_loop3A_516 = tpu.memref_squeeze %parallel_loop3A_515 : memref<1x1x64xf32, #tpu.memory_space<hbm>> -> memref<64xf32, #tpu.memory_space<hbm>>
            %parallel_loop3A_517 = arith.constant 0 : i32
            %parallel_loop3A_518 = tpu.memref_slice %arg7[%parallel_loop3A_509, %parallel_loop3A_510, %parallel_loop3A_517] : memref<32x8x64xf32, #tpu.memory_space<vmem>> -> memref<1x1x64xf32, #tpu.memory_space<vmem>>
            %parallel_loop3A_519 = tpu.memref_squeeze %parallel_loop3A_518 : memref<1x1x64xf32, #tpu.memory_space<vmem>> -> memref<64xf32, #tpu.memory_space<vmem>>
            %parallel_loop3A_520 = arith.constant 0 : i32
            %parallel_loop3A_521 = tpu.memref_slice %arg4[%parallel_loop3A_502, %parallel_loop3A_504, %parallel_loop3A_520] : memref<125000x8x64xf32, #tpu.memory_space<hbm>> -> memref<1x1x64xf32, #tpu.memory_space<hbm>>
            %parallel_loop3A_522 = tpu.memref_squeeze %parallel_loop3A_521 : memref<1x1x64xf32, #tpu.memory_space<hbm>> -> memref<64xf32, #tpu.memory_space<hbm>>
            tpu.enqueue_dma source(%parallel_loop3A_522 : memref<64xf32, #tpu.memory_space<hbm>>) target(%parallel_loop3A_519 : memref<64xf32, #tpu.memory_space<vmem>>) target_semaphore(%arg11 : memref<!tpu.dma_semaphore, #tpu.memory_space<semaphore_mem>>)
            %parallel_loop3A_523 = vector.extract_strided_slice %parallel_loop3A_282 {offsets = [10], sizes = [1], strides = [1]} : vector<16xi32> to vector<1xi32>
            %parallel_loop3A_524 = vector.extract %parallel_loop3A_523[0] : i32 from vector<1xi32>
            %parallel_loop3A_525 = arith.constant 3 : i32
            %parallel_loop3A_526 = arith.shrui %parallel_loop3A_524, %parallel_loop3A_525 : i32
            %parallel_loop3A_527 = arith.constant 7 : i32
            %parallel_loop3A_528 = arith.andi %parallel_loop3A_524, %parallel_loop3A_527 : i32
            %parallel_loop3A_529 = arith.constant 2 : i32
            %parallel_loop3A_530 = arith.muli %parallel_loop3A_529, %parallel_loop3A_276 : i32
            %parallel_loop3A_531 = arith.addi %mul3A_272, %parallel_loop3A_530 : i32
            %parallel_loop3A_532 = arith.constant 1 : i32
            %parallel_loop3A_533 = arith.addi %parallel_loop3A_531, %parallel_loop3A_532 : i32
            %parallel_loop3A_534 = arith.constant 2 : i32
            %parallel_loop3A_535 = arith.constant 0 : i32
            %parallel_loop3A_536 = tpu.memref_slice %arg7[%parallel_loop3A_533, %parallel_loop3A_534, %parallel_loop3A_535] : memref<32x8x64xf32, #tpu.memory_space<vmem>> -> memref<1x1x64xf32, #tpu.memory_space<vmem>>
            %parallel_loop3A_537 = tpu.memref_squeeze %parallel_loop3A_536 : memref<1x1x64xf32, #tpu.memory_space<vmem>> -> memref<64xf32, #tpu.memory_space<vmem>>
            %parallel_loop3A_538 = arith.constant 0 : i32
            %parallel_loop3A_539 = tpu.memref_slice %arg4[%parallel_loop3A_526, %parallel_loop3A_528, %parallel_loop3A_538] : memref<125000x8x64xf32, #tpu.memory_space<hbm>> -> memref<1x1x64xf32, #tpu.memory_space<hbm>>
            %parallel_loop3A_540 = tpu.memref_squeeze %parallel_loop3A_539 : memref<1x1x64xf32, #tpu.memory_space<hbm>> -> memref<64xf32, #tpu.memory_space<hbm>>
            %parallel_loop3A_541 = arith.constant 0 : i32
            %parallel_loop3A_542 = tpu.memref_slice %arg7[%parallel_loop3A_533, %parallel_loop3A_534, %parallel_loop3A_541] : memref<32x8x64xf32, #tpu.memory_space<vmem>> -> memref<1x1x64xf32, #tpu.memory_space<vmem>>
            %parallel_loop3A_543 = tpu.memref_squeeze %parallel_loop3A_542 : memref<1x1x64xf32, #tpu.memory_space<vmem>> -> memref<64xf32, #tpu.memory_space<vmem>>
            %parallel_loop3A_544 = arith.constant 0 : i32
            %parallel_loop3A_545 = tpu.memref_slice %arg4[%parallel_loop3A_526, %parallel_loop3A_528, %parallel_loop3A_544] : memref<125000x8x64xf32, #tpu.memory_space<hbm>> -> memref<1x1x64xf32, #tpu.memory_space<hbm>>
            %parallel_loop3A_546 = tpu.memref_squeeze %parallel_loop3A_545 : memref<1x1x64xf32, #tpu.memory_space<hbm>> -> memref<64xf32, #tpu.memory_space<hbm>>
            tpu.enqueue_dma source(%parallel_loop3A_546 : memref<64xf32, #tpu.memory_space<hbm>>) target(%parallel_loop3A_543 : memref<64xf32, #tpu.memory_space<vmem>>) target_semaphore(%arg11 : memref<!tpu.dma_semaphore, #tpu.memory_space<semaphore_mem>>)
            %parallel_loop3A_547 = vector.extract_strided_slice %parallel_loop3A_282 {offsets = [11], sizes = [1], strides = [1]} : vector<16xi32> to vector<1xi32>
            %parallel_loop3A_548 = vector.extract %parallel_loop3A_547[0] : i32 from vector<1xi32>
            %parallel_loop3A_549 = arith.constant 3 : i32
            %parallel_loop3A_550 = arith.shrui %parallel_loop3A_548, %parallel_loop3A_549 : i32
            %parallel_loop3A_551 = arith.constant 7 : i32
            %parallel_loop3A_552 = arith.andi %parallel_loop3A_548, %parallel_loop3A_551 : i32
            %parallel_loop3A_553 = arith.constant 2 : i32
            %parallel_loop3A_554 = arith.muli %parallel_loop3A_553, %parallel_loop3A_276 : i32
            %parallel_loop3A_555 = arith.addi %mul3A_272, %parallel_loop3A_554 : i32
            %parallel_loop3A_556 = arith.constant 1 : i32
            %parallel_loop3A_557 = arith.addi %parallel_loop3A_555, %parallel_loop3A_556 : i32
            %parallel_loop3A_558 = arith.constant 3 : i32
            %parallel_loop3A_559 = arith.constant 0 : i32
            %parallel_loop3A_560 = tpu.memref_slice %arg7[%parallel_loop3A_557, %parallel_loop3A_558, %parallel_loop3A_559] : memref<32x8x64xf32, #tpu.memory_space<vmem>> -> memref<1x1x64xf32, #tpu.memory_space<vmem>>
            %parallel_loop3A_561 = tpu.memref_squeeze %parallel_loop3A_560 : memref<1x1x64xf32, #tpu.memory_space<vmem>> -> memref<64xf32, #tpu.memory_space<vmem>>
            %parallel_loop3A_562 = arith.constant 0 : i32
            %parallel_loop3A_563 = tpu.memref_slice %arg4[%parallel_loop3A_550, %parallel_loop3A_552, %parallel_loop3A_562] : memref<125000x8x64xf32, #tpu.memory_space<hbm>> -> memref<1x1x64xf32, #tpu.memory_space<hbm>>
            %parallel_loop3A_564 = tpu.memref_squeeze %parallel_loop3A_563 : memref<1x1x64xf32, #tpu.memory_space<hbm>> -> memref<64xf32, #tpu.memory_space<hbm>>
            %parallel_loop3A_565 = arith.constant 0 : i32
            %parallel_loop3A_566 = tpu.memref_slice %arg7[%parallel_loop3A_557, %parallel_loop3A_558, %parallel_loop3A_565] : memref<32x8x64xf32, #tpu.memory_space<vmem>> -> memref<1x1x64xf32, #tpu.memory_space<vmem>>
            %parallel_loop3A_567 = tpu.memref_squeeze %parallel_loop3A_566 : memref<1x1x64xf32, #tpu.memory_space<vmem>> -> memref<64xf32, #tpu.memory_space<vmem>>
            %parallel_loop3A_568 = arith.constant 0 : i32
            %parallel_loop3A_569 = tpu.memref_slice %arg4[%parallel_loop3A_550, %parallel_loop3A_552, %parallel_loop3A_568] : memref<125000x8x64xf32, #tpu.memory_space<hbm>> -> memref<1x1x64xf32, #tpu.memory_space<hbm>>
            %parallel_loop3A_570 = tpu.memref_squeeze %parallel_loop3A_569 : memref<1x1x64xf32, #tpu.memory_space<hbm>> -> memref<64xf32, #tpu.memory_space<hbm>>
            tpu.enqueue_dma source(%parallel_loop3A_570 : memref<64xf32, #tpu.memory_space<hbm>>) target(%parallel_loop3A_567 : memref<64xf32, #tpu.memory_space<vmem>>) target_semaphore(%arg11 : memref<!tpu.dma_semaphore, #tpu.memory_space<semaphore_mem>>)
            %parallel_loop3A_571 = vector.extract_strided_slice %parallel_loop3A_282 {offsets = [12], sizes = [1], strides = [1]} : vector<16xi32> to vector<1xi32>
            %parallel_loop3A_572 = vector.extract %parallel_loop3A_571[0] : i32 from vector<1xi32>
            %parallel_loop3A_573 = arith.constant 3 : i32
            %parallel_loop3A_574 = arith.shrui %parallel_loop3A_572, %parallel_loop3A_573 : i32
            %parallel_loop3A_575 = arith.constant 7 : i32
            %parallel_loop3A_576 = arith.andi %parallel_loop3A_572, %parallel_loop3A_575 : i32
            %parallel_loop3A_577 = arith.constant 2 : i32
            %parallel_loop3A_578 = arith.muli %parallel_loop3A_577, %parallel_loop3A_276 : i32
            %parallel_loop3A_579 = arith.addi %mul3A_272, %parallel_loop3A_578 : i32
            %parallel_loop3A_580 = arith.constant 1 : i32
            %parallel_loop3A_581 = arith.addi %parallel_loop3A_579, %parallel_loop3A_580 : i32
            %parallel_loop3A_582 = arith.constant 4 : i32
            %parallel_loop3A_583 = arith.constant 0 : i32
            %parallel_loop3A_584 = tpu.memref_slice %arg7[%parallel_loop3A_581, %parallel_loop3A_582, %parallel_loop3A_583] : memref<32x8x64xf32, #tpu.memory_space<vmem>> -> memref<1x1x64xf32, #tpu.memory_space<vmem>>
            %parallel_loop3A_585 = tpu.memref_squeeze %parallel_loop3A_584 : memref<1x1x64xf32, #tpu.memory_space<vmem>> -> memref<64xf32, #tpu.memory_space<vmem>>
            %parallel_loop3A_586 = arith.constant 0 : i32
            %parallel_loop3A_587 = tpu.memref_slice %arg4[%parallel_loop3A_574, %parallel_loop3A_576, %parallel_loop3A_586] : memref<125000x8x64xf32, #tpu.memory_space<hbm>> -> memref<1x1x64xf32, #tpu.memory_space<hbm>>
            %parallel_loop3A_588 = tpu.memref_squeeze %parallel_loop3A_587 : memref<1x1x64xf32, #tpu.memory_space<hbm>> -> memref<64xf32, #tpu.memory_space<hbm>>
            %parallel_loop3A_589 = arith.constant 0 : i32
            %parallel_loop3A_590 = tpu.memref_slice %arg7[%parallel_loop3A_581, %parallel_loop3A_582, %parallel_loop3A_589] : memref<32x8x64xf32, #tpu.memory_space<vmem>> -> memref<1x1x64xf32, #tpu.memory_space<vmem>>
            %parallel_loop3A_591 = tpu.memref_squeeze %parallel_loop3A_590 : memref<1x1x64xf32, #tpu.memory_space<vmem>> -> memref<64xf32, #tpu.memory_space<vmem>>
            %parallel_loop3A_592 = arith.constant 0 : i32
            %parallel_loop3A_593 = tpu.memref_slice %arg4[%parallel_loop3A_574, %parallel_loop3A_576, %parallel_loop3A_592] : memref<125000x8x64xf32, #tpu.memory_space<hbm>> -> memref<1x1x64xf32, #tpu.memory_space<hbm>>
            %parallel_loop3A_594 = tpu.memref_squeeze %parallel_loop3A_593 : memref<1x1x64xf32, #tpu.memory_space<hbm>> -> memref<64xf32, #tpu.memory_space<hbm>>
            tpu.enqueue_dma source(%parallel_loop3A_594 : memref<64xf32, #tpu.memory_space<hbm>>) target(%parallel_loop3A_591 : memref<64xf32, #tpu.memory_space<vmem>>) target_semaphore(%arg11 : memref<!tpu.dma_semaphore, #tpu.memory_space<semaphore_mem>>)
            %parallel_loop3A_595 = vector.extract_strided_slice %parallel_loop3A_282 {offsets = [13], sizes = [1], strides = [1]} : vector<16xi32> to vector<1xi32>
            %parallel_loop3A_596 = vector.extract %parallel_loop3A_595[0] : i32 from vector<1xi32>
            %parallel_loop3A_597 = arith.constant 3 : i32
            %parallel_loop3A_598 = arith.shrui %parallel_loop3A_596, %parallel_loop3A_597 : i32
            %parallel_loop3A_599 = arith.constant 7 : i32
            %parallel_loop3A_600 = arith.andi %parallel_loop3A_596, %parallel_loop3A_599 : i32
            %parallel_loop3A_601 = arith.constant 2 : i32
            %parallel_loop3A_602 = arith.muli %parallel_loop3A_601, %parallel_loop3A_276 : i32
            %parallel_loop3A_603 = arith.addi %mul3A_272, %parallel_loop3A_602 : i32
            %parallel_loop3A_604 = arith.constant 1 : i32
            %parallel_loop3A_605 = arith.addi %parallel_loop3A_603, %parallel_loop3A_604 : i32
            %parallel_loop3A_606 = arith.constant 5 : i32
            %parallel_loop3A_607 = arith.constant 0 : i32
            %parallel_loop3A_608 = tpu.memref_slice %arg7[%parallel_loop3A_605, %parallel_loop3A_606, %parallel_loop3A_607] : memref<32x8x64xf32, #tpu.memory_space<vmem>> -> memref<1x1x64xf32, #tpu.memory_space<vmem>>
            %parallel_loop3A_609 = tpu.memref_squeeze %parallel_loop3A_608 : memref<1x1x64xf32, #tpu.memory_space<vmem>> -> memref<64xf32, #tpu.memory_space<vmem>>
            %parallel_loop3A_610 = arith.constant 0 : i32
            %parallel_loop3A_611 = tpu.memref_slice %arg4[%parallel_loop3A_598, %parallel_loop3A_600, %parallel_loop3A_610] : memref<125000x8x64xf32, #tpu.memory_space<hbm>> -> memref<1x1x64xf32, #tpu.memory_space<hbm>>
            %parallel_loop3A_612 = tpu.memref_squeeze %parallel_loop3A_611 : memref<1x1x64xf32, #tpu.memory_space<hbm>> -> memref<64xf32, #tpu.memory_space<hbm>>
            %parallel_loop3A_613 = arith.constant 0 : i32
            %parallel_loop3A_614 = tpu.memref_slice %arg7[%parallel_loop3A_605, %parallel_loop3A_606, %parallel_loop3A_613] : memref<32x8x64xf32, #tpu.memory_space<vmem>> -> memref<1x1x64xf32, #tpu.memory_space<vmem>>
            %parallel_loop3A_615 = tpu.memref_squeeze %parallel_loop3A_614 : memref<1x1x64xf32, #tpu.memory_space<vmem>> -> memref<64xf32, #tpu.memory_space<vmem>>
            %parallel_loop3A_616 = arith.constant 0 : i32
            %parallel_loop3A_617 = tpu.memref_slice %arg4[%parallel_loop3A_598, %parallel_loop3A_600, %parallel_loop3A_616] : memref<125000x8x64xf32, #tpu.memory_space<hbm>> -> memref<1x1x64xf32, #tpu.memory_space<hbm>>
            %parallel_loop3A_618 = tpu.memref_squeeze %parallel_loop3A_617 : memref<1x1x64xf32, #tpu.memory_space<hbm>> -> memref<64xf32, #tpu.memory_space<hbm>>
            tpu.enqueue_dma source(%parallel_loop3A_618 : memref<64xf32, #tpu.memory_space<hbm>>) target(%parallel_loop3A_615 : memref<64xf32, #tpu.memory_space<vmem>>) target_semaphore(%arg11 : memref<!tpu.dma_semaphore, #tpu.memory_space<semaphore_mem>>)
            %parallel_loop3A_619 = vector.extract_strided_slice %parallel_loop3A_282 {offsets = [14], sizes = [1], strides = [1]} : vector<16xi32> to vector<1xi32>
            %parallel_loop3A_620 = vector.extract %parallel_loop3A_619[0] : i32 from vector<1xi32>
            %parallel_loop3A_621 = arith.constant 3 : i32
            %parallel_loop3A_622 = arith.shrui %parallel_loop3A_620, %parallel_loop3A_621 : i32
            %parallel_loop3A_623 = arith.constant 7 : i32
            %parallel_loop3A_624 = arith.andi %parallel_loop3A_620, %parallel_loop3A_623 : i32
            %parallel_loop3A_625 = arith.constant 2 : i32
            %parallel_loop3A_626 = arith.muli %parallel_loop3A_625, %parallel_loop3A_276 : i32
            %parallel_loop3A_627 = arith.addi %mul3A_272, %parallel_loop3A_626 : i32
            %parallel_loop3A_628 = arith.constant 1 : i32
            %parallel_loop3A_629 = arith.addi %parallel_loop3A_627, %parallel_loop3A_628 : i32
            %parallel_loop3A_630 = arith.constant 6 : i32
            %parallel_loop3A_631 = arith.constant 0 : i32
            %parallel_loop3A_632 = tpu.memref_slice %arg7[%parallel_loop3A_629, %parallel_loop3A_630, %parallel_loop3A_631] : memref<32x8x64xf32, #tpu.memory_space<vmem>> -> memref<1x1x64xf32, #tpu.memory_space<vmem>>
            %parallel_loop3A_633 = tpu.memref_squeeze %parallel_loop3A_632 : memref<1x1x64xf32, #tpu.memory_space<vmem>> -> memref<64xf32, #tpu.memory_space<vmem>>
            %parallel_loop3A_634 = arith.constant 0 : i32
            %parallel_loop3A_635 = tpu.memref_slice %arg4[%parallel_loop3A_622, %parallel_loop3A_624, %parallel_loop3A_634] : memref<125000x8x64xf32, #tpu.memory_space<hbm>> -> memref<1x1x64xf32, #tpu.memory_space<hbm>>
            %parallel_loop3A_636 = tpu.memref_squeeze %parallel_loop3A_635 : memref<1x1x64xf32, #tpu.memory_space<hbm>> -> memref<64xf32, #tpu.memory_space<hbm>>
            %parallel_loop3A_637 = arith.constant 0 : i32
            %parallel_loop3A_638 = tpu.memref_slice %arg7[%parallel_loop3A_629, %parallel_loop3A_630, %parallel_loop3A_637] : memref<32x8x64xf32, #tpu.memory_space<vmem>> -> memref<1x1x64xf32, #tpu.memory_space<vmem>>
            %parallel_loop3A_639 = tpu.memref_squeeze %parallel_loop3A_638 : memref<1x1x64xf32, #tpu.memory_space<vmem>> -> memref<64xf32, #tpu.memory_space<vmem>>
            %parallel_loop3A_640 = arith.constant 0 : i32
            %parallel_loop3A_641 = tpu.memref_slice %arg4[%parallel_loop3A_622, %parallel_loop3A_624, %parallel_loop3A_640] : memref<125000x8x64xf32, #tpu.memory_space<hbm>> -> memref<1x1x64xf32, #tpu.memory_space<hbm>>
            %parallel_loop3A_642 = tpu.memref_squeeze %parallel_loop3A_641 : memref<1x1x64xf32, #tpu.memory_space<hbm>> -> memref<64xf32, #tpu.memory_space<hbm>>
            tpu.enqueue_dma source(%parallel_loop3A_642 : memref<64xf32, #tpu.memory_space<hbm>>) target(%parallel_loop3A_639 : memref<64xf32, #tpu.memory_space<vmem>>) target_semaphore(%arg11 : memref<!tpu.dma_semaphore, #tpu.memory_space<semaphore_mem>>)
            %parallel_loop3A_643 = vector.extract_strided_slice %parallel_loop3A_282 {offsets = [15], sizes = [1], strides = [1]} : vector<16xi32> to vector<1xi32>
            %parallel_loop3A_644 = vector.extract %parallel_loop3A_643[0] : i32 from vector<1xi32>
            %parallel_loop3A_645 = arith.constant 3 : i32
            %parallel_loop3A_646 = arith.shrui %parallel_loop3A_644, %parallel_loop3A_645 : i32
            %parallel_loop3A_647 = arith.constant 7 : i32
            %parallel_loop3A_648 = arith.andi %parallel_loop3A_644, %parallel_loop3A_647 : i32
            %parallel_loop3A_649 = arith.constant 2 : i32
            %parallel_loop3A_650 = arith.muli %parallel_loop3A_649, %parallel_loop3A_276 : i32
            %parallel_loop3A_651 = arith.addi %mul3A_272, %parallel_loop3A_650 : i32
            %parallel_loop3A_652 = arith.constant 1 : i32
            %parallel_loop3A_653 = arith.addi %parallel_loop3A_651, %parallel_loop3A_652 : i32
            %parallel_loop3A_654 = arith.constant 7 : i32
            %parallel_loop3A_655 = arith.constant 0 : i32
            %parallel_loop3A_656 = tpu.memref_slice %arg7[%parallel_loop3A_653, %parallel_loop3A_654, %parallel_loop3A_655] : memref<32x8x64xf32, #tpu.memory_space<vmem>> -> memref<1x1x64xf32, #tpu.memory_space<vmem>>
            %parallel_loop3A_657 = tpu.memref_squeeze %parallel_loop3A_656 : memref<1x1x64xf32, #tpu.memory_space<vmem>> -> memref<64xf32, #tpu.memory_space<vmem>>
            %parallel_loop3A_658 = arith.constant 0 : i32
            %parallel_loop3A_659 = tpu.memref_slice %arg4[%parallel_loop3A_646, %parallel_loop3A_648, %parallel_loop3A_658] : memref<125000x8x64xf32, #tpu.memory_space<hbm>> -> memref<1x1x64xf32, #tpu.memory_space<hbm>>
            %parallel_loop3A_660 = tpu.memref_squeeze %parallel_loop3A_659 : memref<1x1x64xf32, #tpu.memory_space<hbm>> -> memref<64xf32, #tpu.memory_space<hbm>>
            %parallel_loop3A_661 = arith.constant 0 : i32
            %parallel_loop3A_662 = tpu.memref_slice %arg7[%parallel_loop3A_653, %parallel_loop3A_654, %parallel_loop3A_661] : memref<32x8x64xf32, #tpu.memory_space<vmem>> -> memref<1x1x64xf32, #tpu.memory_space<vmem>>
            %parallel_loop3A_663 = tpu.memref_squeeze %parallel_loop3A_662 : memref<1x1x64xf32, #tpu.memory_space<vmem>> -> memref<64xf32, #tpu.memory_space<vmem>>
            %parallel_loop3A_664 = arith.constant 0 : i32
            %parallel_loop3A_665 = tpu.memref_slice %arg4[%parallel_loop3A_646, %parallel_loop3A_648, %parallel_loop3A_664] : memref<125000x8x64xf32, #tpu.memory_space<hbm>> -> memref<1x1x64xf32, #tpu.memory_space<hbm>>
            %parallel_loop3A_666 = tpu.memref_squeeze %parallel_loop3A_665 : memref<1x1x64xf32, #tpu.memory_space<hbm>> -> memref<64xf32, #tpu.memory_space<hbm>>
            tpu.enqueue_dma source(%parallel_loop3A_666 : memref<64xf32, #tpu.memory_space<hbm>>) target(%parallel_loop3A_663 : memref<64xf32, #tpu.memory_space<vmem>>) target_semaphore(%arg11 : memref<!tpu.dma_semaphore, #tpu.memory_space<semaphore_mem>>)
          } {sc.loop_unroll_factor = 2 : i64, sc.parallel_access}
        } else {
        }
        %rem3A_253 = arith.constant 2 : i32
        %rem3A_254 = arith.remsi %while3A_65, %rem3A_253 : i32
        %eq3A_255 = arith.constant 1 : i32
        %eq3A_256 = arith.cmpi eq, %rem3A_254, %eq3A_255 : i32
        %convert_element_type3A_257 = arith.extui %eq3A_256 : i1 to i32
        %cond3A_258 = arith.constant 0 : i32
        %cond3A_259 = arith.cmpi ne, %convert_element_type3A_257, %cond3A_258 : i32
        scf.if %cond3A_259 {
          %mul3A_260 = arith.constant 128 : i32
          %mul3A_261 = arith.muli %while3A_65, %mul3A_260 : i32
          %add3A_262 = arith.addi %multiple_of3A_38, %mul3A_261 : i32
          %min3A_263 = arith.constant 204672 : i32
          %min3A_264 = arith.minsi %add3A_262, %min3A_263 : i32
          %multiple_of3A_265 = tpu.assume_multiple %min3A_264, 8 : i32
          %rem3A_266 = arith.constant 2 : i32
          %rem3A_267 = arith.remsi %while3A_65, %rem3A_266 : i32
          %mul3A_268 = arith.constant 128 : i32
          %mul3A_269 = arith.muli %rem3A_267, %mul3A_268 : i32
          %multiple_of3A_270 = tpu.assume_multiple %mul3A_269, 128 : i32
          %mul3A_271 = arith.constant 16 : i32
          %mul3A_272 = arith.muli %rem3A_267, %mul3A_271 : i32
          "tpu.region"() ({
            %run_scoped3A = tpu.sem_alloc : memref<!tpu.dma_semaphore, #tpu.memory_space<semaphore_mem>>
            %dma_start3A = tpu.memref_slice %arg6[%multiple_of3A_270] : memref<256xi32, #tpu.memory_space<vmem>> -> memref<128xi32, #tpu.memory_space<vmem>>
            %dma_start3A_276 = tpu.memref_slice %arg2[%multiple_of3A_265] : memref<204800xi32, #tpu.memory_space<hbm>> -> memref<128xi32, #tpu.memory_space<hbm>>
            %dma_start3A_277 = tpu.memref_slice %arg6[%multiple_of3A_270] : memref<256xi32, #tpu.memory_space<vmem>> -> memref<128xi32, #tpu.memory_space<vmem>>
            %dma_start3A_278 = tpu.memref_slice %arg2[%multiple_of3A_265] : memref<204800xi32, #tpu.memory_space<hbm>> -> memref<128xi32, #tpu.memory_space<hbm>>
            tpu.enqueue_dma source(%dma_start3A_278 : memref<128xi32, #tpu.memory_space<hbm>>) target(%dma_start3A_277 : memref<128xi32, #tpu.memory_space<vmem>>) target_semaphore(%run_scoped3A : memref<!tpu.dma_semaphore, #tpu.memory_space<semaphore_mem>>)
            %dma_wait3A = tpu.memref_slice %arg6[%multiple_of3A_270] : memref<256xi32, #tpu.memory_space<vmem>> -> memref<128xi32, #tpu.memory_space<vmem>>
            %dma_wait3A_279 = tpu.memref_slice %arg2[%multiple_of3A_265] : memref<204800xi32, #tpu.memory_space<hbm>> -> memref<128xi32, #tpu.memory_space<hbm>>
            %dma_wait3A_280 = tpu.memref_slice %arg6[%multiple_of3A_270] : memref<256xi32, #tpu.memory_space<vmem>> -> memref<128xi32, #tpu.memory_space<vmem>>
            %dma_wait3A_281 = tpu.memref_slice %arg2[%multiple_of3A_265] : memref<204800xi32, #tpu.memory_space<hbm>> -> memref<128xi32, #tpu.memory_space<hbm>>
            tpu.wait_dma2 semaphore(%run_scoped3A : memref<!tpu.dma_semaphore, #tpu.memory_space<semaphore_mem>>) src(%dma_wait3A_281 : memref<128xi32, #tpu.memory_space<hbm>>) dst(%dma_wait3A_280 : memref<128xi32, #tpu.memory_space<vmem>>)
            tpu.yield
          }) : () -> ()
          %parallel_loop3A_273 = arith.constant 0 : i32
          %parallel_loop3A_274 = arith.constant 8 : i32
          %parallel_loop3A_275 = arith.constant 1 : i32
          scf.for %parallel_loop3A_276 = %parallel_loop3A_273 to %parallel_loop3A_274 step %parallel_loop3A_275  : i32 {
            %parallel_loop3A_277 = arith.constant 16 : i32
            %parallel_loop3A_278 = arith.muli %parallel_loop3A_276, %parallel_loop3A_277 : i32
            %parallel_loop3A_279 = arith.addi %multiple_of3A_270, %parallel_loop3A_278 : i32
            %parallel_loop3A_280 = arith.index_cast %parallel_loop3A_279 : i32 to index
            %parallel_loop3A_281 = tpu.vector_load %arg6[%parallel_loop3A_280] {strides = array<i32>} : memref<256xi32, #tpu.memory_space<vmem>>, vector<16xi32>,
            %parallel_loop3A_282 = vector.shape_cast %parallel_loop3A_281 : vector<16xi32> to vector<16xi32>
            %parallel_loop3A_283 = vector.extract_strided_slice %parallel_loop3A_282 {offsets = [0], sizes = [1], strides = [1]} : vector<16xi32> to vector<1xi32>
            %parallel_loop3A_284 = vector.extract %parallel_loop3A_283[0] : i32 from vector<1xi32>
            %parallel_loop3A_285 = arith.constant 3 : i32
            %parallel_loop3A_286 = arith.shrui %parallel_loop3A_284, %parallel_loop3A_285 : i32
            %parallel_loop3A_287 = arith.constant 7 : i32
            %parallel_loop3A_288 = arith.andi %parallel_loop3A_284, %parallel_loop3A_287 : i32
            %parallel_loop3A_289 = arith.constant 2 : i32
            %parallel_loop3A_290 = arith.muli %parallel_loop3A_289, %parallel_loop3A_276 : i32
            %parallel_loop3A_291 = arith.addi %mul3A_272, %parallel_loop3A_290 : i32
            %parallel_loop3A_292 = arith.constant 0 : i32
            %parallel_loop3A_293 = arith.addi %parallel_loop3A_291, %parallel_loop3A_292 : i32
            %parallel_loop3A_294 = arith.constant 0 : i32
            %parallel_loop3A_295 = arith.constant 0 : i32
            %parallel_loop3A_296 = tpu.memref_slice %arg7[%parallel_loop3A_293, %parallel_loop3A_294, %parallel_loop3A_295] : memref<32x8x64xf32, #tpu.memory_space<vmem>> -> memref<1x1x64xf32, #tpu.memory_space<vmem>>
            %parallel_loop3A_297 = tpu.memref_squeeze %parallel_loop3A_296 : memref<1x1x64xf32, #tpu.memory_space<vmem>> -> memref<64xf32, #tpu.memory_space<vmem>>
            %parallel_loop3A_298 = arith.constant 0 : i32
            %parallel_loop3A_299 = tpu.memref_slice %arg4[%parallel_loop3A_286, %parallel_loop3A_288, %parallel_loop3A_298] : memref<125000x8x64xf32, #tpu.memory_space<hbm>> -> memref<1x1x64xf32, #tpu.memory_space<hbm>>
            %parallel_loop3A_300 = tpu.memref_squeeze %parallel_loop3A_299 : memref<1x1x64xf32, #tpu.memory_space<hbm>> -> memref<64xf32, #tpu.memory_space<hbm>>
            %parallel_loop3A_301 = arith.constant 0 : i32
            %parallel_loop3A_302 = tpu.memref_slice %arg7[%parallel_loop3A_293, %parallel_loop3A_294, %parallel_loop3A_301] : memref<32x8x64xf32, #tpu.memory_space<vmem>> -> memref<1x1x64xf32, #tpu.memory_space<vmem>>
            %parallel_loop3A_303 = tpu.memref_squeeze %parallel_loop3A_302 : memref<1x1x64xf32, #tpu.memory_space<vmem>> -> memref<64xf32, #tpu.memory_space<vmem>>
            %parallel_loop3A_304 = arith.constant 0 : i32
            %parallel_loop3A_305 = tpu.memref_slice %arg4[%parallel_loop3A_286, %parallel_loop3A_288, %parallel_loop3A_304] : memref<125000x8x64xf32, #tpu.memory_space<hbm>> -> memref<1x1x64xf32, #tpu.memory_space<hbm>>
            %parallel_loop3A_306 = tpu.memref_squeeze %parallel_loop3A_305 : memref<1x1x64xf32, #tpu.memory_space<hbm>> -> memref<64xf32, #tpu.memory_space<hbm>>
            tpu.enqueue_dma source(%parallel_loop3A_306 : memref<64xf32, #tpu.memory_space<hbm>>) target(%parallel_loop3A_303 : memref<64xf32, #tpu.memory_space<vmem>>) target_semaphore(%arg12 : memref<!tpu.dma_semaphore, #tpu.memory_space<semaphore_mem>>)
            %parallel_loop3A_307 = vector.extract_strided_slice %parallel_loop3A_282 {offsets = [1], sizes = [1], strides = [1]} : vector<16xi32> to vector<1xi32>
            %parallel_loop3A_308 = vector.extract %parallel_loop3A_307[0] : i32 from vector<1xi32>
            %parallel_loop3A_309 = arith.constant 3 : i32
            %parallel_loop3A_310 = arith.shrui %parallel_loop3A_308, %parallel_loop3A_309 : i32
            %parallel_loop3A_311 = arith.constant 7 : i32
            %parallel_loop3A_312 = arith.andi %parallel_loop3A_308, %parallel_loop3A_311 : i32
            %parallel_loop3A_313 = arith.constant 2 : i32
            %parallel_loop3A_314 = arith.muli %parallel_loop3A_313, %parallel_loop3A_276 : i32
            %parallel_loop3A_315 = arith.addi %mul3A_272, %parallel_loop3A_314 : i32
            %parallel_loop3A_316 = arith.constant 0 : i32
            %parallel_loop3A_317 = arith.addi %parallel_loop3A_315, %parallel_loop3A_316 : i32
            %parallel_loop3A_318 = arith.constant 1 : i32
            %parallel_loop3A_319 = arith.constant 0 : i32
            %parallel_loop3A_320 = tpu.memref_slice %arg7[%parallel_loop3A_317, %parallel_loop3A_318, %parallel_loop3A_319] : memref<32x8x64xf32, #tpu.memory_space<vmem>> -> memref<1x1x64xf32, #tpu.memory_space<vmem>>
            %parallel_loop3A_321 = tpu.memref_squeeze %parallel_loop3A_320 : memref<1x1x64xf32, #tpu.memory_space<vmem>> -> memref<64xf32, #tpu.memory_space<vmem>>
            %parallel_loop3A_322 = arith.constant 0 : i32
            %parallel_loop3A_323 = tpu.memref_slice %arg4[%parallel_loop3A_310, %parallel_loop3A_312, %parallel_loop3A_322] : memref<125000x8x64xf32, #tpu.memory_space<hbm>> -> memref<1x1x64xf32, #tpu.memory_space<hbm>>
            %parallel_loop3A_324 = tpu.memref_squeeze %parallel_loop3A_323 : memref<1x1x64xf32, #tpu.memory_space<hbm>> -> memref<64xf32, #tpu.memory_space<hbm>>
            %parallel_loop3A_325 = arith.constant 0 : i32
            %parallel_loop3A_326 = tpu.memref_slice %arg7[%parallel_loop3A_317, %parallel_loop3A_318, %parallel_loop3A_325] : memref<32x8x64xf32, #tpu.memory_space<vmem>> -> memref<1x1x64xf32, #tpu.memory_space<vmem>>
            %parallel_loop3A_327 = tpu.memref_squeeze %parallel_loop3A_326 : memref<1x1x64xf32, #tpu.memory_space<vmem>> -> memref<64xf32, #tpu.memory_space<vmem>>
            %parallel_loop3A_328 = arith.constant 0 : i32
            %parallel_loop3A_329 = tpu.memref_slice %arg4[%parallel_loop3A_310, %parallel_loop3A_312, %parallel_loop3A_328] : memref<125000x8x64xf32, #tpu.memory_space<hbm>> -> memref<1x1x64xf32, #tpu.memory_space<hbm>>
            %parallel_loop3A_330 = tpu.memref_squeeze %parallel_loop3A_329 : memref<1x1x64xf32, #tpu.memory_space<hbm>> -> memref<64xf32, #tpu.memory_space<hbm>>
            tpu.enqueue_dma source(%parallel_loop3A_330 : memref<64xf32, #tpu.memory_space<hbm>>) target(%parallel_loop3A_327 : memref<64xf32, #tpu.memory_space<vmem>>) target_semaphore(%arg12 : memref<!tpu.dma_semaphore, #tpu.memory_space<semaphore_mem>>)
            %parallel_loop3A_331 = vector.extract_strided_slice %parallel_loop3A_282 {offsets = [2], sizes = [1], strides = [1]} : vector<16xi32> to vector<1xi32>
            %parallel_loop3A_332 = vector.extract %parallel_loop3A_331[0] : i32 from vector<1xi32>
            %parallel_loop3A_333 = arith.constant 3 : i32
            %parallel_loop3A_334 = arith.shrui %parallel_loop3A_332, %parallel_loop3A_333 : i32
            %parallel_loop3A_335 = arith.constant 7 : i32
            %parallel_loop3A_336 = arith.andi %parallel_loop3A_332, %parallel_loop3A_335 : i32
            %parallel_loop3A_337 = arith.constant 2 : i32
            %parallel_loop3A_338 = arith.muli %parallel_loop3A_337, %parallel_loop3A_276 : i32
            %parallel_loop3A_339 = arith.addi %mul3A_272, %parallel_loop3A_338 : i32
            %parallel_loop3A_340 = arith.constant 0 : i32
            %parallel_loop3A_341 = arith.addi %parallel_loop3A_339, %parallel_loop3A_340 : i32
            %parallel_loop3A_342 = arith.constant 2 : i32
            %parallel_loop3A_343 = arith.constant 0 : i32
            %parallel_loop3A_344 = tpu.memref_slice %arg7[%parallel_loop3A_341, %parallel_loop3A_342, %parallel_loop3A_343] : memref<32x8x64xf32, #tpu.memory_space<vmem>> -> memref<1x1x64xf32, #tpu.memory_space<vmem>>
            %parallel_loop3A_345 = tpu.memref_squeeze %parallel_loop3A_344 : memref<1x1x64xf32, #tpu.memory_space<vmem>> -> memref<64xf32, #tpu.memory_space<vmem>>
            %parallel_loop3A_346 = arith.constant 0 : i32
            %parallel_loop3A_347 = tpu.memref_slice %arg4[%parallel_loop3A_334, %parallel_loop3A_336, %parallel_loop3A_346] : memref<125000x8x64xf32, #tpu.memory_space<hbm>> -> memref<1x1x64xf32, #tpu.memory_space<hbm>>
            %parallel_loop3A_348 = tpu.memref_squeeze %parallel_loop3A_347 : memref<1x1x64xf32, #tpu.memory_space<hbm>> -> memref<64xf32, #tpu.memory_space<hbm>>
            %parallel_loop3A_349 = arith.constant 0 : i32
            %parallel_loop3A_350 = tpu.memref_slice %arg7[%parallel_loop3A_341, %parallel_loop3A_342, %parallel_loop3A_349] : memref<32x8x64xf32, #tpu.memory_space<vmem>> -> memref<1x1x64xf32, #tpu.memory_space<vmem>>
            %parallel_loop3A_351 = tpu.memref_squeeze %parallel_loop3A_350 : memref<1x1x64xf32, #tpu.memory_space<vmem>> -> memref<64xf32, #tpu.memory_space<vmem>>
            %parallel_loop3A_352 = arith.constant 0 : i32
            %parallel_loop3A_353 = tpu.memref_slice %arg4[%parallel_loop3A_334, %parallel_loop3A_336, %parallel_loop3A_352] : memref<125000x8x64xf32, #tpu.memory_space<hbm>> -> memref<1x1x64xf32, #tpu.memory_space<hbm>>
            %parallel_loop3A_354 = tpu.memref_squeeze %parallel_loop3A_353 : memref<1x1x64xf32, #tpu.memory_space<hbm>> -> memref<64xf32, #tpu.memory_space<hbm>>
            tpu.enqueue_dma source(%parallel_loop3A_354 : memref<64xf32, #tpu.memory_space<hbm>>) target(%parallel_loop3A_351 : memref<64xf32, #tpu.memory_space<vmem>>) target_semaphore(%arg12 : memref<!tpu.dma_semaphore, #tpu.memory_space<semaphore_mem>>)
            %parallel_loop3A_355 = vector.extract_strided_slice %parallel_loop3A_282 {offsets = [3], sizes = [1], strides = [1]} : vector<16xi32> to vector<1xi32>
            %parallel_loop3A_356 = vector.extract %parallel_loop3A_355[0] : i32 from vector<1xi32>
            %parallel_loop3A_357 = arith.constant 3 : i32
            %parallel_loop3A_358 = arith.shrui %parallel_loop3A_356, %parallel_loop3A_357 : i32
            %parallel_loop3A_359 = arith.constant 7 : i32
            %parallel_loop3A_360 = arith.andi %parallel_loop3A_356, %parallel_loop3A_359 : i32
            %parallel_loop3A_361 = arith.constant 2 : i32
            %parallel_loop3A_362 = arith.muli %parallel_loop3A_361, %parallel_loop3A_276 : i32
            %parallel_loop3A_363 = arith.addi %mul3A_272, %parallel_loop3A_362 : i32
            %parallel_loop3A_364 = arith.constant 0 : i32
            %parallel_loop3A_365 = arith.addi %parallel_loop3A_363, %parallel_loop3A_364 : i32
            %parallel_loop3A_366 = arith.constant 3 : i32
            %parallel_loop3A_367 = arith.constant 0 : i32
            %parallel_loop3A_368 = tpu.memref_slice %arg7[%parallel_loop3A_365, %parallel_loop3A_366, %parallel_loop3A_367] : memref<32x8x64xf32, #tpu.memory_space<vmem>> -> memref<1x1x64xf32, #tpu.memory_space<vmem>>
            %parallel_loop3A_369 = tpu.memref_squeeze %parallel_loop3A_368 : memref<1x1x64xf32, #tpu.memory_space<vmem>> -> memref<64xf32, #tpu.memory_space<vmem>>
            %parallel_loop3A_370 = arith.constant 0 : i32
            %parallel_loop3A_371 = tpu.memref_slice %arg4[%parallel_loop3A_358, %parallel_loop3A_360, %parallel_loop3A_370] : memref<125000x8x64xf32, #tpu.memory_space<hbm>> -> memref<1x1x64xf32, #tpu.memory_space<hbm>>
            %parallel_loop3A_372 = tpu.memref_squeeze %parallel_loop3A_371 : memref<1x1x64xf32, #tpu.memory_space<hbm>> -> memref<64xf32, #tpu.memory_space<hbm>>
            %parallel_loop3A_373 = arith.constant 0 : i32
            %parallel_loop3A_374 = tpu.memref_slice %arg7[%parallel_loop3A_365, %parallel_loop3A_366, %parallel_loop3A_373] : memref<32x8x64xf32, #tpu.memory_space<vmem>> -> memref<1x1x64xf32, #tpu.memory_space<vmem>>
            %parallel_loop3A_375 = tpu.memref_squeeze %parallel_loop3A_374 : memref<1x1x64xf32, #tpu.memory_space<vmem>> -> memref<64xf32, #tpu.memory_space<vmem>>
            %parallel_loop3A_376 = arith.constant 0 : i32
            %parallel_loop3A_377 = tpu.memref_slice %arg4[%parallel_loop3A_358, %parallel_loop3A_360, %parallel_loop3A_376] : memref<125000x8x64xf32, #tpu.memory_space<hbm>> -> memref<1x1x64xf32, #tpu.memory_space<hbm>>
            %parallel_loop3A_378 = tpu.memref_squeeze %parallel_loop3A_377 : memref<1x1x64xf32, #tpu.memory_space<hbm>> -> memref<64xf32, #tpu.memory_space<hbm>>
            tpu.enqueue_dma source(%parallel_loop3A_378 : memref<64xf32, #tpu.memory_space<hbm>>) target(%parallel_loop3A_375 : memref<64xf32, #tpu.memory_space<vmem>>) target_semaphore(%arg12 : memref<!tpu.dma_semaphore, #tpu.memory_space<semaphore_mem>>)
            %parallel_loop3A_379 = vector.extract_strided_slice %parallel_loop3A_282 {offsets = [4], sizes = [1], strides = [1]} : vector<16xi32> to vector<1xi32>
            %parallel_loop3A_380 = vector.extract %parallel_loop3A_379[0] : i32 from vector<1xi32>
            %parallel_loop3A_381 = arith.constant 3 : i32
            %parallel_loop3A_382 = arith.shrui %parallel_loop3A_380, %parallel_loop3A_381 : i32
            %parallel_loop3A_383 = arith.constant 7 : i32
            %parallel_loop3A_384 = arith.andi %parallel_loop3A_380, %parallel_loop3A_383 : i32
            %parallel_loop3A_385 = arith.constant 2 : i32
            %parallel_loop3A_386 = arith.muli %parallel_loop3A_385, %parallel_loop3A_276 : i32
            %parallel_loop3A_387 = arith.addi %mul3A_272, %parallel_loop3A_386 : i32
            %parallel_loop3A_388 = arith.constant 0 : i32
            %parallel_loop3A_389 = arith.addi %parallel_loop3A_387, %parallel_loop3A_388 : i32
            %parallel_loop3A_390 = arith.constant 4 : i32
            %parallel_loop3A_391 = arith.constant 0 : i32
            %parallel_loop3A_392 = tpu.memref_slice %arg7[%parallel_loop3A_389, %parallel_loop3A_390, %parallel_loop3A_391] : memref<32x8x64xf32, #tpu.memory_space<vmem>> -> memref<1x1x64xf32, #tpu.memory_space<vmem>>
            %parallel_loop3A_393 = tpu.memref_squeeze %parallel_loop3A_392 : memref<1x1x64xf32, #tpu.memory_space<vmem>> -> memref<64xf32, #tpu.memory_space<vmem>>
            %parallel_loop3A_394 = arith.constant 0 : i32
            %parallel_loop3A_395 = tpu.memref_slice %arg4[%parallel_loop3A_382, %parallel_loop3A_384, %parallel_loop3A_394] : memref<125000x8x64xf32, #tpu.memory_space<hbm>> -> memref<1x1x64xf32, #tpu.memory_space<hbm>>
            %parallel_loop3A_396 = tpu.memref_squeeze %parallel_loop3A_395 : memref<1x1x64xf32, #tpu.memory_space<hbm>> -> memref<64xf32, #tpu.memory_space<hbm>>
            %parallel_loop3A_397 = arith.constant 0 : i32
            %parallel_loop3A_398 = tpu.memref_slice %arg7[%parallel_loop3A_389, %parallel_loop3A_390, %parallel_loop3A_397] : memref<32x8x64xf32, #tpu.memory_space<vmem>> -> memref<1x1x64xf32, #tpu.memory_space<vmem>>
            %parallel_loop3A_399 = tpu.memref_squeeze %parallel_loop3A_398 : memref<1x1x64xf32, #tpu.memory_space<vmem>> -> memref<64xf32, #tpu.memory_space<vmem>>
            %parallel_loop3A_400 = arith.constant 0 : i32
            %parallel_loop3A_401 = tpu.memref_slice %arg4[%parallel_loop3A_382, %parallel_loop3A_384, %parallel_loop3A_400] : memref<125000x8x64xf32, #tpu.memory_space<hbm>> -> memref<1x1x64xf32, #tpu.memory_space<hbm>>
            %parallel_loop3A_402 = tpu.memref_squeeze %parallel_loop3A_401 : memref<1x1x64xf32, #tpu.memory_space<hbm>> -> memref<64xf32, #tpu.memory_space<hbm>>
            tpu.enqueue_dma source(%parallel_loop3A_402 : memref<64xf32, #tpu.memory_space<hbm>>) target(%parallel_loop3A_399 : memref<64xf32, #tpu.memory_space<vmem>>) target_semaphore(%arg12 : memref<!tpu.dma_semaphore, #tpu.memory_space<semaphore_mem>>)
            %parallel_loop3A_403 = vector.extract_strided_slice %parallel_loop3A_282 {offsets = [5], sizes = [1], strides = [1]} : vector<16xi32> to vector<1xi32>
            %parallel_loop3A_404 = vector.extract %parallel_loop3A_403[0] : i32 from vector<1xi32>
            %parallel_loop3A_405 = arith.constant 3 : i32
            %parallel_loop3A_406 = arith.shrui %parallel_loop3A_404, %parallel_loop3A_405 : i32
            %parallel_loop3A_407 = arith.constant 7 : i32
            %parallel_loop3A_408 = arith.andi %parallel_loop3A_404, %parallel_loop3A_407 : i32
            %parallel_loop3A_409 = arith.constant 2 : i32
            %parallel_loop3A_410 = arith.muli %parallel_loop3A_409, %parallel_loop3A_276 : i32
            %parallel_loop3A_411 = arith.addi %mul3A_272, %parallel_loop3A_410 : i32
            %parallel_loop3A_412 = arith.constant 0 : i32
            %parallel_loop3A_413 = arith.addi %parallel_loop3A_411, %parallel_loop3A_412 : i32
            %parallel_loop3A_414 = arith.constant 5 : i32
            %parallel_loop3A_415 = arith.constant 0 : i32
            %parallel_loop3A_416 = tpu.memref_slice %arg7[%parallel_loop3A_413, %parallel_loop3A_414, %parallel_loop3A_415] : memref<32x8x64xf32, #tpu.memory_space<vmem>> -> memref<1x1x64xf32, #tpu.memory_space<vmem>>
            %parallel_loop3A_417 = tpu.memref_squeeze %parallel_loop3A_416 : memref<1x1x64xf32, #tpu.memory_space<vmem>> -> memref<64xf32, #tpu.memory_space<vmem>>
            %parallel_loop3A_418 = arith.constant 0 : i32
            %parallel_loop3A_419 = tpu.memref_slice %arg4[%parallel_loop3A_406, %parallel_loop3A_408, %parallel_loop3A_418] : memref<125000x8x64xf32, #tpu.memory_space<hbm>> -> memref<1x1x64xf32, #tpu.memory_space<hbm>>
            %parallel_loop3A_420 = tpu.memref_squeeze %parallel_loop3A_419 : memref<1x1x64xf32, #tpu.memory_space<hbm>> -> memref<64xf32, #tpu.memory_space<hbm>>
            %parallel_loop3A_421 = arith.constant 0 : i32
            %parallel_loop3A_422 = tpu.memref_slice %arg7[%parallel_loop3A_413, %parallel_loop3A_414, %parallel_loop3A_421] : memref<32x8x64xf32, #tpu.memory_space<vmem>> -> memref<1x1x64xf32, #tpu.memory_space<vmem>>
            %parallel_loop3A_423 = tpu.memref_squeeze %parallel_loop3A_422 : memref<1x1x64xf32, #tpu.memory_space<vmem>> -> memref<64xf32, #tpu.memory_space<vmem>>
            %parallel_loop3A_424 = arith.constant 0 : i32
            %parallel_loop3A_425 = tpu.memref_slice %arg4[%parallel_loop3A_406, %parallel_loop3A_408, %parallel_loop3A_424] : memref<125000x8x64xf32, #tpu.memory_space<hbm>> -> memref<1x1x64xf32, #tpu.memory_space<hbm>>
            %parallel_loop3A_426 = tpu.memref_squeeze %parallel_loop3A_425 : memref<1x1x64xf32, #tpu.memory_space<hbm>> -> memref<64xf32, #tpu.memory_space<hbm>>
            tpu.enqueue_dma source(%parallel_loop3A_426 : memref<64xf32, #tpu.memory_space<hbm>>) target(%parallel_loop3A_423 : memref<64xf32, #tpu.memory_space<vmem>>) target_semaphore(%arg12 : memref<!tpu.dma_semaphore, #tpu.memory_space<semaphore_mem>>)
            %parallel_loop3A_427 = vector.extract_strided_slice %parallel_loop3A_282 {offsets = [6], sizes = [1], strides = [1]} : vector<16xi32> to vector<1xi32>
            %parallel_loop3A_428 = vector.extract %parallel_loop3A_427[0] : i32 from vector<1xi32>
            %parallel_loop3A_429 = arith.constant 3 : i32
            %parallel_loop3A_430 = arith.shrui %parallel_loop3A_428, %parallel_loop3A_429 : i32
            %parallel_loop3A_431 = arith.constant 7 : i32
            %parallel_loop3A_432 = arith.andi %parallel_loop3A_428, %parallel_loop3A_431 : i32
            %parallel_loop3A_433 = arith.constant 2 : i32
            %parallel_loop3A_434 = arith.muli %parallel_loop3A_433, %parallel_loop3A_276 : i32
            %parallel_loop3A_435 = arith.addi %mul3A_272, %parallel_loop3A_434 : i32
            %parallel_loop3A_436 = arith.constant 0 : i32
            %parallel_loop3A_437 = arith.addi %parallel_loop3A_435, %parallel_loop3A_436 : i32
            %parallel_loop3A_438 = arith.constant 6 : i32
            %parallel_loop3A_439 = arith.constant 0 : i32
            %parallel_loop3A_440 = tpu.memref_slice %arg7[%parallel_loop3A_437, %parallel_loop3A_438, %parallel_loop3A_439] : memref<32x8x64xf32, #tpu.memory_space<vmem>> -> memref<1x1x64xf32, #tpu.memory_space<vmem>>
            %parallel_loop3A_441 = tpu.memref_squeeze %parallel_loop3A_440 : memref<1x1x64xf32, #tpu.memory_space<vmem>> -> memref<64xf32, #tpu.memory_space<vmem>>
            %parallel_loop3A_442 = arith.constant 0 : i32
            %parallel_loop3A_443 = tpu.memref_slice %arg4[%parallel_loop3A_430, %parallel_loop3A_432, %parallel_loop3A_442] : memref<125000x8x64xf32, #tpu.memory_space<hbm>> -> memref<1x1x64xf32, #tpu.memory_space<hbm>>
            %parallel_loop3A_444 = tpu.memref_squeeze %parallel_loop3A_443 : memref<1x1x64xf32, #tpu.memory_space<hbm>> -> memref<64xf32, #tpu.memory_space<hbm>>
            %parallel_loop3A_445 = arith.constant 0 : i32
            %parallel_loop3A_446 = tpu.memref_slice %arg7[%parallel_loop3A_437, %parallel_loop3A_438, %parallel_loop3A_445] : memref<32x8x64xf32, #tpu.memory_space<vmem>> -> memref<1x1x64xf32, #tpu.memory_space<vmem>>
            %parallel_loop3A_447 = tpu.memref_squeeze %parallel_loop3A_446 : memref<1x1x64xf32, #tpu.memory_space<vmem>> -> memref<64xf32, #tpu.memory_space<vmem>>
            %parallel_loop3A_448 = arith.constant 0 : i32
            %parallel_loop3A_449 = tpu.memref_slice %arg4[%parallel_loop3A_430, %parallel_loop3A_432, %parallel_loop3A_448] : memref<125000x8x64xf32, #tpu.memory_space<hbm>> -> memref<1x1x64xf32, #tpu.memory_space<hbm>>
            %parallel_loop3A_450 = tpu.memref_squeeze %parallel_loop3A_449 : memref<1x1x64xf32, #tpu.memory_space<hbm>> -> memref<64xf32, #tpu.memory_space<hbm>>
            tpu.enqueue_dma source(%parallel_loop3A_450 : memref<64xf32, #tpu.memory_space<hbm>>) target(%parallel_loop3A_447 : memref<64xf32, #tpu.memory_space<vmem>>) target_semaphore(%arg12 : memref<!tpu.dma_semaphore, #tpu.memory_space<semaphore_mem>>)
            %parallel_loop3A_451 = vector.extract_strided_slice %parallel_loop3A_282 {offsets = [7], sizes = [1], strides = [1]} : vector<16xi32> to vector<1xi32>
            %parallel_loop3A_452 = vector.extract %parallel_loop3A_451[0] : i32 from vector<1xi32>
            %parallel_loop3A_453 = arith.constant 3 : i32
            %parallel_loop3A_454 = arith.shrui %parallel_loop3A_452, %parallel_loop3A_453 : i32
            %parallel_loop3A_455 = arith.constant 7 : i32
            %parallel_loop3A_456 = arith.andi %parallel_loop3A_452, %parallel_loop3A_455 : i32
            %parallel_loop3A_457 = arith.constant 2 : i32
            %parallel_loop3A_458 = arith.muli %parallel_loop3A_457, %parallel_loop3A_276 : i32
            %parallel_loop3A_459 = arith.addi %mul3A_272, %parallel_loop3A_458 : i32
            %parallel_loop3A_460 = arith.constant 0 : i32
            %parallel_loop3A_461 = arith.addi %parallel_loop3A_459, %parallel_loop3A_460 : i32
            %parallel_loop3A_462 = arith.constant 7 : i32
            %parallel_loop3A_463 = arith.constant 0 : i32
            %parallel_loop3A_464 = tpu.memref_slice %arg7[%parallel_loop3A_461, %parallel_loop3A_462, %parallel_loop3A_463] : memref<32x8x64xf32, #tpu.memory_space<vmem>> -> memref<1x1x64xf32, #tpu.memory_space<vmem>>
            %parallel_loop3A_465 = tpu.memref_squeeze %parallel_loop3A_464 : memref<1x1x64xf32, #tpu.memory_space<vmem>> -> memref<64xf32, #tpu.memory_space<vmem>>
            %parallel_loop3A_466 = arith.constant 0 : i32
            %parallel_loop3A_467 = tpu.memref_slice %arg4[%parallel_loop3A_454, %parallel_loop3A_456, %parallel_loop3A_466] : memref<125000x8x64xf32, #tpu.memory_space<hbm>> -> memref<1x1x64xf32, #tpu.memory_space<hbm>>
            %parallel_loop3A_468 = tpu.memref_squeeze %parallel_loop3A_467 : memref<1x1x64xf32, #tpu.memory_space<hbm>> -> memref<64xf32, #tpu.memory_space<hbm>>
            %parallel_loop3A_469 = arith.constant 0 : i32
            %parallel_loop3A_470 = tpu.memref_slice %arg7[%parallel_loop3A_461, %parallel_loop3A_462, %parallel_loop3A_469] : memref<32x8x64xf32, #tpu.memory_space<vmem>> -> memref<1x1x64xf32, #tpu.memory_space<vmem>>
            %parallel_loop3A_471 = tpu.memref_squeeze %parallel_loop3A_470 : memref<1x1x64xf32, #tpu.memory_space<vmem>> -> memref<64xf32, #tpu.memory_space<vmem>>
            %parallel_loop3A_472 = arith.constant 0 : i32
            %parallel_loop3A_473 = tpu.memref_slice %arg4[%parallel_loop3A_454, %parallel_loop3A_456, %parallel_loop3A_472] : memref<125000x8x64xf32, #tpu.memory_space<hbm>> -> memref<1x1x64xf32, #tpu.memory_space<hbm>>
            %parallel_loop3A_474 = tpu.memref_squeeze %parallel_loop3A_473 : memref<1x1x64xf32, #tpu.memory_space<hbm>> -> memref<64xf32, #tpu.memory_space<hbm>>
            tpu.enqueue_dma source(%parallel_loop3A_474 : memref<64xf32, #tpu.memory_space<hbm>>) target(%parallel_loop3A_471 : memref<64xf32, #tpu.memory_space<vmem>>) target_semaphore(%arg12 : memref<!tpu.dma_semaphore, #tpu.memory_space<semaphore_mem>>)
            %parallel_loop3A_475 = vector.extract_strided_slice %parallel_loop3A_282 {offsets = [8], sizes = [1], strides = [1]} : vector<16xi32> to vector<1xi32>
            %parallel_loop3A_476 = vector.extract %parallel_loop3A_475[0] : i32 from vector<1xi32>
            %parallel_loop3A_477 = arith.constant 3 : i32
            %parallel_loop3A_478 = arith.shrui %parallel_loop3A_476, %parallel_loop3A_477 : i32
            %parallel_loop3A_479 = arith.constant 7 : i32
            %parallel_loop3A_480 = arith.andi %parallel_loop3A_476, %parallel_loop3A_479 : i32
            %parallel_loop3A_481 = arith.constant 2 : i32
            %parallel_loop3A_482 = arith.muli %parallel_loop3A_481, %parallel_loop3A_276 : i32
            %parallel_loop3A_483 = arith.addi %mul3A_272, %parallel_loop3A_482 : i32
            %parallel_loop3A_484 = arith.constant 1 : i32
            %parallel_loop3A_485 = arith.addi %parallel_loop3A_483, %parallel_loop3A_484 : i32
            %parallel_loop3A_486 = arith.constant 0 : i32
            %parallel_loop3A_487 = arith.constant 0 : i32
            %parallel_loop3A_488 = tpu.memref_slice %arg7[%parallel_loop3A_485, %parallel_loop3A_486, %parallel_loop3A_487] : memref<32x8x64xf32, #tpu.memory_space<vmem>> -> memref<1x1x64xf32, #tpu.memory_space<vmem>>
            %parallel_loop3A_489 = tpu.memref_squeeze %parallel_loop3A_488 : memref<1x1x64xf32, #tpu.memory_space<vmem>> -> memref<64xf32, #tpu.memory_space<vmem>>
            %parallel_loop3A_490 = arith.constant 0 : i32
            %parallel_loop3A_491 = tpu.memref_slice %arg4[%parallel_loop3A_478, %parallel_loop3A_480, %parallel_loop3A_490] : memref<125000x8x64xf32, #tpu.memory_space<hbm>> -> memref<1x1x64xf32, #tpu.memory_space<hbm>>
            %parallel_loop3A_492 = tpu.memref_squeeze %parallel_loop3A_491 : memref<1x1x64xf32, #tpu.memory_space<hbm>> -> memref<64xf32, #tpu.memory_space<hbm>>
            %parallel_loop3A_493 = arith.constant 0 : i32
            %parallel_loop3A_494 = tpu.memref_slice %arg7[%parallel_loop3A_485, %parallel_loop3A_486, %parallel_loop3A_493] : memref<32x8x64xf32, #tpu.memory_space<vmem>> -> memref<1x1x64xf32, #tpu.memory_space<vmem>>
            %parallel_loop3A_495 = tpu.memref_squeeze %parallel_loop3A_494 : memref<1x1x64xf32, #tpu.memory_space<vmem>> -> memref<64xf32, #tpu.memory_space<vmem>>
            %parallel_loop3A_496 = arith.constant 0 : i32
            %parallel_loop3A_497 = tpu.memref_slice %arg4[%parallel_loop3A_478, %parallel_loop3A_480, %parallel_loop3A_496] : memref<125000x8x64xf32, #tpu.memory_space<hbm>> -> memref<1x1x64xf32, #tpu.memory_space<hbm>>
            %parallel_loop3A_498 = tpu.memref_squeeze %parallel_loop3A_497 : memref<1x1x64xf32, #tpu.memory_space<hbm>> -> memref<64xf32, #tpu.memory_space<hbm>>
            tpu.enqueue_dma source(%parallel_loop3A_498 : memref<64xf32, #tpu.memory_space<hbm>>) target(%parallel_loop3A_495 : memref<64xf32, #tpu.memory_space<vmem>>) target_semaphore(%arg12 : memref<!tpu.dma_semaphore, #tpu.memory_space<semaphore_mem>>)
            %parallel_loop3A_499 = vector.extract_strided_slice %parallel_loop3A_282 {offsets = [9], sizes = [1], strides = [1]} : vector<16xi32> to vector<1xi32>
            %parallel_loop3A_500 = vector.extract %parallel_loop3A_499[0] : i32 from vector<1xi32>
            %parallel_loop3A_501 = arith.constant 3 : i32
            %parallel_loop3A_502 = arith.shrui %parallel_loop3A_500, %parallel_loop3A_501 : i32
            %parallel_loop3A_503 = arith.constant 7 : i32
            %parallel_loop3A_504 = arith.andi %parallel_loop3A_500, %parallel_loop3A_503 : i32
            %parallel_loop3A_505 = arith.constant 2 : i32
            %parallel_loop3A_506 = arith.muli %parallel_loop3A_505, %parallel_loop3A_276 : i32
            %parallel_loop3A_507 = arith.addi %mul3A_272, %parallel_loop3A_506 : i32
            %parallel_loop3A_508 = arith.constant 1 : i32
            %parallel_loop3A_509 = arith.addi %parallel_loop3A_507, %parallel_loop3A_508 : i32
            %parallel_loop3A_510 = arith.constant 1 : i32
            %parallel_loop3A_511 = arith.constant 0 : i32
            %parallel_loop3A_512 = tpu.memref_slice %arg7[%parallel_loop3A_509, %parallel_loop3A_510, %parallel_loop3A_511] : memref<32x8x64xf32, #tpu.memory_space<vmem>> -> memref<1x1x64xf32, #tpu.memory_space<vmem>>
            %parallel_loop3A_513 = tpu.memref_squeeze %parallel_loop3A_512 : memref<1x1x64xf32, #tpu.memory_space<vmem>> -> memref<64xf32, #tpu.memory_space<vmem>>
            %parallel_loop3A_514 = arith.constant 0 : i32
            %parallel_loop3A_515 = tpu.memref_slice %arg4[%parallel_loop3A_502, %parallel_loop3A_504, %parallel_loop3A_514] : memref<125000x8x64xf32, #tpu.memory_space<hbm>> -> memref<1x1x64xf32, #tpu.memory_space<hbm>>
            %parallel_loop3A_516 = tpu.memref_squeeze %parallel_loop3A_515 : memref<1x1x64xf32, #tpu.memory_space<hbm>> -> memref<64xf32, #tpu.memory_space<hbm>>
            %parallel_loop3A_517 = arith.constant 0 : i32
            %parallel_loop3A_518 = tpu.memref_slice %arg7[%parallel_loop3A_509, %parallel_loop3A_510, %parallel_loop3A_517] : memref<32x8x64xf32, #tpu.memory_space<vmem>> -> memref<1x1x64xf32, #tpu.memory_space<vmem>>
            %parallel_loop3A_519 = tpu.memref_squeeze %parallel_loop3A_518 : memref<1x1x64xf32, #tpu.memory_space<vmem>> -> memref<64xf32, #tpu.memory_space<vmem>>
            %parallel_loop3A_520 = arith.constant 0 : i32
            %parallel_loop3A_521 = tpu.memref_slice %arg4[%parallel_loop3A_502, %parallel_loop3A_504, %parallel_loop3A_520] : memref<125000x8x64xf32, #tpu.memory_space<hbm>> -> memref<1x1x64xf32, #tpu.memory_space<hbm>>
            %parallel_loop3A_522 = tpu.memref_squeeze %parallel_loop3A_521 : memref<1x1x64xf32, #tpu.memory_space<hbm>> -> memref<64xf32, #tpu.memory_space<hbm>>
            tpu.enqueue_dma source(%parallel_loop3A_522 : memref<64xf32, #tpu.memory_space<hbm>>) target(%parallel_loop3A_519 : memref<64xf32, #tpu.memory_space<vmem>>) target_semaphore(%arg12 : memref<!tpu.dma_semaphore, #tpu.memory_space<semaphore_mem>>)
            %parallel_loop3A_523 = vector.extract_strided_slice %parallel_loop3A_282 {offsets = [10], sizes = [1], strides = [1]} : vector<16xi32> to vector<1xi32>
            %parallel_loop3A_524 = vector.extract %parallel_loop3A_523[0] : i32 from vector<1xi32>
            %parallel_loop3A_525 = arith.constant 3 : i32
            %parallel_loop3A_526 = arith.shrui %parallel_loop3A_524, %parallel_loop3A_525 : i32
            %parallel_loop3A_527 = arith.constant 7 : i32
            %parallel_loop3A_528 = arith.andi %parallel_loop3A_524, %parallel_loop3A_527 : i32
            %parallel_loop3A_529 = arith.constant 2 : i32
            %parallel_loop3A_530 = arith.muli %parallel_loop3A_529, %parallel_loop3A_276 : i32
            %parallel_loop3A_531 = arith.addi %mul3A_272, %parallel_loop3A_530 : i32
            %parallel_loop3A_532 = arith.constant 1 : i32
            %parallel_loop3A_533 = arith.addi %parallel_loop3A_531, %parallel_loop3A_532 : i32
            %parallel_loop3A_534 = arith.constant 2 : i32
            %parallel_loop3A_535 = arith.constant 0 : i32
            %parallel_loop3A_536 = tpu.memref_slice %arg7[%parallel_loop3A_533, %parallel_loop3A_534, %parallel_loop3A_535] : memref<32x8x64xf32, #tpu.memory_space<vmem>> -> memref<1x1x64xf32, #tpu.memory_space<vmem>>
            %parallel_loop3A_537 = tpu.memref_squeeze %parallel_loop3A_536 : memref<1x1x64xf32, #tpu.memory_space<vmem>> -> memref<64xf32, #tpu.memory_space<vmem>>
            %parallel_loop3A_538 = arith.constant 0 : i32
            %parallel_loop3A_539 = tpu.memref_slice %arg4[%parallel_loop3A_526, %parallel_loop3A_528, %parallel_loop3A_538] : memref<125000x8x64xf32, #tpu.memory_space<hbm>> -> memref<1x1x64xf32, #tpu.memory_space<hbm>>
            %parallel_loop3A_540 = tpu.memref_squeeze %parallel_loop3A_539 : memref<1x1x64xf32, #tpu.memory_space<hbm>> -> memref<64xf32, #tpu.memory_space<hbm>>
            %parallel_loop3A_541 = arith.constant 0 : i32
            %parallel_loop3A_542 = tpu.memref_slice %arg7[%parallel_loop3A_533, %parallel_loop3A_534, %parallel_loop3A_541] : memref<32x8x64xf32, #tpu.memory_space<vmem>> -> memref<1x1x64xf32, #tpu.memory_space<vmem>>
            %parallel_loop3A_543 = tpu.memref_squeeze %parallel_loop3A_542 : memref<1x1x64xf32, #tpu.memory_space<vmem>> -> memref<64xf32, #tpu.memory_space<vmem>>
            %parallel_loop3A_544 = arith.constant 0 : i32
            %parallel_loop3A_545 = tpu.memref_slice %arg4[%parallel_loop3A_526, %parallel_loop3A_528, %parallel_loop3A_544] : memref<125000x8x64xf32, #tpu.memory_space<hbm>> -> memref<1x1x64xf32, #tpu.memory_space<hbm>>
            %parallel_loop3A_546 = tpu.memref_squeeze %parallel_loop3A_545 : memref<1x1x64xf32, #tpu.memory_space<hbm>> -> memref<64xf32, #tpu.memory_space<hbm>>
            tpu.enqueue_dma source(%parallel_loop3A_546 : memref<64xf32, #tpu.memory_space<hbm>>) target(%parallel_loop3A_543 : memref<64xf32, #tpu.memory_space<vmem>>) target_semaphore(%arg12 : memref<!tpu.dma_semaphore, #tpu.memory_space<semaphore_mem>>)
            %parallel_loop3A_547 = vector.extract_strided_slice %parallel_loop3A_282 {offsets = [11], sizes = [1], strides = [1]} : vector<16xi32> to vector<1xi32>
            %parallel_loop3A_548 = vector.extract %parallel_loop3A_547[0] : i32 from vector<1xi32>
            %parallel_loop3A_549 = arith.constant 3 : i32
            %parallel_loop3A_550 = arith.shrui %parallel_loop3A_548, %parallel_loop3A_549 : i32
            %parallel_loop3A_551 = arith.constant 7 : i32
            %parallel_loop3A_552 = arith.andi %parallel_loop3A_548, %parallel_loop3A_551 : i32
            %parallel_loop3A_553 = arith.constant 2 : i32
            %parallel_loop3A_554 = arith.muli %parallel_loop3A_553, %parallel_loop3A_276 : i32
            %parallel_loop3A_555 = arith.addi %mul3A_272, %parallel_loop3A_554 : i32
            %parallel_loop3A_556 = arith.constant 1 : i32
            %parallel_loop3A_557 = arith.addi %parallel_loop3A_555, %parallel_loop3A_556 : i32
            %parallel_loop3A_558 = arith.constant 3 : i32
            %parallel_loop3A_559 = arith.constant 0 : i32
            %parallel_loop3A_560 = tpu.memref_slice %arg7[%parallel_loop3A_557, %parallel_loop3A_558, %parallel_loop3A_559] : memref<32x8x64xf32, #tpu.memory_space<vmem>> -> memref<1x1x64xf32, #tpu.memory_space<vmem>>
            %parallel_loop3A_561 = tpu.memref_squeeze %parallel_loop3A_560 : memref<1x1x64xf32, #tpu.memory_space<vmem>> -> memref<64xf32, #tpu.memory_space<vmem>>
            %parallel_loop3A_562 = arith.constant 0 : i32
            %parallel_loop3A_563 = tpu.memref_slice %arg4[%parallel_loop3A_550, %parallel_loop3A_552, %parallel_loop3A_562] : memref<125000x8x64xf32, #tpu.memory_space<hbm>> -> memref<1x1x64xf32, #tpu.memory_space<hbm>>
            %parallel_loop3A_564 = tpu.memref_squeeze %parallel_loop3A_563 : memref<1x1x64xf32, #tpu.memory_space<hbm>> -> memref<64xf32, #tpu.memory_space<hbm>>
            %parallel_loop3A_565 = arith.constant 0 : i32
            %parallel_loop3A_566 = tpu.memref_slice %arg7[%parallel_loop3A_557, %parallel_loop3A_558, %parallel_loop3A_565] : memref<32x8x64xf32, #tpu.memory_space<vmem>> -> memref<1x1x64xf32, #tpu.memory_space<vmem>>
            %parallel_loop3A_567 = tpu.memref_squeeze %parallel_loop3A_566 : memref<1x1x64xf32, #tpu.memory_space<vmem>> -> memref<64xf32, #tpu.memory_space<vmem>>
            %parallel_loop3A_568 = arith.constant 0 : i32
            %parallel_loop3A_569 = tpu.memref_slice %arg4[%parallel_loop3A_550, %parallel_loop3A_552, %parallel_loop3A_568] : memref<125000x8x64xf32, #tpu.memory_space<hbm>> -> memref<1x1x64xf32, #tpu.memory_space<hbm>>
            %parallel_loop3A_570 = tpu.memref_squeeze %parallel_loop3A_569 : memref<1x1x64xf32, #tpu.memory_space<hbm>> -> memref<64xf32, #tpu.memory_space<hbm>>
            tpu.enqueue_dma source(%parallel_loop3A_570 : memref<64xf32, #tpu.memory_space<hbm>>) target(%parallel_loop3A_567 : memref<64xf32, #tpu.memory_space<vmem>>) target_semaphore(%arg12 : memref<!tpu.dma_semaphore, #tpu.memory_space<semaphore_mem>>)
            %parallel_loop3A_571 = vector.extract_strided_slice %parallel_loop3A_282 {offsets = [12], sizes = [1], strides = [1]} : vector<16xi32> to vector<1xi32>
            %parallel_loop3A_572 = vector.extract %parallel_loop3A_571[0] : i32 from vector<1xi32>
            %parallel_loop3A_573 = arith.constant 3 : i32
            %parallel_loop3A_574 = arith.shrui %parallel_loop3A_572, %parallel_loop3A_573 : i32
            %parallel_loop3A_575 = arith.constant 7 : i32
            %parallel_loop3A_576 = arith.andi %parallel_loop3A_572, %parallel_loop3A_575 : i32
            %parallel_loop3A_577 = arith.constant 2 : i32
            %parallel_loop3A_578 = arith.muli %parallel_loop3A_577, %parallel_loop3A_276 : i32
            %parallel_loop3A_579 = arith.addi %mul3A_272, %parallel_loop3A_578 : i32
            %parallel_loop3A_580 = arith.constant 1 : i32
            %parallel_loop3A_581 = arith.addi %parallel_loop3A_579, %parallel_loop3A_580 : i32
            %parallel_loop3A_582 = arith.constant 4 : i32
            %parallel_loop3A_583 = arith.constant 0 : i32
            %parallel_loop3A_584 = tpu.memref_slice %arg7[%parallel_loop3A_581, %parallel_loop3A_582, %parallel_loop3A_583] : memref<32x8x64xf32, #tpu.memory_space<vmem>> -> memref<1x1x64xf32, #tpu.memory_space<vmem>>
            %parallel_loop3A_585 = tpu.memref_squeeze %parallel_loop3A_584 : memref<1x1x64xf32, #tpu.memory_space<vmem>> -> memref<64xf32, #tpu.memory_space<vmem>>
            %parallel_loop3A_586 = arith.constant 0 : i32
            %parallel_loop3A_587 = tpu.memref_slice %arg4[%parallel_loop3A_574, %parallel_loop3A_576, %parallel_loop3A_586] : memref<125000x8x64xf32, #tpu.memory_space<hbm>> -> memref<1x1x64xf32, #tpu.memory_space<hbm>>
            %parallel_loop3A_588 = tpu.memref_squeeze %parallel_loop3A_587 : memref<1x1x64xf32, #tpu.memory_space<hbm>> -> memref<64xf32, #tpu.memory_space<hbm>>
            %parallel_loop3A_589 = arith.constant 0 : i32
            %parallel_loop3A_590 = tpu.memref_slice %arg7[%parallel_loop3A_581, %parallel_loop3A_582, %parallel_loop3A_589] : memref<32x8x64xf32, #tpu.memory_space<vmem>> -> memref<1x1x64xf32, #tpu.memory_space<vmem>>
            %parallel_loop3A_591 = tpu.memref_squeeze %parallel_loop3A_590 : memref<1x1x64xf32, #tpu.memory_space<vmem>> -> memref<64xf32, #tpu.memory_space<vmem>>
            %parallel_loop3A_592 = arith.constant 0 : i32
            %parallel_loop3A_593 = tpu.memref_slice %arg4[%parallel_loop3A_574, %parallel_loop3A_576, %parallel_loop3A_592] : memref<125000x8x64xf32, #tpu.memory_space<hbm>> -> memref<1x1x64xf32, #tpu.memory_space<hbm>>
            %parallel_loop3A_594 = tpu.memref_squeeze %parallel_loop3A_593 : memref<1x1x64xf32, #tpu.memory_space<hbm>> -> memref<64xf32, #tpu.memory_space<hbm>>
            tpu.enqueue_dma source(%parallel_loop3A_594 : memref<64xf32, #tpu.memory_space<hbm>>) target(%parallel_loop3A_591 : memref<64xf32, #tpu.memory_space<vmem>>) target_semaphore(%arg12 : memref<!tpu.dma_semaphore, #tpu.memory_space<semaphore_mem>>)
            %parallel_loop3A_595 = vector.extract_strided_slice %parallel_loop3A_282 {offsets = [13], sizes = [1], strides = [1]} : vector<16xi32> to vector<1xi32>
            %parallel_loop3A_596 = vector.extract %parallel_loop3A_595[0] : i32 from vector<1xi32>
            %parallel_loop3A_597 = arith.constant 3 : i32
            %parallel_loop3A_598 = arith.shrui %parallel_loop3A_596, %parallel_loop3A_597 : i32
            %parallel_loop3A_599 = arith.constant 7 : i32
            %parallel_loop3A_600 = arith.andi %parallel_loop3A_596, %parallel_loop3A_599 : i32
            %parallel_loop3A_601 = arith.constant 2 : i32
            %parallel_loop3A_602 = arith.muli %parallel_loop3A_601, %parallel_loop3A_276 : i32
            %parallel_loop3A_603 = arith.addi %mul3A_272, %parallel_loop3A_602 : i32
            %parallel_loop3A_604 = arith.constant 1 : i32
            %parallel_loop3A_605 = arith.addi %parallel_loop3A_603, %parallel_loop3A_604 : i32
            %parallel_loop3A_606 = arith.constant 5 : i32
            %parallel_loop3A_607 = arith.constant 0 : i32
            %parallel_loop3A_608 = tpu.memref_slice %arg7[%parallel_loop3A_605, %parallel_loop3A_606, %parallel_loop3A_607] : memref<32x8x64xf32, #tpu.memory_space<vmem>> -> memref<1x1x64xf32, #tpu.memory_space<vmem>>
            %parallel_loop3A_609 = tpu.memref_squeeze %parallel_loop3A_608 : memref<1x1x64xf32, #tpu.memory_space<vmem>> -> memref<64xf32, #tpu.memory_space<vmem>>
            %parallel_loop3A_610 = arith.constant 0 : i32
            %parallel_loop3A_611 = tpu.memref_slice %arg4[%parallel_loop3A_598, %parallel_loop3A_600, %parallel_loop3A_610] : memref<125000x8x64xf32, #tpu.memory_space<hbm>> -> memref<1x1x64xf32, #tpu.memory_space<hbm>>
            %parallel_loop3A_612 = tpu.memref_squeeze %parallel_loop3A_611 : memref<1x1x64xf32, #tpu.memory_space<hbm>> -> memref<64xf32, #tpu.memory_space<hbm>>
            %parallel_loop3A_613 = arith.constant 0 : i32
            %parallel_loop3A_614 = tpu.memref_slice %arg7[%parallel_loop3A_605, %parallel_loop3A_606, %parallel_loop3A_613] : memref<32x8x64xf32, #tpu.memory_space<vmem>> -> memref<1x1x64xf32, #tpu.memory_space<vmem>>
            %parallel_loop3A_615 = tpu.memref_squeeze %parallel_loop3A_614 : memref<1x1x64xf32, #tpu.memory_space<vmem>> -> memref<64xf32, #tpu.memory_space<vmem>>
            %parallel_loop3A_616 = arith.constant 0 : i32
            %parallel_loop3A_617 = tpu.memref_slice %arg4[%parallel_loop3A_598, %parallel_loop3A_600, %parallel_loop3A_616] : memref<125000x8x64xf32, #tpu.memory_space<hbm>> -> memref<1x1x64xf32, #tpu.memory_space<hbm>>
            %parallel_loop3A_618 = tpu.memref_squeeze %parallel_loop3A_617 : memref<1x1x64xf32, #tpu.memory_space<hbm>> -> memref<64xf32, #tpu.memory_space<hbm>>
            tpu.enqueue_dma source(%parallel_loop3A_618 : memref<64xf32, #tpu.memory_space<hbm>>) target(%parallel_loop3A_615 : memref<64xf32, #tpu.memory_space<vmem>>) target_semaphore(%arg12 : memref<!tpu.dma_semaphore, #tpu.memory_space<semaphore_mem>>)
            %parallel_loop3A_619 = vector.extract_strided_slice %parallel_loop3A_282 {offsets = [14], sizes = [1], strides = [1]} : vector<16xi32> to vector<1xi32>
            %parallel_loop3A_620 = vector.extract %parallel_loop3A_619[0] : i32 from vector<1xi32>
            %parallel_loop3A_621 = arith.constant 3 : i32
            %parallel_loop3A_622 = arith.shrui %parallel_loop3A_620, %parallel_loop3A_621 : i32
            %parallel_loop3A_623 = arith.constant 7 : i32
            %parallel_loop3A_624 = arith.andi %parallel_loop3A_620, %parallel_loop3A_623 : i32
            %parallel_loop3A_625 = arith.constant 2 : i32
            %parallel_loop3A_626 = arith.muli %parallel_loop3A_625, %parallel_loop3A_276 : i32
            %parallel_loop3A_627 = arith.addi %mul3A_272, %parallel_loop3A_626 : i32
            %parallel_loop3A_628 = arith.constant 1 : i32
            %parallel_loop3A_629 = arith.addi %parallel_loop3A_627, %parallel_loop3A_628 : i32
            %parallel_loop3A_630 = arith.constant 6 : i32
            %parallel_loop3A_631 = arith.constant 0 : i32
            %parallel_loop3A_632 = tpu.memref_slice %arg7[%parallel_loop3A_629, %parallel_loop3A_630, %parallel_loop3A_631] : memref<32x8x64xf32, #tpu.memory_space<vmem>> -> memref<1x1x64xf32, #tpu.memory_space<vmem>>
            %parallel_loop3A_633 = tpu.memref_squeeze %parallel_loop3A_632 : memref<1x1x64xf32, #tpu.memory_space<vmem>> -> memref<64xf32, #tpu.memory_space<vmem>>
            %parallel_loop3A_634 = arith.constant 0 : i32
            %parallel_loop3A_635 = tpu.memref_slice %arg4[%parallel_loop3A_622, %parallel_loop3A_624, %parallel_loop3A_634] : memref<125000x8x64xf32, #tpu.memory_space<hbm>> -> memref<1x1x64xf32, #tpu.memory_space<hbm>>
            %parallel_loop3A_636 = tpu.memref_squeeze %parallel_loop3A_635 : memref<1x1x64xf32, #tpu.memory_space<hbm>> -> memref<64xf32, #tpu.memory_space<hbm>>
            %parallel_loop3A_637 = arith.constant 0 : i32
            %parallel_loop3A_638 = tpu.memref_slice %arg7[%parallel_loop3A_629, %parallel_loop3A_630, %parallel_loop3A_637] : memref<32x8x64xf32, #tpu.memory_space<vmem>> -> memref<1x1x64xf32, #tpu.memory_space<vmem>>
            %parallel_loop3A_639 = tpu.memref_squeeze %parallel_loop3A_638 : memref<1x1x64xf32, #tpu.memory_space<vmem>> -> memref<64xf32, #tpu.memory_space<vmem>>
            %parallel_loop3A_640 = arith.constant 0 : i32
            %parallel_loop3A_641 = tpu.memref_slice %arg4[%parallel_loop3A_622, %parallel_loop3A_624, %parallel_loop3A_640] : memref<125000x8x64xf32, #tpu.memory_space<hbm>> -> memref<1x1x64xf32, #tpu.memory_space<hbm>>
            %parallel_loop3A_642 = tpu.memref_squeeze %parallel_loop3A_641 : memref<1x1x64xf32, #tpu.memory_space<hbm>> -> memref<64xf32, #tpu.memory_space<hbm>>
            tpu.enqueue_dma source(%parallel_loop3A_642 : memref<64xf32, #tpu.memory_space<hbm>>) target(%parallel_loop3A_639 : memref<64xf32, #tpu.memory_space<vmem>>) target_semaphore(%arg12 : memref<!tpu.dma_semaphore, #tpu.memory_space<semaphore_mem>>)
            %parallel_loop3A_643 = vector.extract_strided_slice %parallel_loop3A_282 {offsets = [15], sizes = [1], strides = [1]} : vector<16xi32> to vector<1xi32>
            %parallel_loop3A_644 = vector.extract %parallel_loop3A_643[0] : i32 from vector<1xi32>
            %parallel_loop3A_645 = arith.constant 3 : i32
            %parallel_loop3A_646 = arith.shrui %parallel_loop3A_644, %parallel_loop3A_645 : i32
            %parallel_loop3A_647 = arith.constant 7 : i32
            %parallel_loop3A_648 = arith.andi %parallel_loop3A_644, %parallel_loop3A_647 : i32
            %parallel_loop3A_649 = arith.constant 2 : i32
            %parallel_loop3A_650 = arith.muli %parallel_loop3A_649, %parallel_loop3A_276 : i32
            %parallel_loop3A_651 = arith.addi %mul3A_272, %parallel_loop3A_650 : i32
            %parallel_loop3A_652 = arith.constant 1 : i32
            %parallel_loop3A_653 = arith.addi %parallel_loop3A_651, %parallel_loop3A_652 : i32
            %parallel_loop3A_654 = arith.constant 7 : i32
            %parallel_loop3A_655 = arith.constant 0 : i32
            %parallel_loop3A_656 = tpu.memref_slice %arg7[%parallel_loop3A_653, %parallel_loop3A_654, %parallel_loop3A_655] : memref<32x8x64xf32, #tpu.memory_space<vmem>> -> memref<1x1x64xf32, #tpu.memory_space<vmem>>
            %parallel_loop3A_657 = tpu.memref_squeeze %parallel_loop3A_656 : memref<1x1x64xf32, #tpu.memory_space<vmem>> -> memref<64xf32, #tpu.memory_space<vmem>>
            %parallel_loop3A_658 = arith.constant 0 : i32
            %parallel_loop3A_659 = tpu.memref_slice %arg4[%parallel_loop3A_646, %parallel_loop3A_648, %parallel_loop3A_658] : memref<125000x8x64xf32, #tpu.memory_space<hbm>> -> memref<1x1x64xf32, #tpu.memory_space<hbm>>
            %parallel_loop3A_660 = tpu.memref_squeeze %parallel_loop3A_659 : memref<1x1x64xf32, #tpu.memory_space<hbm>> -> memref<64xf32, #tpu.memory_space<hbm>>
            %parallel_loop3A_661 = arith.constant 0 : i32
            %parallel_loop3A_662 = tpu.memref_slice %arg7[%parallel_loop3A_653, %parallel_loop3A_654, %parallel_loop3A_661] : memref<32x8x64xf32, #tpu.memory_space<vmem>> -> memref<1x1x64xf32, #tpu.memory_space<vmem>>
            %parallel_loop3A_663 = tpu.memref_squeeze %parallel_loop3A_662 : memref<1x1x64xf32, #tpu.memory_space<vmem>> -> memref<64xf32, #tpu.memory_space<vmem>>
            %parallel_loop3A_664 = arith.constant 0 : i32
            %parallel_loop3A_665 = tpu.memref_slice %arg4[%parallel_loop3A_646, %parallel_loop3A_648, %parallel_loop3A_664] : memref<125000x8x64xf32, #tpu.memory_space<hbm>> -> memref<1x1x64xf32, #tpu.memory_space<hbm>>
            %parallel_loop3A_666 = tpu.memref_squeeze %parallel_loop3A_665 : memref<1x1x64xf32, #tpu.memory_space<hbm>> -> memref<64xf32, #tpu.memory_space<hbm>>
            tpu.enqueue_dma source(%parallel_loop3A_666 : memref<64xf32, #tpu.memory_space<hbm>>) target(%parallel_loop3A_663 : memref<64xf32, #tpu.memory_space<vmem>>) target_semaphore(%arg12 : memref<!tpu.dma_semaphore, #tpu.memory_space<semaphore_mem>>)
          } {sc.loop_unroll_factor = 2 : i64, sc.parallel_access}
        } else {
        }
      } else {
      }
      %sub3A_80 = arith.constant 1 : i32
      %sub3A_81 = arith.subi %while3A_65, %sub3A_80 : i32
      %rem3A_82 = arith.constant 2 : i32
      %rem3A_83 = arith.remsi %sub3A_81, %rem3A_82 : i32
      %eq3A_84 = arith.constant 0 : i32
      %eq3A_85 = arith.cmpi eq, %rem3A_83, %eq3A_84 : i32
      %convert_element_type3A_86 = arith.extui %eq3A_85 : i1 to i32
      %cond3A_87 = arith.constant 0 : i32
      %cond3A_88 = arith.cmpi ne, %convert_element_type3A_86, %cond3A_87 : i32
      scf.if %cond3A_88 {
        %rem3A_246 = arith.constant 2 : i32
        %rem3A_247 = arith.remsi %sub3A_81, %rem3A_246 : i32
        %mul3A_248 = arith.constant 16 : i32
        %mul3A_249 = arith.muli %rem3A_247, %mul3A_248 : i32
        %dma_wait3A = arith.constant 0 : i32
        %dma_wait3A_250 = arith.constant 0 : i32
        %dma_wait3A_251 = tpu.memref_slice %arg7[%mul3A_249, %dma_wait3A, %dma_wait3A_250] : memref<32x8x64xf32, #tpu.memory_space<vmem>> -> memref<16x8x64xf32, #tpu.memory_space<vmem>>
        %dma_wait3A_252 = arith.constant 0 : i32
        %dma_wait3A_253 = arith.constant 0 : i32
        %dma_wait3A_254 = arith.constant 0 : i32
        %dma_wait3A_255 = tpu.memref_slice %arg4[%dma_wait3A_252, %dma_wait3A_253, %dma_wait3A_254] : memref<125000x8x64xf32, #tpu.memory_space<hbm>> -> memref<16x8x64xf32, #tpu.memory_space<hbm>>
        %dma_wait3A_256 = arith.constant 0 : i32
        %dma_wait3A_257 = arith.constant 0 : i32
        %dma_wait3A_258 = tpu.memref_slice %arg7[%mul3A_249, %dma_wait3A_256, %dma_wait3A_257] : memref<32x8x64xf32, #tpu.memory_space<vmem>> -> memref<16x8x64xf32, #tpu.memory_space<vmem>>
        %dma_wait3A_259 = arith.constant 0 : i32
        %dma_wait3A_260 = arith.constant 0 : i32
        %dma_wait3A_261 = arith.constant 0 : i32
        %dma_wait3A_262 = tpu.memref_slice %arg4[%dma_wait3A_259, %dma_wait3A_260, %dma_wait3A_261] : memref<125000x8x64xf32, #tpu.memory_space<hbm>> -> memref<16x8x64xf32, #tpu.memory_space<hbm>>
        tpu.wait_dma2 semaphore(%arg11 : memref<!tpu.dma_semaphore, #tpu.memory_space<semaphore_mem>>) src(%dma_wait3A_262 : memref<16x8x64xf32, #tpu.memory_space<hbm>>) dst(%dma_wait3A_258 : memref<16x8x64xf32, #tpu.memory_space<vmem>>)
      } else {
      }
      %rem3A_89 = arith.constant 2 : i32
      %rem3A_90 = arith.remsi %sub3A_81, %rem3A_89 : i32
      %eq3A_91 = arith.constant 1 : i32
      %eq3A_92 = arith.cmpi eq, %rem3A_90, %eq3A_91 : i32
      %convert_element_type3A_93 = arith.extui %eq3A_92 : i1 to i32
      %cond3A_94 = arith.constant 0 : i32
      %cond3A_95 = arith.cmpi ne, %convert_element_type3A_93, %cond3A_94 : i32
      scf.if %cond3A_95 {
        %rem3A_246 = arith.constant 2 : i32
        %rem3A_247 = arith.remsi %sub3A_81, %rem3A_246 : i32
        %mul3A_248 = arith.constant 16 : i32
        %mul3A_249 = arith.muli %rem3A_247, %mul3A_248 : i32
        %dma_wait3A = arith.constant 0 : i32
        %dma_wait3A_250 = arith.constant 0 : i32
        %dma_wait3A_251 = tpu.memref_slice %arg7[%mul3A_249, %dma_wait3A, %dma_wait3A_250] : memref<32x8x64xf32, #tpu.memory_space<vmem>> -> memref<16x8x64xf32, #tpu.memory_space<vmem>>
        %dma_wait3A_252 = arith.constant 0 : i32
        %dma_wait3A_253 = arith.constant 0 : i32
        %dma_wait3A_254 = arith.constant 0 : i32
        %dma_wait3A_255 = tpu.memref_slice %arg4[%dma_wait3A_252, %dma_wait3A_253, %dma_wait3A_254] : memref<125000x8x64xf32, #tpu.memory_space<hbm>> -> memref<16x8x64xf32, #tpu.memory_space<hbm>>
        %dma_wait3A_256 = arith.constant 0 : i32
        %dma_wait3A_257 = arith.constant 0 : i32
        %dma_wait3A_258 = tpu.memref_slice %arg7[%mul3A_249, %dma_wait3A_256, %dma_wait3A_257] : memref<32x8x64xf32, #tpu.memory_space<vmem>> -> memref<16x8x64xf32, #tpu.memory_space<vmem>>
        %dma_wait3A_259 = arith.constant 0 : i32
        %dma_wait3A_260 = arith.constant 0 : i32
        %dma_wait3A_261 = arith.constant 0 : i32
        %dma_wait3A_262 = tpu.memref_slice %arg4[%dma_wait3A_259, %dma_wait3A_260, %dma_wait3A_261] : memref<125000x8x64xf32, #tpu.memory_space<hbm>> -> memref<16x8x64xf32, #tpu.memory_space<hbm>>
        tpu.wait_dma2 semaphore(%arg12 : memref<!tpu.dma_semaphore, #tpu.memory_space<semaphore_mem>>) src(%dma_wait3A_262 : memref<16x8x64xf32, #tpu.memory_space<hbm>>) dst(%dma_wait3A_258 : memref<16x8x64xf32, #tpu.memory_space<vmem>>)
      } else {
      }
      %mul3A_96 = arith.constant 128 : i32
      %mul3A_97 = arith.muli %sub3A_81, %mul3A_96 : i32
      %add3A_98 = arith.addi %multiple_of3A_38, %mul3A_97 : i32
      %min3A_99 = arith.constant 204672 : i32
      %min3A_100 = arith.minsi %add3A_98, %min3A_99 : i32
      %multiple_of3A_101 = tpu.assume_multiple %min3A_100, 8 : i32
      %rem3A_102 = arith.constant 2 : i32
      %rem3A_103 = arith.remsi %sub3A_81, %rem3A_102 : i32
      %mul3A_104 = arith.constant 16 : i32
      %mul3A_105 = arith.muli %rem3A_103, %mul3A_104 : i32
      %mul3A_106 = arith.constant 128 : i32
      %mul3A_107 = arith.muli %sub3A_81, %mul3A_106 : i32
      %add3A_108 = arith.addi %multiple_of3A_38, %mul3A_107 : i32
      %max3A_109 = arith.maxsi %add3A_108, %squeeze3A_17 : i32
      %add3A_110 = arith.constant 1 : i32
      %add3A_111 = arith.addi %sub3A_81, %add3A_110 : i32
      %mul3A_112 = arith.constant 128 : i32
      %mul3A_113 = arith.muli %add3A_111, %mul3A_112 : i32
      %add3A_114 = arith.addi %multiple_of3A_38, %mul3A_113 : i32
      %min3A_115 = arith.minsi %add3A_114, %select_n3A : i32
      %add3A_116 = arith.constant 0 : i32
      %add3A_117 = arith.constant 64 : i32
      %add3A_118 = arith.addi %add3A_116, %add3A_117 : i32
      %lt3A_119 = arith.constant 128 : i32
      %lt3A_120 = arith.cmpi slt, %add3A_118, %lt3A_119 : i32
      %min3A_121 = arith.constant 128 : i32
      %min3A_122 = arith.minsi %add3A_118, %min3A_121 : i32
      %get3A_123 = arith.index_cast %min3A_122 : i32 to index
      %get3A_124 = tpu.vector_load %arg9[%get3A_123] {strides = array<i32>} : memref<160xi32, #tpu.memory_space<vmem>>, vector<16xi32>,
      %get3A_125 = vector.shape_cast %get3A_124 : vector<16xi32> to vector<16xi32>
      %slice3A_126 = vector.extract_strided_slice %get3A_125 {offsets = [0], sizes = [1], strides = [1]} : vector<16xi32> to vector<1xi32>
      %squeeze3A_127 = vector.extract %slice3A_126[0] : i32 from vector<1xi32>
      %le3A = arith.cmpi sle, %squeeze3A_127, %min3A_115 : i32
      %and3A_128 = arith.andi %lt3A_120, %le3A : i1
      %jit3A_129 = arith.constant 0 : i32
      %select_n3A_130 = arith.select %and3A_128, %add3A_118, %jit3A_129 : i32
      %add3A_131 = arith.constant 32 : i32
      %add3A_132 = arith.addi %select_n3A_130, %add3A_131 : i32
      %lt3A_133 = arith.constant 128 : i32
      %lt3A_134 = arith.cmpi slt, %add3A_132, %lt3A_133 : i32
      %min3A_135 = arith.constant 128 : i32
      %min3A_136 = arith.minsi %add3A_132, %min3A_135 : i32
      %get3A_137 = arith.index_cast %min3A_136 : i32 to index
      %get3A_138 = tpu.vector_load %arg9[%get3A_137] {strides = array<i32>} : memref<160xi32, #tpu.memory_space<vmem>>, vector<16xi32>,
      %get3A_139 = vector.shape_cast %get3A_138 : vector<16xi32> to vector<16xi32>
      %slice3A_140 = vector.extract_strided_slice %get3A_139 {offsets = [0], sizes = [1], strides = [1]} : vector<16xi32> to vector<1xi32>
      %squeeze3A_141 = vector.extract %slice3A_140[0] : i32 from vector<1xi32>
      %le3A_142 = arith.cmpi sle, %squeeze3A_141, %min3A_115 : i32
      %and3A_143 = arith.andi %lt3A_134, %le3A_142 : i1
      %select_n3A_144 = arith.select %and3A_143, %add3A_132, %select_n3A_130 : i32
      %add3A_145 = arith.constant 16 : i32
      %add3A_146 = arith.addi %select_n3A_144, %add3A_145 : i32
      %lt3A_147 = arith.constant 128 : i32
      %lt3A_148 = arith.cmpi slt, %add3A_146, %lt3A_147 : i32
      %min3A_149 = arith.constant 128 : i32
      %min3A_150 = arith.minsi %add3A_146, %min3A_149 : i32
      %get3A_151 = arith.index_cast %min3A_150 : i32 to index
      %get3A_152 = tpu.vector_load %arg9[%get3A_151] {strides = array<i32>} : memref<160xi32, #tpu.memory_space<vmem>>, vector<16xi32>,
      %get3A_153 = vector.shape_cast %get3A_152 : vector<16xi32> to vector<16xi32>
      %slice3A_154 = vector.extract_strided_slice %get3A_153 {offsets = [0], sizes = [1], strides = [1]} : vector<16xi32> to vector<1xi32>
      %squeeze3A_155 = vector.extract %slice3A_154[0] : i32 from vector<1xi32>
      %le3A_156 = arith.cmpi sle, %squeeze3A_155, %min3A_115 : i32
      %and3A_157 = arith.andi %lt3A_148, %le3A_156 : i1
      %select_n3A_158 = arith.select %and3A_157, %add3A_146, %select_n3A_144 : i32
      %add3A_159 = arith.constant 8 : i32
      %add3A_160 = arith.addi %select_n3A_158, %add3A_159 : i32
      %lt3A_161 = arith.constant 128 : i32
      %lt3A_162 = arith.cmpi slt, %add3A_160, %lt3A_161 : i32
      %min3A_163 = arith.constant 128 : i32
      %min3A_164 = arith.minsi %add3A_160, %min3A_163 : i32
      %get3A_165 = arith.index_cast %min3A_164 : i32 to index
      %get3A_166 = tpu.vector_load %arg9[%get3A_165] {strides = array<i32>} : memref<160xi32, #tpu.memory_space<vmem>>, vector<16xi32>,
      %get3A_167 = vector.shape_cast %get3A_166 : vector<16xi32> to vector<16xi32>
      %slice3A_168 = vector.extract_strided_slice %get3A_167 {offsets = [0], sizes = [1], strides = [1]} : vector<16xi32> to vector<1xi32>
      %squeeze3A_169 = vector.extract %slice3A_168[0] : i32 from vector<1xi32>
      %le3A_170 = arith.cmpi sle, %squeeze3A_169, %min3A_115 : i32
      %and3A_171 = arith.andi %lt3A_162, %le3A_170 : i1
      %select_n3A_172 = arith.select %and3A_171, %add3A_160, %select_n3A_158 : i32
      %add3A_173 = arith.constant 4 : i32
      %add3A_174 = arith.addi %select_n3A_172, %add3A_173 : i32
      %lt3A_175 = arith.constant 128 : i32
      %lt3A_176 = arith.cmpi slt, %add3A_174, %lt3A_175 : i32
      %min3A_177 = arith.constant 128 : i32
      %min3A_178 = arith.minsi %add3A_174, %min3A_177 : i32
      %get3A_179 = arith.index_cast %min3A_178 : i32 to index
      %get3A_180 = tpu.vector_load %arg9[%get3A_179] {strides = array<i32>} : memref<160xi32, #tpu.memory_space<vmem>>, vector<16xi32>,
      %get3A_181 = vector.shape_cast %get3A_180 : vector<16xi32> to vector<16xi32>
      %slice3A_182 = vector.extract_strided_slice %get3A_181 {offsets = [0], sizes = [1], strides = [1]} : vector<16xi32> to vector<1xi32>
      %squeeze3A_183 = vector.extract %slice3A_182[0] : i32 from vector<1xi32>
      %le3A_184 = arith.cmpi sle, %squeeze3A_183, %min3A_115 : i32
      %and3A_185 = arith.andi %lt3A_176, %le3A_184 : i1
      %select_n3A_186 = arith.select %and3A_185, %add3A_174, %select_n3A_172 : i32
      %add3A_187 = arith.constant 2 : i32
      %add3A_188 = arith.addi %select_n3A_186, %add3A_187 : i32
      %lt3A_189 = arith.constant 128 : i32
      %lt3A_190 = arith.cmpi slt, %add3A_188, %lt3A_189 : i32
      %min3A_191 = arith.constant 128 : i32
      %min3A_192 = arith.minsi %add3A_188, %min3A_191 : i32
      %get3A_193 = arith.index_cast %min3A_192 : i32 to index
      %get3A_194 = tpu.vector_load %arg9[%get3A_193] {strides = array<i32>} : memref<160xi32, #tpu.memory_space<vmem>>, vector<16xi32>,
      %get3A_195 = vector.shape_cast %get3A_194 : vector<16xi32> to vector<16xi32>
      %slice3A_196 = vector.extract_strided_slice %get3A_195 {offsets = [0], sizes = [1], strides = [1]} : vector<16xi32> to vector<1xi32>
      %squeeze3A_197 = vector.extract %slice3A_196[0] : i32 from vector<1xi32>
      %le3A_198 = arith.cmpi sle, %squeeze3A_197, %min3A_115 : i32
      %and3A_199 = arith.andi %lt3A_190, %le3A_198 : i1
      %select_n3A_200 = arith.select %and3A_199, %add3A_188, %select_n3A_186 : i32
      %add3A_201 = arith.constant 1 : i32
      %add3A_202 = arith.addi %select_n3A_200, %add3A_201 : i32
      %lt3A_203 = arith.constant 128 : i32
      %lt3A_204 = arith.cmpi slt, %add3A_202, %lt3A_203 : i32
      %min3A_205 = arith.constant 128 : i32
      %min3A_206 = arith.minsi %add3A_202, %min3A_205 : i32
      %get3A_207 = arith.index_cast %min3A_206 : i32 to index
      %get3A_208 = tpu.vector_load %arg9[%get3A_207] {strides = array<i32>} : memref<160xi32, #tpu.memory_space<vmem>>, vector<16xi32>,
      %get3A_209 = vector.shape_cast %get3A_208 : vector<16xi32> to vector<16xi32>
      %slice3A_210 = vector.extract_strided_slice %get3A_209 {offsets = [0], sizes = [1], strides = [1]} : vector<16xi32> to vector<1xi32>
      %squeeze3A_211 = vector.extract %slice3A_210[0] : i32 from vector<1xi32>
      %le3A_212 = arith.cmpi sle, %squeeze3A_211, %min3A_115 : i32
      %and3A_213 = arith.andi %lt3A_204, %le3A_212 : i1
      %select_n3A_214 = arith.select %and3A_213, %add3A_202, %select_n3A_200 : i32
      %le3A_215 = arith.cmpi sle, %select_n3A, %min3A_115 : i32
      %jit3A_216 = arith.constant 1 : i32
      %jit3A_217 = arith.constant 0 : i32
      %select_n3A_218 = arith.select %le3A_215, %jit3A_216, %jit3A_217 : i32
      %add3A_219 = arith.addi %select_n3A_214, %select_n3A_218 : i32
      %sub3A_220 = arith.subi %add3A_219, %while3A_66 : i32
      %while3A_221 = arith.constant 0 : i32
      %while3A_222 = arith.subi %sub3A_220, %while3A_221 : i32
      %while3A_223 = arith.addi %while3A_221, %while3A_222 : i32
      %while3A_224 = arith.constant 1 : i32
      %while3A_225 = arith.divsi %while3A_222, %while3A_224 : i32
      %while3A_226 = arith.muli %while3A_225, %while3A_224 : i32
      %while3A_227 = arith.addi %while3A_221, %while3A_226 : i32
      %while3A_228 = arith.constant 1 : i32
      %while3A_229:10 = scf.for %while3A_246 = %while3A_221 to %while3A_227 step %while3A_228 iter_args(%while3A_247 = %while3A_66, %while3A_248 = %while3A_67, %while3A_249 = %while3A_68, %while3A_250 = %while3A_69, %while3A_251 = %while3A_70, %while3A_252 = %while3A_71, %while3A_253 = %while3A_72, %while3A_254 = %while3A_73, %while3A_255 = %while3A_74, %while3A_256 = %while3A_75) -> (i32, i32, vector<16xf32>, vector<16xf32>, vector<16xf32>, vector<16xf32>, vector<16xf32>, vector<16xf32>, vector<16xf32>, vector<16xf32>)  : i32 {
        %min3A_257 = arith.constant 128 : i32
        %min3A_258 = arith.minsi %while3A_247, %min3A_257 : i32
        %get3A_259 = arith.index_cast %min3A_258 : i32 to index
        %get3A_260 = tpu.vector_load %arg9[%get3A_259] {strides = array<i32>} : memref<160xi32, #tpu.memory_space<vmem>>, vector<16xi32>,
        %get3A_261 = vector.shape_cast %get3A_260 : vector<16xi32> to vector<16xi32>
        %slice3A_262 = vector.extract_strided_slice %get3A_261 {offsets = [0], sizes = [1], strides = [1]} : vector<16xi32> to vector<1xi32>
        %squeeze3A_263 = vector.extract %slice3A_262[0] : i32 from vector<1xi32>
        %max3A_264 = arith.maxsi %squeeze3A_263, %max3A_109 : i32
        %add3A_265 = arith.constant 1 : i32
        %add3A_266 = arith.addi %while3A_247, %add3A_265 : i32
        %min3A_267 = arith.constant 128 : i32
        %min3A_268 = arith.minsi %add3A_266, %min3A_267 : i32
        %get3A_269 = arith.index_cast %min3A_268 : i32 to index
        %get3A_270 = tpu.vector_load %arg9[%get3A_269] {strides = array<i32>} : memref<160xi32, #tpu.memory_space<vmem>>, vector<16xi32>,
        %get3A_271 = vector.shape_cast %get3A_270 : vector<16xi32> to vector<16xi32>
        %slice3A_272 = vector.extract_strided_slice %get3A_271 {offsets = [0], sizes = [1], strides = [1]} : vector<16xi32> to vector<1xi32>
        %squeeze3A_273 = vector.extract %slice3A_272[0] : i32 from vector<1xi32>
        %parallel_loop3A_274 = arith.constant 1 : i32
        %parallel_loop3A_275:8 = scf.for %parallel_loop3A_340 = %max3A_264 to %squeeze3A_273 step %parallel_loop3A_274 iter_args(%parallel_loop3A_341 = %while3A_249, %parallel_loop3A_342 = %while3A_250, %parallel_loop3A_343 = %while3A_251, %parallel_loop3A_344 = %while3A_252, %parallel_loop3A_345 = %while3A_253, %parallel_loop3A_346 = %while3A_254, %parallel_loop3A_347 = %while3A_255, %parallel_loop3A_348 = %while3A_256) -> (vector<16xf32>, vector<16xf32>, vector<16xf32>, vector<16xf32>, vector<16xf32>, vector<16xf32>, vector<16xf32>, vector<16xf32>)  : i32 {
          %parallel_loop3A_349 = arith.subi %parallel_loop3A_340, %multiple_of3A_101 : i32
          %parallel_loop3A_350 = arith.constant 3 : i32
          %parallel_loop3A_351 = arith.shrui %parallel_loop3A_349, %parallel_loop3A_350 : i32
          %parallel_loop3A_352 = arith.addi %mul3A_105, %parallel_loop3A_351 : i32
          %parallel_loop3A_353 = arith.constant 7 : i32
          %parallel_loop3A_354 = arith.andi %parallel_loop3A_349, %parallel_loop3A_353 : i32
          %parallel_loop3A_355 = arith.index_cast %parallel_loop3A_352 : i32 to index
          %parallel_loop3A_356 = arith.index_cast %parallel_loop3A_354 : i32 to index
          %parallel_loop3A_357 = arith.constant 0 : index
          %parallel_loop3A_358 = tpu.vector_load %arg7[%parallel_loop3A_355, %parallel_loop3A_356, %parallel_loop3A_357] {strides = array<i32>} : memref<32x8x64xf32, #tpu.memory_space<vmem>>, vector<1x1x16xf32>,
          %parallel_loop3A_359 = vector.shape_cast %parallel_loop3A_358 : vector<1x1x16xf32> to vector<16xf32>
          %parallel_loop3A_360 = arith.index_cast %parallel_loop3A_352 : i32 to index
          %parallel_loop3A_361 = arith.index_cast %parallel_loop3A_354 : i32 to index
          %parallel_loop3A_362 = arith.constant 16 : index
          %parallel_loop3A_363 = tpu.vector_load %arg7[%parallel_loop3A_360, %parallel_loop3A_361, %parallel_loop3A_362] {strides = array<i32>} : memref<32x8x64xf32, #tpu.memory_space<vmem>>, vector<1x1x16xf32>,
          %parallel_loop3A_364 = vector.shape_cast %parallel_loop3A_363 : vector<1x1x16xf32> to vector<16xf32>
          %parallel_loop3A_365 = arith.index_cast %parallel_loop3A_352 : i32 to index
          %parallel_loop3A_366 = arith.index_cast %parallel_loop3A_354 : i32 to index
          %parallel_loop3A_367 = arith.constant 32 : index
          %parallel_loop3A_368 = tpu.vector_load %arg7[%parallel_loop3A_365, %parallel_loop3A_366, %parallel_loop3A_367] {strides = array<i32>} : memref<32x8x64xf32, #tpu.memory_space<vmem>>, vector<1x1x16xf32>,
          %parallel_loop3A_369 = vector.shape_cast %parallel_loop3A_368 : vector<1x1x16xf32> to vector<16xf32>
          %parallel_loop3A_370 = arith.index_cast %parallel_loop3A_352 : i32 to index
          %parallel_loop3A_371 = arith.index_cast %parallel_loop3A_354 : i32 to index
          %parallel_loop3A_372 = arith.constant 48 : index
          %parallel_loop3A_373 = tpu.vector_load %arg7[%parallel_loop3A_370, %parallel_loop3A_371, %parallel_loop3A_372] {strides = array<i32>} : memref<32x8x64xf32, #tpu.memory_space<vmem>>, vector<1x1x16xf32>,
          %parallel_loop3A_374 = vector.shape_cast %parallel_loop3A_373 : vector<1x1x16xf32> to vector<16xf32>
          %parallel_loop3A_375 = arith.addf %parallel_loop3A_341, %parallel_loop3A_359 : vector<16xf32>
          %parallel_loop3A_376 = arith.addf %parallel_loop3A_342, %parallel_loop3A_364 : vector<16xf32>
          %parallel_loop3A_377 = arith.addf %parallel_loop3A_343, %parallel_loop3A_369 : vector<16xf32>
          %parallel_loop3A_378 = arith.addf %parallel_loop3A_344, %parallel_loop3A_374 : vector<16xf32>
          %parallel_loop3A_379 = arith.maximumf %parallel_loop3A_345, %parallel_loop3A_359 : vector<16xf32>
          %parallel_loop3A_380 = arith.maximumf %parallel_loop3A_346, %parallel_loop3A_364 : vector<16xf32>
          %parallel_loop3A_381 = arith.maximumf %parallel_loop3A_347, %parallel_loop3A_369 : vector<16xf32>
          %parallel_loop3A_382 = arith.maximumf %parallel_loop3A_348, %parallel_loop3A_374 : vector<16xf32>
          scf.yield %parallel_loop3A_375, %parallel_loop3A_376, %parallel_loop3A_377, %parallel_loop3A_378, %parallel_loop3A_379, %parallel_loop3A_380, %parallel_loop3A_381, %parallel_loop3A_382 : vector<16xf32>, vector<16xf32>, vector<16xf32>, vector<16xf32>, vector<16xf32>, vector<16xf32>, vector<16xf32>, vector<16xf32>
        } {sc.loop_unroll_factor = 2 : i64, sc.parallel_access}
        %sub3A_276 = arith.subi %squeeze3A_273, %max3A_264 : i32
        %add3A_277 = arith.addi %while3A_248, %sub3A_276 : i32
        %broadcast_in_dim3A_278 = vector.broadcast %add3A_277 : i32 to vector<16xi32>
        %convert_element_type3A_279 = arith.sitofp %broadcast_in_dim3A_278 : vector<16xi32> to vector<16xf32>
        %max3A_280 = arith.constant 1.000000e+00 : f32
        %max3A_281 = vector.broadcast %max3A_280 : f32 to vector<16xf32>
        %max3A_282 = arith.maximumf %convert_element_type3A_279, %max3A_281 : vector<16xf32>
        %div3A_283 = arith.constant 1.000000e+00 : f32
        %div3A_284 = vector.broadcast %div3A_283 : f32 to vector<16xf32>
        %div3A_285 = arith.divf %div3A_284, %max3A_282 : vector<16xf32>
        %min3A_286 = arith.constant 1.000000e+00 : f32
        %min3A_287 = vector.broadcast %min3A_286 : f32 to vector<16xf32>
        %min3A_288 = arith.minimumf %convert_element_type3A_279, %min3A_287 : vector<16xf32>
        %mul3A_289 = arith.mulf %parallel_loop3A_275#0, %div3A_285 : vector<16xf32>
        %swap3A_290 = arith.index_cast %while3A_247 : i32 to index
        %swap3A_291 = arith.constant 0 : index
        %swap3A_292 = tpu.vector_load %arg8[%swap3A_290, %swap3A_291] {strides = array<i32>} : memref<128x128xf32, #tpu.memory_space<vmem>>, vector<1x16xf32>,
        %swap3A_293 = vector.shape_cast %swap3A_292 : vector<1x16xf32> to vector<16xf32>
        %swap3A_294 = vector.shape_cast %mul3A_289 : vector<16xf32> to vector<1x16xf32>
        tpu.vector_store %arg8[%swap3A_290, %swap3A_291], %swap3A_294 {strides = array<i32>} : memref<128x128xf32, #tpu.memory_space<vmem>>, vector<1x16xf32>,
        %mul3A_295 = arith.mulf %parallel_loop3A_275#1, %div3A_285 : vector<16xf32>
        %swap3A_296 = arith.index_cast %while3A_247 : i32 to index
        %swap3A_297 = arith.constant 16 : index
        %swap3A_298 = tpu.vector_load %arg8[%swap3A_296, %swap3A_297] {strides = array<i32>} : memref<128x128xf32, #tpu.memory_space<vmem>>, vector<1x16xf32>,
        %swap3A_299 = vector.shape_cast %swap3A_298 : vector<1x16xf32> to vector<16xf32>
        %swap3A_300 = vector.shape_cast %mul3A_295 : vector<16xf32> to vector<1x16xf32>
        tpu.vector_store %arg8[%swap3A_296, %swap3A_297], %swap3A_300 {strides = array<i32>} : memref<128x128xf32, #tpu.memory_space<vmem>>, vector<1x16xf32>,
        %mul3A_301 = arith.mulf %parallel_loop3A_275#2, %div3A_285 : vector<16xf32>
        %swap3A_302 = arith.index_cast %while3A_247 : i32 to index
        %swap3A_303 = arith.constant 32 : index
        %swap3A_304 = tpu.vector_load %arg8[%swap3A_302, %swap3A_303] {strides = array<i32>} : memref<128x128xf32, #tpu.memory_space<vmem>>, vector<1x16xf32>,
        %swap3A_305 = vector.shape_cast %swap3A_304 : vector<1x16xf32> to vector<16xf32>
        %swap3A_306 = vector.shape_cast %mul3A_301 : vector<16xf32> to vector<1x16xf32>
        tpu.vector_store %arg8[%swap3A_302, %swap3A_303], %swap3A_306 {strides = array<i32>} : memref<128x128xf32, #tpu.memory_space<vmem>>, vector<1x16xf32>,
        %mul3A_307 = arith.mulf %parallel_loop3A_275#3, %div3A_285 : vector<16xf32>
        %swap3A_308 = arith.index_cast %while3A_247 : i32 to index
        %swap3A_309 = arith.constant 48 : index
        %swap3A_310 = tpu.vector_load %arg8[%swap3A_308, %swap3A_309] {strides = array<i32>} : memref<128x128xf32, #tpu.memory_space<vmem>>, vector<1x16xf32>,
        %swap3A_311 = vector.shape_cast %swap3A_310 : vector<1x16xf32> to vector<16xf32>
        %swap3A_312 = vector.shape_cast %mul3A_307 : vector<16xf32> to vector<1x16xf32>
        tpu.vector_store %arg8[%swap3A_308, %swap3A_309], %swap3A_312 {strides = array<i32>} : memref<128x128xf32, #tpu.memory_space<vmem>>, vector<1x16xf32>,
        %mul3A_313 = arith.mulf %parallel_loop3A_275#4, %min3A_288 : vector<16xf32>
        %swap3A_314 = arith.index_cast %while3A_247 : i32 to index
        %swap3A_315 = arith.constant 64 : index
        %swap3A_316 = tpu.vector_load %arg8[%swap3A_314, %swap3A_315] {strides = array<i32>} : memref<128x128xf32, #tpu.memory_space<vmem>>, vector<1x16xf32>,
        %swap3A_317 = vector.shape_cast %swap3A_316 : vector<1x16xf32> to vector<16xf32>
        %swap3A_318 = vector.shape_cast %mul3A_313 : vector<16xf32> to vector<1x16xf32>
        tpu.vector_store %arg8[%swap3A_314, %swap3A_315], %swap3A_318 {strides = array<i32>} : memref<128x128xf32, #tpu.memory_space<vmem>>, vector<1x16xf32>,
        %mul3A_319 = arith.mulf %parallel_loop3A_275#5, %min3A_288 : vector<16xf32>
        %swap3A_320 = arith.index_cast %while3A_247 : i32 to index
        %swap3A_321 = arith.constant 80 : index
        %swap3A_322 = tpu.vector_load %arg8[%swap3A_320, %swap3A_321] {strides = array<i32>} : memref<128x128xf32, #tpu.memory_space<vmem>>, vector<1x16xf32>,
        %swap3A_323 = vector.shape_cast %swap3A_322 : vector<1x16xf32> to vector<16xf32>
        %swap3A_324 = vector.shape_cast %mul3A_319 : vector<16xf32> to vector<1x16xf32>
        tpu.vector_store %arg8[%swap3A_320, %swap3A_321], %swap3A_324 {strides = array<i32>} : memref<128x128xf32, #tpu.memory_space<vmem>>, vector<1x16xf32>,
        %mul3A_325 = arith.mulf %parallel_loop3A_275#6, %min3A_288 : vector<16xf32>
        %swap3A_326 = arith.index_cast %while3A_247 : i32 to index
        %swap3A_327 = arith.constant 96 : index
        %swap3A_328 = tpu.vector_load %arg8[%swap3A_326, %swap3A_327] {strides = array<i32>} : memref<128x128xf32, #tpu.memory_space<vmem>>, vector<1x16xf32>,
        %swap3A_329 = vector.shape_cast %swap3A_328 : vector<1x16xf32> to vector<16xf32>
        %swap3A_330 = vector.shape_cast %mul3A_325 : vector<16xf32> to vector<1x16xf32>
        tpu.vector_store %arg8[%swap3A_326, %swap3A_327], %swap3A_330 {strides = array<i32>} : memref<128x128xf32, #tpu.memory_space<vmem>>, vector<1x16xf32>,
        %mul3A_331 = arith.mulf %parallel_loop3A_275#7, %min3A_288 : vector<16xf32>
        %swap3A_332 = arith.index_cast %while3A_247 : i32 to index
        %swap3A_333 = arith.constant 112 : index
        %swap3A_334 = tpu.vector_load %arg8[%swap3A_332, %swap3A_333] {strides = array<i32>} : memref<128x128xf32, #tpu.memory_space<vmem>>, vector<1x16xf32>,
        %swap3A_335 = vector.shape_cast %swap3A_334 : vector<1x16xf32> to vector<16xf32>
        %swap3A_336 = vector.shape_cast %mul3A_331 : vector<16xf32> to vector<1x16xf32>
        tpu.vector_store %arg8[%swap3A_332, %swap3A_333], %swap3A_336 {strides = array<i32>} : memref<128x128xf32, #tpu.memory_space<vmem>>, vector<1x16xf32>,
        %add3A_337 = arith.constant 1 : i32
        %add3A_338 = arith.addi %while3A_247, %add3A_337 : i32
        %while3A_339 = arith.constant 0 : i32
        scf.yield %add3A_338, %while3A_339, %broadcast_in_dim3A_48, %broadcast_in_dim3A_48, %broadcast_in_dim3A_48, %broadcast_in_dim3A_48, %broadcast_in_dim3A_50, %broadcast_in_dim3A_50, %broadcast_in_dim3A_50, %broadcast_in_dim3A_50 : i32, i32, vector<16xf32>, vector<16xf32>, vector<16xf32>, vector<16xf32>, vector<16xf32>, vector<16xf32>, vector<16xf32>, vector<16xf32>
      }
      %while3A_230 = arith.constant 1 : i32
      %while3A_231:10 = scf.for %while3A_246 = %while3A_227 to %while3A_223 step %while3A_230 iter_args(%while3A_247 = %while3A_229#0, %while3A_248 = %while3A_229#1, %while3A_249 = %while3A_229#2, %while3A_250 = %while3A_229#3, %while3A_251 = %while3A_229#4, %while3A_252 = %while3A_229#5, %while3A_253 = %while3A_229#6, %while3A_254 = %while3A_229#7, %while3A_255 = %while3A_229#8, %while3A_256 = %while3A_229#9) -> (i32, i32, vector<16xf32>, vector<16xf32>, vector<16xf32>, vector<16xf32>, vector<16xf32>, vector<16xf32>, vector<16xf32>, vector<16xf32>)  : i32 {
        %min3A_257 = arith.constant 128 : i32
        %min3A_258 = arith.minsi %while3A_247, %min3A_257 : i32
        %get3A_259 = arith.index_cast %min3A_258 : i32 to index
        %get3A_260 = tpu.vector_load %arg9[%get3A_259] {strides = array<i32>} : memref<160xi32, #tpu.memory_space<vmem>>, vector<16xi32>,
        %get3A_261 = vector.shape_cast %get3A_260 : vector<16xi32> to vector<16xi32>
        %slice3A_262 = vector.extract_strided_slice %get3A_261 {offsets = [0], sizes = [1], strides = [1]} : vector<16xi32> to vector<1xi32>
        %squeeze3A_263 = vector.extract %slice3A_262[0] : i32 from vector<1xi32>
        %max3A_264 = arith.maxsi %squeeze3A_263, %max3A_109 : i32
        %add3A_265 = arith.constant 1 : i32
        %add3A_266 = arith.addi %while3A_247, %add3A_265 : i32
        %min3A_267 = arith.constant 128 : i32
        %min3A_268 = arith.minsi %add3A_266, %min3A_267 : i32
        %get3A_269 = arith.index_cast %min3A_268 : i32 to index
        %get3A_270 = tpu.vector_load %arg9[%get3A_269] {strides = array<i32>} : memref<160xi32, #tpu.memory_space<vmem>>, vector<16xi32>,
        %get3A_271 = vector.shape_cast %get3A_270 : vector<16xi32> to vector<16xi32>
        %slice3A_272 = vector.extract_strided_slice %get3A_271 {offsets = [0], sizes = [1], strides = [1]} : vector<16xi32> to vector<1xi32>
        %squeeze3A_273 = vector.extract %slice3A_272[0] : i32 from vector<1xi32>
        %parallel_loop3A_274 = arith.constant 1 : i32
        %parallel_loop3A_275:8 = scf.for %parallel_loop3A_340 = %max3A_264 to %squeeze3A_273 step %parallel_loop3A_274 iter_args(%parallel_loop3A_341 = %while3A_249, %parallel_loop3A_342 = %while3A_250, %parallel_loop3A_343 = %while3A_251, %parallel_loop3A_344 = %while3A_252, %parallel_loop3A_345 = %while3A_253, %parallel_loop3A_346 = %while3A_254, %parallel_loop3A_347 = %while3A_255, %parallel_loop3A_348 = %while3A_256) -> (vector<16xf32>, vector<16xf32>, vector<16xf32>, vector<16xf32>, vector<16xf32>, vector<16xf32>, vector<16xf32>, vector<16xf32>)  : i32 {
          %parallel_loop3A_349 = arith.subi %parallel_loop3A_340, %multiple_of3A_101 : i32
          %parallel_loop3A_350 = arith.constant 3 : i32
          %parallel_loop3A_351 = arith.shrui %parallel_loop3A_349, %parallel_loop3A_350 : i32
          %parallel_loop3A_352 = arith.addi %mul3A_105, %parallel_loop3A_351 : i32
          %parallel_loop3A_353 = arith.constant 7 : i32
          %parallel_loop3A_354 = arith.andi %parallel_loop3A_349, %parallel_loop3A_353 : i32
          %parallel_loop3A_355 = arith.index_cast %parallel_loop3A_352 : i32 to index
          %parallel_loop3A_356 = arith.index_cast %parallel_loop3A_354 : i32 to index
          %parallel_loop3A_357 = arith.constant 0 : index
          %parallel_loop3A_358 = tpu.vector_load %arg7[%parallel_loop3A_355, %parallel_loop3A_356, %parallel_loop3A_357] {strides = array<i32>} : memref<32x8x64xf32, #tpu.memory_space<vmem>>, vector<1x1x16xf32>,
          %parallel_loop3A_359 = vector.shape_cast %parallel_loop3A_358 : vector<1x1x16xf32> to vector<16xf32>
          %parallel_loop3A_360 = arith.index_cast %parallel_loop3A_352 : i32 to index
          %parallel_loop3A_361 = arith.index_cast %parallel_loop3A_354 : i32 to index
          %parallel_loop3A_362 = arith.constant 16 : index
          %parallel_loop3A_363 = tpu.vector_load %arg7[%parallel_loop3A_360, %parallel_loop3A_361, %parallel_loop3A_362] {strides = array<i32>} : memref<32x8x64xf32, #tpu.memory_space<vmem>>, vector<1x1x16xf32>,
          %parallel_loop3A_364 = vector.shape_cast %parallel_loop3A_363 : vector<1x1x16xf32> to vector<16xf32>
          %parallel_loop3A_365 = arith.index_cast %parallel_loop3A_352 : i32 to index
          %parallel_loop3A_366 = arith.index_cast %parallel_loop3A_354 : i32 to index
          %parallel_loop3A_367 = arith.constant 32 : index
          %parallel_loop3A_368 = tpu.vector_load %arg7[%parallel_loop3A_365, %parallel_loop3A_366, %parallel_loop3A_367] {strides = array<i32>} : memref<32x8x64xf32, #tpu.memory_space<vmem>>, vector<1x1x16xf32>,
          %parallel_loop3A_369 = vector.shape_cast %parallel_loop3A_368 : vector<1x1x16xf32> to vector<16xf32>
          %parallel_loop3A_370 = arith.index_cast %parallel_loop3A_352 : i32 to index
          %parallel_loop3A_371 = arith.index_cast %parallel_loop3A_354 : i32 to index
          %parallel_loop3A_372 = arith.constant 48 : index
          %parallel_loop3A_373 = tpu.vector_load %arg7[%parallel_loop3A_370, %parallel_loop3A_371, %parallel_loop3A_372] {strides = array<i32>} : memref<32x8x64xf32, #tpu.memory_space<vmem>>, vector<1x1x16xf32>,
          %parallel_loop3A_374 = vector.shape_cast %parallel_loop3A_373 : vector<1x1x16xf32> to vector<16xf32>
          %parallel_loop3A_375 = arith.addf %parallel_loop3A_341, %parallel_loop3A_359 : vector<16xf32>
          %parallel_loop3A_376 = arith.addf %parallel_loop3A_342, %parallel_loop3A_364 : vector<16xf32>
          %parallel_loop3A_377 = arith.addf %parallel_loop3A_343, %parallel_loop3A_369 : vector<16xf32>
          %parallel_loop3A_378 = arith.addf %parallel_loop3A_344, %parallel_loop3A_374 : vector<16xf32>
          %parallel_loop3A_379 = arith.maximumf %parallel_loop3A_345, %parallel_loop3A_359 : vector<16xf32>
          %parallel_loop3A_380 = arith.maximumf %parallel_loop3A_346, %parallel_loop3A_364 : vector<16xf32>
          %parallel_loop3A_381 = arith.maximumf %parallel_loop3A_347, %parallel_loop3A_369 : vector<16xf32>
          %parallel_loop3A_382 = arith.maximumf %parallel_loop3A_348, %parallel_loop3A_374 : vector<16xf32>
          scf.yield %parallel_loop3A_375, %parallel_loop3A_376, %parallel_loop3A_377, %parallel_loop3A_378, %parallel_loop3A_379, %parallel_loop3A_380, %parallel_loop3A_381, %parallel_loop3A_382 : vector<16xf32>, vector<16xf32>, vector<16xf32>, vector<16xf32>, vector<16xf32>, vector<16xf32>, vector<16xf32>, vector<16xf32>
        } {sc.loop_unroll_factor = 2 : i64, sc.parallel_access}
        %sub3A_276 = arith.subi %squeeze3A_273, %max3A_264 : i32
        %add3A_277 = arith.addi %while3A_248, %sub3A_276 : i32
        %broadcast_in_dim3A_278 = vector.broadcast %add3A_277 : i32 to vector<16xi32>
        %convert_element_type3A_279 = arith.sitofp %broadcast_in_dim3A_278 : vector<16xi32> to vector<16xf32>
        %max3A_280 = arith.constant 1.000000e+00 : f32
        %max3A_281 = vector.broadcast %max3A_280 : f32 to vector<16xf32>
        %max3A_282 = arith.maximumf %convert_element_type3A_279, %max3A_281 : vector<16xf32>
        %div3A_283 = arith.constant 1.000000e+00 : f32
        %div3A_284 = vector.broadcast %div3A_283 : f32 to vector<16xf32>
        %div3A_285 = arith.divf %div3A_284, %max3A_282 : vector<16xf32>
        %min3A_286 = arith.constant 1.000000e+00 : f32
        %min3A_287 = vector.broadcast %min3A_286 : f32 to vector<16xf32>
        %min3A_288 = arith.minimumf %convert_element_type3A_279, %min3A_287 : vector<16xf32>
        %mul3A_289 = arith.mulf %parallel_loop3A_275#0, %div3A_285 : vector<16xf32>
        %swap3A_290 = arith.index_cast %while3A_247 : i32 to index
        %swap3A_291 = arith.constant 0 : index
        %swap3A_292 = tpu.vector_load %arg8[%swap3A_290, %swap3A_291] {strides = array<i32>} : memref<128x128xf32, #tpu.memory_space<vmem>>, vector<1x16xf32>,
        %swap3A_293 = vector.shape_cast %swap3A_292 : vector<1x16xf32> to vector<16xf32>
        %swap3A_294 = vector.shape_cast %mul3A_289 : vector<16xf32> to vector<1x16xf32>
        tpu.vector_store %arg8[%swap3A_290, %swap3A_291], %swap3A_294 {strides = array<i32>} : memref<128x128xf32, #tpu.memory_space<vmem>>, vector<1x16xf32>,
        %mul3A_295 = arith.mulf %parallel_loop3A_275#1, %div3A_285 : vector<16xf32>
        %swap3A_296 = arith.index_cast %while3A_247 : i32 to index
        %swap3A_297 = arith.constant 16 : index
        %swap3A_298 = tpu.vector_load %arg8[%swap3A_296, %swap3A_297] {strides = array<i32>} : memref<128x128xf32, #tpu.memory_space<vmem>>, vector<1x16xf32>,
        %swap3A_299 = vector.shape_cast %swap3A_298 : vector<1x16xf32> to vector<16xf32>
        %swap3A_300 = vector.shape_cast %mul3A_295 : vector<16xf32> to vector<1x16xf32>
        tpu.vector_store %arg8[%swap3A_296, %swap3A_297], %swap3A_300 {strides = array<i32>} : memref<128x128xf32, #tpu.memory_space<vmem>>, vector<1x16xf32>,
        %mul3A_301 = arith.mulf %parallel_loop3A_275#2, %div3A_285 : vector<16xf32>
        %swap3A_302 = arith.index_cast %while3A_247 : i32 to index
        %swap3A_303 = arith.constant 32 : index
        %swap3A_304 = tpu.vector_load %arg8[%swap3A_302, %swap3A_303] {strides = array<i32>} : memref<128x128xf32, #tpu.memory_space<vmem>>, vector<1x16xf32>,
        %swap3A_305 = vector.shape_cast %swap3A_304 : vector<1x16xf32> to vector<16xf32>
        %swap3A_306 = vector.shape_cast %mul3A_301 : vector<16xf32> to vector<1x16xf32>
        tpu.vector_store %arg8[%swap3A_302, %swap3A_303], %swap3A_306 {strides = array<i32>} : memref<128x128xf32, #tpu.memory_space<vmem>>, vector<1x16xf32>,
        %mul3A_307 = arith.mulf %parallel_loop3A_275#3, %div3A_285 : vector<16xf32>
        %swap3A_308 = arith.index_cast %while3A_247 : i32 to index
        %swap3A_309 = arith.constant 48 : index
        %swap3A_310 = tpu.vector_load %arg8[%swap3A_308, %swap3A_309] {strides = array<i32>} : memref<128x128xf32, #tpu.memory_space<vmem>>, vector<1x16xf32>,
        %swap3A_311 = vector.shape_cast %swap3A_310 : vector<1x16xf32> to vector<16xf32>
        %swap3A_312 = vector.shape_cast %mul3A_307 : vector<16xf32> to vector<1x16xf32>
        tpu.vector_store %arg8[%swap3A_308, %swap3A_309], %swap3A_312 {strides = array<i32>} : memref<128x128xf32, #tpu.memory_space<vmem>>, vector<1x16xf32>,
        %mul3A_313 = arith.mulf %parallel_loop3A_275#4, %min3A_288 : vector<16xf32>
        %swap3A_314 = arith.index_cast %while3A_247 : i32 to index
        %swap3A_315 = arith.constant 64 : index
        %swap3A_316 = tpu.vector_load %arg8[%swap3A_314, %swap3A_315] {strides = array<i32>} : memref<128x128xf32, #tpu.memory_space<vmem>>, vector<1x16xf32>,
        %swap3A_317 = vector.shape_cast %swap3A_316 : vector<1x16xf32> to vector<16xf32>
        %swap3A_318 = vector.shape_cast %mul3A_313 : vector<16xf32> to vector<1x16xf32>
        tpu.vector_store %arg8[%swap3A_314, %swap3A_315], %swap3A_318 {strides = array<i32>} : memref<128x128xf32, #tpu.memory_space<vmem>>, vector<1x16xf32>,
        %mul3A_319 = arith.mulf %parallel_loop3A_275#5, %min3A_288 : vector<16xf32>
        %swap3A_320 = arith.index_cast %while3A_247 : i32 to index
        %swap3A_321 = arith.constant 80 : index
        %swap3A_322 = tpu.vector_load %arg8[%swap3A_320, %swap3A_321] {strides = array<i32>} : memref<128x128xf32, #tpu.memory_space<vmem>>, vector<1x16xf32>,
        %swap3A_323 = vector.shape_cast %swap3A_322 : vector<1x16xf32> to vector<16xf32>
        %swap3A_324 = vector.shape_cast %mul3A_319 : vector<16xf32> to vector<1x16xf32>
        tpu.vector_store %arg8[%swap3A_320, %swap3A_321], %swap3A_324 {strides = array<i32>} : memref<128x128xf32, #tpu.memory_space<vmem>>, vector<1x16xf32>,
        %mul3A_325 = arith.mulf %parallel_loop3A_275#6, %min3A_288 : vector<16xf32>
        %swap3A_326 = arith.index_cast %while3A_247 : i32 to index
        %swap3A_327 = arith.constant 96 : index
        %swap3A_328 = tpu.vector_load %arg8[%swap3A_326, %swap3A_327] {strides = array<i32>} : memref<128x128xf32, #tpu.memory_space<vmem>>, vector<1x16xf32>,
        %swap3A_329 = vector.shape_cast %swap3A_328 : vector<1x16xf32> to vector<16xf32>
        %swap3A_330 = vector.shape_cast %mul3A_325 : vector<16xf32> to vector<1x16xf32>
        tpu.vector_store %arg8[%swap3A_326, %swap3A_327], %swap3A_330 {strides = array<i32>} : memref<128x128xf32, #tpu.memory_space<vmem>>, vector<1x16xf32>,
        %mul3A_331 = arith.mulf %parallel_loop3A_275#7, %min3A_288 : vector<16xf32>
        %swap3A_332 = arith.index_cast %while3A_247 : i32 to index
        %swap3A_333 = arith.constant 112 : index
        %swap3A_334 = tpu.vector_load %arg8[%swap3A_332, %swap3A_333] {strides = array<i32>} : memref<128x128xf32, #tpu.memory_space<vmem>>, vector<1x16xf32>,
        %swap3A_335 = vector.shape_cast %swap3A_334 : vector<1x16xf32> to vector<16xf32>
        %swap3A_336 = vector.shape_cast %mul3A_331 : vector<16xf32> to vector<1x16xf32>
        tpu.vector_store %arg8[%swap3A_332, %swap3A_333], %swap3A_336 {strides = array<i32>} : memref<128x128xf32, #tpu.memory_space<vmem>>, vector<1x16xf32>,
        %add3A_337 = arith.constant 1 : i32
        %add3A_338 = arith.addi %while3A_247, %add3A_337 : i32
        %while3A_339 = arith.constant 0 : i32
        scf.yield %add3A_338, %while3A_339, %broadcast_in_dim3A_48, %broadcast_in_dim3A_48, %broadcast_in_dim3A_48, %broadcast_in_dim3A_48, %broadcast_in_dim3A_50, %broadcast_in_dim3A_50, %broadcast_in_dim3A_50, %broadcast_in_dim3A_50 : i32, i32, vector<16xf32>, vector<16xf32>, vector<16xf32>, vector<16xf32>, vector<16xf32>, vector<16xf32>, vector<16xf32>, vector<16xf32>
      }
      %min3A_232 = arith.constant 128 : i32
      %min3A_233 = arith.minsi %while3A_231#0, %min3A_232 : i32
      %get3A_234 = arith.index_cast %min3A_233 : i32 to index
      %get3A_235 = tpu.vector_load %arg9[%get3A_234] {strides = array<i32>} : memref<160xi32, #tpu.memory_space<vmem>>, vector<16xi32>,
      %get3A_236 = vector.shape_cast %get3A_235 : vector<16xi32> to vector<16xi32>
      %slice3A_237 = vector.extract_strided_slice %get3A_236 {offsets = [0], sizes = [1], strides = [1]} : vector<16xi32> to vector<1xi32>
      %squeeze3A_238 = vector.extract %slice3A_237[0] : i32 from vector<1xi32>
      %max3A_239 = arith.maxsi %squeeze3A_238, %max3A_109 : i32
      %ge3A = arith.constant 128 : i32
      %ge3A_240 = arith.cmpi sge, %while3A_231#0, %ge3A : i32
      %select_n3A_241 = arith.select %ge3A_240, %max3A_239, %min3A_115 : i32
      %max3A_242 = arith.maxsi %select_n3A_241, %max3A_239 : i32
      %parallel_loop3A = arith.constant 1 : i32
      %parallel_loop3A_243:8 = scf.for %parallel_loop3A_246 = %max3A_239 to %max3A_242 step %parallel_loop3A iter_args(%parallel_loop3A_247 = %while3A_231#2, %parallel_loop3A_248 = %while3A_231#3, %parallel_loop3A_249 = %while3A_231#4, %parallel_loop3A_250 = %while3A_231#5, %parallel_loop3A_251 = %while3A_231#6, %parallel_loop3A_252 = %while3A_231#7, %parallel_loop3A_253 = %while3A_231#8, %parallel_loop3A_254 = %while3A_231#9) -> (vector<16xf32>, vector<16xf32>, vector<16xf32>, vector<16xf32>, vector<16xf32>, vector<16xf32>, vector<16xf32>, vector<16xf32>)  : i32 {
        %parallel_loop3A_255 = arith.subi %parallel_loop3A_246, %multiple_of3A_101 : i32
        %parallel_loop3A_256 = arith.constant 3 : i32
        %parallel_loop3A_257 = arith.shrui %parallel_loop3A_255, %parallel_loop3A_256 : i32
        %parallel_loop3A_258 = arith.addi %mul3A_105, %parallel_loop3A_257 : i32
        %parallel_loop3A_259 = arith.constant 7 : i32
        %parallel_loop3A_260 = arith.andi %parallel_loop3A_255, %parallel_loop3A_259 : i32
        %parallel_loop3A_261 = arith.index_cast %parallel_loop3A_258 : i32 to index
        %parallel_loop3A_262 = arith.index_cast %parallel_loop3A_260 : i32 to index
        %parallel_loop3A_263 = arith.constant 0 : index
        %parallel_loop3A_264 = tpu.vector_load %arg7[%parallel_loop3A_261, %parallel_loop3A_262, %parallel_loop3A_263] {strides = array<i32>} : memref<32x8x64xf32, #tpu.memory_space<vmem>>, vector<1x1x16xf32>,
        %parallel_loop3A_265 = vector.shape_cast %parallel_loop3A_264 : vector<1x1x16xf32> to vector<16xf32>
        %parallel_loop3A_266 = arith.index_cast %parallel_loop3A_258 : i32 to index
        %parallel_loop3A_267 = arith.index_cast %parallel_loop3A_260 : i32 to index
        %parallel_loop3A_268 = arith.constant 16 : index
        %parallel_loop3A_269 = tpu.vector_load %arg7[%parallel_loop3A_266, %parallel_loop3A_267, %parallel_loop3A_268] {strides = array<i32>} : memref<32x8x64xf32, #tpu.memory_space<vmem>>, vector<1x1x16xf32>,
        %parallel_loop3A_270 = vector.shape_cast %parallel_loop3A_269 : vector<1x1x16xf32> to vector<16xf32>
        %parallel_loop3A_271 = arith.index_cast %parallel_loop3A_258 : i32 to index
        %parallel_loop3A_272 = arith.index_cast %parallel_loop3A_260 : i32 to index
        %parallel_loop3A_273 = arith.constant 32 : index
        %parallel_loop3A_274 = tpu.vector_load %arg7[%parallel_loop3A_271, %parallel_loop3A_272, %parallel_loop3A_273] {strides = array<i32>} : memref<32x8x64xf32, #tpu.memory_space<vmem>>, vector<1x1x16xf32>,
        %parallel_loop3A_275 = vector.shape_cast %parallel_loop3A_274 : vector<1x1x16xf32> to vector<16xf32>
        %parallel_loop3A_276 = arith.index_cast %parallel_loop3A_258 : i32 to index
        %parallel_loop3A_277 = arith.index_cast %parallel_loop3A_260 : i32 to index
        %parallel_loop3A_278 = arith.constant 48 : index
        %parallel_loop3A_279 = tpu.vector_load %arg7[%parallel_loop3A_276, %parallel_loop3A_277, %parallel_loop3A_278] {strides = array<i32>} : memref<32x8x64xf32, #tpu.memory_space<vmem>>, vector<1x1x16xf32>,
        %parallel_loop3A_280 = vector.shape_cast %parallel_loop3A_279 : vector<1x1x16xf32> to vector<16xf32>
        %parallel_loop3A_281 = arith.addf %parallel_loop3A_247, %parallel_loop3A_265 : vector<16xf32>
        %parallel_loop3A_282 = arith.addf %parallel_loop3A_248, %parallel_loop3A_270 : vector<16xf32>
        %parallel_loop3A_283 = arith.addf %parallel_loop3A_249, %parallel_loop3A_275 : vector<16xf32>
        %parallel_loop3A_284 = arith.addf %parallel_loop3A_250, %parallel_loop3A_280 : vector<16xf32>
        %parallel_loop3A_285 = arith.maximumf %parallel_loop3A_251, %parallel_loop3A_265 : vector<16xf32>
        %parallel_loop3A_286 = arith.maximumf %parallel_loop3A_252, %parallel_loop3A_270 : vector<16xf32>
        %parallel_loop3A_287 = arith.maximumf %parallel_loop3A_253, %parallel_loop3A_275 : vector<16xf32>
        %parallel_loop3A_288 = arith.maximumf %parallel_loop3A_254, %parallel_loop3A_280 : vector<16xf32>
        scf.yield %parallel_loop3A_281, %parallel_loop3A_282, %parallel_loop3A_283, %parallel_loop3A_284, %parallel_loop3A_285, %parallel_loop3A_286, %parallel_loop3A_287, %parallel_loop3A_288 : vector<16xf32>, vector<16xf32>, vector<16xf32>, vector<16xf32>, vector<16xf32>, vector<16xf32>, vector<16xf32>, vector<16xf32>
      } {sc.loop_unroll_factor = 2 : i64, sc.parallel_access}
      %sub3A_244 = arith.subi %max3A_242, %max3A_239 : i32
      %add3A_245 = arith.addi %while3A_231#1, %sub3A_244 : i32
      scf.yield %while3A_231#0, %add3A_245, %parallel_loop3A_243#0, %parallel_loop3A_243#1, %parallel_loop3A_243#2, %parallel_loop3A_243#3, %parallel_loop3A_243#4, %parallel_loop3A_243#5, %parallel_loop3A_243#6, %parallel_loop3A_243#7 : i32, i32, vector<16xf32>, vector<16xf32>, vector<16xf32>, vector<16xf32>, vector<16xf32>, vector<16xf32>, vector<16xf32>, vector<16xf32>
    }
    "tpu.region"() ({
      %run_scoped3A = tpu.sem_alloc : memref<!tpu.dma_semaphore, #tpu.memory_space<semaphore_mem>>
      %dma_start3A = arith.constant 0 : i32
      %dma_start3A_65 = tpu.memref_slice %arg5[%multiple_of3A, %dma_start3A] : memref<4096x128xf32, #tpu.memory_space<hbm>> -> memref<128x128xf32, #tpu.memory_space<hbm>>
      %dma_start3A_66 = arith.constant 0 : i32
      %dma_start3A_67 = tpu.memref_slice %arg5[%multiple_of3A, %dma_start3A_66] : memref<4096x128xf32, #tpu.memory_space<hbm>> -> memref<128x128xf32, #tpu.memory_space<hbm>>
      tpu.enqueue_dma source(%arg8 : memref<128x128xf32, #tpu.memory_space<vmem>>) target(%dma_start3A_67 : memref<128x128xf32, #tpu.memory_space<hbm>>) target_semaphore(%run_scoped3A : memref<!tpu.dma_semaphore, #tpu.memory_space<semaphore_mem>>)
      %dma_wait3A = arith.constant 0 : i32
      %dma_wait3A_68 = tpu.memref_slice %arg5[%multiple_of3A, %dma_wait3A] : memref<4096x128xf32, #tpu.memory_space<hbm>> -> memref<128x128xf32, #tpu.memory_space<hbm>>
      %dma_wait3A_69 = arith.constant 0 : i32
      %dma_wait3A_70 = tpu.memref_slice %arg5[%multiple_of3A, %dma_wait3A_69] : memref<4096x128xf32, #tpu.memory_space<hbm>> -> memref<128x128xf32, #tpu.memory_space<hbm>>
      tpu.wait_dma2 semaphore(%run_scoped3A : memref<!tpu.dma_semaphore, #tpu.memory_space<semaphore_mem>>) src(%arg8 : memref<128x128xf32, #tpu.memory_space<vmem>>) dst(%dma_wait3A_70 : memref<128x128xf32, #tpu.memory_space<hbm>>)
      tpu.yield
    }) : () -> ()
    return
  }
}

module attributes {stable_mosaic.version = 14 : i64} {
  func.func @mm(%arg0: i32, %arg1: memref<1024x128xf32, #tpu.memory_space<vmem>>, %arg2: memref<1024x128xf32, #tpu.memory_space<vmem>>, %arg3: memref<1024x1024xf32, #tpu.memory_space<vmem>>) attributes {dimension_semantics = [#tpu.dimension_semantics<arbitrary>], iteration_bounds = array<i64: 4>, scalar_prefetch = 0 : i64, scratch_operands = 0 : i64, tpu.core_type = #tpu.core_type<tc>, window_params = [{transform_indices = @transform_0, window_bounds = array<i64: 1024, 128>}, {pipeline_mode = #tpu.pipeline_mode<synchronous>, transform_indices = @transform_1, window_bounds = array<i64: 1024, 128>}, {transform_indices = @transform_2, window_bounds = array<i64: 1024, 1024>}]} {
    %get3A = arith.constant 0 : index
    %get3A_0 = arith.constant 0 : index
    %get3A_1 = vector.load %arg1[%get3A, %get3A_0] : memref<1024x128xf32, #tpu.memory_space<vmem>>, vector<1024x128xf32>
    %get3A_2 = arith.constant 0 : index
    %get3A_3 = arith.constant 0 : index
    %get3A_4 = vector.load %arg2[%get3A_2, %get3A_3] : memref<1024x128xf32, #tpu.memory_space<vmem>>, vector<1024x128xf32>
    %dot_general3A = arith.constant dense<0.000000e+00> : vector<1024x1024xf32>
    %dot_general3A_5 = tpu.matmul %get3A_1, %get3A_4, %dot_general3A {dimension_numbers = #tpu.dot_dimension_numbers<[1], [1], [0], [0], [0, 0, 1, 0], [], []>, transpose_lhs_hint = false} : vector<1024x128xf32>, vector<1024x128xf32>, vector<1024x1024xf32> -> vector<1024x1024xf32>
    %swap3A = arith.constant 0 : index
    %swap3A_6 = arith.constant 0 : index
    %swap3A_7 = vector.load %arg3[%swap3A, %swap3A_6] : memref<1024x1024xf32, #tpu.memory_space<vmem>>, vector<1024x1024xf32>
    tpu.vector_store %arg3[%swap3A, %swap3A_6], %dot_general3A_5 {strides = array<i32>} : memref<1024x1024xf32, #tpu.memory_space<vmem>>, vector<1024x1024xf32>,
    return
  }
  func.func @transform_0(%arg0: i32) -> (i32, i32) {
    %c0_i32 = arith.constant 0 : i32
    %c0_i32_0 = arith.constant 0 : i32
    return %arg0, %c0_i32 : i32, i32
  }
  func.func @transform_1(%arg0: i32) -> (i32, i32) {
    %c0_i32 = arith.constant 0 : i32
    %c0_i32_0 = arith.constant 0 : i32
    %c0_i32_1 = arith.constant 0 : i32
    return %c0_i32, %c0_i32_0 : i32, i32
  }
  func.func @transform_2(%arg0: i32) -> (i32, i32) {
    %c0_i32 = arith.constant 0 : i32
    %c0_i32_0 = arith.constant 0 : i32
    return %arg0, %c0_i32 : i32, i32
  }
}

</mosaic_0001>

<sc_bundles>
// kernel: kernel.4.cloned.1.call-start
scs
__scs_entry_jumppad:
0x0: {  	(pc) =	sbr.rel $0x88, $3  }
0x1: {  	(tag) =	ssettag $0x0;
	lr =	simm.s32 $0x1  }
0x2: {  	[smem:$0x3F9D] =	sst lr;
	_ =	strace $0xD0000000  }
0x3: {  	_ = 	snop  }
0x4: {  	_ = 	snop  }
0x5: {  	_ = 	snop  }
0x6: {  	_ = 	snop  }
0x7: {  	_ = 	snop  }
__scs_overlays_trampoline_lowered:
0x8: {  	[smem:$0x3FAC] =	sst s0  }
0x9: {  	[smem:$0x3FAD] =	sst s1  }
0xa: {  	[smem:$0x3FAE] =	sst s2  }
0xb: {  	[smem:$0x3FAF] =	sst s3  }
0xc: {  	[smem:$0x3FB0] =	sst s4  }
0xd: {  	[smem:$0x3FB1] =	sst s5  }
0xe: {  	[smem:$0x3FB2] =	sst s6  }
0xf: {  	[smem:$0x3FB3] =	sst s7  }
0x10: {  	[smem:$0x3FB4] =	sst s8  }
0x11: {  	[smem:$0x3FB5] =	sst s9;
	s0 =	simm.s32 @!p0 $0x0  }
0x12: {  	s1 =	sld [smem:$0x3F9B];
	s0 =	simm.s32 @p0 $0x1  }
0x13: {  	[smem:$0x3FB6] =	sst s0;
	s0 =	simm.s32 @!p1 $0x0  }
0x14: {  	s2 =	sld [smem:$0x3F9A];
	s0 =	simm.s32 @p1 $0x1  }
0x15: {  	[smem:$0x3FB7] =	sst s0;
	s0 =	simm.s32 @!p2 $0x0  }
0x16: {  	s3 =	sld [smem:$0x3FDB];
	s0 =	simm.s32 @p2 $0x1  }
0x17: {  	s4 =	simm.s32 $0x1BF5;
	[smem:$0x3FB9] =	sst s0  }
0x18: {  	s0 =	sld [smem:$0x3F9C];
	_ =	swait.ge [sflag:s4], $0x0  }
0x19: {  	s7 =	sld [smem:$0x3F9D]  }
0x1a: {  	s8 =	sadd.s32 $0xFFFFE003, lr  }
0x1b: {  	s9 =	sadd.s32 $0xFFFFFEF7, lr;
	s5 =	simm.s32 $0xFFFFFFFF;
	p2 =	slt.u32 s8, $0xFFFFF086  }
0x1c: {  	p1 =	slt.u32 s9, $0xF7A;
	s5 =	simm.s32 @!p2 $0x0  }
0x1d: {  	s5 =	simm.s32 @p1 $0x1;
	p0 =	seq.s32 s7, s2  }
0x1e: {  	s7 =	smul.u32 @!p0 $0xF7A, s2;
	p2 =	seq.s32 @!p0 s5, $0x0  }
0x1f: {  	s9 =	smul.u32 $0xF7A, s1;
	s8 =	simm.s32 @!p0 $0x1BF5;
	p2 =	por !p2, p0  }
0x20: {  	[sflag:s8] =	ssyncset.s32 @!p0 $0xFFFFF086;
	s6 =	sadd.s32 @!p0 s3, s7;
	s7 =	simm.s32 @!p0 $0x108  }
0x21: {  	s3 =	sadd.s32 s3, s9;
	s6 =	sadd.s32 @!p0 $0x88, s6;
	s7 =	simm.s32 @p2 $0x1082  }
0x22: {  	[simem:s7], [sflag:s8] =	dma.local @!p0 [hbm:s6], $0xF7A  }
0x23: {  	s9 =	sor.u32 $0xD0000000, s2;
	s6 =	simm.s32 $0x108;
	_ =	swait.ge @!p0 [sflag:s8], $0x0  }
0x24: {  	s3 =	sadd.s32 $0x88, s3;
	s6 =	simm.s32 @!p1 $0x1082;
	[sflag:s4] =	ssyncset.s32 $0xFFFFF086  }
0x25: {  	[simem:s6], [sflag:s4] =	dma.local [hbm:s3], $0xF7A  }
0x26: {  	[smem:$0x3F9D] =	sst s1;
	(tag) =	ssettag s2;
	_ =	strace s9  }
0x27: {  	s1 =	sld [smem:$0x3FAD]  }
0x28: {  	s2 =	sld [smem:$0x3FAE]  }
0x29: {  	s4 =	sld [smem:$0x3FB0]  }
0x2a: {  	p0 =	seq.s32 s5, $0x0;
	s5 =	sld [smem:$0x3FB1]  }
0x2b: {  	s6 =	sld [smem:$0x3FB2]  }
0x2c: {  	s7 =	sld [smem:$0x3FB3]  }
0x2d: {  	s3 =	simm.s32 $0x108;
	s8 =	sld [smem:$0x3FB4]  }
0x2e: {  	s3 =	simm.s32 @!p0 $0x1082;
	s9 =	sld [smem:$0x3FB5]  }
0x2f: {  	lr =	sadd.s32 s0, s3;
	s0 =	sld [smem:$0x3FAC]  }
0x30: {  	s3 =	sld [smem:$0x3FAF]  }
0x31: {  	[smem:$0x3FB8] =	sst s10  }
0x32: {  	s10 =	sld [smem:$0x3FB6];
	_ =	sdelay $0x3  }
0x33: {  	p0 =	seq.s32 s10, $0x1;
	s10 =	sld [smem:$0x3FB8];
	_ =	sdelay $0x3  }
0x34: {  	[smem:$0x3FB8] =	sst s10  }
0x35: {  	s10 =	sld [smem:$0x3FB7];
	_ =	sdelay $0x3  }
0x36: {  	p1 =	seq.s32 s10, $0x1;
	s10 =	sld [smem:$0x3FB8];
	_ =	sdelay $0x3  }
0x37: {  	[smem:$0x3FB8] =	sst s10  }
0x38: {  	s10 =	sld [smem:$0x3FB9]  }
0x39: {  	_ = 	snop;
	(pc) =	sbr.ind lr, $3  }
0x3a: {  	_ = 	snop  }
0x3b: {  	_ = 	snop  }
0x3c: {  	p2 =	seq.s32 s10, $0x1;
	s10 =	sld [smem:$0x3FB8]  }
0x3d: {  	_ =	shalt  }
0x3e: {  	_ =	shalt  }
0x3f: {  	_ =	shalt  }
0x40: {  	_ =	shalt  }
0x41: {  	_ =	shalt  }
0x42: {  	_ =	shalt  }
0x43: {  	_ =	shalt  }
0x44: {  	_ =	shalt  }
0x45: {  	_ =	shalt  }
0x46: {  	_ =	shalt  }
0x47: {  	_ =	shalt  }
0x48: {  	_ =	shalt  }
0x49: {  	_ =	shalt  }
0x4a: {  	_ =	shalt  }
0x4b: {  	_ =	shalt  }
0x4c: {  	_ =	shalt  }
0x4d: {  	_ =	shalt  }
0x4e: {  	_ =	shalt  }
0x4f: {  	_ =	shalt  }
0x50: {  	_ =	shalt  }
0x51: {  	_ =	shalt  }
0x52: {  	_ =	shalt  }
0x53: {  	_ =	shalt  }
0x54: {  	_ =	shalt  }
0x55: {  	_ =	shalt  }
0x56: {  	_ =	shalt  }
0x57: {  	_ =	shalt  }
0x58: {  	_ =	shalt  }
0x59: {  	_ =	shalt  }
0x5a: {  	_ =	shalt  }
0x5b: {  	_ =	shalt  }
0x5c: {  	_ =	shalt  }
0x5d: {  	_ =	shalt  }
0x5e: {  	_ =	shalt  }
0x5f: {  	_ =	shalt  }
0x60: {  	_ =	shalt  }
0x61: {  	_ =	shalt  }
0x62: {  	_ =	shalt  }
0x63: {  	_ =	shalt  }
0x64: {  	_ =	shalt  }
0x65: {  	_ =	shalt  }
0x66: {  	_ =	shalt  }
0x67: {  	_ =	shalt  }
0x68: {  	_ =	shalt  }
0x69: {  	_ =	shalt  }
0x6a: {  	_ =	shalt  }
0x6b: {  	_ =	shalt  }
0x6c: {  	_ =	shalt  }
0x6d: {  	_ =	shalt  }
0x6e: {  	_ =	shalt  }
0x6f: {  	_ =	shalt  }
0x70: {  	_ =	shalt  }
0x71: {  	_ =	shalt  }
0x72: {  	_ =	shalt  }
0x73: {  	_ =	shalt  }
0x74: {  	_ =	shalt  }
0x75: {  	_ =	shalt  }
0x76: {  	_ =	shalt  }
0x77: {  	_ =	shalt  }
0x78: {  	_ =	shalt  }
0x79: {  	_ =	shalt  }
0x7a: {  	_ =	shalt  }
0x7b: {  	_ =	shalt  }
0x7c: {  	_ =	shalt  }
0x7d: {  	_ =	shalt  }
0x7e: {  	_ =	shalt  }
0x7f: {  	_ =	shalt  }
0x80: {  	_ =	shalt  }
0x81: {  	_ =	shalt  }
0x82: {  	_ =	shalt  }
0x83: {  	_ =	shalt  }
0x84: {  	_ =	shalt  }
0x85: {  	_ =	shalt  }
0x86: {  	_ =	shalt  }
0x87: {  	_ =	shalt  }
.Lfunc_end0:
.L_simem_size_0:
called_computation_lowered:
.L_overlay_start_0:
0x88: {  	s2 =	sld [smem:$0x3FD9]  }
0x89: {  	s3 =	sld [smem:$0x3FFE];
	_ =	sdelay $0x1  }
0x8a: {  	s1 =	srdreg.scid  }
0x8b: {  	s0 =	sand.u32 $0x1, s1  }
0x8c: {  	s17 =	sshll.u32 s0, $0xA;
	s2 =	sadd.s32 s3, s2  }
0x8d: {  	s2 =	sadd.s32 s2, s17  }
0x8e: {  	[smem:$0x3FC4] =	sst s2  }
0x8f: {  	_ = 	snop  }
0x90: {  	s2 =	sld [smem:$0x3FC9]  }
0x91: {  	s18 =	sld [smem:$0x3FC8]  }
0x92: {  	s4 =	sld [smem:$0x3FD0];
	(tm) =	ssettm $0x1  }
0x93: {  	s5 =	sld [smem:$0x3FFB];
	_ =	sdelay $0x3  }
0x94: {  	_ =	strace s5  }
0x95: {  	s5 =	sld [smem:$0x3FFC];
	_ =	sdelay $0x3  }
0x96: {  	_ =	strace s5  }
0x97: {  	s5 =	sld [smem:$0x3FFD];
	_ =	sdelay $0x3  }
0x98: {  	_ =	strace s5  }
0x99: {  	_ =	strace $0x8FFFFFFF  }
0x9a: {  	s19 =	sld [smem:$0x3FDB];
	_ =	sdelay $0x1  }
0x9b: {  	s6 =	simm.s32 $_scs_section_size  }
0x9c: {  	s7 =	simm.s32 $_size__tile_overlayer_lowered;
	s8 =	simm.s32 $_tile_overlayer_lowered  }
0x9d: {  	s22 =	simm.s32 $0x1BFF;
	s21 =	sshll.u32 s8, $0x1;
	s5 =	sadd.s32 s6, s19  }
0x9e: {  	s9 =	simm.s32 $0x0;
	s20 =	sshll.u32 s7, $0x1;
	s7 =	sadd.s32 s21, s5  }
0x9f: {  	[timem:s9], [sflag:s22] =	dma.local [hbm:s7], s20  }
0xa0: {  	_ =	swait.ge [sflag:s22], s20  }
0xa1: {  	s6 =	ssub.s32 $0x0, s20;
	[sflag:s22] =	ssyncset.done $0x0  }
0xa2: {  	[sflag:s22] =	ssyncadd.s32 s6;
	_ =	sdelay $0x1  }
0xa3: {  	s23 =	simm.s32 $0x1B8B  }
0xa4: {  	_ =	swait.ge [sflag:s23], $0x1  }
0xa5: {  	[sflag:s23] =	ssyncset.done $0x0  }
0xa6: {  	s25 =	simm.s32 $0x1B8E;
	s24 =	sld [smem:$0x3FFE];
	[sflag:s23] =	ssyncadd.s32 $0xFFFFFFFF  }
0xa7: {  	s26 =	simm.s32 $execute0_lowered;
	[smem:$0x3FD2] =	sst s25  }
0xa8: {  	s7 =	sshll.u32 s26, $0x1;
	_ =	strace $0x80000046;
	[dreg:$0x1] =	wrdreg $0xFFFFFFFF  }
0xa9: {  	s28 =	simm.s32 $_size_execute0_lowered;
	s5 =	sadd.s32 s5, s7;
	[dreg:$0x0] =	wrdreg $0x0  }
0xaa: {  	s7 =	sshll.u32 s28, $0x1;
	[dreg:$0x2] =	wrdreg s5  }
0xab: {  	[dreg:$0x3] =	wrdreg s7  }
0xac: {  	[dreg:$0x4] =	wrdreg $0xC0  }
0xad: {  	_ =	task [dreg:s9], $0x5FFFF  }
0xae: {  	[dreg:$0x1] =	wrdreg $0xFFFFFFFF  }
0xaf: {  	[dreg:$0x0] =	wrdreg $0x60  }
0xb0: {  	[dreg:$0x2] =	wrdreg s2  }
0xb1: {  	[dreg:$0x3] =	wrdreg s18  }
0xb2: {  	[dreg:$0x4] =	wrdreg s24  }
0xb3: {  	[dreg:$0x5] =	wrdreg s4  }
0xb4: {  	[dreg:$0x6] =	wrdreg $0x9  }
0xb5: {  	_ =	task.clear_ibuf [dreg:s9], $0x7FFFF;
	_ =	strace $0x90000046  }
0xb6: {  	s29 =	simm.s32 $0x9;
	_ =	strace $0x80000048  }
0xb7: {  	_ =	swait.ge [sflag:s29], $0x1  }
0xb8: {  	[sflag:s29] =	ssyncadd.s32 $0xFFFFFFFF  }
0xb9: {  	_ =	strace $0x90000048  }
0xba: {  	_ =	sfence  }
0xbb: {  	s30 =	sld [smem:$0x0];
	_ =	sdelay $0x2  }
0xbc: {  	s31 =	sshll.u32 s1, $0xD;
	s1 =	sshrl.u32 s1, $0x2  }
0xbd: {  	s3 =	sand.u32 $0x4000, s31;
	s1 =	sadd.s32 s1, s30  }
0xbe: {  	s0 =	sor.u32 s3, s0;
	s1 =	sshll.u32 s1, $0x11  }
0xbf: {  	s0 =	sor.u32 s1, s0  }
0xc0: {  	s0 =	sadd.s32 $0x8F2B, s0  }
0xc1: {  	[sflag:s0] =	ssyncadd.remote.s32 $0x1  }
0xc2: {  	_ =	sfence.sel $0xFFFF  }
0xc3: {  	[dreg:$0x0] =	wrdreg $0xFFFFFFFF;
	(pc) =	sbr.abs _section_cstart, $3  }
0xc4: {  	[dreg:$0x1] =	wrdreg $0xFFFFFFFF  }
0xc5: {  	_ =	task.clear_ibuf [dreg:s9], $0x2FFFF;
	_ =	strace $0x9FFFFFFF  }
0xc6: {  	(tm) =	ssettm $0x7FFFFFFF  }
0xc7: {  	_ =	shalt  }
tec
execute0_lowered:
.L_overlay_start_1:
0x0: {  	(tag) =	ssettag $0x1  }
0x1: {  	s0 =	rddreg [dreg:$0x1]  }
0x2: {  	s1 =	rddreg [dreg:$0x2]  }
0x3: {  	s3 =	simm.s32 $0x0;
	s4 =	srdreg.scid;
	s5 =	stileid.u32  }
0x4: {  	[smem:$0x7FF] =	sst s3;
	s4 =	sand.u32 $0x1, s4;
	s5 =	sshll.u32 s5, $0x1  }
0x5: {  	s2 =	rddreg [dreg:$0x3];
	_ =	strace $0x80000047;
	s5 =	sor.u32 s4, s5  }
0x6: {  	s6 =	ssub.s32 $0x2, s4;
	s4 =	sadd.s32 $0x800, s1;
	s7 =	sshll.u32 s5, $0x4  }
.Ltmp0:
0x7: {  	s30 =	sshll.u32 s5, $0xB;
	s29 =	sadd.s32 s0, s7;
	(pc) =	sbr.rel .LBB2_1-.Ltmp0, $4  }
0x8: {  	s28 =	sshrl.u32 s6, $0x1;
	s0 =	sadd.s32 s2, s30;
	[dreg:$0x7] =	wrdreg s29  }
0x9: {  	s1 =	ssub.s32 s6, s28;
	s6 =	sadd.s32 $0x10, s29;
	[dreg:$0x9] =	wrdreg s0  }
0xa: {  	s9 =	simm.s32 $0x3;
	s31 =	smax.u32 s1, $0x1;
	[dreg:$0x8] =	wrdreg s6  }
0xb: {  	p0 =	seq.s32 s5, $0x1F;
	s1 =	simm.s32 $0x0;
	[dreg:$0xa] =	wrdreg s31  }
.LBB2_34:
0xc: {  	s0 =	rddreg [dreg:$0x9];
	s1 =	simm.s32 $0x8100  }
0xd: {  	[hbm4b:s0+s3] =	stream.linear.scatter [tilespmem:s1], [sflag:$0x3], $0x4000, $0x38;
	[tilespmem:$0xC280] =	vst v63  }
0xe: {  	_ =	swait.ge [sflag:s9], $0x4000  }
0xf: {  	s30 =	rddreg [dreg:$0xb]  }
0x10: {  	s31 =	rddreg [dreg:$0xa];
	s1 =	sadd.s32 $0x1, s30  }
0x11: {  	p1 =	sne.s32 s1, s31  }
.Ltmp1:
0x12: {  	_ = 	snop;
	(pc) =	sbr.rel @!p1 .LBB2_35-.Ltmp1, $3  }
0x13: {  	_ =	sdelay $0x1  }
0x14: {  	[sflag:s9] =	ssyncset.done $0x0  }
0x15: {  	[sflag:s9] =	ssyncadd.s32 $0xFFFFC000  }
.LBB2_1:
0x16: {  	[dreg:$0xb] =	wrdreg s1  }
0x17: {  	s0 =	rddreg [dreg:$0x7];
	s26 =	simm.s32 $0xC100  }
0x18: {  	[tilespmem:s26], [sflag:$0x3] =	stream.linear.gather [hbm4b:s0+s3], $0x80, $0x38;
	[tilespmem:$0xC280] =	vst v63  }
0x19: {  	_ =	swait.ge [sflag:s9], $0x80  }
0x1a: {  	s1 =	simm.s32 @!p0 $0xC200;
	[sflag:s9] =	ssyncset.done $0x0  }
0x1b: {  	s0 =	simm.s32 @!p0 $0x0;
	s2 =	rddreg [dreg:$0x8];
	[sflag:s9] =	ssyncadd.s32 $0xFFFFFF80  }
0x1c: {  	[tilespmem:s1], [sflag:$0x3] =	stream.linear.gather @!p0 [hbm4b:s2+s0], $0x8, $0x38;
	[tilespmem:$0xC280] =	vst v63  }
0x1d: {  	s0 =	simm.s32 @!p0 $0x3  }
0x1e: {  	_ =	swait.ge @!p0 [sflag:s0], $0x8  }
0x1f: {  	[sflag:s0] =	ssyncset.done @!p0 $0x0  }
0x20: {  	[sflag:s0] =	ssyncadd.s32 @!p0 $0xFFFFFFF8  }
0x21: {  	v0 =	vld [tilespmem:$0xC200]  }
0x22: {  	v1 =	vld [tilespmem:$0xC100];
	_ =	sdelay $0x3  }
0x23: {  	(v2sf) =	vpush v0, $0x0  }
0x24: {  	(v2sf) =	vpush v1, $0x0;
	_ =	sdelay $0xd  }
0x25: {  	s10 =	spop (v2sf)  }
0x26: {  	s11 =	spop (v2sf)  }
0x27: {  	s28 =	sand.u32 $0x7, s11  }
0x28: {  	s29 =	sshra.s32 s11, $0x1F;
	p1 =	slt.s32 s11, $0x1;
	p2 =	sne.s32 s28, $0x0  }
0x29: {  	s30 =	sshrl.u32 s29, $0x1D;
	p1 =	por !p1, !p2  }
0x2a: {  	s1 =	simm.s32 $0x1;
	s0 =	sadd.s32 s30, s11;
	p1 =	por !p1, !p1  }
0x2b: {  	s0 =	sshrl.u32 s0, $0x3;
	s1 =	simm.s32 @!p1 $0x0  }
0x2c: {  	s0 =	ssub.s32 s0, s1  }
0x2d: {  	s10 =	simm.s32 @p0 $0x32000;
	s12 =	sshll.u32 s0, $0x3  }
0x2e: {  	s0 =	ssub.s32 s10, s12  }
0x2f: {  	s0 =	sadd.s32 $0x7F, s0  }
0x30: {  	s31 =	sshra.s32 s0, $0x1F  }
0x31: {  	s1 =	sshrl.u32 s31, $0x19  }
.Ltmp2:
0x32: {  	s0 =	sadd.s32 s1, s0;
	(pc) =	sbr.rel .LBB2_2-.Ltmp2, $4  }
0x33: {  	[dreg:$0xc] =	wrdreg s10;
	s13 =	sshra.s32 s0, $0x7  }
0x34: {  	v2 =	vimm.f32 $-3.402823470e+38;
	v3 =	vimm.f32 $-3.402823470e+38;
	v4 =	vimm.f32 $-3.402823470e+38;
	s17 =	simm.s32 $0x0;
	[dreg:$0xd] =	wrdreg s11;
	p1 =	sgt.s32 s13, $0x1  }
0x35: {  	v6 =	vimm.f32 $0.0e+00;
	v7 =	vimm.f32 $0.0e+00;
	s16 =	simm.s32 $0x0;
	v5 =	vmov s10;
	[dreg:$0xe] =	wrdreg s12;
	s13 =	simm.s32 @!p1 $0x1  }
0x36: {  	s15 =	simm.s32 $0x0;
	v0 =	vimm.f32 $-3.402823470e+38;
	v1 =	vimm.f32 $0.0e+00;
	[tilespmem:$0xC180] =	vst v5;
	v5 =	vimm.f32 $0.0e+00;
	s14 =	sadd.s32 $0xFFFFFF80, s12;
	[dreg:$0xf] =	wrdreg s13  }
.LBB2_28:
0x37: {  	v12 =	vmov v1;
	v13 =	vmov v0;
	v14 =	vmov v5  }
0x38: {  	v15 =	vmovc v3;
	v16 =	vmovc v2;
	v17 =	vmov v7;
	v18 =	vmov v6;
	v19 =	vmov v4  }
.LBB2_32:
0x39: {  	s1 =	sor.u32 s2, s5  }
0x3a: {  	v20 =	vld [tilespmem:s1+$0x130]  }
0x3b: {  	v12 =	vadd.f32 @p1 v10, v12;
	v10 =	vmax.f32 @p1 v13, v10;
	v13 =	vadd.f32 @p1 v8, v14;
	v61 =	vld [tilespmem:s1+$0x120]  }
0x3c: {  	v15 =	vmax.f32 @p1 v15, v9;
	v8 =	vmax.f32 @p1 v16, v8;
	v17 =	vadd.f32 @p1 v11, v17;
	v62 =	vld [tilespmem:s1+$0x110]  }
0x3d: {  	v9 =	vadd.f32 @p1 v9, v18;
	v11 =	vmax.f32 @p1 v19, v11;
	v63 =	vld [tilespmem:s1+$0x100];
	v0 =	vpsel p1, v10, v0  }
0x3e: {  	v3 =	vpsel p1, v15, v3;
	v2 =	vpsel p1, v8, v2;
	v4 =	vpsel p1, v11, v4  }
0x3f: {  	v1 =	vpsel p1, v12, v1;
	v5 =	vpsel p1, v13, v5;
	v7 =	vpsel p1, v17, v7  }
0x40: {  	v6 =	vpsel p1, v9, v6;
	v1 =	vadd.f32 v20, v1;
	v0 =	vmax.f32 v0, v20  }
0x41: {  	v5 =	vadd.f32 v61, v5;
	v3 =	vmax.f32 v3, v62;
	v2 =	vmax.f32 v2, v61  }
0x42: {  	v7 =	vadd.f32 v63, v7;
	v6 =	vadd.f32 v62, v6;
	v4 =	vmax.f32 v4, v63  }
.LBB2_33:
0x43: {  	p1 =	sne.s32 s15, s13  }
.Ltmp3:
0x44: {  	_ = 	snop;
	(pc) =	sbr.rel @!p1 .LBB2_34-.Ltmp3, $3  }
0x45: {  	_ =	sdelay $0x1  }
0x46: {  	s1 =	ssub.s32 s17, s22;
	s2 =	sadd.s32 $0x1, s15  }
0x47: {  	s14 =	sadd.s32 $0x80, s14;
	s17 =	sadd.s32 s0, s1;
	s15 =	smov.u32 s2  }
.LBB2_2:
0x48: {  	p1 =	sge.u32 s15, s13  }
.Ltmp4:
0x49: {  	_ = 	snop;
	(pc) =	sbr.rel @p1 .LBB2_10-.Ltmp4, $3  }
0x4a: {  	_ =	sdelay $0x1  }
0x4b: {  	s0 =	sshll.u32 s15, $0x7  }
0x4c: {  	s18 =	sadd.s32 s12, s0  }
0x4d: {  	p1 =	slt.s32 s18, $0x31F80;
	s0 =	smov.u32 s18;
	s1 =	sand.u32 $0x1, s15  }
0x4e: {  	s31 =	rddreg [dreg:$0x0];
	s0 =	simm.s32 @!p1 $0x31F80;
	p1 =	seq.s32 s1, $0x1  }
.Ltmp5:
0x4f: {  	[dreg:$0x10] =	wrdreg s14;
	(pc) =	sbr.rel @!p1 .LBB2_4-.Ltmp5, $4  }
0x50: {  	[dreg:$0x11] =	wrdreg s15  }
0x51: {  	[dreg:$0x12] =	wrdreg s16  }
0x52: {  	[dreg:$0x13] =	wrdreg s17;
	s0 =	sshrl.u32 s0, $0x3  }
0x53: {  	[dreg:$0x14] =	wrdreg s18;
	s0 =	sadd.s32 s31, s0  }
0x54: {  	s1 =	simm.s32 $0x80  }
0x55: {  	[tilespmem:s1], [sflag:$0x3] =	stream.linear.gather [hbm4b:s0+s3], $0x80, $0x38;
	[tilespmem:$0xC280] =	vst v63  }
0x56: {  	_ =	swait.ge [sflag:s9], $0x80  }
0x57: {  	[sflag:s9] =	ssyncset.done $0x0  }
0x58: {  	s24 =	simm.s32 $0x90;
	[sflag:s9] =	ssyncadd.s32 $0xFFFFFF80  }
0x59: {  	v8 =	vld [tilespmem:s24+$0xFFFFFFF0];
	_ =	sdelay $0x4  }
0x5a: {  	v8 =	vshll.u32 v8, $0x4  }
0x5b: {  	(v2sf) =	vpush v8, $0x0  }
0x5c: {  	(v2sf) =	vpush v8, $0x1  }
0x5d: {  	(v2sf) =	vpush v8, $0x2;
	_ =	sdelay $0x1  }
0x5e: {  	(v2sf) =	vpush v8, $0x3  }
0x5f: {  	(v2sf) =	vpush v8, $0x4;
	_ =	sdelay $0x1  }
0x60: {  	(v2sf) =	vpush v8, $0x5;
	_ =	sdelay $0x3  }
0x61: {  	(v2sf) =	vpush v8, $0x6;
	_ =	sdelay $0x1  }
0x62: {  	s23 =	simm.s32 $0x5080;
	s18 =	simm.s32 $0x4280  }
0x63: {  	s19 =	simm.s32 $0x4180;
	s2 =	simm.s32 $0x4200;
	s6 =	simm.s32 $0x4100  }
0x64: {  	s12 =	simm.s32 $0x4380;
	s29 =	simm.s32 $0x4680;
	s5 =	spop (v2sf);
	(v2sf) =	vpush v8, $0x7  }
0x65: {  	s15 =	simm.s32 $0x4400;
	s5 =	sand.u32 $0x1FFFFFF0, s5;
	s7 =	spop (v2sf)  }
0x66: {  	s30 =	simm.s32 $0x4700;
	(v2sf) =	vpush v8, $0x8;
	s5 =	sadd.s32 s4, s5;
	s8 =	spop (v2sf)  }
0x67: {  	[tilespmem:s6], [sflag:$0x2] =	stream.linear.gather [hbm4b:s5+s3], $0x80, $0x38;
	[tilespmem:$0xC280] =	vst v63  }
0x68: {  	s28 =	simm.s32 $0x0;
	s7 =	sand.u32 $0x1FFFFFF0, s7;
	s22 =	spop (v2sf)  }
0x69: {  	(v2sf) =	vpush v8, $0x9;
	s20 =	sadd.s32 s4, s7;
	s21 =	sand.u32 $0x1FFFFFF0, s8;
	s31 =	spop (v2sf)  }
0x6a: {  	[tilespmem:s19], [sflag:$0x2] =	stream.linear.gather [hbm4b:s20+s3], $0x80, $0x38;
	[tilespmem:$0xC280] =	vst v63  }
0x6b: {  	s25 =	sadd.s32 s4, s21;
	s26 =	sand.u32 $0x1FFFFFF0, s22;
	s8 =	spop (v2sf);
	(v2sf) =	vpush v8, $0xA  }
0x6c: {  	[tilespmem:s2], [sflag:$0x2] =	stream.linear.gather [hbm4b:s25+s3], $0x80, $0x38;
	[tilespmem:$0xC280] =	vst v63  }
0x6d: {  	s9 =	simm.s32 $0x4300;
	s5 =	sadd.s32 s4, s26;
	s7 =	sand.u32 $0x1FFFFFF0, s31  }
0x6e: {  	[tilespmem:s18], [sflag:$0x2] =	stream.linear.gather [hbm4b:s5+s3], $0x80, $0x38;
	[tilespmem:$0xC280] =	vst v63  }
0x6f: {  	s10 =	sadd.s32 s4, s7;
	s11 =	sand.u32 $0x1FFFFFF0, s8;
	s14 =	spop (v2sf)  }
0x70: {  	[tilespmem:s9], [sflag:$0x2] =	stream.linear.gather [hbm4b:s10+s3], $0x80, $0x38;
	[tilespmem:$0xC280] =	vst v63  }
0x71: {  	s21 =	simm.s32 $0x4500;
	s13 =	sadd.s32 s4, s11;
	s0 =	sand.u32 $0x1FFFFFF0, s14  }
0x72: {  	[tilespmem:s12], [sflag:$0x2] =	stream.linear.gather [hbm4b:s13+s3], $0x80, $0x38;
	[tilespmem:$0xC280] =	vst v63  }
0x73: {  	s26 =	simm.s32 $0x4780;
	s0 =	sadd.s32 s4, s0;
	s16 =	spop (v2sf)  }
0x74: {  	[tilespmem:s15], [sflag:$0x2] =	stream.linear.gather [hbm4b:s0+s3], $0x80, $0x38;
	[tilespmem:$0xC280] =	vst v63  }
0x75: {  	s7 =	simm.s32 $0x4580;
	s2 =	sand.u32 $0x1FFFFFF0, s16;
	s17 =	spop (v2sf)  }
0x76: {  	(v2sf) =	vpush v8, $0xB;
	s18 =	simm.s32 $0x4480;
	s19 =	sadd.s32 s4, s2;
	s20 =	sand.u32 $0x1FFFFFF0, s17  }
0x77: {  	(v2sf) =	vpush v8, $0xC;
	[tilespmem:s18], [sflag:$0x2] =	stream.linear.gather [hbm4b:s19+s3], $0x80, $0x38;
	[tilespmem:$0xC280] =	vst v63  }
0x78: {  	s25 =	simm.s32 $0xB0;
	(v2sf) =	vpush v8, $0xD;
	s31 =	spop (v2sf);
	s22 =	sadd.s32 s4, s20  }
0x79: {  	(v2sf) =	vpush v8, $0xE;
	[tilespmem:s21], [sflag:$0x2] =	stream.linear.gather [hbm4b:s22+s3], $0x80, $0x38;
	[tilespmem:$0xC280] =	vst v63  }
0x7a: {  	s2 =	simm.s32 $0x4600;
	(v2sf) =	vpush v8, $0xF;
	s0 =	sand.u32 $0x1FFFFFF0, s31;
	s1 =	spop (v2sf)  }
.LBB2_8:
0x7b: {  	_ =	sdelay $0x5  }
0x7c: {  	s0 =	sadd.s32 s4, s0;
	s1 =	sand.u32 $0x1FFFFFF0, s1  }
0x7d: {  	v8 =	vld [tilespmem:s25+$0xFFFFFFF0];
	[tilespmem:s7], [sflag:$0x2] =	stream.linear.gather [hbm4b:s0+s3], $0x80, $0x38  }
0x7e: {  	s20 =	sadd.s32 s4, s1  }
0x7f: {  	[tilespmem:s2], [sflag:$0x2] =	stream.linear.gather [hbm4b:s20+s3], $0x80, $0x38;
	[tilespmem:$0xC280] =	vst v63  }
0x80: {  	s6 =	smov.u32 s24;
	s5 =	spop (v2sf)  }
0x81: {  	s24 =	smov.u32 s25;
	s21 =	sand.u32 $0x1FFFFFF0, s5;
	s22 =	spop (v2sf)  }
0x82: {  	s7 =	sadd.s32 s4, s21;
	s8 =	sand.u32 $0x1FFFFFF0, s22;
	s9 =	spop (v2sf)  }
0x83: {  	v8 =	vshll.u32 v8, $0x4;
	[tilespmem:s29], [sflag:$0x2] =	stream.linear.gather [hbm4b:s7+s3], $0x80, $0x38;
	[tilespmem:$0xC280] =	vst v63  }
0x84: {  	(v2sf) =	vpush v8, $0x0;
	s10 =	sadd.s32 s4, s8;
	s11 =	sand.u32 $0x1FFFFFF0, s9;
	s12 =	spop (v2sf)  }
0x85: {  	(v2sf) =	vpush v8, $0x1;
	[tilespmem:s30], [sflag:$0x2] =	stream.linear.gather [hbm4b:s10+s3], $0x80, $0x38;
	[tilespmem:$0xC280] =	vst v63  }
0x86: {  	(v2sf) =	vpush v8, $0x2;
	s13 =	sadd.s32 s4, s11;
	s14 =	sand.u32 $0x1FFFFFF0, s12;
	s15 =	spop (v2sf)  }
0x87: {  	[tilespmem:s26], [sflag:$0x2] =	stream.linear.gather [hbm4b:s13+s3], $0x80, $0x38;
	[tilespmem:$0xC280] =	vst v63  }
0x88: {  	s16 =	sadd.s32 $0xFFFFF780, s23;
	(v2sf) =	vpush v8, $0x3;
	s1 =	sadd.s32 s4, s14;
	s2 =	sand.u32 $0x1FFFFFF0, s15  }
0x89: {  	[tilespmem:s16], [sflag:$0x2] =	stream.linear.gather [hbm4b:s1+s3], $0x80, $0x38;
	[tilespmem:$0xC280] =	vst v63  }
0x8a: {  	s31 =	smov.u32 s23;
	s17 =	sadd.s32 $0xFFFFF800, s23;
	(v2sf) =	vpush v8, $0x4;
	s18 =	sadd.s32 s4, s2  }
0x8b: {  	[tilespmem:s17], [sflag:$0x2] =	stream.linear.gather [hbm4b:s18+s3], $0x80, $0x38;
	[tilespmem:$0xC280] =	vst v63  }
0x8c: {  	s25 =	sadd.s32 $0x20, s25;
	s28 =	sadd.s32 $0x2, s28;
	s19 =	sadd.s32 $0xFFFFFF80, s31;
	(v2sf) =	vpush v8, $0x5;
	v9 =	vld [tilespmem:s6+$0x0]  }
0x8d: {  	s23 =	sadd.s32 $0x1000, s23;
	p1 =	slt.u32 s28, $0x6;
	[dreg:$0x6] =	wrdreg s19  }
0x8e: {  	s19 =	sadd.s32 $0xFFFFF900, s31;
	s20 =	sadd.s32 $0xFFFFF080, s23;
	s5 =	sadd.s32 $0xFFFFFD00, s31  }
0x8f: {  	s22 =	sadd.s32 $0xFFFFF880, s31;
	s9 =	sadd.s32 $0xFFFFFF00, s31;
	s8 =	sadd.s32 $0xFFFFFD80, s31  }
0x90: {  	s29 =	sadd.s32 $0xFFFFF600, s23;
	s7 =	sadd.s32 $0xFFFFF100, s23;
	s12 =	sadd.s32 $0xFFFFFE80, s31  }
0x91: {  	s11 =	sadd.s32 $0xFFFFFC80, s31;
	s10 =	sadd.s32 $0xFFFFFB80, s31;
	s14 =	sadd.s32 $0xFFFFFA00, s31;
	v9 =	vshll.u32 v9, $0x4  }
0x92: {  	s30 =	sadd.s32 $0xFFFFF680, s23;
	s15 =	sadd.s32 $0xFFFFF180, s23;
	s2 =	sadd.s32 $0xFFFFF200, s23;
	(v2sf) =	vpush v9, $0x0  }
0x93: {  	s13 =	sadd.s32 $0xFFFFFB00, s31;
	s26 =	sadd.s32 $0xFFFFF700, s23;
	s18 =	spop (v2sf);
	(v2sf) =	vpush v9, $0x1  }
0x94: {  	s1 =	sadd.s32 $0xFFFFFC00, s31;
	s18 =	sand.u32 $0x1FFFFFF0, s18;
	s21 =	spop (v2sf);
	(v2sf) =	vpush v9, $0x2  }
0x95: {  	s18 =	sadd.s32 s4, s18;
	s21 =	sand.u32 $0x1FFFFFF0, s21;
	s0 =	spop (v2sf)  }
0x96: {  	[tilespmem:s20], [sflag:$0x2] =	stream.linear.gather [hbm4b:s18+s3], $0x80, $0x38;
	(v2sf) =	vpush v9, $0x3;
	[tilespmem:$0xC280] =	vst v63  }
0x97: {  	s20 =	sadd.s32 s4, s21;
	s0 =	sand.u32 $0x1FFFFFF0, s0;
	s21 =	spop (v2sf)  }
0x98: {  	[tilespmem:s7], [sflag:$0x2] =	stream.linear.gather [hbm4b:s20+s3], $0x80, $0x38;
	(v2sf) =	vpush v9, $0x4;
	[tilespmem:$0xC280] =	vst v63  }
0x99: {  	s0 =	sadd.s32 s4, s0;
	s20 =	sand.u32 $0x1FFFFFF0, s21;
	s21 =	spop (v2sf)  }
0x9a: {  	(v2sf) =	vpush v9, $0x5;
	[tilespmem:s15], [sflag:$0x2] =	stream.linear.gather [hbm4b:s0+s3], $0x80, $0x38;
	[tilespmem:$0xC280] =	vst v63  }
0x9b: {  	s15 =	sadd.s32 s4, s20;
	s20 =	sand.u32 $0x1FFFFFF0, s21;
	s21 =	spop (v2sf)  }
0x9c: {  	(v2sf) =	vpush v9, $0x6;
	[tilespmem:s2], [sflag:$0x2] =	stream.linear.gather [hbm4b:s15+s3], $0x80, $0x38;
	[tilespmem:$0xC280] =	vst v63  }
0x9d: {  	s18 =	sadd.s32 $0xFFFFF280, s23;
	s20 =	sadd.s32 s4, s20;
	s21 =	sand.u32 $0x1FFFFFF0, s21  }
0x9e: {  	(v2sf) =	vpush v9, $0x7;
	[tilespmem:s18], [sflag:$0x2] =	stream.linear.gather [hbm4b:s20+s3], $0x80, $0x38;
	[tilespmem:$0xC280] =	vst v63  }
0x9f: {  	s16 =	sadd.s32 $0xFFFFFA80, s31;
	s15 =	sadd.s32 $0xFFFFF300, s23;
	s7 =	sadd.s32 s4, s21  }
0xa0: {  	(v2sf) =	vpush v9, $0x8;
	[tilespmem:s15], [sflag:$0x2] =	stream.linear.gather [hbm4b:s7+s3], $0x80, $0x38;
	[tilespmem:$0xC280] =	vst v63  }
0xa1: {  	s17 =	sadd.s32 $0xFFFFF980, s31;
	s6 =	sadd.s32 $0xFFFFFE00, s31;
	s18 =	spop (v2sf)  }
0xa2: {  	s2 =	sadd.s32 $0xFFFFF580, s23;
	s0 =	sand.u32 $0x1FFFFFF0, s18;
	s20 =	spop (v2sf);
	(v2sf) =	vpush v9, $0x9  }
0xa3: {  	s0 =	sadd.s32 s4, s0;
	s15 =	sand.u32 $0x1FFFFFF0, s20;
	s21 =	spop (v2sf)  }
0xa4: {  	(v2sf) =	vpush v9, $0xA;
	[tilespmem:s22], [sflag:$0x2] =	stream.linear.gather [hbm4b:s0+s3], $0x80, $0x38;
	[tilespmem:$0xC280] =	vst v63  }
0xa5: {  	s20 =	sadd.s32 s4, s15;
	s21 =	sand.u32 $0x1FFFFFF0, s21;
	s22 =	spop (v2sf)  }
0xa6: {  	(v2sf) =	vpush v9, $0xB;
	[tilespmem:s19], [sflag:$0x2] =	stream.linear.gather [hbm4b:s20+s3], $0x80, $0x38;
	[tilespmem:$0xC280] =	vst v63  }
0xa7: {  	s20 =	sadd.s32 s4, s21;
	s21 =	sand.u32 $0x1FFFFFF0, s22;
	s22 =	spop (v2sf)  }
0xa8: {  	(v2sf) =	vpush v9, $0xC;
	[tilespmem:s17], [sflag:$0x2] =	stream.linear.gather [hbm4b:s20+s3], $0x80, $0x38;
	[tilespmem:$0xC280] =	vst v63  }
0xa9: {  	s18 =	sand.u32 $0x1FFFFFF0, s22;
	s19 =	spop (v2sf);
	s17 =	sadd.s32 s4, s21  }
0xaa: {  	(v2sf) =	vpush v9, $0xD;
	[tilespmem:s14], [sflag:$0x2] =	stream.linear.gather [hbm4b:s17+s3], $0x80, $0x38;
	[tilespmem:$0xC280] =	vst v63  }
0xab: {  	s20 =	sadd.s32 s4, s18;
	s21 =	sand.u32 $0x1FFFFFF0, s19;
	s22 =	spop (v2sf)  }
0xac: {  	(v2sf) =	vpush v9, $0xE;
	[tilespmem:s16], [sflag:$0x2] =	stream.linear.gather [hbm4b:s20+s3], $0x80, $0x38;
	[tilespmem:$0xC280] =	vst v63  }
0xad: {  	s15 =	sand.u32 $0x1FFFFFF0, s22;
	s14 =	sadd.s32 s4, s21;
	s16 =	spop (v2sf)  }
0xae: {  	[tilespmem:s13], [sflag:$0x2] =	stream.linear.gather [hbm4b:s14+s3], $0x80, $0x38;
	[tilespmem:$0xC280] =	vst v63  }
0xaf: {  	s17 =	sadd.s32 s4, s15;
	s18 =	sand.u32 $0x1FFFFFF0, s16;
	s19 =	spop (v2sf)  }
0xb0: {  	(v2sf) =	vpush v9, $0xF;
	[tilespmem:s10], [sflag:$0x2] =	stream.linear.gather [hbm4b:s17+s3], $0x80, $0x38;
	[tilespmem:$0xC280] =	vst v63  }
0xb1: {  	s20 =	sadd.s32 s4, s18;
	s21 =	sand.u32 $0x1FFFFFF0, s19;
	s22 =	spop (v2sf)  }
0xb2: {  	(v2sf) =	vpush v8, $0x6;
	[tilespmem:s1], [sflag:$0x2] =	stream.linear.gather [hbm4b:s20+s3], $0x80, $0x38;
	[tilespmem:$0xC280] =	vst v63  }
0xb3: {  	s1 =	sadd.s32 s4, s21;
	s10 =	sand.u32 $0x1FFFFFF0, s22;
	s13 =	spop (v2sf)  }
0xb4: {  	[tilespmem:s11], [sflag:$0x2] =	stream.linear.gather [hbm4b:s1+s3], $0x80, $0x38;
	[tilespmem:$0xC280] =	vst v63  }
0xb5: {  	(v2sf) =	vpush v8, $0x7;
	s14 =	sadd.s32 s4, s10;
	s15 =	sand.u32 $0x1FFFFFF0, s13;
	s16 =	spop (v2sf)  }
0xb6: {  	[tilespmem:s5], [sflag:$0x2] =	stream.linear.gather [hbm4b:s14+s3], $0x80, $0x38;
	[tilespmem:$0xC280] =	vst v63  }
0xb7: {  	(v2sf) =	vpush v8, $0x8;
	s17 =	sadd.s32 s4, s15;
	s18 =	sand.u32 $0x1FFFFFF0, s16;
	s19 =	spop (v2sf)  }
0xb8: {  	(v2sf) =	vpush v8, $0x9;
	[tilespmem:s8], [sflag:$0x2] =	stream.linear.gather [hbm4b:s17+s3], $0x80, $0x38;
	[tilespmem:$0xC280] =	vst v63  }
0xb9: {  	s20 =	sadd.s32 s4, s18;
	s21 =	sand.u32 $0x1FFFFFF0, s19;
	s22 =	spop (v2sf)  }
0xba: {  	(v2sf) =	vpush v8, $0xA;
	[tilespmem:s6], [sflag:$0x2] =	stream.linear.gather [hbm4b:s20+s3], $0x80, $0x38;
	[tilespmem:$0xC280] =	vst v63  }
0xbb: {  	s1 =	sadd.s32 s4, s21;
	s5 =	sand.u32 $0x1FFFFFF0, s22;
	s6 =	spop (v2sf)  }
0xbc: {  	[tilespmem:s12], [sflag:$0x2] =	stream.linear.gather [hbm4b:s1+s3], $0x80, $0x38;
	[tilespmem:$0xC280] =	vst v63  }
0xbd: {  	s7 =	sadd.s32 $0xFFFFF500, s23;
	s8 =	sadd.s32 s4, s5;
	s10 =	sand.u32 $0x1FFFFFF0, s6  }
0xbe: {  	[tilespmem:s9], [sflag:$0x2] =	stream.linear.gather [hbm4b:s8+s3], $0x80, $0x38;
	[tilespmem:$0xC280] =	vst v63  }
0xbf: {  	s15 =	rddreg [dreg:$0x6];
	s11 =	spop (v2sf);
	s13 =	sadd.s32 s4, s10  }
0xc0: {  	[tilespmem:s15], [sflag:$0x2] =	stream.linear.gather [hbm4b:s13+s3], $0x80, $0x38;
	[tilespmem:$0xC280] =	vst v63  }
0xc1: {  	s16 =	sadd.s32 $0xFFFFF400, s23;
	s14 =	sand.u32 $0x1FFFFFF0, s11;
	s17 =	spop (v2sf)  }
0xc2: {  	s18 =	sadd.s32 $0xFFFFF380, s23;
	s1 =	sadd.s32 s4, s14;
	s5 =	sand.u32 $0x1FFFFFF0, s17  }
0xc3: {  	[tilespmem:s31], [sflag:$0x2] =	stream.linear.gather [hbm4b:s1+s3], $0x80, $0x38;
	[tilespmem:$0xC280] =	vst v63  }
0xc4: {  	s12 =	sadd.s32 $0xFFFFF480, s23;
	s19 =	spop (v2sf);
	s5 =	sadd.s32 s4, s5  }
0xc5: {  	[tilespmem:s18], [sflag:$0x2] =	stream.linear.gather [hbm4b:s5+s3], $0x80, $0x38;
	[tilespmem:$0xC280] =	vst v63  }
.Ltmp6:
0xc6: {  	(v2sf) =	vpush v8, $0xB;
	s8 =	sand.u32 $0x1FFFFFF0, s19;
	s20 =	spop (v2sf);
	(pc) =	sbr.rel @p1 .LBB2_8-.Ltmp6, $4  }
0xc7: {  	(v2sf) =	vpush v8, $0xC;
	s21 =	sadd.s32 s4, s8;
	s22 =	sand.u32 $0x1FFFFFF0, s20;
	s31 =	spop (v2sf)  }
0xc8: {  	(v2sf) =	vpush v8, $0xD;
	[tilespmem:s16], [sflag:$0x2] =	stream.linear.gather [hbm4b:s21+s3], $0x80, $0x38;
	[tilespmem:$0xC280] =	vst v63  }
0xc9: {  	(v2sf) =	vpush v8, $0xE;
	s5 =	sadd.s32 s4, s22;
	s0 =	sand.u32 $0x1FFFFFF0, s31;
	s1 =	spop (v2sf)  }
0xca: {  	(v2sf) =	vpush v8, $0xF;
	[tilespmem:s12], [sflag:$0x2] =	stream.linear.gather [hbm4b:s5+s3], $0x80, $0x38;
	[tilespmem:$0xC280] =	vst v63  }
0xcb: {  	_ =	sdelay $0x5  }
0xcc: {  	s0 =	sadd.s32 s4, s0;
	s1 =	sand.u32 $0x1FFFFFF0, s1  }
0xcd: {  	[tilespmem:s7], [sflag:$0x2] =	stream.linear.gather [hbm4b:s0+s3], $0x80, $0x38;
	[tilespmem:$0xC280] =	vst v63  }
0xce: {  	s6 =	sadd.s32 s4, s1  }
0xcf: {  	[tilespmem:s2], [sflag:$0x2] =	stream.linear.gather [hbm4b:s6+s3], $0x80, $0x38;
	[tilespmem:$0xC280] =	vst v63  }
0xd0: {  	s5 =	spop (v2sf)  }
0xd1: {  	s7 =	sand.u32 $0x1FFFFFF0, s5;
	s8 =	spop (v2sf)  }
0xd2: {  	s9 =	sadd.s32 s4, s7;
	s10 =	sand.u32 $0x1FFFFFF0, s8;
	s11 =	spop (v2sf)  }
0xd3: {  	[tilespmem:s29], [sflag:$0x2] =	stream.linear.gather [hbm4b:s9+s3], $0x80, $0x38;
	[tilespmem:$0xC280] =	vst v63  }
0xd4: {  	s12 =	sadd.s32 s4, s10;
	s13 =	sand.u32 $0x1FFFFFF0, s11;
	s14 =	spop (v2sf)  }
0xd5: {  	[tilespmem:s30], [sflag:$0x2] =	stream.linear.gather [hbm4b:s12+s3], $0x80, $0x38;
	[tilespmem:$0xC280] =	vst v63  }
0xd6: {  	s15 =	sadd.s32 s4, s13;
	s16 =	sand.u32 $0x1FFFFFF0, s14;
	s17 =	spop (v2sf)  }
0xd7: {  	[tilespmem:s26], [sflag:$0x2] =	stream.linear.gather [hbm4b:s15+s3], $0x80, $0x38;
	[tilespmem:$0xC280] =	vst v63  }
0xd8: {  	s18 =	sadd.s32 $0xFFFFF780, s23;
	s1 =	sadd.s32 s4, s16;
	s2 =	sand.u32 $0x1FFFFFF0, s17  }
0xd9: {  	[tilespmem:s18], [sflag:$0x2] =	stream.linear.gather [hbm4b:s1+s3], $0x80, $0x38;
	[tilespmem:$0xC280] =	vst v63  }
0xda: {  	s19 =	sadd.s32 $0xFFFFF800, s23;
	s20 =	sadd.s32 s4, s2  }
0xdb: {  	[tilespmem:s19], [sflag:$0x2] =	stream.linear.gather [hbm4b:s20+s3], $0x80, $0x38;
	[tilespmem:$0xC280] =	vst v63  }
0xdc: {  	v8 =	vld [tilespmem:s24+$0x0];
	_ =	sdelay $0x4  }
0xdd: {  	v8 =	vshll.u32 v8, $0x4  }
0xde: {  	(v2sf) =	vpush v8, $0x0  }
0xdf: {  	(v2sf) =	vpush v8, $0x1  }
0xe0: {  	(v2sf) =	vpush v8, $0x2;
	_ =	sdelay $0x1  }
0xe1: {  	(v2sf) =	vpush v8, $0x3;
	_ =	sdelay $0x1  }
0xe2: {  	(v2sf) =	vpush v8, $0x4;
	_ =	sdelay $0x1  }
0xe3: {  	(v2sf) =	vpush v8, $0x5;
	_ =	sdelay $0x1  }
0xe4: {  	(v2sf) =	vpush v8, $0x6  }
0xe5: {  	s0 =	sadd.s32 $0xFFFFFF00, s23;
	s6 =	sadd.s32 $0xFFFFFC80, s23  }
0xe6: {  	s5 =	sadd.s32 $0xFFFFFD80, s23;
	s7 =	sadd.s32 $0xFFFFFD00, s23;
	s8 =	sadd.s32 $0xFFFFFB00, s23;
	(v2sf) =	vpush v8, $0x7  }
0xe7: {  	s9 =	sadd.s32 $0xFFFFFB80, s23;
	s10 =	sadd.s32 $0xFFFFFC00, s23;
	s11 =	sadd.s32 $0xFFFFF980, s23  }
0xe8: {  	s13 =	sadd.s32 $0xFFFFFA80, s23;
	s14 =	sadd.s32 $0xFFFFF880, s23;
	s12 =	sadd.s32 $0xFFFFFA00, s23;
	(v2sf) =	vpush v8, $0x8  }
0xe9: {  	s16 =	sadd.s32 $0xFFFFF900, s23;
	s2 =	sadd.s32 $0xFFFFFE00, s23;
	s15 =	spop (v2sf)  }
0xea: {  	s1 =	sadd.s32 $0xFFFFFE80, s23;
	(v2sf) =	vpush v8, $0x9;
	s15 =	sand.u32 $0x1FFFFFF0, s15;
	s17 =	spop (v2sf)  }
0xeb: {  	s15 =	sadd.s32 s4, s15;
	s17 =	sand.u32 $0x1FFFFFF0, s17;
	s18 =	spop (v2sf)  }
0xec: {  	(v2sf) =	vpush v8, $0xA;
	[tilespmem:s14], [sflag:$0x2] =	stream.linear.gather [hbm4b:s15+s3], $0x80, $0x38;
	[tilespmem:$0xC280] =	vst v63  }
0xed: {  	s21 =	sadd.s32 s4, s17;
	s22 =	sand.u32 $0x1FFFFFF0, s18;
	s24 =	spop (v2sf)  }
0xee: {  	(v2sf) =	vpush v8, $0xB;
	[tilespmem:s16], [sflag:$0x2] =	stream.linear.gather [hbm4b:s21+s3], $0x80, $0x38;
	[tilespmem:$0xC280] =	vst v63  }
0xef: {  	s25 =	sadd.s32 s4, s22;
	s26 =	sand.u32 $0x1FFFFFF0, s24;
	s28 =	spop (v2sf)  }
0xf0: {  	(v2sf) =	vpush v8, $0xC;
	[tilespmem:s11], [sflag:$0x2] =	stream.linear.gather [hbm4b:s25+s3], $0x80, $0x38;
	[tilespmem:$0xC280] =	vst v63  }
0xf1: {  	s29 =	sadd.s32 s4, s26;
	s30 =	sand.u32 $0x1FFFFFF0, s28;
	s31 =	spop (v2sf)  }
0xf2: {  	(v2sf) =	vpush v8, $0xD;
	[tilespmem:s12], [sflag:$0x2] =	stream.linear.gather [hbm4b:s29+s3], $0x80, $0x38;
	[tilespmem:$0xC280] =	vst v63  }
0xf3: {  	s14 =	sadd.s32 s4, s30;
	s16 =	sand.u32 $0x1FFFFFF0, s31;
	s17 =	spop (v2sf)  }
0xf4: {  	(v2sf) =	vpush v8, $0xE;
	[tilespmem:s13], [sflag:$0x2] =	stream.linear.gather [hbm4b:s14+s3], $0x80, $0x38;
	[tilespmem:$0xC280] =	vst v63  }
0xf5: {  	s18 =	sadd.s32 s4, s16;
	s19 =	sand.u32 $0x1FFFFFF0, s17;
	s20 =	spop (v2sf)  }
0xf6: {  	(v2sf) =	vpush v8, $0xF;
	[tilespmem:s8], [sflag:$0x2] =	stream.linear.gather [hbm4b:s18+s3], $0x80, $0x38;
	[tilespmem:$0xC280] =	vst v63  }
0xf7: {  	s21 =	sadd.s32 s4, s19;
	s22 =	sand.u32 $0x1FFFFFF0, s20;
	s24 =	spop (v2sf)  }
0xf8: {  	[tilespmem:s9], [sflag:$0x2] =	stream.linear.gather [hbm4b:s21+s3], $0x80, $0x38;
	[tilespmem:$0xC280] =	vst v63  }
0xf9: {  	s25 =	sadd.s32 s4, s22;
	s26 =	sand.u32 $0x1FFFFFF0, s24;
	s28 =	spop (v2sf)  }
0xfa: {  	[tilespmem:s10], [sflag:$0x2] =	stream.linear.gather [hbm4b:s25+s3], $0x80, $0x38;
	[tilespmem:$0xC280] =	vst v63  }
0xfb: {  	s29 =	sadd.s32 s4, s26;
	s30 =	sand.u32 $0x1FFFFFF0, s28;
	s31 =	spop (v2sf)  }
0xfc: {  	[tilespmem:s6], [sflag:$0x2] =	stream.linear.gather [hbm4b:s29+s3], $0x80, $0x38;
	[tilespmem:$0xC280] =	vst v63  }
0xfd: {  	s11 =	sadd.s32 s4, s30;
	s12 =	sand.u32 $0x1FFFFFF0, s31;
	s13 =	spop (v2sf)  }
0xfe: {  	[tilespmem:s7], [sflag:$0x2] =	stream.linear.gather [hbm4b:s11+s3], $0x80, $0x38;
	[tilespmem:$0xC280] =	vst v63  }
0xff: {  	s14 =	sadd.s32 s4, s12;
	s15 =	sand.u32 $0x1FFFFFF0, s13;
	s16 =	spop (v2sf)  }
0x100: {  	[tilespmem:s5], [sflag:$0x2] =	stream.linear.gather [hbm4b:s14+s3], $0x80, $0x38;
	[tilespmem:$0xC280] =	vst v63  }
0x101: {  	s17 =	sadd.s32 s4, s15;
	s18 =	sand.u32 $0x1FFFFFF0, s16;
	s19 =	spop (v2sf)  }
0x102: {  	[tilespmem:s2], [sflag:$0x2] =	stream.linear.gather [hbm4b:s17+s3], $0x80, $0x38;
	[tilespmem:$0xC280] =	vst v63  }
0x103: {  	s20 =	sadd.s32 s4, s18;
	s21 =	sand.u32 $0x1FFFFFF0, s19;
	s22 =	spop (v2sf)  }
0x104: {  	[tilespmem:s1], [sflag:$0x2] =	stream.linear.gather [hbm4b:s20+s3], $0x80, $0x38;
	[tilespmem:$0xC280] =	vst v63  }
0x105: {  	s24 =	sadd.s32 s4, s21;
	s25 =	sand.u32 $0x1FFFFFF0, s22;
	s26 =	spop (v2sf)  }
0x106: {  	[tilespmem:s0], [sflag:$0x2] =	stream.linear.gather [hbm4b:s24+s3], $0x80, $0x38;
	[tilespmem:$0xC280] =	vst v63  }
0x107: {  	s28 =	sadd.s32 $0xFFFFFF80, s23;
	s29 =	sadd.s32 s4, s25;
	s30 =	sand.u32 $0x1FFFFFF0, s26  }
0x108: {  	[tilespmem:s28], [sflag:$0x2] =	stream.linear.gather [hbm4b:s29+s3], $0x80, $0x38;
	[tilespmem:$0xC280] =	vst v63  }
0x109: {  	s31 =	sadd.s32 s4, s30  }
0x10a: {  	[tilespmem:s23], [sflag:$0x2] =	stream.linear.gather [hbm4b:s31+s3], $0x80, $0x38;
	[tilespmem:$0xC280] =	vst v63  }
0x10b: {  	s10 =	rddreg [dreg:$0xc]  }
0x10c: {  	s11 =	rddreg [dreg:$0xd]  }
0x10d: {  	s12 =	rddreg [dreg:$0xe]  }
0x10e: {  	s13 =	rddreg [dreg:$0xf]  }
.Ltmp7:
0x10f: {  	s14 =	rddreg [dreg:$0x10];
	(pc) =	sbr.rel .LBB2_10-.Ltmp7, $4  }
0x110: {  	s15 =	rddreg [dreg:$0x11]  }
0x111: {  	s16 =	rddreg [dreg:$0x12]  }
0x112: {  	s17 =	rddreg [dreg:$0x13]  }
0x113: {  	s9 =	simm.s32 $0x3;
	s18 =	rddreg [dreg:$0x14]  }
.LBB2_4:
0x114: {  	[tilespmem:s3], [sflag:$0x3] =	stream.linear.gather [hbm4b:s0+s3], $0x80, $0x38;
	[tilespmem:$0xC280] =	vst v63  }
0x115: {  	_ =	swait.ge [sflag:s9], $0x80  }
0x116: {  	[sflag:s9] =	ssyncset.done $0x0  }
0x117: {  	s24 =	simm.s32 $0x10;
	[sflag:s9] =	ssyncadd.s32 $0xFFFFFF80  }
0x118: {  	v8 =	vld [tilespmem:s24+$0xFFFFFFF0];
	_ =	sdelay $0x4  }
0x119: {  	v8 =	vshll.u32 v8, $0x4  }
0x11a: {  	(v2sf) =	vpush v8, $0x0  }
0x11b: {  	(v2sf) =	vpush v8, $0x1  }
0x11c: {  	(v2sf) =	vpush v8, $0x2;
	_ =	sdelay $0x1  }
0x11d: {  	(v2sf) =	vpush v8, $0x3  }
0x11e: {  	(v2sf) =	vpush v8, $0x4;
	_ =	sdelay $0x1  }
0x11f: {  	(v2sf) =	vpush v8, $0x5;
	_ =	sdelay $0x3  }
0x120: {  	(v2sf) =	vpush v8, $0x6;
	_ =	sdelay $0x1  }
0x121: {  	s23 =	simm.s32 $0x900;
	s19 =	simm.s32 $0x280  }
0x122: {  	s1 =	simm.s32 $0x180;
	s2 =	simm.s32 $0x200;
	s6 =	simm.s32 $0x100  }
0x123: {  	s12 =	simm.s32 $0x380;
	s29 =	simm.s32 $0x680;
	s5 =	spop (v2sf);
	(v2sf) =	vpush v8, $0x7  }
0x124: {  	s15 =	simm.s32 $0x400;
	s5 =	sand.u32 $0x1FFFFFF0, s5;
	s7 =	spop (v2sf)  }
0x125: {  	s18 =	simm.s32 $0x480;
	(v2sf) =	vpush v8, $0x8;
	s5 =	sadd.s32 s4, s5;
	s8 =	spop (v2sf)  }
0x126: {  	[tilespmem:s6], [sflag:$0x1] =	stream.linear.gather [hbm4b:s5+s3], $0x80, $0x38;
	[tilespmem:$0xC280] =	vst v63  }
0x127: {  	s30 =	simm.s32 $0x700;
	s7 =	sand.u32 $0x1FFFFFF0, s7;
	s22 =	spop (v2sf)  }
0x128: {  	(v2sf) =	vpush v8, $0x9;
	s20 =	sadd.s32 s4, s7;
	s21 =	sand.u32 $0x1FFFFFF0, s8;
	s31 =	spop (v2sf)  }
0x129: {  	[tilespmem:s1], [sflag:$0x1] =	stream.linear.gather [hbm4b:s20+s3], $0x80, $0x38;
	[tilespmem:$0xC280] =	vst v63  }
0x12a: {  	s25 =	sadd.s32 s4, s21;
	s26 =	sand.u32 $0x1FFFFFF0, s22;
	s8 =	spop (v2sf);
	(v2sf) =	vpush v8, $0xA  }
0x12b: {  	[tilespmem:s2], [sflag:$0x1] =	stream.linear.gather [hbm4b:s25+s3], $0x80, $0x38;
	[tilespmem:$0xC280] =	vst v63  }
0x12c: {  	s9 =	simm.s32 $0x300;
	s5 =	sadd.s32 s4, s26;
	s7 =	sand.u32 $0x1FFFFFF0, s31  }
0x12d: {  	[tilespmem:s19], [sflag:$0x1] =	stream.linear.gather [hbm4b:s5+s3], $0x80, $0x38;
	[tilespmem:$0xC280] =	vst v63  }
0x12e: {  	s10 =	sadd.s32 s4, s7;
	s11 =	sand.u32 $0x1FFFFFF0, s8;
	s14 =	spop (v2sf)  }
0x12f: {  	[tilespmem:s9], [sflag:$0x1] =	stream.linear.gather [hbm4b:s10+s3], $0x80, $0x38;
	[tilespmem:$0xC280] =	vst v63  }
0x130: {  	s28 =	simm.s32 $0x0;
	s13 =	sadd.s32 s4, s11;
	s0 =	sand.u32 $0x1FFFFFF0, s14  }
0x131: {  	[tilespmem:s12], [sflag:$0x1] =	stream.linear.gather [hbm4b:s13+s3], $0x80, $0x38;
	[tilespmem:$0xC280] =	vst v63  }
0x132: {  	s6 =	simm.s32 $0x580;
	s0 =	sadd.s32 s4, s0;
	s16 =	spop (v2sf)  }
0x133: {  	[tilespmem:s15], [sflag:$0x1] =	stream.linear.gather [hbm4b:s0+s3], $0x80, $0x38;
	[tilespmem:$0xC280] =	vst v63  }
0x134: {  	s21 =	simm.s32 $0x500;
	s2 =	sand.u32 $0x1FFFFFF0, s16;
	s17 =	spop (v2sf)  }
0x135: {  	s26 =	simm.s32 $0x780;
	(v2sf) =	vpush v8, $0xB;
	s19 =	sadd.s32 s4, s2;
	s20 =	sand.u32 $0x1FFFFFF0, s17  }
0x136: {  	(v2sf) =	vpush v8, $0xC;
	[tilespmem:s18], [sflag:$0x1] =	stream.linear.gather [hbm4b:s19+s3], $0x80, $0x38;
	[tilespmem:$0xC280] =	vst v63  }
0x137: {  	s25 =	simm.s32 $0x30;
	(v2sf) =	vpush v8, $0xD;
	s31 =	spop (v2sf);
	s22 =	sadd.s32 s4, s20  }
0x138: {  	(v2sf) =	vpush v8, $0xE;
	[tilespmem:s21], [sflag:$0x1] =	stream.linear.gather [hbm4b:s22+s3], $0x80, $0x38;
	[tilespmem:$0xC280] =	vst v63  }
0x139: {  	s9 =	simm.s32 $0x600;
	(v2sf) =	vpush v8, $0xF;
	s0 =	sand.u32 $0x1FFFFFF0, s31;
	s1 =	spop (v2sf)  }
.LBB2_5:
0x13a: {  	_ =	sdelay $0x5  }
0x13b: {  	s0 =	sadd.s32 s4, s0;
	s1 =	sand.u32 $0x1FFFFFF0, s1  }
0x13c: {  	v8 =	vld [tilespmem:s25+$0xFFFFFFF0];
	[tilespmem:s6], [sflag:$0x1] =	stream.linear.gather [hbm4b:s0+s3], $0x80, $0x38  }
0x13d: {  	s21 =	sadd.s32 s4, s1  }
0x13e: {  	[tilespmem:s9], [sflag:$0x1] =	stream.linear.gather [hbm4b:s21+s3], $0x80, $0x38;
	[tilespmem:$0xC280] =	vst v63  }
0x13f: {  	s5 =	smov.u32 s24;
	s2 =	spop (v2sf)  }
0x140: {  	s24 =	smov.u32 s25;
	s22 =	sand.u32 $0x1FFFFFF0, s2;
	s31 =	spop (v2sf)  }
0x141: {  	s6 =	sadd.s32 s4, s22;
	s7 =	sand.u32 $0x1FFFFFF0, s31;
	s8 =	spop (v2sf)  }
0x142: {  	v8 =	vshll.u32 v8, $0x4;
	[tilespmem:s29], [sflag:$0x1] =	stream.linear.gather [hbm4b:s6+s3], $0x80, $0x38;
	[tilespmem:$0xC280] =	vst v63  }
0x143: {  	(v2sf) =	vpush v8, $0x0;
	s9 =	sadd.s32 s4, s7;
	s10 =	sand.u32 $0x1FFFFFF0, s8;
	s12 =	spop (v2sf)  }
0x144: {  	(v2sf) =	vpush v8, $0x1;
	[tilespmem:s30], [sflag:$0x1] =	stream.linear.gather [hbm4b:s9+s3], $0x80, $0x38;
	[tilespmem:$0xC280] =	vst v63  }
0x145: {  	(v2sf) =	vpush v8, $0x2;
	s13 =	sadd.s32 s4, s10;
	s14 =	sand.u32 $0x1FFFFFF0, s12;
	s15 =	spop (v2sf)  }
0x146: {  	[tilespmem:s26], [sflag:$0x1] =	stream.linear.gather [hbm4b:s13+s3], $0x80, $0x38;
	[tilespmem:$0xC280] =	vst v63  }
0x147: {  	s16 =	sadd.s32 $0xFFFFFF00, s23;
	(v2sf) =	vpush v8, $0x3;
	s1 =	sadd.s32 s4, s14;
	s2 =	sand.u32 $0x1FFFFFF0, s15  }
0x148: {  	[tilespmem:s16], [sflag:$0x1] =	stream.linear.gather [hbm4b:s1+s3], $0x80, $0x38;
	[tilespmem:$0xC280] =	vst v63  }
0x149: {  	s11 =	smov.u32 s23;
	s17 =	sadd.s32 $0xFFFFFF80, s23;
	(v2sf) =	vpush v8, $0x4;
	s18 =	sadd.s32 s4, s2  }
0x14a: {  	[tilespmem:s17], [sflag:$0x1] =	stream.linear.gather [hbm4b:s18+s3], $0x80, $0x38;
	[tilespmem:$0xC280] =	vst v63  }
0x14b: {  	s25 =	sadd.s32 $0x20, s25;
	s28 =	sadd.s32 $0x2, s28;
	s19 =	sadd.s32 $0x780, s11;
	(v2sf) =	vpush v8, $0x5;
	v9 =	vld [tilespmem:s5+$0x0]  }
0x14c: {  	s23 =	sadd.s32 $0x1000, s23;
	p1 =	slt.u32 s28, $0x6;
	[dreg:$0x5] =	wrdreg s19  }
0x14d: {  	s19 =	sadd.s32 $0x80, s11;
	s21 =	sadd.s32 $0xFFFFF800, s23;
	s31 =	sadd.s32 $0x700, s11  }
0x14e: {  	s22 =	sadd.s32 $0x100, s11;
	s8 =	sadd.s32 $0x500, s11;
	s7 =	sadd.s32 $0x580, s11  }
0x14f: {  	s6 =	sadd.s32 $0xFFFFF980, s23;
	s29 =	sadd.s32 $0xFFFFFD80, s23;
	s12 =	sadd.s32 $0x600, s11  }
0x150: {  	s10 =	sadd.s32 $0x300, s11;
	s14 =	sadd.s32 $0x180, s11;
	s30 =	sadd.s32 $0xFFFFFE00, s23;
	v9 =	vshll.u32 v9, $0x4  }
0x151: {  	s9 =	sadd.s32 $0xFFFFF880, s23;
	s15 =	sadd.s32 $0xFFFFF900, s23;
	s2 =	sadd.s32 $0x680, s11;
	(v2sf) =	vpush v9, $0x0  }
0x152: {  	s13 =	sadd.s32 $0x400, s11;
	s26 =	sadd.s32 $0xFFFFFE80, s23;
	s18 =	spop (v2sf);
	(v2sf) =	vpush v9, $0x1  }
0x153: {  	s1 =	sadd.s32 $0x380, s11;
	s18 =	sand.u32 $0x1FFFFFF0, s18;
	s20 =	spop (v2sf);
	(v2sf) =	vpush v9, $0x2  }
0x154: {  	s18 =	sadd.s32 s4, s18;
	s20 =	sand.u32 $0x1FFFFFF0, s20;
	s0 =	spop (v2sf)  }
0x155: {  	[tilespmem:s21], [sflag:$0x1] =	stream.linear.gather [hbm4b:s18+s3], $0x80, $0x38;
	(v2sf) =	vpush v9, $0x3;
	[tilespmem:$0xC280] =	vst v63  }
0x156: {  	s20 =	sadd.s32 s4, s20;
	s0 =	sand.u32 $0x1FFFFFF0, s0;
	s21 =	spop (v2sf)  }
0x157: {  	[tilespmem:s9], [sflag:$0x1] =	stream.linear.gather [hbm4b:s20+s3], $0x80, $0x38;
	(v2sf) =	vpush v9, $0x4;
	[tilespmem:$0xC280] =	vst v63  }
0x158: {  	s0 =	sadd.s32 s4, s0;
	s20 =	sand.u32 $0x1FFFFFF0, s21;
	s21 =	spop (v2sf)  }
0x159: {  	(v2sf) =	vpush v9, $0x5;
	[tilespmem:s15], [sflag:$0x1] =	stream.linear.gather [hbm4b:s0+s3], $0x80, $0x38;
	[tilespmem:$0xC280] =	vst v63  }
0x15a: {  	s15 =	sadd.s32 s4, s20;
	s20 =	sand.u32 $0x1FFFFFF0, s21;
	s21 =	spop (v2sf)  }
0x15b: {  	(v2sf) =	vpush v9, $0x6;
	[tilespmem:s6], [sflag:$0x1] =	stream.linear.gather [hbm4b:s15+s3], $0x80, $0x38;
	[tilespmem:$0xC280] =	vst v63  }
0x15c: {  	s18 =	sadd.s32 $0xFFFFFA00, s23;
	s20 =	sadd.s32 s4, s20;
	s21 =	sand.u32 $0x1FFFFFF0, s21  }
0x15d: {  	(v2sf) =	vpush v9, $0x7;
	[tilespmem:s18], [sflag:$0x1] =	stream.linear.gather [hbm4b:s20+s3], $0x80, $0x38;
	[tilespmem:$0xC280] =	vst v63  }
0x15e: {  	s16 =	sadd.s32 $0x280, s11;
	s6 =	sadd.s32 $0xFFFFFA80, s23;
	s15 =	sadd.s32 s4, s21  }
0x15f: {  	(v2sf) =	vpush v9, $0x8;
	[tilespmem:s6], [sflag:$0x1] =	stream.linear.gather [hbm4b:s15+s3], $0x80, $0x38;
	[tilespmem:$0xC280] =	vst v63  }
0x160: {  	s17 =	sadd.s32 $0x200, s11;
	s5 =	sadd.s32 $0x480, s11;
	s18 =	spop (v2sf)  }
0x161: {  	s9 =	sadd.s32 $0xFFFFFD00, s23;
	s0 =	sand.u32 $0x1FFFFFF0, s18;
	s20 =	spop (v2sf);
	(v2sf) =	vpush v9, $0x9  }
0x162: {  	s0 =	sadd.s32 s4, s0;
	s15 =	sand.u32 $0x1FFFFFF0, s20;
	s21 =	spop (v2sf)  }
0x163: {  	(v2sf) =	vpush v9, $0xA;
	[tilespmem:s11], [sflag:$0x1] =	stream.linear.gather [hbm4b:s0+s3], $0x80, $0x38;
	[tilespmem:$0xC280] =	vst v63  }
0x164: {  	s11 =	sadd.s32 s4, s15;
	s15 =	sand.u32 $0x1FFFFFF0, s21;
	s18 =	spop (v2sf)  }
0x165: {  	(v2sf) =	vpush v9, $0xB;
	[tilespmem:s19], [sflag:$0x1] =	stream.linear.gather [hbm4b:s11+s3], $0x80, $0x38;
	[tilespmem:$0xC280] =	vst v63  }
0x166: {  	s20 =	sand.u32 $0x1FFFFFF0, s18;
	s21 =	spop (v2sf);
	s19 =	sadd.s32 s4, s15  }
0x167: {  	(v2sf) =	vpush v9, $0xC;
	[tilespmem:s22], [sflag:$0x1] =	stream.linear.gather [hbm4b:s19+s3], $0x80, $0x38;
	[tilespmem:$0xC280] =	vst v63  }
0x168: {  	s11 =	sadd.s32 s4, s20;
	s18 =	sand.u32 $0x1FFFFFF0, s21;
	s19 =	spop (v2sf)  }
0x169: {  	(v2sf) =	vpush v9, $0xD;
	[tilespmem:s14], [sflag:$0x1] =	stream.linear.gather [hbm4b:s11+s3], $0x80, $0x38;
	[tilespmem:$0xC280] =	vst v63  }
0x16a: {  	s20 =	sadd.s32 s4, s18;
	s21 =	sand.u32 $0x1FFFFFF0, s19;
	s22 =	spop (v2sf)  }
0x16b: {  	(v2sf) =	vpush v9, $0xE;
	[tilespmem:s17], [sflag:$0x1] =	stream.linear.gather [hbm4b:s20+s3], $0x80, $0x38;
	[tilespmem:$0xC280] =	vst v63  }
0x16c: {  	s11 =	sadd.s32 s4, s21;
	s14 =	sand.u32 $0x1FFFFFF0, s22;
	s15 =	spop (v2sf)  }
0x16d: {  	[tilespmem:s16], [sflag:$0x1] =	stream.linear.gather [hbm4b:s11+s3], $0x80, $0x38;
	[tilespmem:$0xC280] =	vst v63  }
0x16e: {  	s18 =	sand.u32 $0x1FFFFFF0, s15;
	s19 =	spop (v2sf);
	s17 =	sadd.s32 s4, s14  }
0x16f: {  	(v2sf) =	vpush v9, $0xF;
	[tilespmem:s10], [sflag:$0x1] =	stream.linear.gather [hbm4b:s17+s3], $0x80, $0x38;
	[tilespmem:$0xC280] =	vst v63  }
0x170: {  	s20 =	sadd.s32 s4, s18;
	s21 =	sand.u32 $0x1FFFFFF0, s19;
	s22 =	spop (v2sf)  }
0x171: {  	(v2sf) =	vpush v8, $0x6;
	[tilespmem:s1], [sflag:$0x1] =	stream.linear.gather [hbm4b:s20+s3], $0x80, $0x38;
	[tilespmem:$0xC280] =	vst v63  }
0x172: {  	s1 =	sadd.s32 s4, s21;
	s10 =	sand.u32 $0x1FFFFFF0, s22;
	s11 =	spop (v2sf)  }
0x173: {  	[tilespmem:s13], [sflag:$0x1] =	stream.linear.gather [hbm4b:s1+s3], $0x80, $0x38;
	[tilespmem:$0xC280] =	vst v63  }
0x174: {  	(v2sf) =	vpush v8, $0x7;
	s14 =	sadd.s32 s4, s10;
	s15 =	sand.u32 $0x1FFFFFF0, s11;
	s16 =	spop (v2sf)  }
0x175: {  	[tilespmem:s5], [sflag:$0x1] =	stream.linear.gather [hbm4b:s14+s3], $0x80, $0x38;
	[tilespmem:$0xC280] =	vst v63  }
0x176: {  	(v2sf) =	vpush v8, $0x8;
	s17 =	sadd.s32 s4, s15;
	s18 =	sand.u32 $0x1FFFFFF0, s16;
	s19 =	spop (v2sf)  }
0x177: {  	(v2sf) =	vpush v8, $0x9;
	[tilespmem:s8], [sflag:$0x1] =	stream.linear.gather [hbm4b:s17+s3], $0x80, $0x38;
	[tilespmem:$0xC280] =	vst v63  }
0x178: {  	s20 =	sadd.s32 s4, s18;
	s21 =	sand.u32 $0x1FFFFFF0, s19;
	s22 =	spop (v2sf)  }
0x179: {  	(v2sf) =	vpush v8, $0xA;
	[tilespmem:s7], [sflag:$0x1] =	stream.linear.gather [hbm4b:s20+s3], $0x80, $0x38;
	[tilespmem:$0xC280] =	vst v63  }
0x17a: {  	s1 =	sadd.s32 s4, s21;
	s5 =	sand.u32 $0x1FFFFFF0, s22;
	s7 =	spop (v2sf)  }
0x17b: {  	[tilespmem:s12], [sflag:$0x1] =	stream.linear.gather [hbm4b:s1+s3], $0x80, $0x38;
	[tilespmem:$0xC280] =	vst v63  }
0x17c: {  	s6 =	sadd.s32 $0xFFFFFC80, s23;
	s8 =	sadd.s32 s4, s5;
	s10 =	sand.u32 $0x1FFFFFF0, s7  }
0x17d: {  	[tilespmem:s2], [sflag:$0x1] =	stream.linear.gather [hbm4b:s8+s3], $0x80, $0x38;
	[tilespmem:$0xC280] =	vst v63  }
0x17e: {  	s15 =	sadd.s32 $0xFFFFFB80, s23;
	s11 =	spop (v2sf);
	s13 =	sadd.s32 s4, s10  }
0x17f: {  	[tilespmem:s31], [sflag:$0x1] =	stream.linear.gather [hbm4b:s13+s3], $0x80, $0x38;
	[tilespmem:$0xC280] =	vst v63  }
0x180: {  	s18 =	sadd.s32 $0xFFFFFB00, s23;
	s14 =	sand.u32 $0x1FFFFFF0, s11;
	s16 =	spop (v2sf)  }
0x181: {  	s17 =	rddreg [dreg:$0x5];
	s1 =	sadd.s32 s4, s14;
	s5 =	sand.u32 $0x1FFFFFF0, s16  }
0x182: {  	[tilespmem:s17], [sflag:$0x1] =	stream.linear.gather [hbm4b:s1+s3], $0x80, $0x38;
	[tilespmem:$0xC280] =	vst v63  }
0x183: {  	s12 =	sadd.s32 $0xFFFFFC00, s23;
	s19 =	spop (v2sf);
	s5 =	sadd.s32 s4, s5  }
0x184: {  	[tilespmem:s18], [sflag:$0x1] =	stream.linear.gather [hbm4b:s5+s3], $0x80, $0x38;
	[tilespmem:$0xC280] =	vst v63  }
.Ltmp8:
0x185: {  	(v2sf) =	vpush v8, $0xB;
	s7 =	sand.u32 $0x1FFFFFF0, s19;
	s20 =	spop (v2sf);
	(pc) =	sbr.rel @p1 .LBB2_5-.Ltmp8, $4  }
0x186: {  	(v2sf) =	vpush v8, $0xC;
	s21 =	sadd.s32 s4, s7;
	s22 =	sand.u32 $0x1FFFFFF0, s20;
	s31 =	spop (v2sf)  }
0x187: {  	(v2sf) =	vpush v8, $0xD;
	[tilespmem:s15], [sflag:$0x1] =	stream.linear.gather [hbm4b:s21+s3], $0x80, $0x38;
	[tilespmem:$0xC280] =	vst v63  }
0x188: {  	(v2sf) =	vpush v8, $0xE;
	s5 =	sadd.s32 s4, s22;
	s0 =	sand.u32 $0x1FFFFFF0, s31;
	s1 =	spop (v2sf)  }
0x189: {  	(v2sf) =	vpush v8, $0xF;
	[tilespmem:s12], [sflag:$0x1] =	stream.linear.gather [hbm4b:s5+s3], $0x80, $0x38;
	[tilespmem:$0xC280] =	vst v63  }
0x18a: {  	_ =	sdelay $0x5  }
0x18b: {  	s0 =	sadd.s32 s4, s0;
	s1 =	sand.u32 $0x1FFFFFF0, s1  }
0x18c: {  	[tilespmem:s6], [sflag:$0x1] =	stream.linear.gather [hbm4b:s0+s3], $0x80, $0x38;
	[tilespmem:$0xC280] =	vst v63  }
0x18d: {  	s6 =	sadd.s32 s4, s1  }
0x18e: {  	[tilespmem:s9], [sflag:$0x1] =	stream.linear.gather [hbm4b:s6+s3], $0x80, $0x38;
	[tilespmem:$0xC280] =	vst v63  }
0x18f: {  	s2 =	spop (v2sf)  }
0x190: {  	s7 =	sand.u32 $0x1FFFFFF0, s2;
	s8 =	spop (v2sf)  }
0x191: {  	s9 =	sadd.s32 s4, s7;
	s10 =	sand.u32 $0x1FFFFFF0, s8;
	s11 =	spop (v2sf)  }
0x192: {  	[tilespmem:s29], [sflag:$0x1] =	stream.linear.gather [hbm4b:s9+s3], $0x80, $0x38;
	[tilespmem:$0xC280] =	vst v63  }
0x193: {  	s12 =	sadd.s32 s4, s10;
	s13 =	sand.u32 $0x1FFFFFF0, s11;
	s14 =	spop (v2sf)  }
0x194: {  	[tilespmem:s30], [sflag:$0x1] =	stream.linear.gather [hbm4b:s12+s3], $0x80, $0x38;
	[tilespmem:$0xC280] =	vst v63  }
0x195: {  	s15 =	sadd.s32 s4, s13;
	s16 =	sand.u32 $0x1FFFFFF0, s14;
	s17 =	spop (v2sf)  }
0x196: {  	[tilespmem:s26], [sflag:$0x1] =	stream.linear.gather [hbm4b:s15+s3], $0x80, $0x38;
	[tilespmem:$0xC280] =	vst v63  }
0x197: {  	s18 =	sadd.s32 $0xFFFFFF00, s23;
	s1 =	sadd.s32 s4, s16;
	s2 =	sand.u32 $0x1FFFFFF0, s17  }
0x198: {  	[tilespmem:s18], [sflag:$0x1] =	stream.linear.gather [hbm4b:s1+s3], $0x80, $0x38;
	[tilespmem:$0xC280] =	vst v63  }
0x199: {  	s19 =	sadd.s32 $0xFFFFFF80, s23;
	s20 =	sadd.s32 s4, s2  }
0x19a: {  	[tilespmem:s19], [sflag:$0x1] =	stream.linear.gather [hbm4b:s20+s3], $0x80, $0x38;
	[tilespmem:$0xC280] =	vst v63  }
0x19b: {  	v8 =	vld [tilespmem:s24+$0x0];
	_ =	sdelay $0x4  }
0x19c: {  	v8 =	vshll.u32 v8, $0x4  }
0x19d: {  	(v2sf) =	vpush v8, $0x0  }
0x19e: {  	(v2sf) =	vpush v8, $0x1  }
0x19f: {  	(v2sf) =	vpush v8, $0x2;
	_ =	sdelay $0x1  }
0x1a0: {  	(v2sf) =	vpush v8, $0x3;
	_ =	sdelay $0x1  }
0x1a1: {  	(v2sf) =	vpush v8, $0x4;
	_ =	sdelay $0x1  }
0x1a2: {  	(v2sf) =	vpush v8, $0x5;
	_ =	sdelay $0x1  }
0x1a3: {  	(v2sf) =	vpush v8, $0x6  }
0x1a4: {  	s5 =	sadd.s32 $0x500, s23  }
0x1a5: {  	s0 =	sadd.s32 $0x680, s23;
	s6 =	sadd.s32 $0x480, s23;
	s7 =	sadd.s32 $0x300, s23;
	(v2sf) =	vpush v8, $0x7  }
0x1a6: {  	s8 =	sadd.s32 $0x380, s23;
	s9 =	sadd.s32 $0x400, s23;
	s10 =	sadd.s32 $0x180, s23  }
0x1a7: {  	s11 =	sadd.s32 $0x200, s23;
	s13 =	sadd.s32 $0x80, s23;
	s12 =	sadd.s32 $0x280, s23;
	(v2sf) =	vpush v8, $0x8  }
0x1a8: {  	s2 =	sadd.s32 $0x580, s23;
	s15 =	sadd.s32 $0x100, s23;
	s14 =	spop (v2sf)  }
0x1a9: {  	s1 =	sadd.s32 $0x600, s23;
	(v2sf) =	vpush v8, $0x9;
	s14 =	sand.u32 $0x1FFFFFF0, s14;
	s16 =	spop (v2sf)  }
0x1aa: {  	s14 =	sadd.s32 s4, s14;
	s16 =	sand.u32 $0x1FFFFFF0, s16;
	s17 =	spop (v2sf)  }
0x1ab: {  	(v2sf) =	vpush v8, $0xA;
	[tilespmem:s23], [sflag:$0x1] =	stream.linear.gather [hbm4b:s14+s3], $0x80, $0x38;
	[tilespmem:$0xC280] =	vst v63  }
0x1ac: {  	s21 =	sadd.s32 s4, s16;
	s22 =	sand.u32 $0x1FFFFFF0, s17;
	s24 =	spop (v2sf)  }
0x1ad: {  	(v2sf) =	vpush v8, $0xB;
	[tilespmem:s13], [sflag:$0x1] =	stream.linear.gather [hbm4b:s21+s3], $0x80, $0x38;
	[tilespmem:$0xC280] =	vst v63  }
0x1ae: {  	s25 =	sadd.s32 s4, s22;
	s26 =	sand.u32 $0x1FFFFFF0, s24;
	s28 =	spop (v2sf)  }
0x1af: {  	(v2sf) =	vpush v8, $0xC;
	[tilespmem:s15], [sflag:$0x1] =	stream.linear.gather [hbm4b:s25+s3], $0x80, $0x38;
	[tilespmem:$0xC280] =	vst v63  }
0x1b0: {  	s29 =	sadd.s32 s4, s26;
	s30 =	sand.u32 $0x1FFFFFF0, s28;
	s31 =	spop (v2sf)  }
0x1b1: {  	(v2sf) =	vpush v8, $0xD;
	[tilespmem:s10], [sflag:$0x1] =	stream.linear.gather [hbm4b:s29+s3], $0x80, $0x38;
	[tilespmem:$0xC280] =	vst v63  }
0x1b2: {  	s14 =	sadd.s32 s4, s30;
	s16 =	sand.u32 $0x1FFFFFF0, s31;
	s17 =	spop (v2sf)  }
0x1b3: {  	(v2sf) =	vpush v8, $0xE;
	[tilespmem:s11], [sflag:$0x1] =	stream.linear.gather [hbm4b:s14+s3], $0x80, $0x38;
	[tilespmem:$0xC280] =	vst v63  }
0x1b4: {  	s18 =	sadd.s32 s4, s16;
	s19 =	sand.u32 $0x1FFFFFF0, s17;
	s20 =	spop (v2sf)  }
0x1b5: {  	(v2sf) =	vpush v8, $0xF;
	[tilespmem:s12], [sflag:$0x1] =	stream.linear.gather [hbm4b:s18+s3], $0x80, $0x38;
	[tilespmem:$0xC280] =	vst v63  }
0x1b6: {  	s21 =	sadd.s32 s4, s19;
	s22 =	sand.u32 $0x1FFFFFF0, s20;
	s24 =	spop (v2sf)  }
0x1b7: {  	[tilespmem:s7], [sflag:$0x1] =	stream.linear.gather [hbm4b:s21+s3], $0x80, $0x38;
	[tilespmem:$0xC280] =	vst v63  }
0x1b8: {  	s25 =	sadd.s32 s4, s22;
	s26 =	sand.u32 $0x1FFFFFF0, s24;
	s28 =	spop (v2sf)  }
0x1b9: {  	[tilespmem:s8], [sflag:$0x1] =	stream.linear.gather [hbm4b:s25+s3], $0x80, $0x38;
	[tilespmem:$0xC280] =	vst v63  }
0x1ba: {  	s29 =	sadd.s32 s4, s26;
	s30 =	sand.u32 $0x1FFFFFF0, s28;
	s31 =	spop (v2sf)  }
0x1bb: {  	[tilespmem:s9], [sflag:$0x1] =	stream.linear.gather [hbm4b:s29+s3], $0x80, $0x38;
	[tilespmem:$0xC280] =	vst v63  }
0x1bc: {  	s11 =	sand.u32 $0x1FFFFFF0, s31;
	s12 =	spop (v2sf);
	s9 =	sadd.s32 s4, s30  }
0x1bd: {  	[tilespmem:s6], [sflag:$0x1] =	stream.linear.gather [hbm4b:s9+s3], $0x80, $0x38;
	[tilespmem:$0xC280] =	vst v63  }
0x1be: {  	s13 =	sadd.s32 s4, s11;
	s14 =	sand.u32 $0x1FFFFFF0, s12;
	s15 =	spop (v2sf)  }
0x1bf: {  	[tilespmem:s5], [sflag:$0x1] =	stream.linear.gather [hbm4b:s13+s3], $0x80, $0x38;
	[tilespmem:$0xC280] =	vst v63  }
0x1c0: {  	s16 =	sadd.s32 s4, s14;
	s17 =	sand.u32 $0x1FFFFFF0, s15;
	s18 =	spop (v2sf)  }
0x1c1: {  	[tilespmem:s2], [sflag:$0x1] =	stream.linear.gather [hbm4b:s16+s3], $0x80, $0x38;
	[tilespmem:$0xC280] =	vst v63  }
0x1c2: {  	s19 =	sadd.s32 s4, s17;
	s20 =	sand.u32 $0x1FFFFFF0, s18;
	s21 =	spop (v2sf)  }
0x1c3: {  	[tilespmem:s1], [sflag:$0x1] =	stream.linear.gather [hbm4b:s19+s3], $0x80, $0x38;
	[tilespmem:$0xC280] =	vst v63  }
0x1c4: {  	s22 =	sadd.s32 s4, s20;
	s24 =	sand.u32 $0x1FFFFFF0, s21;
	s25 =	spop (v2sf)  }
0x1c5: {  	[tilespmem:s0], [sflag:$0x1] =	stream.linear.gather [hbm4b:s22+s3], $0x80, $0x38;
	[tilespmem:$0xC280] =	vst v63  }
0x1c6: {  	s26 =	sadd.s32 $0x700, s23;
	s28 =	sadd.s32 s4, s24;
	s29 =	sand.u32 $0x1FFFFFF0, s25  }
0x1c7: {  	[tilespmem:s26], [sflag:$0x1] =	stream.linear.gather [hbm4b:s28+s3], $0x80, $0x38;
	[tilespmem:$0xC280] =	vst v63  }
0x1c8: {  	s30 =	sadd.s32 $0x780, s23;
	s31 =	sadd.s32 s4, s29  }
0x1c9: {  	[tilespmem:s30], [sflag:$0x1] =	stream.linear.gather [hbm4b:s31+s3], $0x80, $0x38;
	[tilespmem:$0xC280] =	vst v63  }
0x1ca: {  	s10 =	rddreg [dreg:$0xc]  }
0x1cb: {  	s11 =	rddreg [dreg:$0xd]  }
0x1cc: {  	s12 =	rddreg [dreg:$0xe]  }
0x1cd: {  	s13 =	rddreg [dreg:$0xf]  }
0x1ce: {  	s14 =	rddreg [dreg:$0x10]  }
0x1cf: {  	s15 =	rddreg [dreg:$0x11]  }
0x1d0: {  	s16 =	rddreg [dreg:$0x12]  }
0x1d1: {  	s17 =	rddreg [dreg:$0x13]  }
0x1d2: {  	s9 =	simm.s32 $0x3;
	s18 =	rddreg [dreg:$0x14]  }
.LBB2_10:
0x1d3: {  	s1 =	sadd.s32 $0xFFFFFFFF, s15  }
0x1d4: {  	s0 =	sshrl.u32 s1, $0x1F  }
0x1d5: {  	s0 =	sadd.s32 s0, s1  }
0x1d6: {  	s0 =	sand.u32 $0xFFFFFFFE, s0  }
0x1d7: {  	s0 =	ssub.s32 s1, s0  }
0x1d8: {  	p1 =	seq.s32 s0, $0x0  }
.Ltmp9:
0x1d9: {  	_ = 	snop;
	(pc) =	sbr.rel @p1 .LBB2_11-.Ltmp9, $1  }
0x1da: {  	_ =	sdelay $0x3  }
0x1db: {  	p1 =	sne.s32 s0, $0x1  }
.Ltmp10:
0x1dc: {  	_ = 	snop;
	(pc) =	sbr.rel @p1 .LBB2_15-.Ltmp10, $1  }
0x1dd: {  	_ =	sdelay $0x3  }
.Ltmp11:
0x1de: {  	(pc) =	sbr.rel .LBB2_14-.Ltmp11, $2  }
0x1df: {  	_ =	sdelay $0x2  }
0x1e0: {  	s2 =	simm.s32 $0x2  }
.LBB2_11:
0x1e1: {  	s2 =	simm.s32 $0x1  }
.LBB2_14:
0x1e2: {  	_ =	swait.ge [sflag:s2], $0x4000  }
0x1e3: {  	[sflag:s2] =	ssyncset.done $0x0  }
0x1e4: {  	[sflag:s2] =	ssyncadd.s32 $0xFFFFC000  }
.LBB2_15:
0x1e5: {  	v8 =	vld [tilespmem:$0xC140];
	_ =	sdelay $0x4  }
0x1e6: {  	(v2sf) =	vpush v8, $0x0;
	_ =	sdelay $0xd  }
0x1e7: {  	p1 =	slt.s32 s18, s10;
	s25 =	smov.u32 s10  }
0x1e8: {  	s25 =	smov.u32 @p1 s18;
	s2 =	spop (v2sf)  }
0x1e9: {  	p1 =	sgt.s32 s2, s25;
	s2 =	simm.s32 $0x0  }
0x1ea: {  	s2 =	simm.s32 @!p1 $0x40  }
0x1eb: {  	v8 =	vld [tilespmem:s2+$0xC120];
	_ =	sdelay $0x4  }
0x1ec: {  	(v2sf) =	vpush v8, $0x0;
	_ =	sdelay $0xe  }
0x1ed: {  	s5 =	spop (v2sf)  }
0x1ee: {  	s6 =	sor.u32 $0x20, s2;
	p1 =	sgt.s32 s5, s25  }
0x1ef: {  	s6 =	smov.u32 @p1 s2  }
0x1f0: {  	v8 =	vld [tilespmem:s6+$0xC110];
	_ =	sdelay $0x4  }
0x1f1: {  	(v2sf) =	vpush v8, $0x0;
	_ =	sdelay $0xe  }
0x1f2: {  	s21 =	spop (v2sf)  }
0x1f3: {  	s5 =	sor.u32 $0x10, s6;
	p1 =	sgt.s32 s21, s25  }
0x1f4: {  	s5 =	smov.u32 @p1 s6  }
0x1f5: {  	v8 =	vld [tilespmem:s5+$0xC108];
	_ =	sdelay $0x4  }
0x1f6: {  	(v2sf) =	vpush v8, $0x0;
	_ =	sdelay $0xe  }
0x1f7: {  	s22 =	spop (v2sf)  }
0x1f8: {  	s2 =	sor.u32 $0x8, s5;
	p1 =	sgt.s32 s22, s25  }
0x1f9: {  	s2 =	smov.u32 @p1 s5  }
0x1fa: {  	s5 =	sadd.s32 $0x4, s2  }
0x1fb: {  	s23 =	smin.u32 s5, $0x80  }
0x1fc: {  	v8 =	vld [tilespmem:s23+$0xC100];
	_ =	sdelay $0x4  }
0x1fd: {  	(v2sf) =	vpush v8, $0x0;
	_ =	sdelay $0xe  }
0x1fe: {  	p1 =	slt.u32 s2, $0x7C;
	s7 =	smov.u32 s2;
	s24 =	spop (v2sf)  }
0x1ff: {  	s7 =	smov.u32 @p1 s5;
	p2 =	sle.s32 s24, s25  }
0x200: {  	s2 =	smov.u32 @p2 s7  }
0x201: {  	s5 =	sadd.s32 $0x2, s2  }
0x202: {  	s26 =	smin.u32 s5, $0x80  }
0x203: {  	v8 =	vld [tilespmem:s26+$0xC100];
	_ =	sdelay $0x4  }
0x204: {  	(v2sf) =	vpush v8, $0x0;
	_ =	sdelay $0xe  }
0x205: {  	p1 =	slt.u32 s2, $0x7E;
	s7 =	smov.u32 s2;
	s28 =	spop (v2sf)  }
0x206: {  	s7 =	smov.u32 @p1 s5;
	p2 =	sle.s32 s28, s25  }
0x207: {  	s2 =	smov.u32 @p2 s7  }
0x208: {  	s6 =	sadd.s32 $0x1, s2  }
0x209: {  	s29 =	smin.u32 s6, $0x80  }
0x20a: {  	v8 =	vld [tilespmem:s29+$0xC100];
	_ =	sdelay $0x4  }
0x20b: {  	(v2sf) =	vpush v8, $0x0;
	_ =	sdelay $0xd  }
0x20c: {  	s5 =	simm.s32 $0x1;
	p2 =	sge.s32 s18, s10  }
0x20d: {  	p1 =	slt.u32 s2, $0x7F;
	s8 =	smov.u32 s2;
	s30 =	spop (v2sf)  }
0x20e: {  	s5 =	simm.s32 @!p2 $0x0;
	s8 =	smov.u32 @p1 s6;
	p1 =	sle.s32 s30, s25  }
0x20f: {  	s31 =	ssub.s32 s5, s16;
	s2 =	smov.u32 @p1 s8  }
0x210: {  	s6 =	sadd.s32 s2, s31  }
0x211: {  	p2 =	slt.s32 s6, $0x1  }
.Ltmp12:
0x212: {  	_ = 	snop;
	(pc) =	sbr.rel @p2 .LBB2_26-.Ltmp12, $4  }
0x213: {  	s1 =	sshll.u32 s1, $0x7  }
0x214: {  	s1 =	sadd.s32 s12, s1;
	s7 =	smov.u32 s14;
	p1 =	slt.s32 s14, $0x31F80  }
0x215: {  	s22 =	smov.u32 s11;
	s7 =	simm.s32 @!p1 $0x31F80;
	p1 =	sgt.s32 s1, s11  }
0x216: {  	s24 =	sshll.u32 s0, $0x4;
	s23 =	ssub.s32 $0x0, s7;
	s22 =	smov.u32 @p1 s1  }
.Ltmp13:
0x217: {  	(pc) =	sbr.rel .LBB2_17-.Ltmp13, $2  }
0x218: {  	_ =	sdelay $0x2  }
0x219: {  	s26 =	sadd.s32 s5, s2  }
.LBB2_19:
0x21a: {  	v12 =	vmov v1;
	v13 =	vmov v0;
	v14 =	vmov v5  }
0x21b: {  	v15 =	vmovc v3;
	v16 =	vmovc v2;
	v19 =	vmov v4;
	v17 =	vmov v7;
	v18 =	vmov v6  }
.LBB2_23:
0x21c: {  	s1 =	sor.u32 s6, s7  }
0x21d: {  	v20 =	vld [tilespmem:s1+$0x130]  }
0x21e: {  	v12 =	vadd.f32 @p1 v10, v12;
	v10 =	vmax.f32 @p1 v13, v10;
	v13 =	vadd.f32 @p1 v8, v14;
	v61 =	vld [tilespmem:s1+$0x120]  }
0x21f: {  	v15 =	vmax.f32 @p1 v15, v9;
	v8 =	vmax.f32 @p1 v16, v8;
	v17 =	vadd.f32 @p1 v11, v17;
	v62 =	vld [tilespmem:s1+$0x110]  }
0x220: {  	v9 =	vadd.f32 @p1 v9, v18;
	v11 =	vmax.f32 @p1 v19, v11;
	v63 =	vld [tilespmem:s1+$0x100];
	v0 =	vpsel p1, v10, v0  }
0x221: {  	v3 =	vpsel p1, v15, v3;
	v2 =	vpsel p1, v8, v2;
	v4 =	vpsel p1, v11, v4  }
0x222: {  	v1 =	vpsel p1, v12, v1;
	v5 =	vpsel p1, v13, v5;
	v7 =	vpsel p1, v17, v7  }
0x223: {  	v6 =	vpsel p1, v9, v6;
	v1 =	vadd.f32 v20, v1;
	v0 =	vmax.f32 v0, v20  }
0x224: {  	v5 =	vadd.f32 v61, v5;
	v3 =	vmax.f32 v3, v62;
	v2 =	vmax.f32 v2, v61  }
0x225: {  	v7 =	vadd.f32 v63, v7;
	v6 =	vadd.f32 v62, v6;
	v4 =	vmax.f32 v4, v63  }
.LBB2_24:
0x226: {  	s1 =	ssub.s32 s17, s2  }
0x227: {  	s1 =	sadd.s32 s5, s1  }
0x228: {  	v8 =	vmov s1  }
0x229: {  	v8 =	vcvt.s32.f32 v8;
	_ =	sdelay $0x1  }
0x22a: {  	v8 =	vbroadcast v8, $0x0;
	_ =	sdelay $0x1  }
0x22b: {  	v9 =	vmax.f32 v8, $1.000000000e+00  }
0x22c: {  	(erf) = vrcp.f32 v9;
	_ =	sdelay $0x8  }
0x22d: {  	v9 =	vpop (erf)  }
0x22e: {  	s31 =	sshll.u32 s16, $0x9;
	v7 =	vmul.f32 v7, v9  }
0x22f: {  	s1 =	sshra.s32 s31, $0x2;
	v6 =	vmul.f32 v6, v9  }
0x230: {  	v5 =	vmul.f32 v5, v9;
	[tilespmem:s1+$0x8100] =	vst v7  }
0x231: {  	v1 =	vmul.f32 v1, v9;
	v7 =	vmin.f32 v8, $1.000000000e+00;
	[tilespmem:s1+$0x8110] =	vst v6  }
0x232: {  	p1 =	sne.s32 s0, s26;
	[tilespmem:s1+$0x8120] =	vst v5;
	v4 =	vmul.f32 v4, v7  }
.Ltmp14:
0x233: {  	[tilespmem:s1+$0x8130] =	vst v1;
	v1 =	vmul.f32 v3, v7;
	(pc) =	sbr.rel @!p1 .LBB2_25-.Ltmp14, $4  }
0x234: {  	v2 =	vmul.f32 v2, v7;
	[tilespmem:s1+$0x8140] =	vst v4  }
0x235: {  	v6 =	vimm.f32 $0.0e+00;
	v5 =	vmul.f32 v0, v7;
	v0 =	vimm.f32 $-3.402823470e+38;
	[tilespmem:s1+$0x8150] =	vst v1  }
0x236: {  	v3 =	vimm.f32 $-3.402823470e+38;
	v7 =	vimm.f32 $0.0e+00;
	v1 =	vimm.f32 $0.0e+00;
	[tilespmem:s1+$0x8160] =	vst v2  }
0x237: {  	s17 =	simm.s32 $0x0;
	s16 =	smov.u32 s0;
	v2 =	vimm.f32 $-3.402823470e+38;
	v4 =	vimm.f32 $-3.402823470e+38;
	[tilespmem:s1+$0x8170] =	vst v5;
	v5 =	vimm.f32 $0.0e+00  }
.LBB2_17:
0x238: {  	p1 =	slt.s32 s16, $0x80;
	s1 =	smov.u32 s16  }
0x239: {  	s0 =	sadd.s32 $0x1, s16;
	s1 =	simm.s32 @!p1 $0x80  }
0x23a: {  	p1 =	slt.s32 s0, $0x80;
	v8 =	vld [tilespmem:s1+$0xC100];
	s1 =	smov.u32 s0  }
0x23b: {  	s1 =	simm.s32 @!p1 $0x80  }
0x23c: {  	v9 =	vld [tilespmem:s1+$0xC100];
	_ =	sdelay $0x2  }
0x23d: {  	(v2sf) =	vpush v8, $0x0;
	_ =	sdelay $0x1  }
0x23e: {  	(v2sf) =	vpush v9, $0x0;
	_ =	sdelay $0xc  }
0x23f: {  	s1 =	spop (v2sf)  }
0x240: {  	s2 =	smov.u32 s22;
	p1 =	sgt.s32 s1, s22  }
0x241: {  	s2 =	smov.u32 @p1 s1;
	s5 =	spop (v2sf)  }
0x242: {  	p1 =	sge.s32 s2, s5  }
.Ltmp15:
0x243: {  	_ = 	snop;
	(pc) =	sbr.rel @p1 .LBB2_24-.Ltmp15, $1  }
0x244: {  	_ =	sdelay $0x3  }
0x245: {  	p1 =	sgt.s32 s1, s11;
	s6 =	smov.u32 s11  }
0x246: {  	s6 =	smov.u32 @p1 s1;
	s1 =	sadd.s32 $0x1, s2  }
0x247: {  	p2 =	slt.s32 s1, s5  }
.Ltmp16:
0x248: {  	s29 =	sadd.s32 s2, s23;
	(pc) =	sbr.rel @!p2 .LBB2_19-.Ltmp16, $4  }
0x249: {  	s7 =	smov.u32 s14;
	s8 =	sshrl.u32 s29, $0x3;
	p1 =	sgt.s32 s6, s14  }
0x24a: {  	s30 =	sadd.s32 s24, s8;
	s7 =	smov.u32 @p1 s6  }
0x24b: {  	s31 =	sshll.u32 s30, $0xC;
	s8 =	sshll.u32 s7, $0x7  }
0x24c: {  	p1 =	por $0x0, $0x0;
	s7 =	sshra.s32 s31, $0x2;
	s6 =	sand.u32 $0x380, s8  }
0x24d: {  	s31 =	sadd.s32 s1, s23;
	s1 =	sadd.s32 $0x1, s1  }
0x24e: {  	s6 =	sor.u32 s6, s7;
	p2 =	slt.s32 s1, s5  }
.Ltmp17:
0x24f: {  	v10 =	vld [tilespmem:s6+$0x130];
	(pc) =	sbr.rel @!p2 .LBB2_21-.Ltmp17, $4  }
0x250: {  	s7 =	sshrl.u32 s31, $0x3;
	v8 =	vld [tilespmem:s6+$0x120]  }
0x251: {  	v9 =	vld [tilespmem:s6+$0x110];
	s7 =	sadd.s32 s24, s7  }
0x252: {  	s8 =	sadd.s32 $0x80, s8;
	v12 =	vmov v1;
	v13 =	vmov v0;
	v14 =	vmov v5;
	v11 =	vld [tilespmem:s6+$0x100];
	s7 =	sshll.u32 s7, $0xC  }
0x253: {  	p1 =	por $0x1, $0x1;
	v15 =	vmovc v3;
	v16 =	vmovc v2;
	v17 =	vmov v7;
	v18 =	vmov v6;
	v19 =	vmov v4;
	s6 =	sand.u32 $0x380, s8;
	s7 =	sshra.s32 s7, $0x2  }
.LBB2_22:
0x254: {  	s6 =	sor.u32 s6, s7;
	s7 =	smov.u32 s1;
	s1 =	sadd.s32 $0x1, s1  }
0x255: {  	v12 =	vadd.f32 v10, v12;
	v13 =	vmax.f32 v13, v10;
	p2 =	slt.s32 s1, s5  }
.Ltmp18:
0x256: {  	v14 =	vadd.f32 v8, v14;
	s7 =	sadd.s32 s7, s23;
	v10 =	vld [tilespmem:s6+$0x130];
	(pc) =	sbr.rel @p2 .LBB2_22-.Ltmp18, $4  }
0x257: {  	v15 =	vmax.f32 v15, v9;
	v16 =	vmax.f32 v16, v8;
	s7 =	sshrl.u32 s7, $0x3;
	v8 =	vld [tilespmem:s6+$0x120]  }
0x258: {  	v17 =	vadd.f32 v11, v17;
	v18 =	vadd.f32 v9, v18;
	v19 =	vmax.f32 v19, v11;
	s7 =	sadd.s32 s24, s7;
	v9 =	vld [tilespmem:s6+$0x110]  }
0x259: {  	s8 =	sadd.s32 $0x80, s8;
	s7 =	sshll.u32 s7, $0xC;
	v11 =	vld [tilespmem:s6+$0x100]  }
0x25a: {  	s6 =	sand.u32 $0x380, s8;
	s7 =	sshra.s32 s7, $0x2  }
.Ltmp19:
0x25b: {  	_ = 	snop;
	(pc) =	sbr.rel .LBB2_23-.Ltmp19, $1  }
0x25c: {  	_ =	sdelay $0x3  }
.LBB2_21:
.Ltmp20:
0x25d: {  	(pc) =	sbr.rel .LBB2_23-.Ltmp20, $3  }
0x25e: {  	_ =	sdelay $0x1  }
0x25f: {  	v12 =	vmov v1;
	v13 =	vmov v0;
	v14 =	vmov v5  }
0x260: {  	v15 =	vmovc v3;
	v16 =	vmovc v2;
	v17 =	vmov v7;
	v18 =	vmov v6;
	v19 =	vmov v4  }
.LBB2_25:
0x261: {  	v7 =	vimm.f32 $0.0e+00;
	v6 =	vimm.f32 $0.0e+00;
	v5 =	vimm.f32 $0.0e+00  }
0x262: {  	s16 =	smov.u32 s26;
	v4 =	vimm.f32 $-3.402823470e+38;
	v3 =	vimm.f32 $-3.402823470e+38;
	v2 =	vimm.f32 $-3.402823470e+38  }
.LBB2_26:
0x263: {  	p1 =	slt.s32 s16, $0x80;
	s0 =	smov.u32 s16  }
0x264: {  	s0 =	simm.s32 @!p1 $0x80  }
0x265: {  	v8 =	vld [tilespmem:s0+$0xC100];
	_ =	sdelay $0x4  }
0x266: {  	(v2sf) =	vpush v8, $0x0;
	_ =	sdelay $0xe  }
0x267: {  	s1 =	spop (v2sf)  }
0x268: {  	p1 =	sgt.s32 s1, s22  }
0x269: {  	s22 =	smov.u32 @p1 s1  }
0x26a: {  	p1 =	sgt.s32 s25, s22;
	s0 =	smov.u32 s22  }
0x26b: {  	p2 =	sgt.s32 s16, $0x7F;
	s0 =	smov.u32 @p1 s25  }
0x26c: {  	s0 =	smov.u32 @p2 s22  }
0x26d: {  	p1 =	sge.s32 s22, s0  }
.Ltmp21:
0x26e: {  	_ = 	snop;
	(pc) =	sbr.rel @p1 .LBB2_33-.Ltmp21, $1  }
0x26f: {  	_ =	sdelay $0x3  }
0x270: {  	p1 =	sgt.s32 s1, s11;
	s2 =	smov.u32 s11  }
0x271: {  	s2 =	smov.u32 @p1 s1;
	s1 =	sadd.s32 $0x1, s22  }
0x272: {  	p2 =	slt.s32 s1, s0  }
.Ltmp22:
0x273: {  	s29 =	sadd.s32 s22, s23;
	(pc) =	sbr.rel @!p2 .LBB2_28-.Ltmp22, $4  }
0x274: {  	s5 =	smov.u32 s14;
	s6 =	sshrl.u32 s29, $0x3;
	p1 =	sgt.s32 s2, s14  }
0x275: {  	s30 =	sadd.s32 s24, s6;
	s5 =	smov.u32 @p1 s2  }
0x276: {  	s31 =	sshll.u32 s30, $0xC;
	s6 =	sshll.u32 s5, $0x7  }
0x277: {  	p1 =	por $0x0, $0x0;
	s5 =	sshra.s32 s31, $0x2;
	s2 =	sand.u32 $0x380, s6  }
0x278: {  	s31 =	sadd.s32 s1, s23;
	s1 =	sadd.s32 $0x1, s1  }
0x279: {  	s2 =	sor.u32 s2, s5;
	p2 =	slt.s32 s1, s0  }
.Ltmp23:
0x27a: {  	v10 =	vld [tilespmem:s2+$0x130];
	(pc) =	sbr.rel @!p2 .LBB2_30-.Ltmp23, $4  }
0x27b: {  	s5 =	sshrl.u32 s31, $0x3;
	v8 =	vld [tilespmem:s2+$0x120]  }
0x27c: {  	v9 =	vld [tilespmem:s2+$0x110];
	s5 =	sadd.s32 s24, s5  }
0x27d: {  	s6 =	sadd.s32 $0x80, s6;
	v12 =	vmov v1;
	v13 =	vmov v0;
	v14 =	vmov v5;
	v11 =	vld [tilespmem:s2+$0x100];
	s5 =	sshll.u32 s5, $0xC  }
0x27e: {  	p1 =	por $0x1, $0x1;
	v15 =	vmovc v3;
	v16 =	vmovc v2;
	v17 =	vmov v7;
	v18 =	vmov v6;
	v19 =	vmov v4;
	s2 =	sand.u32 $0x380, s6;
	s5 =	sshra.s32 s5, $0x2  }
.LBB2_31:
0x27f: {  	s2 =	sor.u32 s2, s5;
	s5 =	smov.u32 s1;
	s1 =	sadd.s32 $0x1, s1  }
0x280: {  	v12 =	vadd.f32 v10, v12;
	v13 =	vmax.f32 v13, v10;
	p2 =	slt.s32 s1, s0  }
.Ltmp24:
0x281: {  	v14 =	vadd.f32 v8, v14;
	s5 =	sadd.s32 s5, s23;
	v10 =	vld [tilespmem:s2+$0x130];
	(pc) =	sbr.rel @p2 .LBB2_31-.Ltmp24, $4  }
0x282: {  	v15 =	vmax.f32 v15, v9;
	v16 =	vmax.f32 v16, v8;
	s5 =	sshrl.u32 s5, $0x3;
	v8 =	vld [tilespmem:s2+$0x120]  }
0x283: {  	v17 =	vadd.f32 v11, v17;
	v18 =	vadd.f32 v9, v18;
	v19 =	vmax.f32 v19, v11;
	s5 =	sadd.s32 s24, s5;
	v9 =	vld [tilespmem:s2+$0x110]  }
0x284: {  	s6 =	sadd.s32 $0x80, s6;
	s5 =	sshll.u32 s5, $0xC;
	v11 =	vld [tilespmem:s2+$0x100]  }
0x285: {  	s2 =	sand.u32 $0x380, s6;
	s5 =	sshra.s32 s5, $0x2  }
.Ltmp25:
0x286: {  	_ = 	snop;
	(pc) =	sbr.rel .LBB2_32-.Ltmp25, $1  }
0x287: {  	_ =	sdelay $0x3  }
.LBB2_30:
.Ltmp26:
0x288: {  	(pc) =	sbr.rel .LBB2_32-.Ltmp26, $3  }
0x289: {  	_ =	sdelay $0x1  }
0x28a: {  	v12 =	vmov v1;
	v13 =	vmov v0;
	v14 =	vmov v5  }
0x28b: {  	v15 =	vmovc v3;
	v16 =	vmovc v2;
	v17 =	vmov v7;
	v18 =	vmov v6;
	v19 =	vmov v4  }
.LBB2_35:
0x28c: {  	_ =	sfence.sel $0x180000  }
0x28d: {  	[bflag:$0x0] =	sbarrier.arrive $0xFFFF  }
0x28e: {  	_ =	strace $0x90000047  }
0x28f: {  	s0 =	stileid.u32;
	[bflag:$0x2] =	sbarrier.arrive $0xFFFF  }
0x290: {  	p0 =	sne.s32 s0, $0x0;
	s0 =	rddreg [dreg:$0x4]  }
0x291: {  	s0 =	sadd.s32 @!p0 $0x100000, s0  }
0x292: {  	[sflag:s0] =	ssyncadd.tile.s32 @!p0 $0x1;
	_ =	shalt  }
.Lfunc_end2:
_tile_overlayer_lowered:
.L_overlay_start_2:
0x293: {  	(tag) =	ssettag $0x2  }
0x294: {  	s0 =	rddreg [dreg:$0x0];
	s2 =	stileid.u32  }
0x295: {  	s1 =	rddreg [dreg:$0x1];
	p0 =	sne.s32 s2, $0x0  }
0x296: {  	s3 =	rddreg [dreg:$0x2];
	[bflag:$0x3] =	sbarrier.arrive $0xFFFF;
	s2 =	simm.s32 @!p0 $0x1C03  }
0x297: {  	[timem:s3], [sflag:s2] =	dma.local @!p0 [hbm:s0], s1  }
0x298: {  	s0 =	simm.s32 @!p0 $0x3  }
0x299: {  	_ =	swait.ge @!p0 [sflag:s0], s1  }
0x29a: {  	s1 =	ssub.s32 @!p0 $0x0, s1;
	[sflag:s0] =	ssyncset.done @!p0 $0x0  }
0x29b: {  	[sflag:s0] =	ssyncadd.s32 @!p0 s1  }
0x29c: {  	[bflag:$0x3] =	sbarrier.arrive $0xFFFF  }
0x29d: {  	_ =	shalt  }

</sc_bundles>
